<compile_context>
chip_gen: v7x
topology: tpu7x:2x2x1
jax: 0.10.2.dev20260603
libtpu: 0.0.44.dev20260713+nightly
codegen_flags: <defaults>
</compile_context>

<pallas_src>
import functools

import jax
import jax.numpy as jnp
from jax import lax
from jax.experimental import pallas as pl
from jax.experimental.pallas import tpu as pltpu
from jax.experimental.pallas import tpu_sc as plsc

B = 32768
D = 768
H = 256
OUT = 18
OUTP = 128
E = 8
NH = 2
BH = B // NH
GR = BH // 128
TILE = 1024
NT = 24
NP = NT * TILE

NW = 32
RPW = BH // NW
XCH = 32
NXCH = RPW // XCH
NBUF = 5
YCH = 128
NYCH = RPW // YCH


def _route_body(g_ref, t_ref, p_ref, bexp_ref, srct_ref):
    g = g_ref[...]
    e = jnp.zeros(g.shape, jnp.int32)
    for k in range(E - 1):
        e += (g > t_ref[k]).astype(jnp.int32)

    ci = lax.broadcasted_iota(jnp.int32, (128, 128), 0)
    cj = lax.broadcasted_iota(jnp.int32, (128, 128), 1)
    tinc = (ci <= cj).astype(jnp.float32)
    ri = lax.broadcasted_iota(jnp.int32, (GR, GR), 0)
    rj = lax.broadcasted_iota(jnp.int32, (GR, GR), 1)
    slow = (rj < ri).astype(jnp.float32)

    tv = lax.broadcasted_iota(jnp.int32, (1, 256), 1)
    p_halves = []
    bexp_halves = []
    srct_halves = []
    for hh in range(NH):
        eh = e[hh * GR:(hh + 1) * GR]
        p_acc = jnp.zeros((GR, 128), jnp.float32)
        pstart = jnp.int32(0)
        acc = jnp.full((1, 256), -1, jnp.int32)
        for ex in range(E):
            h = (eh == ex).astype(jnp.float32)
            rowcum = jnp.dot(h, tinc, preferred_element_type=jnp.float32)
            excl = rowcum - h
            rowsum = rowcum[:, 127:128]
            rowpre = jnp.dot(slow, jnp.broadcast_to(rowsum, (GR, 128)),
                             preferred_element_type=jnp.float32)
            cnt = jnp.sum(h).astype(jnp.int32)
            rank = excl + rowpre
            p_acc += h * (rank + pstart.astype(jnp.float32))
            acc += (tv >= pstart // TILE).astype(jnp.int32)
            pstart = pstart + ((cnt + TILE - 1) // TILE) * TILE
        p_halves.append(p_acc.astype(jnp.int32))
        bexp_halves.append(acc)
        srct_halves.append(jnp.minimum(tv, pstart // TILE - 1))
    p_ref[...] = jnp.concatenate(p_halves, axis=0)
    bexp_ref[...] = jnp.concatenate(bexp_halves, axis=0)
    srct_ref[...] = jnp.concatenate(srct_halves, axis=0)


def _route(noise2d, thres):
    return pl.pallas_call(
        _route_body,
        in_specs=[
            pl.BlockSpec(memory_space=pltpu.VMEM),
            pl.BlockSpec(memory_space=pltpu.SMEM),
        ],
        out_specs=[
            pl.BlockSpec(memory_space=pltpu.VMEM),
            pl.BlockSpec(memory_space=pltpu.VMEM),
            pl.BlockSpec(memory_space=pltpu.VMEM),
        ],
        out_shape=[
            jax.ShapeDtypeStruct((256, 128), jnp.int32),
            jax.ShapeDtypeStruct((NH, 256), jnp.int32),
            jax.ShapeDtypeStruct((NH, 256), jnp.int32),
        ],
    )(noise2d, thres)


@functools.lru_cache(maxsize=None)
def _sc_kernels(hh):
    mesh = plsc.VectorSubcoreMesh(core_axis_name="c", subcore_axis_name="s")

    @functools.partial(
        pl.kernel,
        out_type=jax.ShapeDtypeStruct((NP, D), jnp.float32),
        mesh=mesh,
        scratch_types=(
            [pltpu.VMEM((NXCH, XCH), jnp.int32)]
            + [pltpu.VMEM((XCH, D), jnp.float32) for _ in range(NBUF)]
            + [pltpu.SemaphoreType.DMA for _ in range(2 * NBUF)]
        ),
    )
    def scatter_x(x_hbm, p_hbm, xs_hbm, idx_v, *bufs):
        xbs = bufs[:NBUF]
        sls = bufs[NBUF:2 * NBUF]
        sss = bufs[2 * NBUF:3 * NBUF]
        wid = lax.axis_index("s") * 2 + lax.axis_index("c")
        base = hh * BH + wid * RPW
        pltpu.sync_copy(p_hbm.at[wid], idx_v)
        loads = [None] * NXCH
        scats = [None] * NXCH
        for ch in range(NBUF - 1):
            loads[ch] = pltpu.async_copy(
                x_hbm.at[pl.ds(base + ch * XCH, XCH)], xbs[ch % NBUF],
                sls[ch % NBUF])
        for ch in range(NXCH):
            loads[ch].wait()
            scats[ch] = pltpu.async_copy(xbs[ch % NBUF],
                                         xs_hbm.at[idx_v.at[ch]],
                                         sss[ch % NBUF])
            nx = ch + NBUF - 1
            if nx < NXCH:
                if nx >= NBUF:
                    scats[nx - NBUF].wait()
                loads[nx] = pltpu.async_copy(
                    x_hbm.at[pl.ds(base + nx * XCH, XCH)],
                    xbs[nx % NBUF], sls[nx % NBUF])
        for ch in range(max(0, NXCH - NBUF), NXCH):
            scats[ch].wait()

    @functools.partial(
        pl.kernel,
        out_type=jax.ShapeDtypeStruct((BH, OUTP), jnp.float32),
        mesh=mesh,
        scratch_types=(
            [pltpu.VMEM((NYCH, YCH), jnp.int32)]
            + [pltpu.VMEM((YCH, OUTP), jnp.float32) for _ in range(NYCH)]
            + [pltpu.SemaphoreType.DMA for _ in range(NYCH)]
        ),
    )
    def gather_y(ys_hbm, p_hbm, out_hbm, idx_v, *bufs):
        ybs = bufs[:NYCH]
        sems = bufs[NYCH:2 * NYCH]
        wid = lax.axis_index("s") * 2 + lax.axis_index("c")
        base = wid * RPW
        pltpu.sync_copy(p_hbm.at[wid], idx_v)
        gs = [pltpu.async_copy(ys_hbm.at[idx_v.at[j]], ybs[j], sems[j])
              for j in range(NYCH)]
        for j in range(NYCH):
            gs[j].wait()
            pltpu.sync_copy(ybs[j], out_hbm.at[pl.ds(base + j * YCH, YCH)])

    return scatter_x, gather_y


def _mlp_body(bexp_ref, srct_ref, xs_ref, w1_ref, b1_ref, w2_ref, b2_ref,
              w3_ref, b3_ref, ys_ref):
    t = pl.program_id(0)

    @pl.when(srct_ref[t] == t)
    def _():
        bf = jnp.bfloat16
        x = xs_ref[...].astype(bf)
        h = jnp.tanh(jnp.dot(x, w1_ref[0],
                             preferred_element_type=jnp.float32) + b1_ref[0])
        h = jnp.tanh(jnp.dot(h.astype(bf), w2_ref[0],
                             preferred_element_type=jnp.float32) + b2_ref[0])
        ys_ref[...] = (jnp.dot(h.astype(bf), w3_ref[0],
                               preferred_element_type=jnp.float32) + b3_ref[0])


def _mlp(bexp, srct, xs, w1, b1, w2, b2, w3p, b3p):
    grid_spec = pltpu.PrefetchScalarGridSpec(
        num_scalar_prefetch=2,
        grid=(NT,),
        in_specs=[
            pl.BlockSpec((TILE, D), lambda t, be, st: (st[t], 0)),
            pl.BlockSpec((1, D, H), lambda t, be, st: (be[st[t]], 0, 0)),
            pl.BlockSpec((1, 1, H), lambda t, be, st: (be[st[t]], 0, 0)),
            pl.BlockSpec((1, H, H), lambda t, be, st: (be[st[t]], 0, 0)),
            pl.BlockSpec((1, 1, H), lambda t, be, st: (be[st[t]], 0, 0)),
            pl.BlockSpec((1, H, OUTP), lambda t, be, st: (be[st[t]], 0, 0)),
            pl.BlockSpec((1, 1, OUTP), lambda t, be, st: (be[st[t]], 0, 0)),
        ],
        out_specs=pl.BlockSpec((TILE, OUTP), lambda t, be, st: (st[t], 0)),
    )
    return pl.pallas_call(
        _mlp_body,
        grid_spec=grid_spec,
        out_shape=jax.ShapeDtypeStruct((NP, OUTP), jnp.float32),
    )(bexp, srct, xs, w1, b1, w2, b2, w3p, b3p)


def kernel(original_obs, random_noise, W1, b1, W2, b2, W3, b3):
    ps = jnp.arange(1, E, dtype=jnp.float32) / E
    thres = jnp.sqrt(2.0) * jax.scipy.special.erfinv(2.0 * ps - 1.0)

    g2d = random_noise.reshape(256, 128)
    p2d, bexp2d, srct2d = _route(g2d, thres)
    p = p2d.reshape(B)

    bf = jnp.bfloat16
    w1b = W1.astype(bf)
    w2b = W2.astype(bf)
    w3p = jnp.pad(W3, ((0, 0), (0, 0), (0, OUTP - OUT))).astype(bf)
    b1r = b1.reshape(E, 1, H)
    b2r = b2.reshape(E, 1, H)
    b3r = jnp.pad(b3, ((0, 0), (0, OUTP - OUT))).reshape(E, 1, OUTP)

    outs = []
    for hh in range(NH):
        scatter_x, gather_y = _sc_kernels(hh)
        p_h = p[hh * BH:(hh + 1) * BH]
        bexp_h = bexp2d[hh, :NT]
        srct_h = srct2d[hh, :NT]
        xs = scatter_x(original_obs, p_h.reshape(NW, NXCH, XCH))
        ys = _mlp(bexp_h, srct_h, xs, w1b, b1r, w2b, b2r, w3p, b3r)
        outs.append(gather_y(ys, p_h.reshape(NW, NYCH, YCH))[:, :OUT])
    return jnp.concatenate(outs, axis=0)

# --- scband reference (transcript-rebuilt; emitter-appended) ---
"""Pipeline reference for scband-simple-ensemble-net-60078002536990 (READ-ONLY COPY).

The authoritative reference and input builder live on the scoring server;
editing this copy changes nothing except your own understanding.
"""

import jax, jax.numpy as jnp
import numpy as np

B = 32768
D = 768
H = 256
OUT = 18
E = 8


def _thresholds(n):
    # norm.ppf(i/n) for i in 0..n via sqrt(2)*erfinv(2p-1); endpoints are -inf/+inf
    ps = jnp.arange(n + 1, dtype=jnp.float32) / n
    return jnp.sqrt(2.0) * jax.scipy.special.erfinv(2.0 * ps - 1.0)


def setup_inputs(seed: int = 0):
    key = jax.random.key(seed)
    ks = jax.random.split(key, 8)
    x = jax.random.normal(ks[0], (B, D), dtype=jnp.float32)
    noise = jax.random.normal(ks[1], (B, 1), dtype=jnp.float32)
    # stacked per-head BaseMLP params: Linear(D,256)+tanh, Linear(256,256)+tanh, Linear(256,OUT)
    W1 = jax.random.normal(ks[2], (E, D, H), dtype=jnp.float32) * (1.0 / np.sqrt(D))
    b1 = jnp.zeros((E, H), dtype=jnp.float32)
    W2 = jax.random.normal(ks[3], (E, H, H), dtype=jnp.float32) * (1.0 / np.sqrt(H))
    b2 = jnp.zeros((E, H), dtype=jnp.float32)
    W3 = jax.random.normal(ks[4], (E, H, OUT), dtype=jnp.float32) * (1.0 / np.sqrt(H))
    b3 = jnp.zeros((E, OUT), dtype=jnp.float32)
    return {"original_obs": x, "random_noise": noise, "W1": W1, "b1": b1, "W2": W2, "b2": b2, "W3": W3, "b3": b3}


def reference(original_obs, random_noise, W1, b1, W2, b2, W3, b3):
    g = random_noise[:, 0]
    thres = _thresholds(E)
    out = jnp.zeros((original_obs.shape[0], OUT), dtype=jnp.float32)
    total = jnp.zeros((), dtype=jnp.int32)
    for i in range(E):
        mask = (g > thres[i]) & (g <= thres[i + 1])
        total = total + jnp.sum(mask).astype(jnp.int32)
        h = jnp.tanh(original_obs @ W1[i] + b1[i])
        h = jnp.tanh(h @ W2[i] + b2[i])
        y = h @ W3[i] + b3[i]
        out = out + jnp.where(mask[:, None], y, jnp.float32(0.0))
    out = jnp.where(total == original_obs.shape[0], out, jnp.full_like(out, jnp.nan))
    return out

if __name__ == "__main__":
    import jax
    _d = setup_inputs()
    print(jax.jit(kernel)(*tuple(_d.values())))

</pallas_src>

<mosaic_0001>
#map = affine_map<(d0, d1) -> (0, 0)>
#map1 = affine_map<(d0, d1) -> (0, 0, 0)>
module attributes {stable_mosaic.version = 14 : i64} {
  func.func @gather_y(%arg0: i32, %arg1: i32, %arg2: memref<24576x128xf32, #tpu.memory_space<hbm>>, %arg3: memref<32x4x128xi32, #tpu.memory_space<hbm>>, %arg4: memref<16384x128xf32, #tpu.memory_space<hbm>>, %arg5: memref<4x128xi32, #tpu.memory_space<vmem>>, %arg6: memref<128x128xf32, #tpu.memory_space<vmem>>, %arg7: memref<128x128xf32, #tpu.memory_space<vmem>>, %arg8: memref<128x128xf32, #tpu.memory_space<vmem>>, %arg9: memref<128x128xf32, #tpu.memory_space<vmem>>, %arg10: memref<!tpu.dma_semaphore, #tpu.memory_space<semaphore_mem>>, %arg11: memref<!tpu.dma_semaphore, #tpu.memory_space<semaphore_mem>>, %arg12: memref<!tpu.dma_semaphore, #tpu.memory_space<semaphore_mem>>, %arg13: memref<!tpu.dma_semaphore, #tpu.memory_space<semaphore_mem>>) attributes {dimension_semantics = [#tpu.dimension_semantics<core_parallel>, #tpu.dimension_semantics<subcore_parallel>], iteration_bounds = array<i64: 2, 16>, scalar_prefetch = 0 : i64, scratch_operands = 9 : i64, tpu.core_type = #tpu.core_type<sc_vector_subcore>, window_params = [{transform_indices = #map}, {transform_indices = #map1}, {transform_indices = #map}]} {
    %mul3A = arith.constant 2 : i32
    %mul3A_0 = arith.muli %arg1, %mul3A : i32
    %add3A = arith.addi %mul3A_0, %arg0 : i32
    %mul3A_1 = arith.constant 512 : i32
    %mul3A_2 = arith.muli %add3A, %mul3A_1 : i32
    "tpu.region"() ({
      %run_scoped3A = tpu.sem_alloc : memref<!tpu.dma_semaphore, #tpu.memory_space<semaphore_mem>>
      %dma_start3A_65 = arith.constant 0 : i32
      %dma_start3A_66 = arith.constant 0 : i32
      %dma_start3A_67 = tpu.memref_slice %arg3[%add3A, %dma_start3A_65, %dma_start3A_66] : memref<32x4x128xi32, #tpu.memory_space<hbm>> -> memref<1x4x128xi32, #tpu.memory_space<hbm>>
      %dma_start3A_68 = tpu.memref_squeeze %dma_start3A_67 : memref<1x4x128xi32, #tpu.memory_space<hbm>> -> memref<4x128xi32, #tpu.memory_space<hbm>>
      %dma_start3A_69 = arith.constant 0 : i32
      %dma_start3A_70 = arith.constant 0 : i32
      %dma_start3A_71 = tpu.memref_slice %arg3[%add3A, %dma_start3A_69, %dma_start3A_70] : memref<32x4x128xi32, #tpu.memory_space<hbm>> -> memref<1x4x128xi32, #tpu.memory_space<hbm>>
      %dma_start3A_72 = tpu.memref_squeeze %dma_start3A_71 : memref<1x4x128xi32, #tpu.memory_space<hbm>> -> memref<4x128xi32, #tpu.memory_space<hbm>>
      tpu.enqueue_dma source(%dma_start3A_72 : memref<4x128xi32, #tpu.memory_space<hbm>>) target(%arg5 : memref<4x128xi32, #tpu.memory_space<vmem>>) target_semaphore(%run_scoped3A : memref<!tpu.dma_semaphore, #tpu.memory_space<semaphore_mem>>)
      %dma_wait3A_73 = arith.constant 0 : i32
      %dma_wait3A_74 = arith.constant 0 : i32
      %dma_wait3A_75 = tpu.memref_slice %arg3[%add3A, %dma_wait3A_73, %dma_wait3A_74] : memref<32x4x128xi32, #tpu.memory_space<hbm>> -> memref<1x4x128xi32, #tpu.memory_space<hbm>>
      %dma_wait3A_76 = tpu.memref_squeeze %dma_wait3A_75 : memref<1x4x128xi32, #tpu.memory_space<hbm>> -> memref<4x128xi32, #tpu.memory_space<hbm>>
      %dma_wait3A_77 = arith.constant 0 : i32
      %dma_wait3A_78 = arith.constant 0 : i32
      %dma_wait3A_79 = tpu.memref_slice %arg3[%add3A, %dma_wait3A_77, %dma_wait3A_78] : memref<32x4x128xi32, #tpu.memory_space<hbm>> -> memref<1x4x128xi32, #tpu.memory_space<hbm>>
      %dma_wait3A_80 = tpu.memref_squeeze %dma_wait3A_79 : memref<1x4x128xi32, #tpu.memory_space<hbm>> -> memref<4x128xi32, #tpu.memory_space<hbm>>
      tpu.wait_dma2 semaphore(%run_scoped3A : memref<!tpu.dma_semaphore, #tpu.memory_space<semaphore_mem>>) src(%dma_wait3A_80 : memref<4x128xi32, #tpu.memory_space<hbm>>) dst(%arg5 : memref<4x128xi32, #tpu.memory_space<vmem>>)
      tpu.yield
    }) : () -> ()
    %dma_start3A = arith.constant 0 : i32
    %dma_start3A_3 = arith.constant 0 : i32
    %dma_start3A_4 = tpu.memref_slice %arg5[%dma_start3A, %dma_start3A_3] : memref<4x128xi32, #tpu.memory_space<vmem>> -> memref<1x128xi32, #tpu.memory_space<vmem>>
    %dma_start3A_5 = tpu.memref_squeeze %dma_start3A_4 : memref<1x128xi32, #tpu.memory_space<vmem>> -> memref<128xi32, #tpu.memory_space<vmem>>
    %dma_start3A_6 = arith.constant 0 : i32
    %dma_start3A_7 = arith.constant 0 : i32
    %dma_start3A_8 = tpu.memref_slice %arg2[%dma_start3A_6, %dma_start3A_7] : memref<24576x128xf32, #tpu.memory_space<hbm>> -> memref<24576x128xf32, #tpu.memory_space<hbm>>
    tpu.enqueue_indirect_dma source(%dma_start3A_8 : memref<24576x128xf32, #tpu.memory_space<hbm>>) target(%arg6 : memref<128x128xf32, #tpu.memory_space<vmem>>) offsets(%dma_start3A_5 : memref<128xi32, #tpu.memory_space<vmem>>) semaphore(%arg10 : memref<!tpu.dma_semaphore, #tpu.memory_space<semaphore_mem>>)
    %dma_start3A_9 = arith.constant 1 : i32
    %dma_start3A_10 = arith.constant 0 : i32
    %dma_start3A_11 = tpu.memref_slice %arg5[%dma_start3A_9, %dma_start3A_10] : memref<4x128xi32, #tpu.memory_space<vmem>> -> memref<1x128xi32, #tpu.memory_space<vmem>>
    %dma_start3A_12 = tpu.memref_squeeze %dma_start3A_11 : memref<1x128xi32, #tpu.memory_space<vmem>> -> memref<128xi32, #tpu.memory_space<vmem>>
    %dma_start3A_13 = arith.constant 0 : i32
    %dma_start3A_14 = arith.constant 0 : i32
    %dma_start3A_15 = tpu.memref_slice %arg2[%dma_start3A_13, %dma_start3A_14] : memref<24576x128xf32, #tpu.memory_space<hbm>> -> memref<24576x128xf32, #tpu.memory_space<hbm>>
    tpu.enqueue_indirect_dma source(%dma_start3A_15 : memref<24576x128xf32, #tpu.memory_space<hbm>>) target(%arg7 : memref<128x128xf32, #tpu.memory_space<vmem>>) offsets(%dma_start3A_12 : memref<128xi32, #tpu.memory_space<vmem>>) semaphore(%arg11 : memref<!tpu.dma_semaphore, #tpu.memory_space<semaphore_mem>>)
    %dma_start3A_16 = arith.constant 2 : i32
    %dma_start3A_17 = arith.constant 0 : i32
    %dma_start3A_18 = tpu.memref_slice %arg5[%dma_start3A_16, %dma_start3A_17] : memref<4x128xi32, #tpu.memory_space<vmem>> -> memref<1x128xi32, #tpu.memory_space<vmem>>
    %dma_start3A_19 = tpu.memref_squeeze %dma_start3A_18 : memref<1x128xi32, #tpu.memory_space<vmem>> -> memref<128xi32, #tpu.memory_space<vmem>>
    %dma_start3A_20 = arith.constant 0 : i32
    %dma_start3A_21 = arith.constant 0 : i32
    %dma_start3A_22 = tpu.memref_slice %arg2[%dma_start3A_20, %dma_start3A_21] : memref<24576x128xf32, #tpu.memory_space<hbm>> -> memref<24576x128xf32, #tpu.memory_space<hbm>>
    tpu.enqueue_indirect_dma source(%dma_start3A_22 : memref<24576x128xf32, #tpu.memory_space<hbm>>) target(%arg8 : memref<128x128xf32, #tpu.memory_space<vmem>>) offsets(%dma_start3A_19 : memref<128xi32, #tpu.memory_space<vmem>>) semaphore(%arg12 : memref<!tpu.dma_semaphore, #tpu.memory_space<semaphore_mem>>)
    %dma_start3A_23 = arith.constant 3 : i32
    %dma_start3A_24 = arith.constant 0 : i32
    %dma_start3A_25 = tpu.memref_slice %arg5[%dma_start3A_23, %dma_start3A_24] : memref<4x128xi32, #tpu.memory_space<vmem>> -> memref<1x128xi32, #tpu.memory_space<vmem>>
    %dma_start3A_26 = tpu.memref_squeeze %dma_start3A_25 : memref<1x128xi32, #tpu.memory_space<vmem>> -> memref<128xi32, #tpu.memory_space<vmem>>
    %dma_start3A_27 = arith.constant 0 : i32
    %dma_start3A_28 = arith.constant 0 : i32
    %dma_start3A_29 = tpu.memref_slice %arg2[%dma_start3A_27, %dma_start3A_28] : memref<24576x128xf32, #tpu.memory_space<hbm>> -> memref<24576x128xf32, #tpu.memory_space<hbm>>
    tpu.enqueue_indirect_dma source(%dma_start3A_29 : memref<24576x128xf32, #tpu.memory_space<hbm>>) target(%arg9 : memref<128x128xf32, #tpu.memory_space<vmem>>) offsets(%dma_start3A_26 : memref<128xi32, #tpu.memory_space<vmem>>) semaphore(%arg13 : memref<!tpu.dma_semaphore, #tpu.memory_space<semaphore_mem>>)
    %dma_wait3A = arith.constant 0 : i32
    %dma_wait3A_30 = arith.constant 0 : i32
    %dma_wait3A_31 = tpu.memref_slice %arg5[%dma_wait3A, %dma_wait3A_30] : memref<4x128xi32, #tpu.memory_space<vmem>> -> memref<1x128xi32, #tpu.memory_space<vmem>>
    %dma_wait3A_32 = tpu.memref_squeeze %dma_wait3A_31 : memref<1x128xi32, #tpu.memory_space<vmem>> -> memref<128xi32, #tpu.memory_space<vmem>>
    %dma_wait3A_33 = arith.constant 0 : i32
    %dma_wait3A_34 = arith.constant 0 : i32
    %dma_wait3A_35 = tpu.memref_slice %arg2[%dma_wait3A_33, %dma_wait3A_34] : memref<24576x128xf32, #tpu.memory_space<hbm>> -> memref<24576x128xf32, #tpu.memory_space<hbm>>
    tpu.wait_indirect_dma semaphore(%arg10 : memref<!tpu.dma_semaphore, #tpu.memory_space<semaphore_mem>>) src(%dma_wait3A_35 : memref<24576x128xf32, #tpu.memory_space<hbm>>) dst(%arg6 : memref<128x128xf32, #tpu.memory_space<vmem>>)
    %add3A_36 = arith.constant 0 : i32
    %add3A_37 = arith.addi %mul3A_2, %add3A_36 : i32
    "tpu.region"() ({
      %run_scoped3A = tpu.sem_alloc : memref<!tpu.dma_semaphore, #tpu.memory_space<semaphore_mem>>
      %dma_start3A_65 = arith.constant 0 : i32
      %dma_start3A_66 = tpu.memref_slice %arg4[%add3A_37, %dma_start3A_65] : memref<16384x128xf32, #tpu.memory_space<hbm>> -> memref<128x128xf32, #tpu.memory_space<hbm>>
      %dma_start3A_67 = arith.constant 0 : i32
      %dma_start3A_68 = tpu.memref_slice %arg4[%add3A_37, %dma_start3A_67] : memref<16384x128xf32, #tpu.memory_space<hbm>> -> memref<128x128xf32, #tpu.memory_space<hbm>>
      tpu.enqueue_dma source(%arg6 : memref<128x128xf32, #tpu.memory_space<vmem>>) target(%dma_start3A_68 : memref<128x128xf32, #tpu.memory_space<hbm>>) target_semaphore(%run_scoped3A : memref<!tpu.dma_semaphore, #tpu.memory_space<semaphore_mem>>)
      %dma_wait3A_69 = arith.constant 0 : i32
      %dma_wait3A_70 = tpu.memref_slice %arg4[%add3A_37, %dma_wait3A_69] : memref<16384x128xf32, #tpu.memory_space<hbm>> -> memref<128x128xf32, #tpu.memory_space<hbm>>
      %dma_wait3A_71 = arith.constant 0 : i32
      %dma_wait3A_72 = tpu.memref_slice %arg4[%add3A_37, %dma_wait3A_71] : memref<16384x128xf32, #tpu.memory_space<hbm>> -> memref<128x128xf32, #tpu.memory_space<hbm>>
      tpu.wait_dma2 semaphore(%run_scoped3A : memref<!tpu.dma_semaphore, #tpu.memory_space<semaphore_mem>>) src(%arg6 : memref<128x128xf32, #tpu.memory_space<vmem>>) dst(%dma_wait3A_72 : memref<128x128xf32, #tpu.memory_space<hbm>>)
      tpu.yield
    }) : () -> ()
    %dma_wait3A_38 = arith.constant 1 : i32
    %dma_wait3A_39 = arith.constant 0 : i32
    %dma_wait3A_40 = tpu.memref_slice %arg5[%dma_wait3A_38, %dma_wait3A_39] : memref<4x128xi32, #tpu.memory_space<vmem>> -> memref<1x128xi32, #tpu.memory_space<vmem>>
    %dma_wait3A_41 = tpu.memref_squeeze %dma_wait3A_40 : memref<1x128xi32, #tpu.memory_space<vmem>> -> memref<128xi32, #tpu.memory_space<vmem>>
    %dma_wait3A_42 = arith.constant 0 : i32
    %dma_wait3A_43 = arith.constant 0 : i32
    %dma_wait3A_44 = tpu.memref_slice %arg2[%dma_wait3A_42, %dma_wait3A_43] : memref<24576x128xf32, #tpu.memory_space<hbm>> -> memref<24576x128xf32, #tpu.memory_space<hbm>>
    tpu.wait_indirect_dma semaphore(%arg11 : memref<!tpu.dma_semaphore, #tpu.memory_space<semaphore_mem>>) src(%dma_wait3A_44 : memref<24576x128xf32, #tpu.memory_space<hbm>>) dst(%arg7 : memref<128x128xf32, #tpu.memory_space<vmem>>)
    %add3A_45 = arith.constant 128 : i32
    %add3A_46 = arith.addi %mul3A_2, %add3A_45 : i32
    "tpu.region"() ({
      %run_scoped3A = tpu.sem_alloc : memref<!tpu.dma_semaphore, #tpu.memory_space<semaphore_mem>>
      %dma_start3A_65 = arith.constant 0 : i32
      %dma_start3A_66 = tpu.memref_slice %arg4[%add3A_46, %dma_start3A_65] : memref<16384x128xf32, #tpu.memory_space<hbm>> -> memref<128x128xf32, #tpu.memory_space<hbm>>
      %dma_start3A_67 = arith.constant 0 : i32
      %dma_start3A_68 = tpu.memref_slice %arg4[%add3A_46, %dma_start3A_67] : memref<16384x128xf32, #tpu.memory_space<hbm>> -> memref<128x128xf32, #tpu.memory_space<hbm>>
      tpu.enqueue_dma source(%arg7 : memref<128x128xf32, #tpu.memory_space<vmem>>) target(%dma_start3A_68 : memref<128x128xf32, #tpu.memory_space<hbm>>) target_semaphore(%run_scoped3A : memref<!tpu.dma_semaphore, #tpu.memory_space<semaphore_mem>>)
      %dma_wait3A_69 = arith.constant 0 : i32
      %dma_wait3A_70 = tpu.memref_slice %arg4[%add3A_46, %dma_wait3A_69] : memref<16384x128xf32, #tpu.memory_space<hbm>> -> memref<128x128xf32, #tpu.memory_space<hbm>>
      %dma_wait3A_71 = arith.constant 0 : i32
      %dma_wait3A_72 = tpu.memref_slice %arg4[%add3A_46, %dma_wait3A_71] : memref<16384x128xf32, #tpu.memory_space<hbm>> -> memref<128x128xf32, #tpu.memory_space<hbm>>
      tpu.wait_dma2 semaphore(%run_scoped3A : memref<!tpu.dma_semaphore, #tpu.memory_space<semaphore_mem>>) src(%arg7 : memref<128x128xf32, #tpu.memory_space<vmem>>) dst(%dma_wait3A_72 : memref<128x128xf32, #tpu.memory_space<hbm>>)
      tpu.yield
    }) : () -> ()
    %dma_wait3A_47 = arith.constant 2 : i32
    %dma_wait3A_48 = arith.constant 0 : i32
    %dma_wait3A_49 = tpu.memref_slice %arg5[%dma_wait3A_47, %dma_wait3A_48] : memref<4x128xi32, #tpu.memory_space<vmem>> -> memref<1x128xi32, #tpu.memory_space<vmem>>
    %dma_wait3A_50 = tpu.memref_squeeze %dma_wait3A_49 : memref<1x128xi32, #tpu.memory_space<vmem>> -> memref<128xi32, #tpu.memory_space<vmem>>
    %dma_wait3A_51 = arith.constant 0 : i32
    %dma_wait3A_52 = arith.constant 0 : i32
    %dma_wait3A_53 = tpu.memref_slice %arg2[%dma_wait3A_51, %dma_wait3A_52] : memref<24576x128xf32, #tpu.memory_space<hbm>> -> memref<24576x128xf32, #tpu.memory_space<hbm>>
    tpu.wait_indirect_dma semaphore(%arg12 : memref<!tpu.dma_semaphore, #tpu.memory_space<semaphore_mem>>) src(%dma_wait3A_53 : memref<24576x128xf32, #tpu.memory_space<hbm>>) dst(%arg8 : memref<128x128xf32, #tpu.memory_space<vmem>>)
    %add3A_54 = arith.constant 256 : i32
    %add3A_55 = arith.addi %mul3A_2, %add3A_54 : i32
    "tpu.region"() ({
      %run_scoped3A = tpu.sem_alloc : memref<!tpu.dma_semaphore, #tpu.memory_space<semaphore_mem>>
      %dma_start3A_65 = arith.constant 0 : i32
      %dma_start3A_66 = tpu.memref_slice %arg4[%add3A_55, %dma_start3A_65] : memref<16384x128xf32, #tpu.memory_space<hbm>> -> memref<128x128xf32, #tpu.memory_space<hbm>>
      %dma_start3A_67 = arith.constant 0 : i32
      %dma_start3A_68 = tpu.memref_slice %arg4[%add3A_55, %dma_start3A_67] : memref<16384x128xf32, #tpu.memory_space<hbm>> -> memref<128x128xf32, #tpu.memory_space<hbm>>
      tpu.enqueue_dma source(%arg8 : memref<128x128xf32, #tpu.memory_space<vmem>>) target(%dma_start3A_68 : memref<128x128xf32, #tpu.memory_space<hbm>>) target_semaphore(%run_scoped3A : memref<!tpu.dma_semaphore, #tpu.memory_space<semaphore_mem>>)
      %dma_wait3A_69 = arith.constant 0 : i32
      %dma_wait3A_70 = tpu.memref_slice %arg4[%add3A_55, %dma_wait3A_69] : memref<16384x128xf32, #tpu.memory_space<hbm>> -> memref<128x128xf32, #tpu.memory_space<hbm>>
      %dma_wait3A_71 = arith.constant 0 : i32
      %dma_wait3A_72 = tpu.memref_slice %arg4[%add3A_55, %dma_wait3A_71] : memref<16384x128xf32, #tpu.memory_space<hbm>> -> memref<128x128xf32, #tpu.memory_space<hbm>>
      tpu.wait_dma2 semaphore(%run_scoped3A : memref<!tpu.dma_semaphore, #tpu.memory_space<semaphore_mem>>) src(%arg8 : memref<128x128xf32, #tpu.memory_space<vmem>>) dst(%dma_wait3A_72 : memref<128x128xf32, #tpu.memory_space<hbm>>)
      tpu.yield
    }) : () -> ()
    %dma_wait3A_56 = arith.constant 3 : i32
    %dma_wait3A_57 = arith.constant 0 : i32
    %dma_wait3A_58 = tpu.memref_slice %arg5[%dma_wait3A_56, %dma_wait3A_57] : memref<4x128xi32, #tpu.memory_space<vmem>> -> memref<1x128xi32, #tpu.memory_space<vmem>>
    %dma_wait3A_59 = tpu.memref_squeeze %dma_wait3A_58 : memref<1x128xi32, #tpu.memory_space<vmem>> -> memref<128xi32, #tpu.memory_space<vmem>>
    %dma_wait3A_60 = arith.constant 0 : i32
    %dma_wait3A_61 = arith.constant 0 : i32
    %dma_wait3A_62 = tpu.memref_slice %arg2[%dma_wait3A_60, %dma_wait3A_61] : memref<24576x128xf32, #tpu.memory_space<hbm>> -> memref<24576x128xf32, #tpu.memory_space<hbm>>
    tpu.wait_indirect_dma semaphore(%arg13 : memref<!tpu.dma_semaphore, #tpu.memory_space<semaphore_mem>>) src(%dma_wait3A_62 : memref<24576x128xf32, #tpu.memory_space<hbm>>) dst(%arg9 : memref<128x128xf32, #tpu.memory_space<vmem>>)
    %add3A_63 = arith.constant 384 : i32
    %add3A_64 = arith.addi %mul3A_2, %add3A_63 : i32
    "tpu.region"() ({
      %run_scoped3A = tpu.sem_alloc : memref<!tpu.dma_semaphore, #tpu.memory_space<semaphore_mem>>
      %dma_start3A_65 = arith.constant 0 : i32
      %dma_start3A_66 = tpu.memref_slice %arg4[%add3A_64, %dma_start3A_65] : memref<16384x128xf32, #tpu.memory_space<hbm>> -> memref<128x128xf32, #tpu.memory_space<hbm>>
      %dma_start3A_67 = arith.constant 0 : i32
      %dma_start3A_68 = tpu.memref_slice %arg4[%add3A_64, %dma_start3A_67] : memref<16384x128xf32, #tpu.memory_space<hbm>> -> memref<128x128xf32, #tpu.memory_space<hbm>>
      tpu.enqueue_dma source(%arg9 : memref<128x128xf32, #tpu.memory_space<vmem>>) target(%dma_start3A_68 : memref<128x128xf32, #tpu.memory_space<hbm>>) target_semaphore(%run_scoped3A : memref<!tpu.dma_semaphore, #tpu.memory_space<semaphore_mem>>)
      %dma_wait3A_69 = arith.constant 0 : i32
      %dma_wait3A_70 = tpu.memref_slice %arg4[%add3A_64, %dma_wait3A_69] : memref<16384x128xf32, #tpu.memory_space<hbm>> -> memref<128x128xf32, #tpu.memory_space<hbm>>
      %dma_wait3A_71 = arith.constant 0 : i32
      %dma_wait3A_72 = tpu.memref_slice %arg4[%add3A_64, %dma_wait3A_71] : memref<16384x128xf32, #tpu.memory_space<hbm>> -> memref<128x128xf32, #tpu.memory_space<hbm>>
      tpu.wait_dma2 semaphore(%run_scoped3A : memref<!tpu.dma_semaphore, #tpu.memory_space<semaphore_mem>>) src(%arg9 : memref<128x128xf32, #tpu.memory_space<vmem>>) dst(%dma_wait3A_72 : memref<128x128xf32, #tpu.memory_space<hbm>>)
      tpu.yield
    }) : () -> ()
    return
  }
}

#map = affine_map<(d0, d1) -> (0, 0)>
#map1 = affine_map<(d0, d1) -> (0, 0, 0)>
module attributes {stable_mosaic.version = 14 : i64} {
  func.func @scatter_x(%arg0: i32, %arg1: i32, %arg2: memref<32768x768xf32, #tpu.memory_space<hbm>>, %arg3: memref<32x16x32xi32, #tpu.memory_space<hbm>>, %arg4: memref<24576x768xf32, #tpu.memory_space<hbm>>, %arg5: memref<16x32xi32, #tpu.memory_space<vmem>>, %arg6: memref<32x768xf32, #tpu.memory_space<vmem>>, %arg7: memref<32x768xf32, #tpu.memory_space<vmem>>, %arg8: memref<32x768xf32, #tpu.memory_space<vmem>>, %arg9: memref<32x768xf32, #tpu.memory_space<vmem>>, %arg10: memref<32x768xf32, #tpu.memory_space<vmem>>, %arg11: memref<!tpu.dma_semaphore, #tpu.memory_space<semaphore_mem>>, %arg12: memref<!tpu.dma_semaphore, #tpu.memory_space<semaphore_mem>>, %arg13: memref<!tpu.dma_semaphore, #tpu.memory_space<semaphore_mem>>, %arg14: memref<!tpu.dma_semaphore, #tpu.memory_space<semaphore_mem>>, %arg15: memref<!tpu.dma_semaphore, #tpu.memory_space<semaphore_mem>>, %arg16: memref<!tpu.dma_semaphore, #tpu.memory_space<semaphore_mem>>, %arg17: memref<!tpu.dma_semaphore, #tpu.memory_space<semaphore_mem>>, %arg18: memref<!tpu.dma_semaphore, #tpu.memory_space<semaphore_mem>>, %arg19: memref<!tpu.dma_semaphore, #tpu.memory_space<semaphore_mem>>, %arg20: memref<!tpu.dma_semaphore, #tpu.memory_space<semaphore_mem>>) attributes {dimension_semantics = [#tpu.dimension_semantics<core_parallel>, #tpu.dimension_semantics<subcore_parallel>], iteration_bounds = array<i64: 2, 16>, scalar_prefetch = 0 : i64, scratch_operands = 16 : i64, tpu.core_type = #tpu.core_type<sc_vector_subcore>, window_params = [{transform_indices = #map}, {transform_indices = #map1}, {transform_indices = #map}]} {
    %mul3A = arith.constant 2 : i32
    %mul3A_0 = arith.muli %arg1, %mul3A : i32
    %add3A = arith.addi %mul3A_0, %arg0 : i32
    %mul3A_1 = arith.constant 512 : i32
    %mul3A_2 = arith.muli %add3A, %mul3A_1 : i32
    %add3A_3 = arith.constant 16384 : i32
    %add3A_4 = arith.addi %add3A_3, %mul3A_2 : i32
    "tpu.region"() ({
      %run_scoped3A = tpu.sem_alloc : memref<!tpu.dma_semaphore, #tpu.memory_space<semaphore_mem>>
      %dma_start3A_387 = arith.constant 0 : i32
      %dma_start3A_388 = arith.constant 0 : i32
      %dma_start3A_389 = tpu.memref_slice %arg3[%add3A, %dma_start3A_387, %dma_start3A_388] : memref<32x16x32xi32, #tpu.memory_space<hbm>> -> memref<1x16x32xi32, #tpu.memory_space<hbm>>
      %dma_start3A_390 = tpu.memref_squeeze %dma_start3A_389 : memref<1x16x32xi32, #tpu.memory_space<hbm>> -> memref<16x32xi32, #tpu.memory_space<hbm>>
      %dma_start3A_391 = arith.constant 0 : i32
      %dma_start3A_392 = arith.constant 0 : i32
      %dma_start3A_393 = tpu.memref_slice %arg3[%add3A, %dma_start3A_391, %dma_start3A_392] : memref<32x16x32xi32, #tpu.memory_space<hbm>> -> memref<1x16x32xi32, #tpu.memory_space<hbm>>
      %dma_start3A_394 = tpu.memref_squeeze %dma_start3A_393 : memref<1x16x32xi32, #tpu.memory_space<hbm>> -> memref<16x32xi32, #tpu.memory_space<hbm>>
      tpu.enqueue_dma source(%dma_start3A_394 : memref<16x32xi32, #tpu.memory_space<hbm>>) target(%arg5 : memref<16x32xi32, #tpu.memory_space<vmem>>) target_semaphore(%run_scoped3A : memref<!tpu.dma_semaphore, #tpu.memory_space<semaphore_mem>>)
      %dma_wait3A_395 = arith.constant 0 : i32
      %dma_wait3A_396 = arith.constant 0 : i32
      %dma_wait3A_397 = tpu.memref_slice %arg3[%add3A, %dma_wait3A_395, %dma_wait3A_396] : memref<32x16x32xi32, #tpu.memory_space<hbm>> -> memref<1x16x32xi32, #tpu.memory_space<hbm>>
      %dma_wait3A_398 = tpu.memref_squeeze %dma_wait3A_397 : memref<1x16x32xi32, #tpu.memory_space<hbm>> -> memref<16x32xi32, #tpu.memory_space<hbm>>
      %dma_wait3A_399 = arith.constant 0 : i32
      %dma_wait3A_400 = arith.constant 0 : i32
      %dma_wait3A_401 = tpu.memref_slice %arg3[%add3A, %dma_wait3A_399, %dma_wait3A_400] : memref<32x16x32xi32, #tpu.memory_space<hbm>> -> memref<1x16x32xi32, #tpu.memory_space<hbm>>
      %dma_wait3A_402 = tpu.memref_squeeze %dma_wait3A_401 : memref<1x16x32xi32, #tpu.memory_space<hbm>> -> memref<16x32xi32, #tpu.memory_space<hbm>>
      tpu.wait_dma2 semaphore(%run_scoped3A : memref<!tpu.dma_semaphore, #tpu.memory_space<semaphore_mem>>) src(%dma_wait3A_402 : memref<16x32xi32, #tpu.memory_space<hbm>>) dst(%arg5 : memref<16x32xi32, #tpu.memory_space<vmem>>)
      tpu.yield
    }) : () -> ()
    %add3A_5 = arith.constant 0 : i32
    %add3A_6 = arith.addi %add3A_4, %add3A_5 : i32
    %dma_start3A = arith.constant 0 : i32
    %dma_start3A_7 = tpu.memref_slice %arg2[%add3A_6, %dma_start3A] : memref<32768x768xf32, #tpu.memory_space<hbm>> -> memref<32x768xf32, #tpu.memory_space<hbm>>
    %dma_start3A_8 = arith.constant 0 : i32
    %dma_start3A_9 = tpu.memref_slice %arg2[%add3A_6, %dma_start3A_8] : memref<32768x768xf32, #tpu.memory_space<hbm>> -> memref<32x768xf32, #tpu.memory_space<hbm>>
    tpu.enqueue_dma source(%dma_start3A_9 : memref<32x768xf32, #tpu.memory_space<hbm>>) target(%arg6 : memref<32x768xf32, #tpu.memory_space<vmem>>) target_semaphore(%arg11 : memref<!tpu.dma_semaphore, #tpu.memory_space<semaphore_mem>>)
    %add3A_10 = arith.constant 32 : i32
    %add3A_11 = arith.addi %add3A_4, %add3A_10 : i32
    %dma_start3A_12 = arith.constant 0 : i32
    %dma_start3A_13 = tpu.memref_slice %arg2[%add3A_11, %dma_start3A_12] : memref<32768x768xf32, #tpu.memory_space<hbm>> -> memref<32x768xf32, #tpu.memory_space<hbm>>
    %dma_start3A_14 = arith.constant 0 : i32
    %dma_start3A_15 = tpu.memref_slice %arg2[%add3A_11, %dma_start3A_14] : memref<32768x768xf32, #tpu.memory_space<hbm>> -> memref<32x768xf32, #tpu.memory_space<hbm>>
    tpu.enqueue_dma source(%dma_start3A_15 : memref<32x768xf32, #tpu.memory_space<hbm>>) target(%arg7 : memref<32x768xf32, #tpu.memory_space<vmem>>) target_semaphore(%arg12 : memref<!tpu.dma_semaphore, #tpu.memory_space<semaphore_mem>>)
    %add3A_16 = arith.constant 64 : i32
    %add3A_17 = arith.addi %add3A_4, %add3A_16 : i32
    %dma_start3A_18 = arith.constant 0 : i32
    %dma_start3A_19 = tpu.memref_slice %arg2[%add3A_17, %dma_start3A_18] : memref<32768x768xf32, #tpu.memory_space<hbm>> -> memref<32x768xf32, #tpu.memory_space<hbm>>
    %dma_start3A_20 = arith.constant 0 : i32
    %dma_start3A_21 = tpu.memref_slice %arg2[%add3A_17, %dma_start3A_20] : memref<32768x768xf32, #tpu.memory_space<hbm>> -> memref<32x768xf32, #tpu.memory_space<hbm>>
    tpu.enqueue_dma source(%dma_start3A_21 : memref<32x768xf32, #tpu.memory_space<hbm>>) target(%arg8 : memref<32x768xf32, #tpu.memory_space<vmem>>) target_semaphore(%arg13 : memref<!tpu.dma_semaphore, #tpu.memory_space<semaphore_mem>>)
    %add3A_22 = arith.constant 96 : i32
    %add3A_23 = arith.addi %add3A_4, %add3A_22 : i32
    %dma_start3A_24 = arith.constant 0 : i32
    %dma_start3A_25 = tpu.memref_slice %arg2[%add3A_23, %dma_start3A_24] : memref<32768x768xf32, #tpu.memory_space<hbm>> -> memref<32x768xf32, #tpu.memory_space<hbm>>
    %dma_start3A_26 = arith.constant 0 : i32
    %dma_start3A_27 = tpu.memref_slice %arg2[%add3A_23, %dma_start3A_26] : memref<32768x768xf32, #tpu.memory_space<hbm>> -> memref<32x768xf32, #tpu.memory_space<hbm>>
    tpu.enqueue_dma source(%dma_start3A_27 : memref<32x768xf32, #tpu.memory_space<hbm>>) target(%arg9 : memref<32x768xf32, #tpu.memory_space<vmem>>) target_semaphore(%arg14 : memref<!tpu.dma_semaphore, #tpu.memory_space<semaphore_mem>>)
    %dma_wait3A = arith.constant 0 : i32
    %dma_wait3A_28 = tpu.memref_slice %arg2[%add3A_6, %dma_wait3A] : memref<32768x768xf32, #tpu.memory_space<hbm>> -> memref<32x768xf32, #tpu.memory_space<hbm>>
    %dma_wait3A_29 = arith.constant 0 : i32
    %dma_wait3A_30 = tpu.memref_slice %arg2[%add3A_6, %dma_wait3A_29] : memref<32768x768xf32, #tpu.memory_space<hbm>> -> memref<32x768xf32, #tpu.memory_space<hbm>>
    tpu.wait_dma2 semaphore(%arg11 : memref<!tpu.dma_semaphore, #tpu.memory_space<semaphore_mem>>) src(%dma_wait3A_30 : memref<32x768xf32, #tpu.memory_space<hbm>>) dst(%arg6 : memref<32x768xf32, #tpu.memory_space<vmem>>)
    %dma_start3A_31 = arith.constant 0 : i32
    %dma_start3A_32 = arith.constant 0 : i32
    %dma_start3A_33 = tpu.memref_slice %arg5[%dma_start3A_31, %dma_start3A_32] : memref<16x32xi32, #tpu.memory_space<vmem>> -> memref<1x32xi32, #tpu.memory_space<vmem>>
    %dma_start3A_34 = tpu.memref_squeeze %dma_start3A_33 : memref<1x32xi32, #tpu.memory_space<vmem>> -> memref<32xi32, #tpu.memory_space<vmem>>
    %dma_start3A_35 = arith.constant 0 : i32
    %dma_start3A_36 = arith.constant 0 : i32
    %dma_start3A_37 = tpu.memref_slice %arg4[%dma_start3A_35, %dma_start3A_36] : memref<24576x768xf32, #tpu.memory_space<hbm>> -> memref<24576x768xf32, #tpu.memory_space<hbm>>
    tpu.enqueue_indirect_dma source(%arg6 : memref<32x768xf32, #tpu.memory_space<vmem>>) target(%dma_start3A_37 : memref<24576x768xf32, #tpu.memory_space<hbm>>) offsets(%dma_start3A_34 : memref<32xi32, #tpu.memory_space<vmem>>) semaphore(%arg16 : memref<!tpu.dma_semaphore, #tpu.memory_space<semaphore_mem>>)
    %add3A_38 = arith.constant 128 : i32
    %add3A_39 = arith.addi %add3A_4, %add3A_38 : i32
    %dma_start3A_40 = arith.constant 0 : i32
    %dma_start3A_41 = tpu.memref_slice %arg2[%add3A_39, %dma_start3A_40] : memref<32768x768xf32, #tpu.memory_space<hbm>> -> memref<32x768xf32, #tpu.memory_space<hbm>>
    %dma_start3A_42 = arith.constant 0 : i32
    %dma_start3A_43 = tpu.memref_slice %arg2[%add3A_39, %dma_start3A_42] : memref<32768x768xf32, #tpu.memory_space<hbm>> -> memref<32x768xf32, #tpu.memory_space<hbm>>
    tpu.enqueue_dma source(%dma_start3A_43 : memref<32x768xf32, #tpu.memory_space<hbm>>) target(%arg10 : memref<32x768xf32, #tpu.memory_space<vmem>>) target_semaphore(%arg15 : memref<!tpu.dma_semaphore, #tpu.memory_space<semaphore_mem>>)
    %dma_wait3A_44 = arith.constant 0 : i32
    %dma_wait3A_45 = tpu.memref_slice %arg2[%add3A_11, %dma_wait3A_44] : memref<32768x768xf32, #tpu.memory_space<hbm>> -> memref<32x768xf32, #tpu.memory_space<hbm>>
    %dma_wait3A_46 = arith.constant 0 : i32
    %dma_wait3A_47 = tpu.memref_slice %arg2[%add3A_11, %dma_wait3A_46] : memref<32768x768xf32, #tpu.memory_space<hbm>> -> memref<32x768xf32, #tpu.memory_space<hbm>>
    tpu.wait_dma2 semaphore(%arg12 : memref<!tpu.dma_semaphore, #tpu.memory_space<semaphore_mem>>) src(%dma_wait3A_47 : memref<32x768xf32, #tpu.memory_space<hbm>>) dst(%arg7 : memref<32x768xf32, #tpu.memory_space<vmem>>)
    %dma_start3A_48 = arith.constant 1 : i32
    %dma_start3A_49 = arith.constant 0 : i32
    %dma_start3A_50 = tpu.memref_slice %arg5[%dma_start3A_48, %dma_start3A_49] : memref<16x32xi32, #tpu.memory_space<vmem>> -> memref<1x32xi32, #tpu.memory_space<vmem>>
    %dma_start3A_51 = tpu.memref_squeeze %dma_start3A_50 : memref<1x32xi32, #tpu.memory_space<vmem>> -> memref<32xi32, #tpu.memory_space<vmem>>
    %dma_start3A_52 = arith.constant 0 : i32
    %dma_start3A_53 = arith.constant 0 : i32
    %dma_start3A_54 = tpu.memref_slice %arg4[%dma_start3A_52, %dma_start3A_53] : memref<24576x768xf32, #tpu.memory_space<hbm>> -> memref<24576x768xf32, #tpu.memory_space<hbm>>
    tpu.enqueue_indirect_dma source(%arg7 : memref<32x768xf32, #tpu.memory_space<vmem>>) target(%dma_start3A_54 : memref<24576x768xf32, #tpu.memory_space<hbm>>) offsets(%dma_start3A_51 : memref<32xi32, #tpu.memory_space<vmem>>) semaphore(%arg17 : memref<!tpu.dma_semaphore, #tpu.memory_space<semaphore_mem>>)
    %dma_wait3A_55 = arith.constant 0 : i32
    %dma_wait3A_56 = arith.constant 0 : i32
    %dma_wait3A_57 = tpu.memref_slice %arg5[%dma_wait3A_55, %dma_wait3A_56] : memref<16x32xi32, #tpu.memory_space<vmem>> -> memref<1x32xi32, #tpu.memory_space<vmem>>
    %dma_wait3A_58 = tpu.memref_squeeze %dma_wait3A_57 : memref<1x32xi32, #tpu.memory_space<vmem>> -> memref<32xi32, #tpu.memory_space<vmem>>
    %dma_wait3A_59 = arith.constant 0 : i32
    %dma_wait3A_60 = arith.constant 0 : i32
    %dma_wait3A_61 = tpu.memref_slice %arg4[%dma_wait3A_59, %dma_wait3A_60] : memref<24576x768xf32, #tpu.memory_space<hbm>> -> memref<24576x768xf32, #tpu.memory_space<hbm>>
    tpu.wait_indirect_dma semaphore(%arg16 : memref<!tpu.dma_semaphore, #tpu.memory_space<semaphore_mem>>) src(%arg6 : memref<32x768xf32, #tpu.memory_space<vmem>>) dst(%dma_wait3A_61 : memref<24576x768xf32, #tpu.memory_space<hbm>>)
    %add3A_62 = arith.constant 160 : i32
    %add3A_63 = arith.addi %add3A_4, %add3A_62 : i32
    %dma_start3A_64 = arith.constant 0 : i32
    %dma_start3A_65 = tpu.memref_slice %arg2[%add3A_63, %dma_start3A_64] : memref<32768x768xf32, #tpu.memory_space<hbm>> -> memref<32x768xf32, #tpu.memory_space<hbm>>
    %dma_start3A_66 = arith.constant 0 : i32
    %dma_start3A_67 = tpu.memref_slice %arg2[%add3A_63, %dma_start3A_66] : memref<32768x768xf32, #tpu.memory_space<hbm>> -> memref<32x768xf32, #tpu.memory_space<hbm>>
    tpu.enqueue_dma source(%dma_start3A_67 : memref<32x768xf32, #tpu.memory_space<hbm>>) target(%arg6 : memref<32x768xf32, #tpu.memory_space<vmem>>) target_semaphore(%arg11 : memref<!tpu.dma_semaphore, #tpu.memory_space<semaphore_mem>>)
    %dma_wait3A_68 = arith.constant 0 : i32
    %dma_wait3A_69 = tpu.memref_slice %arg2[%add3A_17, %dma_wait3A_68] : memref<32768x768xf32, #tpu.memory_space<hbm>> -> memref<32x768xf32, #tpu.memory_space<hbm>>
    %dma_wait3A_70 = arith.constant 0 : i32
    %dma_wait3A_71 = tpu.memref_slice %arg2[%add3A_17, %dma_wait3A_70] : memref<32768x768xf32, #tpu.memory_space<hbm>> -> memref<32x768xf32, #tpu.memory_space<hbm>>
    tpu.wait_dma2 semaphore(%arg13 : memref<!tpu.dma_semaphore, #tpu.memory_space<semaphore_mem>>) src(%dma_wait3A_71 : memref<32x768xf32, #tpu.memory_space<hbm>>) dst(%arg8 : memref<32x768xf32, #tpu.memory_space<vmem>>)
    %dma_start3A_72 = arith.constant 2 : i32
    %dma_start3A_73 = arith.constant 0 : i32
    %dma_start3A_74 = tpu.memref_slice %arg5[%dma_start3A_72, %dma_start3A_73] : memref<16x32xi32, #tpu.memory_space<vmem>> -> memref<1x32xi32, #tpu.memory_space<vmem>>
    %dma_start3A_75 = tpu.memref_squeeze %dma_start3A_74 : memref<1x32xi32, #tpu.memory_space<vmem>> -> memref<32xi32, #tpu.memory_space<vmem>>
    %dma_start3A_76 = arith.constant 0 : i32
    %dma_start3A_77 = arith.constant 0 : i32
    %dma_start3A_78 = tpu.memref_slice %arg4[%dma_start3A_76, %dma_start3A_77] : memref<24576x768xf32, #tpu.memory_space<hbm>> -> memref<24576x768xf32, #tpu.memory_space<hbm>>
    tpu.enqueue_indirect_dma source(%arg8 : memref<32x768xf32, #tpu.memory_space<vmem>>) target(%dma_start3A_78 : memref<24576x768xf32, #tpu.memory_space<hbm>>) offsets(%dma_start3A_75 : memref<32xi32, #tpu.memory_space<vmem>>) semaphore(%arg18 : memref<!tpu.dma_semaphore, #tpu.memory_space<semaphore_mem>>)
    %dma_wait3A_79 = arith.constant 1 : i32
    %dma_wait3A_80 = arith.constant 0 : i32
    %dma_wait3A_81 = tpu.memref_slice %arg5[%dma_wait3A_79, %dma_wait3A_80] : memref<16x32xi32, #tpu.memory_space<vmem>> -> memref<1x32xi32, #tpu.memory_space<vmem>>
    %dma_wait3A_82 = tpu.memref_squeeze %dma_wait3A_81 : memref<1x32xi32, #tpu.memory_space<vmem>> -> memref<32xi32, #tpu.memory_space<vmem>>
    %dma_wait3A_83 = arith.constant 0 : i32
    %dma_wait3A_84 = arith.constant 0 : i32
    %dma_wait3A_85 = tpu.memref_slice %arg4[%dma_wait3A_83, %dma_wait3A_84] : memref<24576x768xf32, #tpu.memory_space<hbm>> -> memref<24576x768xf32, #tpu.memory_space<hbm>>
    tpu.wait_indirect_dma semaphore(%arg17 : memref<!tpu.dma_semaphore, #tpu.memory_space<semaphore_mem>>) src(%arg7 : memref<32x768xf32, #tpu.memory_space<vmem>>) dst(%dma_wait3A_85 : memref<24576x768xf32, #tpu.memory_space<hbm>>)
    %add3A_86 = arith.constant 192 : i32
    %add3A_87 = arith.addi %add3A_4, %add3A_86 : i32
    %dma_start3A_88 = arith.constant 0 : i32
    %dma_start3A_89 = tpu.memref_slice %arg2[%add3A_87, %dma_start3A_88] : memref<32768x768xf32, #tpu.memory_space<hbm>> -> memref<32x768xf32, #tpu.memory_space<hbm>>
    %dma_start3A_90 = arith.constant 0 : i32
    %dma_start3A_91 = tpu.memref_slice %arg2[%add3A_87, %dma_start3A_90] : memref<32768x768xf32, #tpu.memory_space<hbm>> -> memref<32x768xf32, #tpu.memory_space<hbm>>
    tpu.enqueue_dma source(%dma_start3A_91 : memref<32x768xf32, #tpu.memory_space<hbm>>) target(%arg7 : memref<32x768xf32, #tpu.memory_space<vmem>>) target_semaphore(%arg12 : memref<!tpu.dma_semaphore, #tpu.memory_space<semaphore_mem>>)
    %dma_wait3A_92 = arith.constant 0 : i32
    %dma_wait3A_93 = tpu.memref_slice %arg2[%add3A_23, %dma_wait3A_92] : memref<32768x768xf32, #tpu.memory_space<hbm>> -> memref<32x768xf32, #tpu.memory_space<hbm>>
    %dma_wait3A_94 = arith.constant 0 : i32
    %dma_wait3A_95 = tpu.memref_slice %arg2[%add3A_23, %dma_wait3A_94] : memref<32768x768xf32, #tpu.memory_space<hbm>> -> memref<32x768xf32, #tpu.memory_space<hbm>>
    tpu.wait_dma2 semaphore(%arg14 : memref<!tpu.dma_semaphore, #tpu.memory_space<semaphore_mem>>) src(%dma_wait3A_95 : memref<32x768xf32, #tpu.memory_space<hbm>>) dst(%arg9 : memref<32x768xf32, #tpu.memory_space<vmem>>)
    %dma_start3A_96 = arith.constant 3 : i32
    %dma_start3A_97 = arith.constant 0 : i32
    %dma_start3A_98 = tpu.memref_slice %arg5[%dma_start3A_96, %dma_start3A_97] : memref<16x32xi32, #tpu.memory_space<vmem>> -> memref<1x32xi32, #tpu.memory_space<vmem>>
    %dma_start3A_99 = tpu.memref_squeeze %dma_start3A_98 : memref<1x32xi32, #tpu.memory_space<vmem>> -> memref<32xi32, #tpu.memory_space<vmem>>
    %dma_start3A_100 = arith.constant 0 : i32
    %dma_start3A_101 = arith.constant 0 : i32
    %dma_start3A_102 = tpu.memref_slice %arg4[%dma_start3A_100, %dma_start3A_101] : memref<24576x768xf32, #tpu.memory_space<hbm>> -> memref<24576x768xf32, #tpu.memory_space<hbm>>
    tpu.enqueue_indirect_dma source(%arg9 : memref<32x768xf32, #tpu.memory_space<vmem>>) target(%dma_start3A_102 : memref<24576x768xf32, #tpu.memory_space<hbm>>) offsets(%dma_start3A_99 : memref<32xi32, #tpu.memory_space<vmem>>) semaphore(%arg19 : memref<!tpu.dma_semaphore, #tpu.memory_space<semaphore_mem>>)
    %dma_wait3A_103 = arith.constant 2 : i32
    %dma_wait3A_104 = arith.constant 0 : i32
    %dma_wait3A_105 = tpu.memref_slice %arg5[%dma_wait3A_103, %dma_wait3A_104] : memref<16x32xi32, #tpu.memory_space<vmem>> -> memref<1x32xi32, #tpu.memory_space<vmem>>
    %dma_wait3A_106 = tpu.memref_squeeze %dma_wait3A_105 : memref<1x32xi32, #tpu.memory_space<vmem>> -> memref<32xi32, #tpu.memory_space<vmem>>
    %dma_wait3A_107 = arith.constant 0 : i32
    %dma_wait3A_108 = arith.constant 0 : i32
    %dma_wait3A_109 = tpu.memref_slice %arg4[%dma_wait3A_107, %dma_wait3A_108] : memref<24576x768xf32, #tpu.memory_space<hbm>> -> memref<24576x768xf32, #tpu.memory_space<hbm>>
    tpu.wait_indirect_dma semaphore(%arg18 : memref<!tpu.dma_semaphore, #tpu.memory_space<semaphore_mem>>) src(%arg8 : memref<32x768xf32, #tpu.memory_space<vmem>>) dst(%dma_wait3A_109 : memref<24576x768xf32, #tpu.memory_space<hbm>>)
    %add3A_110 = arith.constant 224 : i32
    %add3A_111 = arith.addi %add3A_4, %add3A_110 : i32
    %dma_start3A_112 = arith.constant 0 : i32
    %dma_start3A_113 = tpu.memref_slice %arg2[%add3A_111, %dma_start3A_112] : memref<32768x768xf32, #tpu.memory_space<hbm>> -> memref<32x768xf32, #tpu.memory_space<hbm>>
    %dma_start3A_114 = arith.constant 0 : i32
    %dma_start3A_115 = tpu.memref_slice %arg2[%add3A_111, %dma_start3A_114] : memref<32768x768xf32, #tpu.memory_space<hbm>> -> memref<32x768xf32, #tpu.memory_space<hbm>>
    tpu.enqueue_dma source(%dma_start3A_115 : memref<32x768xf32, #tpu.memory_space<hbm>>) target(%arg8 : memref<32x768xf32, #tpu.memory_space<vmem>>) target_semaphore(%arg13 : memref<!tpu.dma_semaphore, #tpu.memory_space<semaphore_mem>>)
    %dma_wait3A_116 = arith.constant 0 : i32
    %dma_wait3A_117 = tpu.memref_slice %arg2[%add3A_39, %dma_wait3A_116] : memref<32768x768xf32, #tpu.memory_space<hbm>> -> memref<32x768xf32, #tpu.memory_space<hbm>>
    %dma_wait3A_118 = arith.constant 0 : i32
    %dma_wait3A_119 = tpu.memref_slice %arg2[%add3A_39, %dma_wait3A_118] : memref<32768x768xf32, #tpu.memory_space<hbm>> -> memref<32x768xf32, #tpu.memory_space<hbm>>
    tpu.wait_dma2 semaphore(%arg15 : memref<!tpu.dma_semaphore, #tpu.memory_space<semaphore_mem>>) src(%dma_wait3A_119 : memref<32x768xf32, #tpu.memory_space<hbm>>) dst(%arg10 : memref<32x768xf32, #tpu.memory_space<vmem>>)
    %dma_start3A_120 = arith.constant 4 : i32
    %dma_start3A_121 = arith.constant 0 : i32
    %dma_start3A_122 = tpu.memref_slice %arg5[%dma_start3A_120, %dma_start3A_121] : memref<16x32xi32, #tpu.memory_space<vmem>> -> memref<1x32xi32, #tpu.memory_space<vmem>>
    %dma_start3A_123 = tpu.memref_squeeze %dma_start3A_122 : memref<1x32xi32, #tpu.memory_space<vmem>> -> memref<32xi32, #tpu.memory_space<vmem>>
    %dma_start3A_124 = arith.constant 0 : i32
    %dma_start3A_125 = arith.constant 0 : i32
    %dma_start3A_126 = tpu.memref_slice %arg4[%dma_start3A_124, %dma_start3A_125] : memref<24576x768xf32, #tpu.memory_space<hbm>> -> memref<24576x768xf32, #tpu.memory_space<hbm>>
    tpu.enqueue_indirect_dma source(%arg10 : memref<32x768xf32, #tpu.memory_space<vmem>>) target(%dma_start3A_126 : memref<24576x768xf32, #tpu.memory_space<hbm>>) offsets(%dma_start3A_123 : memref<32xi32, #tpu.memory_space<vmem>>) semaphore(%arg20 : memref<!tpu.dma_semaphore, #tpu.memory_space<semaphore_mem>>)
    %dma_wait3A_127 = arith.constant 3 : i32
    %dma_wait3A_128 = arith.constant 0 : i32
    %dma_wait3A_129 = tpu.memref_slice %arg5[%dma_wait3A_127, %dma_wait3A_128] : memref<16x32xi32, #tpu.memory_space<vmem>> -> memref<1x32xi32, #tpu.memory_space<vmem>>
    %dma_wait3A_130 = tpu.memref_squeeze %dma_wait3A_129 : memref<1x32xi32, #tpu.memory_space<vmem>> -> memref<32xi32, #tpu.memory_space<vmem>>
    %dma_wait3A_131 = arith.constant 0 : i32
    %dma_wait3A_132 = arith.constant 0 : i32
    %dma_wait3A_133 = tpu.memref_slice %arg4[%dma_wait3A_131, %dma_wait3A_132] : memref<24576x768xf32, #tpu.memory_space<hbm>> -> memref<24576x768xf32, #tpu.memory_space<hbm>>
    tpu.wait_indirect_dma semaphore(%arg19 : memref<!tpu.dma_semaphore, #tpu.memory_space<semaphore_mem>>) src(%arg9 : memref<32x768xf32, #tpu.memory_space<vmem>>) dst(%dma_wait3A_133 : memref<24576x768xf32, #tpu.memory_space<hbm>>)
    %add3A_134 = arith.constant 256 : i32
    %add3A_135 = arith.addi %add3A_4, %add3A_134 : i32
    %dma_start3A_136 = arith.constant 0 : i32
    %dma_start3A_137 = tpu.memref_slice %arg2[%add3A_135, %dma_start3A_136] : memref<32768x768xf32, #tpu.memory_space<hbm>> -> memref<32x768xf32, #tpu.memory_space<hbm>>
    %dma_start3A_138 = arith.constant 0 : i32
    %dma_start3A_139 = tpu.memref_slice %arg2[%add3A_135, %dma_start3A_138] : memref<32768x768xf32, #tpu.memory_space<hbm>> -> memref<32x768xf32, #tpu.memory_space<hbm>>
    tpu.enqueue_dma source(%dma_start3A_139 : memref<32x768xf32, #tpu.memory_space<hbm>>) target(%arg9 : memref<32x768xf32, #tpu.memory_space<vmem>>) target_semaphore(%arg14 : memref<!tpu.dma_semaphore, #tpu.memory_space<semaphore_mem>>)
    %dma_wait3A_140 = arith.constant 0 : i32
    %dma_wait3A_141 = tpu.memref_slice %arg2[%add3A_63, %dma_wait3A_140] : memref<32768x768xf32, #tpu.memory_space<hbm>> -> memref<32x768xf32, #tpu.memory_space<hbm>>
    %dma_wait3A_142 = arith.constant 0 : i32
    %dma_wait3A_143 = tpu.memref_slice %arg2[%add3A_63, %dma_wait3A_142] : memref<32768x768xf32, #tpu.memory_space<hbm>> -> memref<32x768xf32, #tpu.memory_space<hbm>>
    tpu.wait_dma2 semaphore(%arg11 : memref<!tpu.dma_semaphore, #tpu.memory_space<semaphore_mem>>) src(%dma_wait3A_143 : memref<32x768xf32, #tpu.memory_space<hbm>>) dst(%arg6 : memref<32x768xf32, #tpu.memory_space<vmem>>)
    %dma_start3A_144 = arith.constant 5 : i32
    %dma_start3A_145 = arith.constant 0 : i32
    %dma_start3A_146 = tpu.memref_slice %arg5[%dma_start3A_144, %dma_start3A_145] : memref<16x32xi32, #tpu.memory_space<vmem>> -> memref<1x32xi32, #tpu.memory_space<vmem>>
    %dma_start3A_147 = tpu.memref_squeeze %dma_start3A_146 : memref<1x32xi32, #tpu.memory_space<vmem>> -> memref<32xi32, #tpu.memory_space<vmem>>
    %dma_start3A_148 = arith.constant 0 : i32
    %dma_start3A_149 = arith.constant 0 : i32
    %dma_start3A_150 = tpu.memref_slice %arg4[%dma_start3A_148, %dma_start3A_149] : memref<24576x768xf32, #tpu.memory_space<hbm>> -> memref<24576x768xf32, #tpu.memory_space<hbm>>
    tpu.enqueue_indirect_dma source(%arg6 : memref<32x768xf32, #tpu.memory_space<vmem>>) target(%dma_start3A_150 : memref<24576x768xf32, #tpu.memory_space<hbm>>) offsets(%dma_start3A_147 : memref<32xi32, #tpu.memory_space<vmem>>) semaphore(%arg16 : memref<!tpu.dma_semaphore, #tpu.memory_space<semaphore_mem>>)
    %dma_wait3A_151 = arith.constant 4 : i32
    %dma_wait3A_152 = arith.constant 0 : i32
    %dma_wait3A_153 = tpu.memref_slice %arg5[%dma_wait3A_151, %dma_wait3A_152] : memref<16x32xi32, #tpu.memory_space<vmem>> -> memref<1x32xi32, #tpu.memory_space<vmem>>
    %dma_wait3A_154 = tpu.memref_squeeze %dma_wait3A_153 : memref<1x32xi32, #tpu.memory_space<vmem>> -> memref<32xi32, #tpu.memory_space<vmem>>
    %dma_wait3A_155 = arith.constant 0 : i32
    %dma_wait3A_156 = arith.constant 0 : i32
    %dma_wait3A_157 = tpu.memref_slice %arg4[%dma_wait3A_155, %dma_wait3A_156] : memref<24576x768xf32, #tpu.memory_space<hbm>> -> memref<24576x768xf32, #tpu.memory_space<hbm>>
    tpu.wait_indirect_dma semaphore(%arg20 : memref<!tpu.dma_semaphore, #tpu.memory_space<semaphore_mem>>) src(%arg10 : memref<32x768xf32, #tpu.memory_space<vmem>>) dst(%dma_wait3A_157 : memref<24576x768xf32, #tpu.memory_space<hbm>>)
    %add3A_158 = arith.constant 288 : i32
    %add3A_159 = arith.addi %add3A_4, %add3A_158 : i32
    %dma_start3A_160 = arith.constant 0 : i32
    %dma_start3A_161 = tpu.memref_slice %arg2[%add3A_159, %dma_start3A_160] : memref<32768x768xf32, #tpu.memory_space<hbm>> -> memref<32x768xf32, #tpu.memory_space<hbm>>
    %dma_start3A_162 = arith.constant 0 : i32
    %dma_start3A_163 = tpu.memref_slice %arg2[%add3A_159, %dma_start3A_162] : memref<32768x768xf32, #tpu.memory_space<hbm>> -> memref<32x768xf32, #tpu.memory_space<hbm>>
    tpu.enqueue_dma source(%dma_start3A_163 : memref<32x768xf32, #tpu.memory_space<hbm>>) target(%arg10 : memref<32x768xf32, #tpu.memory_space<vmem>>) target_semaphore(%arg15 : memref<!tpu.dma_semaphore, #tpu.memory_space<semaphore_mem>>)
    %dma_wait3A_164 = arith.constant 0 : i32
    %dma_wait3A_165 = tpu.memref_slice %arg2[%add3A_87, %dma_wait3A_164] : memref<32768x768xf32, #tpu.memory_space<hbm>> -> memref<32x768xf32, #tpu.memory_space<hbm>>
    %dma_wait3A_166 = arith.constant 0 : i32
    %dma_wait3A_167 = tpu.memref_slice %arg2[%add3A_87, %dma_wait3A_166] : memref<32768x768xf32, #tpu.memory_space<hbm>> -> memref<32x768xf32, #tpu.memory_space<hbm>>
    tpu.wait_dma2 semaphore(%arg12 : memref<!tpu.dma_semaphore, #tpu.memory_space<semaphore_mem>>) src(%dma_wait3A_167 : memref<32x768xf32, #tpu.memory_space<hbm>>) dst(%arg7 : memref<32x768xf32, #tpu.memory_space<vmem>>)
    %dma_start3A_168 = arith.constant 6 : i32
    %dma_start3A_169 = arith.constant 0 : i32
    %dma_start3A_170 = tpu.memref_slice %arg5[%dma_start3A_168, %dma_start3A_169] : memref<16x32xi32, #tpu.memory_space<vmem>> -> memref<1x32xi32, #tpu.memory_space<vmem>>
    %dma_start3A_171 = tpu.memref_squeeze %dma_start3A_170 : memref<1x32xi32, #tpu.memory_space<vmem>> -> memref<32xi32, #tpu.memory_space<vmem>>
    %dma_start3A_172 = arith.constant 0 : i32
    %dma_start3A_173 = arith.constant 0 : i32
    %dma_start3A_174 = tpu.memref_slice %arg4[%dma_start3A_172, %dma_start3A_173] : memref<24576x768xf32, #tpu.memory_space<hbm>> -> memref<24576x768xf32, #tpu.memory_space<hbm>>
    tpu.enqueue_indirect_dma source(%arg7 : memref<32x768xf32, #tpu.memory_space<vmem>>) target(%dma_start3A_174 : memref<24576x768xf32, #tpu.memory_space<hbm>>) offsets(%dma_start3A_171 : memref<32xi32, #tpu.memory_space<vmem>>) semaphore(%arg17 : memref<!tpu.dma_semaphore, #tpu.memory_space<semaphore_mem>>)
    %dma_wait3A_175 = arith.constant 5 : i32
    %dma_wait3A_176 = arith.constant 0 : i32
    %dma_wait3A_177 = tpu.memref_slice %arg5[%dma_wait3A_175, %dma_wait3A_176] : memref<16x32xi32, #tpu.memory_space<vmem>> -> memref<1x32xi32, #tpu.memory_space<vmem>>
    %dma_wait3A_178 = tpu.memref_squeeze %dma_wait3A_177 : memref<1x32xi32, #tpu.memory_space<vmem>> -> memref<32xi32, #tpu.memory_space<vmem>>
    %dma_wait3A_179 = arith.constant 0 : i32
    %dma_wait3A_180 = arith.constant 0 : i32
    %dma_wait3A_181 = tpu.memref_slice %arg4[%dma_wait3A_179, %dma_wait3A_180] : memref<24576x768xf32, #tpu.memory_space<hbm>> -> memref<24576x768xf32, #tpu.memory_space<hbm>>
    tpu.wait_indirect_dma semaphore(%arg16 : memref<!tpu.dma_semaphore, #tpu.memory_space<semaphore_mem>>) src(%arg6 : memref<32x768xf32, #tpu.memory_space<vmem>>) dst(%dma_wait3A_181 : memref<24576x768xf32, #tpu.memory_space<hbm>>)
    %add3A_182 = arith.constant 320 : i32
    %add3A_183 = arith.addi %add3A_4, %add3A_182 : i32
    %dma_start3A_184 = arith.constant 0 : i32
    %dma_start3A_185 = tpu.memref_slice %arg2[%add3A_183, %dma_start3A_184] : memref<32768x768xf32, #tpu.memory_space<hbm>> -> memref<32x768xf32, #tpu.memory_space<hbm>>
    %dma_start3A_186 = arith.constant 0 : i32
    %dma_start3A_187 = tpu.memref_slice %arg2[%add3A_183, %dma_start3A_186] : memref<32768x768xf32, #tpu.memory_space<hbm>> -> memref<32x768xf32, #tpu.memory_space<hbm>>
    tpu.enqueue_dma source(%dma_start3A_187 : memref<32x768xf32, #tpu.memory_space<hbm>>) target(%arg6 : memref<32x768xf32, #tpu.memory_space<vmem>>) target_semaphore(%arg11 : memref<!tpu.dma_semaphore, #tpu.memory_space<semaphore_mem>>)
    %dma_wait3A_188 = arith.constant 0 : i32
    %dma_wait3A_189 = tpu.memref_slice %arg2[%add3A_111, %dma_wait3A_188] : memref<32768x768xf32, #tpu.memory_space<hbm>> -> memref<32x768xf32, #tpu.memory_space<hbm>>
    %dma_wait3A_190 = arith.constant 0 : i32
    %dma_wait3A_191 = tpu.memref_slice %arg2[%add3A_111, %dma_wait3A_190] : memref<32768x768xf32, #tpu.memory_space<hbm>> -> memref<32x768xf32, #tpu.memory_space<hbm>>
    tpu.wait_dma2 semaphore(%arg13 : memref<!tpu.dma_semaphore, #tpu.memory_space<semaphore_mem>>) src(%dma_wait3A_191 : memref<32x768xf32, #tpu.memory_space<hbm>>) dst(%arg8 : memref<32x768xf32, #tpu.memory_space<vmem>>)
    %dma_start3A_192 = arith.constant 7 : i32
    %dma_start3A_193 = arith.constant 0 : i32
    %dma_start3A_194 = tpu.memref_slice %arg5[%dma_start3A_192, %dma_start3A_193] : memref<16x32xi32, #tpu.memory_space<vmem>> -> memref<1x32xi32, #tpu.memory_space<vmem>>
    %dma_start3A_195 = tpu.memref_squeeze %dma_start3A_194 : memref<1x32xi32, #tpu.memory_space<vmem>> -> memref<32xi32, #tpu.memory_space<vmem>>
    %dma_start3A_196 = arith.constant 0 : i32
    %dma_start3A_197 = arith.constant 0 : i32
    %dma_start3A_198 = tpu.memref_slice %arg4[%dma_start3A_196, %dma_start3A_197] : memref<24576x768xf32, #tpu.memory_space<hbm>> -> memref<24576x768xf32, #tpu.memory_space<hbm>>
    tpu.enqueue_indirect_dma source(%arg8 : memref<32x768xf32, #tpu.memory_space<vmem>>) target(%dma_start3A_198 : memref<24576x768xf32, #tpu.memory_space<hbm>>) offsets(%dma_start3A_195 : memref<32xi32, #tpu.memory_space<vmem>>) semaphore(%arg18 : memref<!tpu.dma_semaphore, #tpu.memory_space<semaphore_mem>>)
    %dma_wait3A_199 = arith.constant 6 : i32
    %dma_wait3A_200 = arith.constant 0 : i32
    %dma_wait3A_201 = tpu.memref_slice %arg5[%dma_wait3A_199, %dma_wait3A_200] : memref<16x32xi32, #tpu.memory_space<vmem>> -> memref<1x32xi32, #tpu.memory_space<vmem>>
    %dma_wait3A_202 = tpu.memref_squeeze %dma_wait3A_201 : memref<1x32xi32, #tpu.memory_space<vmem>> -> memref<32xi32, #tpu.memory_space<vmem>>
    %dma_wait3A_203 = arith.constant 0 : i32
    %dma_wait3A_204 = arith.constant 0 : i32
    %dma_wait3A_205 = tpu.memref_slice %arg4[%dma_wait3A_203, %dma_wait3A_204] : memref<24576x768xf32, #tpu.memory_space<hbm>> -> memref<24576x768xf32, #tpu.memory_space<hbm>>
    tpu.wait_indirect_dma semaphore(%arg17 : memref<!tpu.dma_semaphore, #tpu.memory_space<semaphore_mem>>) src(%arg7 : memref<32x768xf32, #tpu.memory_space<vmem>>) dst(%dma_wait3A_205 : memref<24576x768xf32, #tpu.memory_space<hbm>>)
    %add3A_206 = arith.constant 352 : i32
    %add3A_207 = arith.addi %add3A_4, %add3A_206 : i32
    %dma_start3A_208 = arith.constant 0 : i32
    %dma_start3A_209 = tpu.memref_slice %arg2[%add3A_207, %dma_start3A_208] : memref<32768x768xf32, #tpu.memory_space<hbm>> -> memref<32x768xf32, #tpu.memory_space<hbm>>
    %dma_start3A_210 = arith.constant 0 : i32
    %dma_start3A_211 = tpu.memref_slice %arg2[%add3A_207, %dma_start3A_210] : memref<32768x768xf32, #tpu.memory_space<hbm>> -> memref<32x768xf32, #tpu.memory_space<hbm>>
    tpu.enqueue_dma source(%dma_start3A_211 : memref<32x768xf32, #tpu.memory_space<hbm>>) target(%arg7 : memref<32x768xf32, #tpu.memory_space<vmem>>) target_semaphore(%arg12 : memref<!tpu.dma_semaphore, #tpu.memory_space<semaphore_mem>>)
    %dma_wait3A_212 = arith.constant 0 : i32
    %dma_wait3A_213 = tpu.memref_slice %arg2[%add3A_135, %dma_wait3A_212] : memref<32768x768xf32, #tpu.memory_space<hbm>> -> memref<32x768xf32, #tpu.memory_space<hbm>>
    %dma_wait3A_214 = arith.constant 0 : i32
    %dma_wait3A_215 = tpu.memref_slice %arg2[%add3A_135, %dma_wait3A_214] : memref<32768x768xf32, #tpu.memory_space<hbm>> -> memref<32x768xf32, #tpu.memory_space<hbm>>
    tpu.wait_dma2 semaphore(%arg14 : memref<!tpu.dma_semaphore, #tpu.memory_space<semaphore_mem>>) src(%dma_wait3A_215 : memref<32x768xf32, #tpu.memory_space<hbm>>) dst(%arg9 : memref<32x768xf32, #tpu.memory_space<vmem>>)
    %dma_start3A_216 = arith.constant 8 : i32
    %dma_start3A_217 = arith.constant 0 : i32
    %dma_start3A_218 = tpu.memref_slice %arg5[%dma_start3A_216, %dma_start3A_217] : memref<16x32xi32, #tpu.memory_space<vmem>> -> memref<1x32xi32, #tpu.memory_space<vmem>>
    %dma_start3A_219 = tpu.memref_squeeze %dma_start3A_218 : memref<1x32xi32, #tpu.memory_space<vmem>> -> memref<32xi32, #tpu.memory_space<vmem>>
    %dma_start3A_220 = arith.constant 0 : i32
    %dma_start3A_221 = arith.constant 0 : i32
    %dma_start3A_222 = tpu.memref_slice %arg4[%dma_start3A_220, %dma_start3A_221] : memref<24576x768xf32, #tpu.memory_space<hbm>> -> memref<24576x768xf32, #tpu.memory_space<hbm>>
    tpu.enqueue_indirect_dma source(%arg9 : memref<32x768xf32, #tpu.memory_space<vmem>>) target(%dma_start3A_222 : memref<24576x768xf32, #tpu.memory_space<hbm>>) offsets(%dma_start3A_219 : memref<32xi32, #tpu.memory_space<vmem>>) semaphore(%arg19 : memref<!tpu.dma_semaphore, #tpu.memory_space<semaphore_mem>>)
    %dma_wait3A_223 = arith.constant 7 : i32
    %dma_wait3A_224 = arith.constant 0 : i32
    %dma_wait3A_225 = tpu.memref_slice %arg5[%dma_wait3A_223, %dma_wait3A_224] : memref<16x32xi32, #tpu.memory_space<vmem>> -> memref<1x32xi32, #tpu.memory_space<vmem>>
    %dma_wait3A_226 = tpu.memref_squeeze %dma_wait3A_225 : memref<1x32xi32, #tpu.memory_space<vmem>> -> memref<32xi32, #tpu.memory_space<vmem>>
    %dma_wait3A_227 = arith.constant 0 : i32
    %dma_wait3A_228 = arith.constant 0 : i32
    %dma_wait3A_229 = tpu.memref_slice %arg4[%dma_wait3A_227, %dma_wait3A_228] : memref<24576x768xf32, #tpu.memory_space<hbm>> -> memref<24576x768xf32, #tpu.memory_space<hbm>>
    tpu.wait_indirect_dma semaphore(%arg18 : memref<!tpu.dma_semaphore, #tpu.memory_space<semaphore_mem>>) src(%arg8 : memref<32x768xf32, #tpu.memory_space<vmem>>) dst(%dma_wait3A_229 : memref<24576x768xf32, #tpu.memory_space<hbm>>)
    %add3A_230 = arith.constant 384 : i32
    %add3A_231 = arith.addi %add3A_4, %add3A_230 : i32
    %dma_start3A_232 = arith.constant 0 : i32
    %dma_start3A_233 = tpu.memref_slice %arg2[%add3A_231, %dma_start3A_232] : memref<32768x768xf32, #tpu.memory_space<hbm>> -> memref<32x768xf32, #tpu.memory_space<hbm>>
    %dma_start3A_234 = arith.constant 0 : i32
    %dma_start3A_235 = tpu.memref_slice %arg2[%add3A_231, %dma_start3A_234] : memref<32768x768xf32, #tpu.memory_space<hbm>> -> memref<32x768xf32, #tpu.memory_space<hbm>>
    tpu.enqueue_dma source(%dma_start3A_235 : memref<32x768xf32, #tpu.memory_space<hbm>>) target(%arg8 : memref<32x768xf32, #tpu.memory_space<vmem>>) target_semaphore(%arg13 : memref<!tpu.dma_semaphore, #tpu.memory_space<semaphore_mem>>)
    %dma_wait3A_236 = arith.constant 0 : i32
    %dma_wait3A_237 = tpu.memref_slice %arg2[%add3A_159, %dma_wait3A_236] : memref<32768x768xf32, #tpu.memory_space<hbm>> -> memref<32x768xf32, #tpu.memory_space<hbm>>
    %dma_wait3A_238 = arith.constant 0 : i32
    %dma_wait3A_239 = tpu.memref_slice %arg2[%add3A_159, %dma_wait3A_238] : memref<32768x768xf32, #tpu.memory_space<hbm>> -> memref<32x768xf32, #tpu.memory_space<hbm>>
    tpu.wait_dma2 semaphore(%arg15 : memref<!tpu.dma_semaphore, #tpu.memory_space<semaphore_mem>>) src(%dma_wait3A_239 : memref<32x768xf32, #tpu.memory_space<hbm>>) dst(%arg10 : memref<32x768xf32, #tpu.memory_space<vmem>>)
    %dma_start3A_240 = arith.constant 9 : i32
    %dma_start3A_241 = arith.constant 0 : i32
    %dma_start3A_242 = tpu.memref_slice %arg5[%dma_start3A_240, %dma_start3A_241] : memref<16x32xi32, #tpu.memory_space<vmem>> -> memref<1x32xi32, #tpu.memory_space<vmem>>
    %dma_start3A_243 = tpu.memref_squeeze %dma_start3A_242 : memref<1x32xi32, #tpu.memory_space<vmem>> -> memref<32xi32, #tpu.memory_space<vmem>>
    %dma_start3A_244 = arith.constant 0 : i32
    %dma_start3A_245 = arith.constant 0 : i32
    %dma_start3A_246 = tpu.memref_slice %arg4[%dma_start3A_244, %dma_start3A_245] : memref<24576x768xf32, #tpu.memory_space<hbm>> -> memref<24576x768xf32, #tpu.memory_space<hbm>>
    tpu.enqueue_indirect_dma source(%arg10 : memref<32x768xf32, #tpu.memory_space<vmem>>) target(%dma_start3A_246 : memref<24576x768xf32, #tpu.memory_space<hbm>>) offsets(%dma_start3A_243 : memref<32xi32, #tpu.memory_space<vmem>>) semaphore(%arg20 : memref<!tpu.dma_semaphore, #tpu.memory_space<semaphore_mem>>)
    %dma_wait3A_247 = arith.constant 8 : i32
    %dma_wait3A_248 = arith.constant 0 : i32
    %dma_wait3A_249 = tpu.memref_slice %arg5[%dma_wait3A_247, %dma_wait3A_248] : memref<16x32xi32, #tpu.memory_space<vmem>> -> memref<1x32xi32, #tpu.memory_space<vmem>>
    %dma_wait3A_250 = tpu.memref_squeeze %dma_wait3A_249 : memref<1x32xi32, #tpu.memory_space<vmem>> -> memref<32xi32, #tpu.memory_space<vmem>>
    %dma_wait3A_251 = arith.constant 0 : i32
    %dma_wait3A_252 = arith.constant 0 : i32
    %dma_wait3A_253 = tpu.memref_slice %arg4[%dma_wait3A_251, %dma_wait3A_252] : memref<24576x768xf32, #tpu.memory_space<hbm>> -> memref<24576x768xf32, #tpu.memory_space<hbm>>
    tpu.wait_indirect_dma semaphore(%arg19 : memref<!tpu.dma_semaphore, #tpu.memory_space<semaphore_mem>>) src(%arg9 : memref<32x768xf32, #tpu.memory_space<vmem>>) dst(%dma_wait3A_253 : memref<24576x768xf32, #tpu.memory_space<hbm>>)
    %add3A_254 = arith.constant 416 : i32
    %add3A_255 = arith.addi %add3A_4, %add3A_254 : i32
    %dma_start3A_256 = arith.constant 0 : i32
    %dma_start3A_257 = tpu.memref_slice %arg2[%add3A_255, %dma_start3A_256] : memref<32768x768xf32, #tpu.memory_space<hbm>> -> memref<32x768xf32, #tpu.memory_space<hbm>>
    %dma_start3A_258 = arith.constant 0 : i32
    %dma_start3A_259 = tpu.memref_slice %arg2[%add3A_255, %dma_start3A_258] : memref<32768x768xf32, #tpu.memory_space<hbm>> -> memref<32x768xf32, #tpu.memory_space<hbm>>
    tpu.enqueue_dma source(%dma_start3A_259 : memref<32x768xf32, #tpu.memory_space<hbm>>) target(%arg9 : memref<32x768xf32, #tpu.memory_space<vmem>>) target_semaphore(%arg14 : memref<!tpu.dma_semaphore, #tpu.memory_space<semaphore_mem>>)
    %dma_wait3A_260 = arith.constant 0 : i32
    %dma_wait3A_261 = tpu.memref_slice %arg2[%add3A_183, %dma_wait3A_260] : memref<32768x768xf32, #tpu.memory_space<hbm>> -> memref<32x768xf32, #tpu.memory_space<hbm>>
    %dma_wait3A_262 = arith.constant 0 : i32
    %dma_wait3A_263 = tpu.memref_slice %arg2[%add3A_183, %dma_wait3A_262] : memref<32768x768xf32, #tpu.memory_space<hbm>> -> memref<32x768xf32, #tpu.memory_space<hbm>>
    tpu.wait_dma2 semaphore(%arg11 : memref<!tpu.dma_semaphore, #tpu.memory_space<semaphore_mem>>) src(%dma_wait3A_263 : memref<32x768xf32, #tpu.memory_space<hbm>>) dst(%arg6 : memref<32x768xf32, #tpu.memory_space<vmem>>)
    %dma_start3A_264 = arith.constant 10 : i32
    %dma_start3A_265 = arith.constant 0 : i32
    %dma_start3A_266 = tpu.memref_slice %arg5[%dma_start3A_264, %dma_start3A_265] : memref<16x32xi32, #tpu.memory_space<vmem>> -> memref<1x32xi32, #tpu.memory_space<vmem>>
    %dma_start3A_267 = tpu.memref_squeeze %dma_start3A_266 : memref<1x32xi32, #tpu.memory_space<vmem>> -> memref<32xi32, #tpu.memory_space<vmem>>
    %dma_start3A_268 = arith.constant 0 : i32
    %dma_start3A_269 = arith.constant 0 : i32
    %dma_start3A_270 = tpu.memref_slice %arg4[%dma_start3A_268, %dma_start3A_269] : memref<24576x768xf32, #tpu.memory_space<hbm>> -> memref<24576x768xf32, #tpu.memory_space<hbm>>
    tpu.enqueue_indirect_dma source(%arg6 : memref<32x768xf32, #tpu.memory_space<vmem>>) target(%dma_start3A_270 : memref<24576x768xf32, #tpu.memory_space<hbm>>) offsets(%dma_start3A_267 : memref<32xi32, #tpu.memory_space<vmem>>) semaphore(%arg16 : memref<!tpu.dma_semaphore, #tpu.memory_space<semaphore_mem>>)
    %dma_wait3A_271 = arith.constant 9 : i32
    %dma_wait3A_272 = arith.constant 0 : i32
    %dma_wait3A_273 = tpu.memref_slice %arg5[%dma_wait3A_271, %dma_wait3A_272] : memref<16x32xi32, #tpu.memory_space<vmem>> -> memref<1x32xi32, #tpu.memory_space<vmem>>
    %dma_wait3A_274 = tpu.memref_squeeze %dma_wait3A_273 : memref<1x32xi32, #tpu.memory_space<vmem>> -> memref<32xi32, #tpu.memory_space<vmem>>
    %dma_wait3A_275 = arith.constant 0 : i32
    %dma_wait3A_276 = arith.constant 0 : i32
    %dma_wait3A_277 = tpu.memref_slice %arg4[%dma_wait3A_275, %dma_wait3A_276] : memref<24576x768xf32, #tpu.memory_space<hbm>> -> memref<24576x768xf32, #tpu.memory_space<hbm>>
    tpu.wait_indirect_dma semaphore(%arg20 : memref<!tpu.dma_semaphore, #tpu.memory_space<semaphore_mem>>) src(%arg10 : memref<32x768xf32, #tpu.memory_space<vmem>>) dst(%dma_wait3A_277 : memref<24576x768xf32, #tpu.memory_space<hbm>>)
    %add3A_278 = arith.constant 448 : i32
    %add3A_279 = arith.addi %add3A_4, %add3A_278 : i32
    %dma_start3A_280 = arith.constant 0 : i32
    %dma_start3A_281 = tpu.memref_slice %arg2[%add3A_279, %dma_start3A_280] : memref<32768x768xf32, #tpu.memory_space<hbm>> -> memref<32x768xf32, #tpu.memory_space<hbm>>
    %dma_start3A_282 = arith.constant 0 : i32
    %dma_start3A_283 = tpu.memref_slice %arg2[%add3A_279, %dma_start3A_282] : memref<32768x768xf32, #tpu.memory_space<hbm>> -> memref<32x768xf32, #tpu.memory_space<hbm>>
    tpu.enqueue_dma source(%dma_start3A_283 : memref<32x768xf32, #tpu.memory_space<hbm>>) target(%arg10 : memref<32x768xf32, #tpu.memory_space<vmem>>) target_semaphore(%arg15 : memref<!tpu.dma_semaphore, #tpu.memory_space<semaphore_mem>>)
    %dma_wait3A_284 = arith.constant 0 : i32
    %dma_wait3A_285 = tpu.memref_slice %arg2[%add3A_207, %dma_wait3A_284] : memref<32768x768xf32, #tpu.memory_space<hbm>> -> memref<32x768xf32, #tpu.memory_space<hbm>>
    %dma_wait3A_286 = arith.constant 0 : i32
    %dma_wait3A_287 = tpu.memref_slice %arg2[%add3A_207, %dma_wait3A_286] : memref<32768x768xf32, #tpu.memory_space<hbm>> -> memref<32x768xf32, #tpu.memory_space<hbm>>
    tpu.wait_dma2 semaphore(%arg12 : memref<!tpu.dma_semaphore, #tpu.memory_space<semaphore_mem>>) src(%dma_wait3A_287 : memref<32x768xf32, #tpu.memory_space<hbm>>) dst(%arg7 : memref<32x768xf32, #tpu.memory_space<vmem>>)
    %dma_start3A_288 = arith.constant 11 : i32
    %dma_start3A_289 = arith.constant 0 : i32
    %dma_start3A_290 = tpu.memref_slice %arg5[%dma_start3A_288, %dma_start3A_289] : memref<16x32xi32, #tpu.memory_space<vmem>> -> memref<1x32xi32, #tpu.memory_space<vmem>>
    %dma_start3A_291 = tpu.memref_squeeze %dma_start3A_290 : memref<1x32xi32, #tpu.memory_space<vmem>> -> memref<32xi32, #tpu.memory_space<vmem>>
    %dma_start3A_292 = arith.constant 0 : i32
    %dma_start3A_293 = arith.constant 0 : i32
    %dma_start3A_294 = tpu.memref_slice %arg4[%dma_start3A_292, %dma_start3A_293] : memref<24576x768xf32, #tpu.memory_space<hbm>> -> memref<24576x768xf32, #tpu.memory_space<hbm>>
    tpu.enqueue_indirect_dma source(%arg7 : memref<32x768xf32, #tpu.memory_space<vmem>>) target(%dma_start3A_294 : memref<24576x768xf32, #tpu.memory_space<hbm>>) offsets(%dma_start3A_291 : memref<32xi32, #tpu.memory_space<vmem>>) semaphore(%arg17 : memref<!tpu.dma_semaphore, #tpu.memory_space<semaphore_mem>>)
    %dma_wait3A_295 = arith.constant 10 : i32
    %dma_wait3A_296 = arith.constant 0 : i32
    %dma_wait3A_297 = tpu.memref_slice %arg5[%dma_wait3A_295, %dma_wait3A_296] : memref<16x32xi32, #tpu.memory_space<vmem>> -> memref<1x32xi32, #tpu.memory_space<vmem>>
    %dma_wait3A_298 = tpu.memref_squeeze %dma_wait3A_297 : memref<1x32xi32, #tpu.memory_space<vmem>> -> memref<32xi32, #tpu.memory_space<vmem>>
    %dma_wait3A_299 = arith.constant 0 : i32
    %dma_wait3A_300 = arith.constant 0 : i32
    %dma_wait3A_301 = tpu.memref_slice %arg4[%dma_wait3A_299, %dma_wait3A_300] : memref<24576x768xf32, #tpu.memory_space<hbm>> -> memref<24576x768xf32, #tpu.memory_space<hbm>>
    tpu.wait_indirect_dma semaphore(%arg16 : memref<!tpu.dma_semaphore, #tpu.memory_space<semaphore_mem>>) src(%arg6 : memref<32x768xf32, #tpu.memory_space<vmem>>) dst(%dma_wait3A_301 : memref<24576x768xf32, #tpu.memory_space<hbm>>)
    %add3A_302 = arith.constant 480 : i32
    %add3A_303 = arith.addi %add3A_4, %add3A_302 : i32
    %dma_start3A_304 = arith.constant 0 : i32
    %dma_start3A_305 = tpu.memref_slice %arg2[%add3A_303, %dma_start3A_304] : memref<32768x768xf32, #tpu.memory_space<hbm>> -> memref<32x768xf32, #tpu.memory_space<hbm>>
    %dma_start3A_306 = arith.constant 0 : i32
    %dma_start3A_307 = tpu.memref_slice %arg2[%add3A_303, %dma_start3A_306] : memref<32768x768xf32, #tpu.memory_space<hbm>> -> memref<32x768xf32, #tpu.memory_space<hbm>>
    tpu.enqueue_dma source(%dma_start3A_307 : memref<32x768xf32, #tpu.memory_space<hbm>>) target(%arg6 : memref<32x768xf32, #tpu.memory_space<vmem>>) target_semaphore(%arg11 : memref<!tpu.dma_semaphore, #tpu.memory_space<semaphore_mem>>)
    %dma_wait3A_308 = arith.constant 0 : i32
    %dma_wait3A_309 = tpu.memref_slice %arg2[%add3A_231, %dma_wait3A_308] : memref<32768x768xf32, #tpu.memory_space<hbm>> -> memref<32x768xf32, #tpu.memory_space<hbm>>
    %dma_wait3A_310 = arith.constant 0 : i32
    %dma_wait3A_311 = tpu.memref_slice %arg2[%add3A_231, %dma_wait3A_310] : memref<32768x768xf32, #tpu.memory_space<hbm>> -> memref<32x768xf32, #tpu.memory_space<hbm>>
    tpu.wait_dma2 semaphore(%arg13 : memref<!tpu.dma_semaphore, #tpu.memory_space<semaphore_mem>>) src(%dma_wait3A_311 : memref<32x768xf32, #tpu.memory_space<hbm>>) dst(%arg8 : memref<32x768xf32, #tpu.memory_space<vmem>>)
    %dma_start3A_312 = arith.constant 12 : i32
    %dma_start3A_313 = arith.constant 0 : i32
    %dma_start3A_314 = tpu.memref_slice %arg5[%dma_start3A_312, %dma_start3A_313] : memref<16x32xi32, #tpu.memory_space<vmem>> -> memref<1x32xi32, #tpu.memory_space<vmem>>
    %dma_start3A_315 = tpu.memref_squeeze %dma_start3A_314 : memref<1x32xi32, #tpu.memory_space<vmem>> -> memref<32xi32, #tpu.memory_space<vmem>>
    %dma_start3A_316 = arith.constant 0 : i32
    %dma_start3A_317 = arith.constant 0 : i32
    %dma_start3A_318 = tpu.memref_slice %arg4[%dma_start3A_316, %dma_start3A_317] : memref<24576x768xf32, #tpu.memory_space<hbm>> -> memref<24576x768xf32, #tpu.memory_space<hbm>>
    tpu.enqueue_indirect_dma source(%arg8 : memref<32x768xf32, #tpu.memory_space<vmem>>) target(%dma_start3A_318 : memref<24576x768xf32, #tpu.memory_space<hbm>>) offsets(%dma_start3A_315 : memref<32xi32, #tpu.memory_space<vmem>>) semaphore(%arg18 : memref<!tpu.dma_semaphore, #tpu.memory_space<semaphore_mem>>)
    %dma_wait3A_319 = arith.constant 0 : i32
    %dma_wait3A_320 = tpu.memref_slice %arg2[%add3A_255, %dma_wait3A_319] : memref<32768x768xf32, #tpu.memory_space<hbm>> -> memref<32x768xf32, #tpu.memory_space<hbm>>
    %dma_wait3A_321 = arith.constant 0 : i32
    %dma_wait3A_322 = tpu.memref_slice %arg2[%add3A_255, %dma_wait3A_321] : memref<32768x768xf32, #tpu.memory_space<hbm>> -> memref<32x768xf32, #tpu.memory_space<hbm>>
    tpu.wait_dma2 semaphore(%arg14 : memref<!tpu.dma_semaphore, #tpu.memory_space<semaphore_mem>>) src(%dma_wait3A_322 : memref<32x768xf32, #tpu.memory_space<hbm>>) dst(%arg9 : memref<32x768xf32, #tpu.memory_space<vmem>>)
    %dma_start3A_323 = arith.constant 13 : i32
    %dma_start3A_324 = arith.constant 0 : i32
    %dma_start3A_325 = tpu.memref_slice %arg5[%dma_start3A_323, %dma_start3A_324] : memref<16x32xi32, #tpu.memory_space<vmem>> -> memref<1x32xi32, #tpu.memory_space<vmem>>
    %dma_start3A_326 = tpu.memref_squeeze %dma_start3A_325 : memref<1x32xi32, #tpu.memory_space<vmem>> -> memref<32xi32, #tpu.memory_space<vmem>>
    %dma_start3A_327 = arith.constant 0 : i32
    %dma_start3A_328 = arith.constant 0 : i32
    %dma_start3A_329 = tpu.memref_slice %arg4[%dma_start3A_327, %dma_start3A_328] : memref<24576x768xf32, #tpu.memory_space<hbm>> -> memref<24576x768xf32, #tpu.memory_space<hbm>>
    tpu.enqueue_indirect_dma source(%arg9 : memref<32x768xf32, #tpu.memory_space<vmem>>) target(%dma_start3A_329 : memref<24576x768xf32, #tpu.memory_space<hbm>>) offsets(%dma_start3A_326 : memref<32xi32, #tpu.memory_space<vmem>>) semaphore(%arg19 : memref<!tpu.dma_semaphore, #tpu.memory_space<semaphore_mem>>)
    %dma_wait3A_330 = arith.constant 0 : i32
    %dma_wait3A_331 = tpu.memref_slice %arg2[%add3A_279, %dma_wait3A_330] : memref<32768x768xf32, #tpu.memory_space<hbm>> -> memref<32x768xf32, #tpu.memory_space<hbm>>
    %dma_wait3A_332 = arith.constant 0 : i32
    %dma_wait3A_333 = tpu.memref_slice %arg2[%add3A_279, %dma_wait3A_332] : memref<32768x768xf32, #tpu.memory_space<hbm>> -> memref<32x768xf32, #tpu.memory_space<hbm>>
    tpu.wait_dma2 semaphore(%arg15 : memref<!tpu.dma_semaphore, #tpu.memory_space<semaphore_mem>>) src(%dma_wait3A_333 : memref<32x768xf32, #tpu.memory_space<hbm>>) dst(%arg10 : memref<32x768xf32, #tpu.memory_space<vmem>>)
    %dma_start3A_334 = arith.constant 14 : i32
    %dma_start3A_335 = arith.constant 0 : i32
    %dma_start3A_336 = tpu.memref_slice %arg5[%dma_start3A_334, %dma_start3A_335] : memref<16x32xi32, #tpu.memory_space<vmem>> -> memref<1x32xi32, #tpu.memory_space<vmem>>
    %dma_start3A_337 = tpu.memref_squeeze %dma_start3A_336 : memref<1x32xi32, #tpu.memory_space<vmem>> -> memref<32xi32, #tpu.memory_space<vmem>>
    %dma_start3A_338 = arith.constant 0 : i32
    %dma_start3A_339 = arith.constant 0 : i32
    %dma_start3A_340 = tpu.memref_slice %arg4[%dma_start3A_338, %dma_start3A_339] : memref<24576x768xf32, #tpu.memory_space<hbm>> -> memref<24576x768xf32, #tpu.memory_space<hbm>>
    tpu.enqueue_indirect_dma source(%arg10 : memref<32x768xf32, #tpu.memory_space<vmem>>) target(%dma_start3A_340 : memref<24576x768xf32, #tpu.memory_space<hbm>>) offsets(%dma_start3A_337 : memref<32xi32, #tpu.memory_space<vmem>>) semaphore(%arg20 : memref<!tpu.dma_semaphore, #tpu.memory_space<semaphore_mem>>)
    %dma_wait3A_341 = arith.constant 0 : i32
    %dma_wait3A_342 = tpu.memref_slice %arg2[%add3A_303, %dma_wait3A_341] : memref<32768x768xf32, #tpu.memory_space<hbm>> -> memref<32x768xf32, #tpu.memory_space<hbm>>
    %dma_wait3A_343 = arith.constant 0 : i32
    %dma_wait3A_344 = tpu.memref_slice %arg2[%add3A_303, %dma_wait3A_343] : memref<32768x768xf32, #tpu.memory_space<hbm>> -> memref<32x768xf32, #tpu.memory_space<hbm>>
    tpu.wait_dma2 semaphore(%arg11 : memref<!tpu.dma_semaphore, #tpu.memory_space<semaphore_mem>>) src(%dma_wait3A_344 : memref<32x768xf32, #tpu.memory_space<hbm>>) dst(%arg6 : memref<32x768xf32, #tpu.memory_space<vmem>>)
    %dma_start3A_345 = arith.constant 15 : i32
    %dma_start3A_346 = arith.constant 0 : i32
    %dma_start3A_347 = tpu.memref_slice %arg5[%dma_start3A_345, %dma_start3A_346] : memref<16x32xi32, #tpu.memory_space<vmem>> -> memref<1x32xi32, #tpu.memory_space<vmem>>
    %dma_start3A_348 = tpu.memref_squeeze %dma_start3A_347 : memref<1x32xi32, #tpu.memory_space<vmem>> -> memref<32xi32, #tpu.memory_space<vmem>>
    %dma_start3A_349 = arith.constant 0 : i32
    %dma_start3A_350 = arith.constant 0 : i32
    %dma_start3A_351 = tpu.memref_slice %arg4[%dma_start3A_349, %dma_start3A_350] : memref<24576x768xf32, #tpu.memory_space<hbm>> -> memref<24576x768xf32, #tpu.memory_space<hbm>>
    tpu.enqueue_indirect_dma source(%arg6 : memref<32x768xf32, #tpu.memory_space<vmem>>) target(%dma_start3A_351 : memref<24576x768xf32, #tpu.memory_space<hbm>>) offsets(%dma_start3A_348 : memref<32xi32, #tpu.memory_space<vmem>>) semaphore(%arg16 : memref<!tpu.dma_semaphore, #tpu.memory_space<semaphore_mem>>)
    %dma_wait3A_352 = arith.constant 11 : i32
    %dma_wait3A_353 = arith.constant 0 : i32
    %dma_wait3A_354 = tpu.memref_slice %arg5[%dma_wait3A_352, %dma_wait3A_353] : memref<16x32xi32, #tpu.memory_space<vmem>> -> memref<1x32xi32, #tpu.memory_space<vmem>>
    %dma_wait3A_355 = tpu.memref_squeeze %dma_wait3A_354 : memref<1x32xi32, #tpu.memory_space<vmem>> -> memref<32xi32, #tpu.memory_space<vmem>>
    %dma_wait3A_356 = arith.constant 0 : i32
    %dma_wait3A_357 = arith.constant 0 : i32
    %dma_wait3A_358 = tpu.memref_slice %arg4[%dma_wait3A_356, %dma_wait3A_357] : memref<24576x768xf32, #tpu.memory_space<hbm>> -> memref<24576x768xf32, #tpu.memory_space<hbm>>
    tpu.wait_indirect_dma semaphore(%arg17 : memref<!tpu.dma_semaphore, #tpu.memory_space<semaphore_mem>>) src(%arg7 : memref<32x768xf32, #tpu.memory_space<vmem>>) dst(%dma_wait3A_358 : memref<24576x768xf32, #tpu.memory_space<hbm>>)
    %dma_wait3A_359 = arith.constant 12 : i32
    %dma_wait3A_360 = arith.constant 0 : i32
    %dma_wait3A_361 = tpu.memref_slice %arg5[%dma_wait3A_359, %dma_wait3A_360] : memref<16x32xi32, #tpu.memory_space<vmem>> -> memref<1x32xi32, #tpu.memory_space<vmem>>
    %dma_wait3A_362 = tpu.memref_squeeze %dma_wait3A_361 : memref<1x32xi32, #tpu.memory_space<vmem>> -> memref<32xi32, #tpu.memory_space<vmem>>
    %dma_wait3A_363 = arith.constant 0 : i32
    %dma_wait3A_364 = arith.constant 0 : i32
    %dma_wait3A_365 = tpu.memref_slice %arg4[%dma_wait3A_363, %dma_wait3A_364] : memref<24576x768xf32, #tpu.memory_space<hbm>> -> memref<24576x768xf32, #tpu.memory_space<hbm>>
    tpu.wait_indirect_dma semaphore(%arg18 : memref<!tpu.dma_semaphore, #tpu.memory_space<semaphore_mem>>) src(%arg8 : memref<32x768xf32, #tpu.memory_space<vmem>>) dst(%dma_wait3A_365 : memref<24576x768xf32, #tpu.memory_space<hbm>>)
    %dma_wait3A_366 = arith.constant 13 : i32
    %dma_wait3A_367 = arith.constant 0 : i32
    %dma_wait3A_368 = tpu.memref_slice %arg5[%dma_wait3A_366, %dma_wait3A_367] : memref<16x32xi32, #tpu.memory_space<vmem>> -> memref<1x32xi32, #tpu.memory_space<vmem>>
    %dma_wait3A_369 = tpu.memref_squeeze %dma_wait3A_368 : memref<1x32xi32, #tpu.memory_space<vmem>> -> memref<32xi32, #tpu.memory_space<vmem>>
    %dma_wait3A_370 = arith.constant 0 : i32
    %dma_wait3A_371 = arith.constant 0 : i32
    %dma_wait3A_372 = tpu.memref_slice %arg4[%dma_wait3A_370, %dma_wait3A_371] : memref<24576x768xf32, #tpu.memory_space<hbm>> -> memref<24576x768xf32, #tpu.memory_space<hbm>>
    tpu.wait_indirect_dma semaphore(%arg19 : memref<!tpu.dma_semaphore, #tpu.memory_space<semaphore_mem>>) src(%arg9 : memref<32x768xf32, #tpu.memory_space<vmem>>) dst(%dma_wait3A_372 : memref<24576x768xf32, #tpu.memory_space<hbm>>)
    %dma_wait3A_373 = arith.constant 14 : i32
    %dma_wait3A_374 = arith.constant 0 : i32
    %dma_wait3A_375 = tpu.memref_slice %arg5[%dma_wait3A_373, %dma_wait3A_374] : memref<16x32xi32, #tpu.memory_space<vmem>> -> memref<1x32xi32, #tpu.memory_space<vmem>>
    %dma_wait3A_376 = tpu.memref_squeeze %dma_wait3A_375 : memref<1x32xi32, #tpu.memory_space<vmem>> -> memref<32xi32, #tpu.memory_space<vmem>>
    %dma_wait3A_377 = arith.constant 0 : i32
    %dma_wait3A_378 = arith.constant 0 : i32
    %dma_wait3A_379 = tpu.memref_slice %arg4[%dma_wait3A_377, %dma_wait3A_378] : memref<24576x768xf32, #tpu.memory_space<hbm>> -> memref<24576x768xf32, #tpu.memory_space<hbm>>
    tpu.wait_indirect_dma semaphore(%arg20 : memref<!tpu.dma_semaphore, #tpu.memory_space<semaphore_mem>>) src(%arg10 : memref<32x768xf32, #tpu.memory_space<vmem>>) dst(%dma_wait3A_379 : memref<24576x768xf32, #tpu.memory_space<hbm>>)
    %dma_wait3A_380 = arith.constant 15 : i32
    %dma_wait3A_381 = arith.constant 0 : i32
    %dma_wait3A_382 = tpu.memref_slice %arg5[%dma_wait3A_380, %dma_wait3A_381] : memref<16x32xi32, #tpu.memory_space<vmem>> -> memref<1x32xi32, #tpu.memory_space<vmem>>
    %dma_wait3A_383 = tpu.memref_squeeze %dma_wait3A_382 : memref<1x32xi32, #tpu.memory_space<vmem>> -> memref<32xi32, #tpu.memory_space<vmem>>
    %dma_wait3A_384 = arith.constant 0 : i32
    %dma_wait3A_385 = arith.constant 0 : i32
    %dma_wait3A_386 = tpu.memref_slice %arg4[%dma_wait3A_384, %dma_wait3A_385] : memref<24576x768xf32, #tpu.memory_space<hbm>> -> memref<24576x768xf32, #tpu.memory_space<hbm>>
    tpu.wait_indirect_dma semaphore(%arg16 : memref<!tpu.dma_semaphore, #tpu.memory_space<semaphore_mem>>) src(%arg6 : memref<32x768xf32, #tpu.memory_space<vmem>>) dst(%dma_wait3A_386 : memref<24576x768xf32, #tpu.memory_space<hbm>>)
    return
  }
}

#map = affine_map<(d0, d1) -> (0, 0)>
#map1 = affine_map<(d0, d1) -> (0, 0, 0)>
module attributes {stable_mosaic.version = 14 : i64} {
  func.func @scatter_x(%arg0: i32, %arg1: i32, %arg2: memref<32768x768xf32, #tpu.memory_space<hbm>>, %arg3: memref<32x16x32xi32, #tpu.memory_space<hbm>>, %arg4: memref<24576x768xf32, #tpu.memory_space<hbm>>, %arg5: memref<16x32xi32, #tpu.memory_space<vmem>>, %arg6: memref<32x768xf32, #tpu.memory_space<vmem>>, %arg7: memref<32x768xf32, #tpu.memory_space<vmem>>, %arg8: memref<32x768xf32, #tpu.memory_space<vmem>>, %arg9: memref<32x768xf32, #tpu.memory_space<vmem>>, %arg10: memref<32x768xf32, #tpu.memory_space<vmem>>, %arg11: memref<!tpu.dma_semaphore, #tpu.memory_space<semaphore_mem>>, %arg12: memref<!tpu.dma_semaphore, #tpu.memory_space<semaphore_mem>>, %arg13: memref<!tpu.dma_semaphore, #tpu.memory_space<semaphore_mem>>, %arg14: memref<!tpu.dma_semaphore, #tpu.memory_space<semaphore_mem>>, %arg15: memref<!tpu.dma_semaphore, #tpu.memory_space<semaphore_mem>>, %arg16: memref<!tpu.dma_semaphore, #tpu.memory_space<semaphore_mem>>, %arg17: memref<!tpu.dma_semaphore, #tpu.memory_space<semaphore_mem>>, %arg18: memref<!tpu.dma_semaphore, #tpu.memory_space<semaphore_mem>>, %arg19: memref<!tpu.dma_semaphore, #tpu.memory_space<semaphore_mem>>, %arg20: memref<!tpu.dma_semaphore, #tpu.memory_space<semaphore_mem>>) attributes {dimension_semantics = [#tpu.dimension_semantics<core_parallel>, #tpu.dimension_semantics<subcore_parallel>], iteration_bounds = array<i64: 2, 16>, scalar_prefetch = 0 : i64, scratch_operands = 16 : i64, tpu.core_type = #tpu.core_type<sc_vector_subcore>, window_params = [{transform_indices = #map}, {transform_indices = #map1}, {transform_indices = #map}]} {
    %mul3A = arith.constant 2 : i32
    %mul3A_0 = arith.muli %arg1, %mul3A : i32
    %add3A = arith.addi %mul3A_0, %arg0 : i32
    %mul3A_1 = arith.constant 512 : i32
    %mul3A_2 = arith.muli %add3A, %mul3A_1 : i32
    %add3A_3 = arith.constant 0 : i32
    %add3A_4 = arith.addi %add3A_3, %mul3A_2 : i32
    "tpu.region"() ({
      %run_scoped3A = tpu.sem_alloc : memref<!tpu.dma_semaphore, #tpu.memory_space<semaphore_mem>>
      %dma_start3A_387 = arith.constant 0 : i32
      %dma_start3A_388 = arith.constant 0 : i32
      %dma_start3A_389 = tpu.memref_slice %arg3[%add3A, %dma_start3A_387, %dma_start3A_388] : memref<32x16x32xi32, #tpu.memory_space<hbm>> -> memref<1x16x32xi32, #tpu.memory_space<hbm>>
      %dma_start3A_390 = tpu.memref_squeeze %dma_start3A_389 : memref<1x16x32xi32, #tpu.memory_space<hbm>> -> memref<16x32xi32, #tpu.memory_space<hbm>>
      %dma_start3A_391 = arith.constant 0 : i32
      %dma_start3A_392 = arith.constant 0 : i32
      %dma_start3A_393 = tpu.memref_slice %arg3[%add3A, %dma_start3A_391, %dma_start3A_392] : memref<32x16x32xi32, #tpu.memory_space<hbm>> -> memref<1x16x32xi32, #tpu.memory_space<hbm>>
      %dma_start3A_394 = tpu.memref_squeeze %dma_start3A_393 : memref<1x16x32xi32, #tpu.memory_space<hbm>> -> memref<16x32xi32, #tpu.memory_space<hbm>>
      tpu.enqueue_dma source(%dma_start3A_394 : memref<16x32xi32, #tpu.memory_space<hbm>>) target(%arg5 : memref<16x32xi32, #tpu.memory_space<vmem>>) target_semaphore(%run_scoped3A : memref<!tpu.dma_semaphore, #tpu.memory_space<semaphore_mem>>)
      %dma_wait3A_395 = arith.constant 0 : i32
      %dma_wait3A_396 = arith.constant 0 : i32
      %dma_wait3A_397 = tpu.memref_slice %arg3[%add3A, %dma_wait3A_395, %dma_wait3A_396] : memref<32x16x32xi32, #tpu.memory_space<hbm>> -> memref<1x16x32xi32, #tpu.memory_space<hbm>>
      %dma_wait3A_398 = tpu.memref_squeeze %dma_wait3A_397 : memref<1x16x32xi32, #tpu.memory_space<hbm>> -> memref<16x32xi32, #tpu.memory_space<hbm>>
      %dma_wait3A_399 = arith.constant 0 : i32
      %dma_wait3A_400 = arith.constant 0 : i32
      %dma_wait3A_401 = tpu.memref_slice %arg3[%add3A, %dma_wait3A_399, %dma_wait3A_400] : memref<32x16x32xi32, #tpu.memory_space<hbm>> -> memref<1x16x32xi32, #tpu.memory_space<hbm>>
      %dma_wait3A_402 = tpu.memref_squeeze %dma_wait3A_401 : memref<1x16x32xi32, #tpu.memory_space<hbm>> -> memref<16x32xi32, #tpu.memory_space<hbm>>
      tpu.wait_dma2 semaphore(%run_scoped3A : memref<!tpu.dma_semaphore, #tpu.memory_space<semaphore_mem>>) src(%dma_wait3A_402 : memref<16x32xi32, #tpu.memory_space<hbm>>) dst(%arg5 : memref<16x32xi32, #tpu.memory_space<vmem>>)
      tpu.yield
    }) : () -> ()
    %add3A_5 = arith.constant 0 : i32
    %add3A_6 = arith.addi %add3A_4, %add3A_5 : i32
    %dma_start3A = arith.constant 0 : i32
    %dma_start3A_7 = tpu.memref_slice %arg2[%add3A_6, %dma_start3A] : memref<32768x768xf32, #tpu.memory_space<hbm>> -> memref<32x768xf32, #tpu.memory_space<hbm>>
    %dma_start3A_8 = arith.constant 0 : i32
    %dma_start3A_9 = tpu.memref_slice %arg2[%add3A_6, %dma_start3A_8] : memref<32768x768xf32, #tpu.memory_space<hbm>> -> memref<32x768xf32, #tpu.memory_space<hbm>>
    tpu.enqueue_dma source(%dma_start3A_9 : memref<32x768xf32, #tpu.memory_space<hbm>>) target(%arg6 : memref<32x768xf32, #tpu.memory_space<vmem>>) target_semaphore(%arg11 : memref<!tpu.dma_semaphore, #tpu.memory_space<semaphore_mem>>)
    %add3A_10 = arith.constant 32 : i32
    %add3A_11 = arith.addi %add3A_4, %add3A_10 : i32
    %dma_start3A_12 = arith.constant 0 : i32
    %dma_start3A_13 = tpu.memref_slice %arg2[%add3A_11, %dma_start3A_12] : memref<32768x768xf32, #tpu.memory_space<hbm>> -> memref<32x768xf32, #tpu.memory_space<hbm>>
    %dma_start3A_14 = arith.constant 0 : i32
    %dma_start3A_15 = tpu.memref_slice %arg2[%add3A_11, %dma_start3A_14] : memref<32768x768xf32, #tpu.memory_space<hbm>> -> memref<32x768xf32, #tpu.memory_space<hbm>>
    tpu.enqueue_dma source(%dma_start3A_15 : memref<32x768xf32, #tpu.memory_space<hbm>>) target(%arg7 : memref<32x768xf32, #tpu.memory_space<vmem>>) target_semaphore(%arg12 : memref<!tpu.dma_semaphore, #tpu.memory_space<semaphore_mem>>)
    %add3A_16 = arith.constant 64 : i32
    %add3A_17 = arith.addi %add3A_4, %add3A_16 : i32
    %dma_start3A_18 = arith.constant 0 : i32
    %dma_start3A_19 = tpu.memref_slice %arg2[%add3A_17, %dma_start3A_18] : memref<32768x768xf32, #tpu.memory_space<hbm>> -> memref<32x768xf32, #tpu.memory_space<hbm>>
    %dma_start3A_20 = arith.constant 0 : i32
    %dma_start3A_21 = tpu.memref_slice %arg2[%add3A_17, %dma_start3A_20] : memref<32768x768xf32, #tpu.memory_space<hbm>> -> memref<32x768xf32, #tpu.memory_space<hbm>>
    tpu.enqueue_dma source(%dma_start3A_21 : memref<32x768xf32, #tpu.memory_space<hbm>>) target(%arg8 : memref<32x768xf32, #tpu.memory_space<vmem>>) target_semaphore(%arg13 : memref<!tpu.dma_semaphore, #tpu.memory_space<semaphore_mem>>)
    %add3A_22 = arith.constant 96 : i32
    %add3A_23 = arith.addi %add3A_4, %add3A_22 : i32
    %dma_start3A_24 = arith.constant 0 : i32
    %dma_start3A_25 = tpu.memref_slice %arg2[%add3A_23, %dma_start3A_24] : memref<32768x768xf32, #tpu.memory_space<hbm>> -> memref<32x768xf32, #tpu.memory_space<hbm>>
    %dma_start3A_26 = arith.constant 0 : i32
    %dma_start3A_27 = tpu.memref_slice %arg2[%add3A_23, %dma_start3A_26] : memref<32768x768xf32, #tpu.memory_space<hbm>> -> memref<32x768xf32, #tpu.memory_space<hbm>>
    tpu.enqueue_dma source(%dma_start3A_27 : memref<32x768xf32, #tpu.memory_space<hbm>>) target(%arg9 : memref<32x768xf32, #tpu.memory_space<vmem>>) target_semaphore(%arg14 : memref<!tpu.dma_semaphore, #tpu.memory_space<semaphore_mem>>)
    %dma_wait3A = arith.constant 0 : i32
    %dma_wait3A_28 = tpu.memref_slice %arg2[%add3A_6, %dma_wait3A] : memref<32768x768xf32, #tpu.memory_space<hbm>> -> memref<32x768xf32, #tpu.memory_space<hbm>>
    %dma_wait3A_29 = arith.constant 0 : i32
    %dma_wait3A_30 = tpu.memref_slice %arg2[%add3A_6, %dma_wait3A_29] : memref<32768x768xf32, #tpu.memory_space<hbm>> -> memref<32x768xf32, #tpu.memory_space<hbm>>
    tpu.wait_dma2 semaphore(%arg11 : memref<!tpu.dma_semaphore, #tpu.memory_space<semaphore_mem>>) src(%dma_wait3A_30 : memref<32x768xf32, #tpu.memory_space<hbm>>) dst(%arg6 : memref<32x768xf32, #tpu.memory_space<vmem>>)
    %dma_start3A_31 = arith.constant 0 : i32
    %dma_start3A_32 = arith.constant 0 : i32
    %dma_start3A_33 = tpu.memref_slice %arg5[%dma_start3A_31, %dma_start3A_32] : memref<16x32xi32, #tpu.memory_space<vmem>> -> memref<1x32xi32, #tpu.memory_space<vmem>>
    %dma_start3A_34 = tpu.memref_squeeze %dma_start3A_33 : memref<1x32xi32, #tpu.memory_space<vmem>> -> memref<32xi32, #tpu.memory_space<vmem>>
    %dma_start3A_35 = arith.constant 0 : i32
    %dma_start3A_36 = arith.constant 0 : i32
    %dma_start3A_37 = tpu.memref_slice %arg4[%dma_start3A_35, %dma_start3A_36] : memref<24576x768xf32, #tpu.memory_space<hbm>> -> memref<24576x768xf32, #tpu.memory_space<hbm>>
    tpu.enqueue_indirect_dma source(%arg6 : memref<32x768xf32, #tpu.memory_space<vmem>>) target(%dma_start3A_37 : memref<24576x768xf32, #tpu.memory_space<hbm>>) offsets(%dma_start3A_34 : memref<32xi32, #tpu.memory_space<vmem>>) semaphore(%arg16 : memref<!tpu.dma_semaphore, #tpu.memory_space<semaphore_mem>>)
    %add3A_38 = arith.constant 128 : i32
    %add3A_39 = arith.addi %add3A_4, %add3A_38 : i32
    %dma_start3A_40 = arith.constant 0 : i32
    %dma_start3A_41 = tpu.memref_slice %arg2[%add3A_39, %dma_start3A_40] : memref<32768x768xf32, #tpu.memory_space<hbm>> -> memref<32x768xf32, #tpu.memory_space<hbm>>
    %dma_start3A_42 = arith.constant 0 : i32
    %dma_start3A_43 = tpu.memref_slice %arg2[%add3A_39, %dma_start3A_42] : memref<32768x768xf32, #tpu.memory_space<hbm>> -> memref<32x768xf32, #tpu.memory_space<hbm>>
    tpu.enqueue_dma source(%dma_start3A_43 : memref<32x768xf32, #tpu.memory_space<hbm>>) target(%arg10 : memref<32x768xf32, #tpu.memory_space<vmem>>) target_semaphore(%arg15 : memref<!tpu.dma_semaphore, #tpu.memory_space<semaphore_mem>>)
    %dma_wait3A_44 = arith.constant 0 : i32
    %dma_wait3A_45 = tpu.memref_slice %arg2[%add3A_11, %dma_wait3A_44] : memref<32768x768xf32, #tpu.memory_space<hbm>> -> memref<32x768xf32, #tpu.memory_space<hbm>>
    %dma_wait3A_46 = arith.constant 0 : i32
    %dma_wait3A_47 = tpu.memref_slice %arg2[%add3A_11, %dma_wait3A_46] : memref<32768x768xf32, #tpu.memory_space<hbm>> -> memref<32x768xf32, #tpu.memory_space<hbm>>
    tpu.wait_dma2 semaphore(%arg12 : memref<!tpu.dma_semaphore, #tpu.memory_space<semaphore_mem>>) src(%dma_wait3A_47 : memref<32x768xf32, #tpu.memory_space<hbm>>) dst(%arg7 : memref<32x768xf32, #tpu.memory_space<vmem>>)
    %dma_start3A_48 = arith.constant 1 : i32
    %dma_start3A_49 = arith.constant 0 : i32
    %dma_start3A_50 = tpu.memref_slice %arg5[%dma_start3A_48, %dma_start3A_49] : memref<16x32xi32, #tpu.memory_space<vmem>> -> memref<1x32xi32, #tpu.memory_space<vmem>>
    %dma_start3A_51 = tpu.memref_squeeze %dma_start3A_50 : memref<1x32xi32, #tpu.memory_space<vmem>> -> memref<32xi32, #tpu.memory_space<vmem>>
    %dma_start3A_52 = arith.constant 0 : i32
    %dma_start3A_53 = arith.constant 0 : i32
    %dma_start3A_54 = tpu.memref_slice %arg4[%dma_start3A_52, %dma_start3A_53] : memref<24576x768xf32, #tpu.memory_space<hbm>> -> memref<24576x768xf32, #tpu.memory_space<hbm>>
    tpu.enqueue_indirect_dma source(%arg7 : memref<32x768xf32, #tpu.memory_space<vmem>>) target(%dma_start3A_54 : memref<24576x768xf32, #tpu.memory_space<hbm>>) offsets(%dma_start3A_51 : memref<32xi32, #tpu.memory_space<vmem>>) semaphore(%arg17 : memref<!tpu.dma_semaphore, #tpu.memory_space<semaphore_mem>>)
    %dma_wait3A_55 = arith.constant 0 : i32
    %dma_wait3A_56 = arith.constant 0 : i32
    %dma_wait3A_57 = tpu.memref_slice %arg5[%dma_wait3A_55, %dma_wait3A_56] : memref<16x32xi32, #tpu.memory_space<vmem>> -> memref<1x32xi32, #tpu.memory_space<vmem>>
    %dma_wait3A_58 = tpu.memref_squeeze %dma_wait3A_57 : memref<1x32xi32, #tpu.memory_space<vmem>> -> memref<32xi32, #tpu.memory_space<vmem>>
    %dma_wait3A_59 = arith.constant 0 : i32
    %dma_wait3A_60 = arith.constant 0 : i32
    %dma_wait3A_61 = tpu.memref_slice %arg4[%dma_wait3A_59, %dma_wait3A_60] : memref<24576x768xf32, #tpu.memory_space<hbm>> -> memref<24576x768xf32, #tpu.memory_space<hbm>>
    tpu.wait_indirect_dma semaphore(%arg16 : memref<!tpu.dma_semaphore, #tpu.memory_space<semaphore_mem>>) src(%arg6 : memref<32x768xf32, #tpu.memory_space<vmem>>) dst(%dma_wait3A_61 : memref<24576x768xf32, #tpu.memory_space<hbm>>)
    %add3A_62 = arith.constant 160 : i32
    %add3A_63 = arith.addi %add3A_4, %add3A_62 : i32
    %dma_start3A_64 = arith.constant 0 : i32
    %dma_start3A_65 = tpu.memref_slice %arg2[%add3A_63, %dma_start3A_64] : memref<32768x768xf32, #tpu.memory_space<hbm>> -> memref<32x768xf32, #tpu.memory_space<hbm>>
    %dma_start3A_66 = arith.constant 0 : i32
    %dma_start3A_67 = tpu.memref_slice %arg2[%add3A_63, %dma_start3A_66] : memref<32768x768xf32, #tpu.memory_space<hbm>> -> memref<32x768xf32, #tpu.memory_space<hbm>>
    tpu.enqueue_dma source(%dma_start3A_67 : memref<32x768xf32, #tpu.memory_space<hbm>>) target(%arg6 : memref<32x768xf32, #tpu.memory_space<vmem>>) target_semaphore(%arg11 : memref<!tpu.dma_semaphore, #tpu.memory_space<semaphore_mem>>)
    %dma_wait3A_68 = arith.constant 0 : i32
    %dma_wait3A_69 = tpu.memref_slice %arg2[%add3A_17, %dma_wait3A_68] : memref<32768x768xf32, #tpu.memory_space<hbm>> -> memref<32x768xf32, #tpu.memory_space<hbm>>
    %dma_wait3A_70 = arith.constant 0 : i32
    %dma_wait3A_71 = tpu.memref_slice %arg2[%add3A_17, %dma_wait3A_70] : memref<32768x768xf32, #tpu.memory_space<hbm>> -> memref<32x768xf32, #tpu.memory_space<hbm>>
    tpu.wait_dma2 semaphore(%arg13 : memref<!tpu.dma_semaphore, #tpu.memory_space<semaphore_mem>>) src(%dma_wait3A_71 : memref<32x768xf32, #tpu.memory_space<hbm>>) dst(%arg8 : memref<32x768xf32, #tpu.memory_space<vmem>>)
    %dma_start3A_72 = arith.constant 2 : i32
    %dma_start3A_73 = arith.constant 0 : i32
    %dma_start3A_74 = tpu.memref_slice %arg5[%dma_start3A_72, %dma_start3A_73] : memref<16x32xi32, #tpu.memory_space<vmem>> -> memref<1x32xi32, #tpu.memory_space<vmem>>
    %dma_start3A_75 = tpu.memref_squeeze %dma_start3A_74 : memref<1x32xi32, #tpu.memory_space<vmem>> -> memref<32xi32, #tpu.memory_space<vmem>>
    %dma_start3A_76 = arith.constant 0 : i32
    %dma_start3A_77 = arith.constant 0 : i32
    %dma_start3A_78 = tpu.memref_slice %arg4[%dma_start3A_76, %dma_start3A_77] : memref<24576x768xf32, #tpu.memory_space<hbm>> -> memref<24576x768xf32, #tpu.memory_space<hbm>>
    tpu.enqueue_indirect_dma source(%arg8 : memref<32x768xf32, #tpu.memory_space<vmem>>) target(%dma_start3A_78 : memref<24576x768xf32, #tpu.memory_space<hbm>>) offsets(%dma_start3A_75 : memref<32xi32, #tpu.memory_space<vmem>>) semaphore(%arg18 : memref<!tpu.dma_semaphore, #tpu.memory_space<semaphore_mem>>)
    %dma_wait3A_79 = arith.constant 1 : i32
    %dma_wait3A_80 = arith.constant 0 : i32
    %dma_wait3A_81 = tpu.memref_slice %arg5[%dma_wait3A_79, %dma_wait3A_80] : memref<16x32xi32, #tpu.memory_space<vmem>> -> memref<1x32xi32, #tpu.memory_space<vmem>>
    %dma_wait3A_82 = tpu.memref_squeeze %dma_wait3A_81 : memref<1x32xi32, #tpu.memory_space<vmem>> -> memref<32xi32, #tpu.memory_space<vmem>>
    %dma_wait3A_83 = arith.constant 0 : i32
    %dma_wait3A_84 = arith.constant 0 : i32
    %dma_wait3A_85 = tpu.memref_slice %arg4[%dma_wait3A_83, %dma_wait3A_84] : memref<24576x768xf32, #tpu.memory_space<hbm>> -> memref<24576x768xf32, #tpu.memory_space<hbm>>
    tpu.wait_indirect_dma semaphore(%arg17 : memref<!tpu.dma_semaphore, #tpu.memory_space<semaphore_mem>>) src(%arg7 : memref<32x768xf32, #tpu.memory_space<vmem>>) dst(%dma_wait3A_85 : memref<24576x768xf32, #tpu.memory_space<hbm>>)
    %add3A_86 = arith.constant 192 : i32
    %add3A_87 = arith.addi %add3A_4, %add3A_86 : i32
    %dma_start3A_88 = arith.constant 0 : i32
    %dma_start3A_89 = tpu.memref_slice %arg2[%add3A_87, %dma_start3A_88] : memref<32768x768xf32, #tpu.memory_space<hbm>> -> memref<32x768xf32, #tpu.memory_space<hbm>>
    %dma_start3A_90 = arith.constant 0 : i32
    %dma_start3A_91 = tpu.memref_slice %arg2[%add3A_87, %dma_start3A_90] : memref<32768x768xf32, #tpu.memory_space<hbm>> -> memref<32x768xf32, #tpu.memory_space<hbm>>
    tpu.enqueue_dma source(%dma_start3A_91 : memref<32x768xf32, #tpu.memory_space<hbm>>) target(%arg7 : memref<32x768xf32, #tpu.memory_space<vmem>>) target_semaphore(%arg12 : memref<!tpu.dma_semaphore, #tpu.memory_space<semaphore_mem>>)
    %dma_wait3A_92 = arith.constant 0 : i32
    %dma_wait3A_93 = tpu.memref_slice %arg2[%add3A_23, %dma_wait3A_92] : memref<32768x768xf32, #tpu.memory_space<hbm>> -> memref<32x768xf32, #tpu.memory_space<hbm>>
    %dma_wait3A_94 = arith.constant 0 : i32
    %dma_wait3A_95 = tpu.memref_slice %arg2[%add3A_23, %dma_wait3A_94] : memref<32768x768xf32, #tpu.memory_space<hbm>> -> memref<32x768xf32, #tpu.memory_space<hbm>>
    tpu.wait_dma2 semaphore(%arg14 : memref<!tpu.dma_semaphore, #tpu.memory_space<semaphore_mem>>) src(%dma_wait3A_95 : memref<32x768xf32, #tpu.memory_space<hbm>>) dst(%arg9 : memref<32x768xf32, #tpu.memory_space<vmem>>)
    %dma_start3A_96 = arith.constant 3 : i32
    %dma_start3A_97 = arith.constant 0 : i32
    %dma_start3A_98 = tpu.memref_slice %arg5[%dma_start3A_96, %dma_start3A_97] : memref<16x32xi32, #tpu.memory_space<vmem>> -> memref<1x32xi32, #tpu.memory_space<vmem>>
    %dma_start3A_99 = tpu.memref_squeeze %dma_start3A_98 : memref<1x32xi32, #tpu.memory_space<vmem>> -> memref<32xi32, #tpu.memory_space<vmem>>
    %dma_start3A_100 = arith.constant 0 : i32
    %dma_start3A_101 = arith.constant 0 : i32
    %dma_start3A_102 = tpu.memref_slice %arg4[%dma_start3A_100, %dma_start3A_101] : memref<24576x768xf32, #tpu.memory_space<hbm>> -> memref<24576x768xf32, #tpu.memory_space<hbm>>
    tpu.enqueue_indirect_dma source(%arg9 : memref<32x768xf32, #tpu.memory_space<vmem>>) target(%dma_start3A_102 : memref<24576x768xf32, #tpu.memory_space<hbm>>) offsets(%dma_start3A_99 : memref<32xi32, #tpu.memory_space<vmem>>) semaphore(%arg19 : memref<!tpu.dma_semaphore, #tpu.memory_space<semaphore_mem>>)
    %dma_wait3A_103 = arith.constant 2 : i32
    %dma_wait3A_104 = arith.constant 0 : i32
    %dma_wait3A_105 = tpu.memref_slice %arg5[%dma_wait3A_103, %dma_wait3A_104] : memref<16x32xi32, #tpu.memory_space<vmem>> -> memref<1x32xi32, #tpu.memory_space<vmem>>
    %dma_wait3A_106 = tpu.memref_squeeze %dma_wait3A_105 : memref<1x32xi32, #tpu.memory_space<vmem>> -> memref<32xi32, #tpu.memory_space<vmem>>
    %dma_wait3A_107 = arith.constant 0 : i32
    %dma_wait3A_108 = arith.constant 0 : i32
    %dma_wait3A_109 = tpu.memref_slice %arg4[%dma_wait3A_107, %dma_wait3A_108] : memref<24576x768xf32, #tpu.memory_space<hbm>> -> memref<24576x768xf32, #tpu.memory_space<hbm>>
    tpu.wait_indirect_dma semaphore(%arg18 : memref<!tpu.dma_semaphore, #tpu.memory_space<semaphore_mem>>) src(%arg8 : memref<32x768xf32, #tpu.memory_space<vmem>>) dst(%dma_wait3A_109 : memref<24576x768xf32, #tpu.memory_space<hbm>>)
    %add3A_110 = arith.constant 224 : i32
    %add3A_111 = arith.addi %add3A_4, %add3A_110 : i32
    %dma_start3A_112 = arith.constant 0 : i32
    %dma_start3A_113 = tpu.memref_slice %arg2[%add3A_111, %dma_start3A_112] : memref<32768x768xf32, #tpu.memory_space<hbm>> -> memref<32x768xf32, #tpu.memory_space<hbm>>
    %dma_start3A_114 = arith.constant 0 : i32
    %dma_start3A_115 = tpu.memref_slice %arg2[%add3A_111, %dma_start3A_114] : memref<32768x768xf32, #tpu.memory_space<hbm>> -> memref<32x768xf32, #tpu.memory_space<hbm>>
    tpu.enqueue_dma source(%dma_start3A_115 : memref<32x768xf32, #tpu.memory_space<hbm>>) target(%arg8 : memref<32x768xf32, #tpu.memory_space<vmem>>) target_semaphore(%arg13 : memref<!tpu.dma_semaphore, #tpu.memory_space<semaphore_mem>>)
    %dma_wait3A_116 = arith.constant 0 : i32
    %dma_wait3A_117 = tpu.memref_slice %arg2[%add3A_39, %dma_wait3A_116] : memref<32768x768xf32, #tpu.memory_space<hbm>> -> memref<32x768xf32, #tpu.memory_space<hbm>>
    %dma_wait3A_118 = arith.constant 0 : i32
    %dma_wait3A_119 = tpu.memref_slice %arg2[%add3A_39, %dma_wait3A_118] : memref<32768x768xf32, #tpu.memory_space<hbm>> -> memref<32x768xf32, #tpu.memory_space<hbm>>
    tpu.wait_dma2 semaphore(%arg15 : memref<!tpu.dma_semaphore, #tpu.memory_space<semaphore_mem>>) src(%dma_wait3A_119 : memref<32x768xf32, #tpu.memory_space<hbm>>) dst(%arg10 : memref<32x768xf32, #tpu.memory_space<vmem>>)
    %dma_start3A_120 = arith.constant 4 : i32
    %dma_start3A_121 = arith.constant 0 : i32
    %dma_start3A_122 = tpu.memref_slice %arg5[%dma_start3A_120, %dma_start3A_121] : memref<16x32xi32, #tpu.memory_space<vmem>> -> memref<1x32xi32, #tpu.memory_space<vmem>>
    %dma_start3A_123 = tpu.memref_squeeze %dma_start3A_122 : memref<1x32xi32, #tpu.memory_space<vmem>> -> memref<32xi32, #tpu.memory_space<vmem>>
    %dma_start3A_124 = arith.constant 0 : i32
    %dma_start3A_125 = arith.constant 0 : i32
    %dma_start3A_126 = tpu.memref_slice %arg4[%dma_start3A_124, %dma_start3A_125] : memref<24576x768xf32, #tpu.memory_space<hbm>> -> memref<24576x768xf32, #tpu.memory_space<hbm>>
    tpu.enqueue_indirect_dma source(%arg10 : memref<32x768xf32, #tpu.memory_space<vmem>>) target(%dma_start3A_126 : memref<24576x768xf32, #tpu.memory_space<hbm>>) offsets(%dma_start3A_123 : memref<32xi32, #tpu.memory_space<vmem>>) semaphore(%arg20 : memref<!tpu.dma_semaphore, #tpu.memory_space<semaphore_mem>>)
    %dma_wait3A_127 = arith.constant 3 : i32
    %dma_wait3A_128 = arith.constant 0 : i32
    %dma_wait3A_129 = tpu.memref_slice %arg5[%dma_wait3A_127, %dma_wait3A_128] : memref<16x32xi32, #tpu.memory_space<vmem>> -> memref<1x32xi32, #tpu.memory_space<vmem>>
    %dma_wait3A_130 = tpu.memref_squeeze %dma_wait3A_129 : memref<1x32xi32, #tpu.memory_space<vmem>> -> memref<32xi32, #tpu.memory_space<vmem>>
    %dma_wait3A_131 = arith.constant 0 : i32
    %dma_wait3A_132 = arith.constant 0 : i32
    %dma_wait3A_133 = tpu.memref_slice %arg4[%dma_wait3A_131, %dma_wait3A_132] : memref<24576x768xf32, #tpu.memory_space<hbm>> -> memref<24576x768xf32, #tpu.memory_space<hbm>>
    tpu.wait_indirect_dma semaphore(%arg19 : memref<!tpu.dma_semaphore, #tpu.memory_space<semaphore_mem>>) src(%arg9 : memref<32x768xf32, #tpu.memory_space<vmem>>) dst(%dma_wait3A_133 : memref<24576x768xf32, #tpu.memory_space<hbm>>)
    %add3A_134 = arith.constant 256 : i32
    %add3A_135 = arith.addi %add3A_4, %add3A_134 : i32
    %dma_start3A_136 = arith.constant 0 : i32
    %dma_start3A_137 = tpu.memref_slice %arg2[%add3A_135, %dma_start3A_136] : memref<32768x768xf32, #tpu.memory_space<hbm>> -> memref<32x768xf32, #tpu.memory_space<hbm>>
    %dma_start3A_138 = arith.constant 0 : i32
    %dma_start3A_139 = tpu.memref_slice %arg2[%add3A_135, %dma_start3A_138] : memref<32768x768xf32, #tpu.memory_space<hbm>> -> memref<32x768xf32, #tpu.memory_space<hbm>>
    tpu.enqueue_dma source(%dma_start3A_139 : memref<32x768xf32, #tpu.memory_space<hbm>>) target(%arg9 : memref<32x768xf32, #tpu.memory_space<vmem>>) target_semaphore(%arg14 : memref<!tpu.dma_semaphore, #tpu.memory_space<semaphore_mem>>)
    %dma_wait3A_140 = arith.constant 0 : i32
    %dma_wait3A_141 = tpu.memref_slice %arg2[%add3A_63, %dma_wait3A_140] : memref<32768x768xf32, #tpu.memory_space<hbm>> -> memref<32x768xf32, #tpu.memory_space<hbm>>
    %dma_wait3A_142 = arith.constant 0 : i32
    %dma_wait3A_143 = tpu.memref_slice %arg2[%add3A_63, %dma_wait3A_142] : memref<32768x768xf32, #tpu.memory_space<hbm>> -> memref<32x768xf32, #tpu.memory_space<hbm>>
    tpu.wait_dma2 semaphore(%arg11 : memref<!tpu.dma_semaphore, #tpu.memory_space<semaphore_mem>>) src(%dma_wait3A_143 : memref<32x768xf32, #tpu.memory_space<hbm>>) dst(%arg6 : memref<32x768xf32, #tpu.memory_space<vmem>>)
    %dma_start3A_144 = arith.constant 5 : i32
    %dma_start3A_145 = arith.constant 0 : i32
    %dma_start3A_146 = tpu.memref_slice %arg5[%dma_start3A_144, %dma_start3A_145] : memref<16x32xi32, #tpu.memory_space<vmem>> -> memref<1x32xi32, #tpu.memory_space<vmem>>
    %dma_start3A_147 = tpu.memref_squeeze %dma_start3A_146 : memref<1x32xi32, #tpu.memory_space<vmem>> -> memref<32xi32, #tpu.memory_space<vmem>>
    %dma_start3A_148 = arith.constant 0 : i32
    %dma_start3A_149 = arith.constant 0 : i32
    %dma_start3A_150 = tpu.memref_slice %arg4[%dma_start3A_148, %dma_start3A_149] : memref<24576x768xf32, #tpu.memory_space<hbm>> -> memref<24576x768xf32, #tpu.memory_space<hbm>>
    tpu.enqueue_indirect_dma source(%arg6 : memref<32x768xf32, #tpu.memory_space<vmem>>) target(%dma_start3A_150 : memref<24576x768xf32, #tpu.memory_space<hbm>>) offsets(%dma_start3A_147 : memref<32xi32, #tpu.memory_space<vmem>>) semaphore(%arg16 : memref<!tpu.dma_semaphore, #tpu.memory_space<semaphore_mem>>)
    %dma_wait3A_151 = arith.constant 4 : i32
    %dma_wait3A_152 = arith.constant 0 : i32
    %dma_wait3A_153 = tpu.memref_slice %arg5[%dma_wait3A_151, %dma_wait3A_152] : memref<16x32xi32, #tpu.memory_space<vmem>> -> memref<1x32xi32, #tpu.memory_space<vmem>>
    %dma_wait3A_154 = tpu.memref_squeeze %dma_wait3A_153 : memref<1x32xi32, #tpu.memory_space<vmem>> -> memref<32xi32, #tpu.memory_space<vmem>>
    %dma_wait3A_155 = arith.constant 0 : i32
    %dma_wait3A_156 = arith.constant 0 : i32
    %dma_wait3A_157 = tpu.memref_slice %arg4[%dma_wait3A_155, %dma_wait3A_156] : memref<24576x768xf32, #tpu.memory_space<hbm>> -> memref<24576x768xf32, #tpu.memory_space<hbm>>
    tpu.wait_indirect_dma semaphore(%arg20 : memref<!tpu.dma_semaphore, #tpu.memory_space<semaphore_mem>>) src(%arg10 : memref<32x768xf32, #tpu.memory_space<vmem>>) dst(%dma_wait3A_157 : memref<24576x768xf32, #tpu.memory_space<hbm>>)
    %add3A_158 = arith.constant 288 : i32
    %add3A_159 = arith.addi %add3A_4, %add3A_158 : i32
    %dma_start3A_160 = arith.constant 0 : i32
    %dma_start3A_161 = tpu.memref_slice %arg2[%add3A_159, %dma_start3A_160] : memref<32768x768xf32, #tpu.memory_space<hbm>> -> memref<32x768xf32, #tpu.memory_space<hbm>>
    %dma_start3A_162 = arith.constant 0 : i32
    %dma_start3A_163 = tpu.memref_slice %arg2[%add3A_159, %dma_start3A_162] : memref<32768x768xf32, #tpu.memory_space<hbm>> -> memref<32x768xf32, #tpu.memory_space<hbm>>
    tpu.enqueue_dma source(%dma_start3A_163 : memref<32x768xf32, #tpu.memory_space<hbm>>) target(%arg10 : memref<32x768xf32, #tpu.memory_space<vmem>>) target_semaphore(%arg15 : memref<!tpu.dma_semaphore, #tpu.memory_space<semaphore_mem>>)
    %dma_wait3A_164 = arith.constant 0 : i32
    %dma_wait3A_165 = tpu.memref_slice %arg2[%add3A_87, %dma_wait3A_164] : memref<32768x768xf32, #tpu.memory_space<hbm>> -> memref<32x768xf32, #tpu.memory_space<hbm>>
    %dma_wait3A_166 = arith.constant 0 : i32
    %dma_wait3A_167 = tpu.memref_slice %arg2[%add3A_87, %dma_wait3A_166] : memref<32768x768xf32, #tpu.memory_space<hbm>> -> memref<32x768xf32, #tpu.memory_space<hbm>>
    tpu.wait_dma2 semaphore(%arg12 : memref<!tpu.dma_semaphore, #tpu.memory_space<semaphore_mem>>) src(%dma_wait3A_167 : memref<32x768xf32, #tpu.memory_space<hbm>>) dst(%arg7 : memref<32x768xf32, #tpu.memory_space<vmem>>)
    %dma_start3A_168 = arith.constant 6 : i32
    %dma_start3A_169 = arith.constant 0 : i32
    %dma_start3A_170 = tpu.memref_slice %arg5[%dma_start3A_168, %dma_start3A_169] : memref<16x32xi32, #tpu.memory_space<vmem>> -> memref<1x32xi32, #tpu.memory_space<vmem>>
    %dma_start3A_171 = tpu.memref_squeeze %dma_start3A_170 : memref<1x32xi32, #tpu.memory_space<vmem>> -> memref<32xi32, #tpu.memory_space<vmem>>
    %dma_start3A_172 = arith.constant 0 : i32
    %dma_start3A_173 = arith.constant 0 : i32
    %dma_start3A_174 = tpu.memref_slice %arg4[%dma_start3A_172, %dma_start3A_173] : memref<24576x768xf32, #tpu.memory_space<hbm>> -> memref<24576x768xf32, #tpu.memory_space<hbm>>
    tpu.enqueue_indirect_dma source(%arg7 : memref<32x768xf32, #tpu.memory_space<vmem>>) target(%dma_start3A_174 : memref<24576x768xf32, #tpu.memory_space<hbm>>) offsets(%dma_start3A_171 : memref<32xi32, #tpu.memory_space<vmem>>) semaphore(%arg17 : memref<!tpu.dma_semaphore, #tpu.memory_space<semaphore_mem>>)
    %dma_wait3A_175 = arith.constant 5 : i32
    %dma_wait3A_176 = arith.constant 0 : i32
    %dma_wait3A_177 = tpu.memref_slice %arg5[%dma_wait3A_175, %dma_wait3A_176] : memref<16x32xi32, #tpu.memory_space<vmem>> -> memref<1x32xi32, #tpu.memory_space<vmem>>
    %dma_wait3A_178 = tpu.memref_squeeze %dma_wait3A_177 : memref<1x32xi32, #tpu.memory_space<vmem>> -> memref<32xi32, #tpu.memory_space<vmem>>
    %dma_wait3A_179 = arith.constant 0 : i32
    %dma_wait3A_180 = arith.constant 0 : i32
    %dma_wait3A_181 = tpu.memref_slice %arg4[%dma_wait3A_179, %dma_wait3A_180] : memref<24576x768xf32, #tpu.memory_space<hbm>> -> memref<24576x768xf32, #tpu.memory_space<hbm>>
    tpu.wait_indirect_dma semaphore(%arg16 : memref<!tpu.dma_semaphore, #tpu.memory_space<semaphore_mem>>) src(%arg6 : memref<32x768xf32, #tpu.memory_space<vmem>>) dst(%dma_wait3A_181 : memref<24576x768xf32, #tpu.memory_space<hbm>>)
    %add3A_182 = arith.constant 320 : i32
    %add3A_183 = arith.addi %add3A_4, %add3A_182 : i32
    %dma_start3A_184 = arith.constant 0 : i32
    %dma_start3A_185 = tpu.memref_slice %arg2[%add3A_183, %dma_start3A_184] : memref<32768x768xf32, #tpu.memory_space<hbm>> -> memref<32x768xf32, #tpu.memory_space<hbm>>
    %dma_start3A_186 = arith.constant 0 : i32
    %dma_start3A_187 = tpu.memref_slice %arg2[%add3A_183, %dma_start3A_186] : memref<32768x768xf32, #tpu.memory_space<hbm>> -> memref<32x768xf32, #tpu.memory_space<hbm>>
    tpu.enqueue_dma source(%dma_start3A_187 : memref<32x768xf32, #tpu.memory_space<hbm>>) target(%arg6 : memref<32x768xf32, #tpu.memory_space<vmem>>) target_semaphore(%arg11 : memref<!tpu.dma_semaphore, #tpu.memory_space<semaphore_mem>>)
    %dma_wait3A_188 = arith.constant 0 : i32
    %dma_wait3A_189 = tpu.memref_slice %arg2[%add3A_111, %dma_wait3A_188] : memref<32768x768xf32, #tpu.memory_space<hbm>> -> memref<32x768xf32, #tpu.memory_space<hbm>>
    %dma_wait3A_190 = arith.constant 0 : i32
    %dma_wait3A_191 = tpu.memref_slice %arg2[%add3A_111, %dma_wait3A_190] : memref<32768x768xf32, #tpu.memory_space<hbm>> -> memref<32x768xf32, #tpu.memory_space<hbm>>
    tpu.wait_dma2 semaphore(%arg13 : memref<!tpu.dma_semaphore, #tpu.memory_space<semaphore_mem>>) src(%dma_wait3A_191 : memref<32x768xf32, #tpu.memory_space<hbm>>) dst(%arg8 : memref<32x768xf32, #tpu.memory_space<vmem>>)
    %dma_start3A_192 = arith.constant 7 : i32
    %dma_start3A_193 = arith.constant 0 : i32
    %dma_start3A_194 = tpu.memref_slice %arg5[%dma_start3A_192, %dma_start3A_193] : memref<16x32xi32, #tpu.memory_space<vmem>> -> memref<1x32xi32, #tpu.memory_space<vmem>>
    %dma_start3A_195 = tpu.memref_squeeze %dma_start3A_194 : memref<1x32xi32, #tpu.memory_space<vmem>> -> memref<32xi32, #tpu.memory_space<vmem>>
    %dma_start3A_196 = arith.constant 0 : i32
    %dma_start3A_197 = arith.constant 0 : i32
    %dma_start3A_198 = tpu.memref_slice %arg4[%dma_start3A_196, %dma_start3A_197] : memref<24576x768xf32, #tpu.memory_space<hbm>> -> memref<24576x768xf32, #tpu.memory_space<hbm>>
    tpu.enqueue_indirect_dma source(%arg8 : memref<32x768xf32, #tpu.memory_space<vmem>>) target(%dma_start3A_198 : memref<24576x768xf32, #tpu.memory_space<hbm>>) offsets(%dma_start3A_195 : memref<32xi32, #tpu.memory_space<vmem>>) semaphore(%arg18 : memref<!tpu.dma_semaphore, #tpu.memory_space<semaphore_mem>>)
    %dma_wait3A_199 = arith.constant 6 : i32
    %dma_wait3A_200 = arith.constant 0 : i32
    %dma_wait3A_201 = tpu.memref_slice %arg5[%dma_wait3A_199, %dma_wait3A_200] : memref<16x32xi32, #tpu.memory_space<vmem>> -> memref<1x32xi32, #tpu.memory_space<vmem>>
    %dma_wait3A_202 = tpu.memref_squeeze %dma_wait3A_201 : memref<1x32xi32, #tpu.memory_space<vmem>> -> memref<32xi32, #tpu.memory_space<vmem>>
    %dma_wait3A_203 = arith.constant 0 : i32
    %dma_wait3A_204 = arith.constant 0 : i32
    %dma_wait3A_205 = tpu.memref_slice %arg4[%dma_wait3A_203, %dma_wait3A_204] : memref<24576x768xf32, #tpu.memory_space<hbm>> -> memref<24576x768xf32, #tpu.memory_space<hbm>>
    tpu.wait_indirect_dma semaphore(%arg17 : memref<!tpu.dma_semaphore, #tpu.memory_space<semaphore_mem>>) src(%arg7 : memref<32x768xf32, #tpu.memory_space<vmem>>) dst(%dma_wait3A_205 : memref<24576x768xf32, #tpu.memory_space<hbm>>)
    %add3A_206 = arith.constant 352 : i32
    %add3A_207 = arith.addi %add3A_4, %add3A_206 : i32
    %dma_start3A_208 = arith.constant 0 : i32
    %dma_start3A_209 = tpu.memref_slice %arg2[%add3A_207, %dma_start3A_208] : memref<32768x768xf32, #tpu.memory_space<hbm>> -> memref<32x768xf32, #tpu.memory_space<hbm>>
    %dma_start3A_210 = arith.constant 0 : i32
    %dma_start3A_211 = tpu.memref_slice %arg2[%add3A_207, %dma_start3A_210] : memref<32768x768xf32, #tpu.memory_space<hbm>> -> memref<32x768xf32, #tpu.memory_space<hbm>>
    tpu.enqueue_dma source(%dma_start3A_211 : memref<32x768xf32, #tpu.memory_space<hbm>>) target(%arg7 : memref<32x768xf32, #tpu.memory_space<vmem>>) target_semaphore(%arg12 : memref<!tpu.dma_semaphore, #tpu.memory_space<semaphore_mem>>)
    %dma_wait3A_212 = arith.constant 0 : i32
    %dma_wait3A_213 = tpu.memref_slice %arg2[%add3A_135, %dma_wait3A_212] : memref<32768x768xf32, #tpu.memory_space<hbm>> -> memref<32x768xf32, #tpu.memory_space<hbm>>
    %dma_wait3A_214 = arith.constant 0 : i32
    %dma_wait3A_215 = tpu.memref_slice %arg2[%add3A_135, %dma_wait3A_214] : memref<32768x768xf32, #tpu.memory_space<hbm>> -> memref<32x768xf32, #tpu.memory_space<hbm>>
    tpu.wait_dma2 semaphore(%arg14 : memref<!tpu.dma_semaphore, #tpu.memory_space<semaphore_mem>>) src(%dma_wait3A_215 : memref<32x768xf32, #tpu.memory_space<hbm>>) dst(%arg9 : memref<32x768xf32, #tpu.memory_space<vmem>>)
    %dma_start3A_216 = arith.constant 8 : i32
    %dma_start3A_217 = arith.constant 0 : i32
    %dma_start3A_218 = tpu.memref_slice %arg5[%dma_start3A_216, %dma_start3A_217] : memref<16x32xi32, #tpu.memory_space<vmem>> -> memref<1x32xi32, #tpu.memory_space<vmem>>
    %dma_start3A_219 = tpu.memref_squeeze %dma_start3A_218 : memref<1x32xi32, #tpu.memory_space<vmem>> -> memref<32xi32, #tpu.memory_space<vmem>>
    %dma_start3A_220 = arith.constant 0 : i32
    %dma_start3A_221 = arith.constant 0 : i32
    %dma_start3A_222 = tpu.memref_slice %arg4[%dma_start3A_220, %dma_start3A_221] : memref<24576x768xf32, #tpu.memory_space<hbm>> -> memref<24576x768xf32, #tpu.memory_space<hbm>>
    tpu.enqueue_indirect_dma source(%arg9 : memref<32x768xf32, #tpu.memory_space<vmem>>) target(%dma_start3A_222 : memref<24576x768xf32, #tpu.memory_space<hbm>>) offsets(%dma_start3A_219 : memref<32xi32, #tpu.memory_space<vmem>>) semaphore(%arg19 : memref<!tpu.dma_semaphore, #tpu.memory_space<semaphore_mem>>)
    %dma_wait3A_223 = arith.constant 7 : i32
    %dma_wait3A_224 = arith.constant 0 : i32
    %dma_wait3A_225 = tpu.memref_slice %arg5[%dma_wait3A_223, %dma_wait3A_224] : memref<16x32xi32, #tpu.memory_space<vmem>> -> memref<1x32xi32, #tpu.memory_space<vmem>>
    %dma_wait3A_226 = tpu.memref_squeeze %dma_wait3A_225 : memref<1x32xi32, #tpu.memory_space<vmem>> -> memref<32xi32, #tpu.memory_space<vmem>>
    %dma_wait3A_227 = arith.constant 0 : i32
    %dma_wait3A_228 = arith.constant 0 : i32
    %dma_wait3A_229 = tpu.memref_slice %arg4[%dma_wait3A_227, %dma_wait3A_228] : memref<24576x768xf32, #tpu.memory_space<hbm>> -> memref<24576x768xf32, #tpu.memory_space<hbm>>
    tpu.wait_indirect_dma semaphore(%arg18 : memref<!tpu.dma_semaphore, #tpu.memory_space<semaphore_mem>>) src(%arg8 : memref<32x768xf32, #tpu.memory_space<vmem>>) dst(%dma_wait3A_229 : memref<24576x768xf32, #tpu.memory_space<hbm>>)
    %add3A_230 = arith.constant 384 : i32
    %add3A_231 = arith.addi %add3A_4, %add3A_230 : i32
    %dma_start3A_232 = arith.constant 0 : i32
    %dma_start3A_233 = tpu.memref_slice %arg2[%add3A_231, %dma_start3A_232] : memref<32768x768xf32, #tpu.memory_space<hbm>> -> memref<32x768xf32, #tpu.memory_space<hbm>>
    %dma_start3A_234 = arith.constant 0 : i32
    %dma_start3A_235 = tpu.memref_slice %arg2[%add3A_231, %dma_start3A_234] : memref<32768x768xf32, #tpu.memory_space<hbm>> -> memref<32x768xf32, #tpu.memory_space<hbm>>
    tpu.enqueue_dma source(%dma_start3A_235 : memref<32x768xf32, #tpu.memory_space<hbm>>) target(%arg8 : memref<32x768xf32, #tpu.memory_space<vmem>>) target_semaphore(%arg13 : memref<!tpu.dma_semaphore, #tpu.memory_space<semaphore_mem>>)
    %dma_wait3A_236 = arith.constant 0 : i32
    %dma_wait3A_237 = tpu.memref_slice %arg2[%add3A_159, %dma_wait3A_236] : memref<32768x768xf32, #tpu.memory_space<hbm>> -> memref<32x768xf32, #tpu.memory_space<hbm>>
    %dma_wait3A_238 = arith.constant 0 : i32
    %dma_wait3A_239 = tpu.memref_slice %arg2[%add3A_159, %dma_wait3A_238] : memref<32768x768xf32, #tpu.memory_space<hbm>> -> memref<32x768xf32, #tpu.memory_space<hbm>>
    tpu.wait_dma2 semaphore(%arg15 : memref<!tpu.dma_semaphore, #tpu.memory_space<semaphore_mem>>) src(%dma_wait3A_239 : memref<32x768xf32, #tpu.memory_space<hbm>>) dst(%arg10 : memref<32x768xf32, #tpu.memory_space<vmem>>)
    %dma_start3A_240 = arith.constant 9 : i32
    %dma_start3A_241 = arith.constant 0 : i32
    %dma_start3A_242 = tpu.memref_slice %arg5[%dma_start3A_240, %dma_start3A_241] : memref<16x32xi32, #tpu.memory_space<vmem>> -> memref<1x32xi32, #tpu.memory_space<vmem>>
    %dma_start3A_243 = tpu.memref_squeeze %dma_start3A_242 : memref<1x32xi32, #tpu.memory_space<vmem>> -> memref<32xi32, #tpu.memory_space<vmem>>
    %dma_start3A_244 = arith.constant 0 : i32
    %dma_start3A_245 = arith.constant 0 : i32
    %dma_start3A_246 = tpu.memref_slice %arg4[%dma_start3A_244, %dma_start3A_245] : memref<24576x768xf32, #tpu.memory_space<hbm>> -> memref<24576x768xf32, #tpu.memory_space<hbm>>
    tpu.enqueue_indirect_dma source(%arg10 : memref<32x768xf32, #tpu.memory_space<vmem>>) target(%dma_start3A_246 : memref<24576x768xf32, #tpu.memory_space<hbm>>) offsets(%dma_start3A_243 : memref<32xi32, #tpu.memory_space<vmem>>) semaphore(%arg20 : memref<!tpu.dma_semaphore, #tpu.memory_space<semaphore_mem>>)
    %dma_wait3A_247 = arith.constant 8 : i32
    %dma_wait3A_248 = arith.constant 0 : i32
    %dma_wait3A_249 = tpu.memref_slice %arg5[%dma_wait3A_247, %dma_wait3A_248] : memref<16x32xi32, #tpu.memory_space<vmem>> -> memref<1x32xi32, #tpu.memory_space<vmem>>
    %dma_wait3A_250 = tpu.memref_squeeze %dma_wait3A_249 : memref<1x32xi32, #tpu.memory_space<vmem>> -> memref<32xi32, #tpu.memory_space<vmem>>
    %dma_wait3A_251 = arith.constant 0 : i32
    %dma_wait3A_252 = arith.constant 0 : i32
    %dma_wait3A_253 = tpu.memref_slice %arg4[%dma_wait3A_251, %dma_wait3A_252] : memref<24576x768xf32, #tpu.memory_space<hbm>> -> memref<24576x768xf32, #tpu.memory_space<hbm>>
    tpu.wait_indirect_dma semaphore(%arg19 : memref<!tpu.dma_semaphore, #tpu.memory_space<semaphore_mem>>) src(%arg9 : memref<32x768xf32, #tpu.memory_space<vmem>>) dst(%dma_wait3A_253 : memref<24576x768xf32, #tpu.memory_space<hbm>>)
    %add3A_254 = arith.constant 416 : i32
    %add3A_255 = arith.addi %add3A_4, %add3A_254 : i32
    %dma_start3A_256 = arith.constant 0 : i32
    %dma_start3A_257 = tpu.memref_slice %arg2[%add3A_255, %dma_start3A_256] : memref<32768x768xf32, #tpu.memory_space<hbm>> -> memref<32x768xf32, #tpu.memory_space<hbm>>
    %dma_start3A_258 = arith.constant 0 : i32
    %dma_start3A_259 = tpu.memref_slice %arg2[%add3A_255, %dma_start3A_258] : memref<32768x768xf32, #tpu.memory_space<hbm>> -> memref<32x768xf32, #tpu.memory_space<hbm>>
    tpu.enqueue_dma source(%dma_start3A_259 : memref<32x768xf32, #tpu.memory_space<hbm>>) target(%arg9 : memref<32x768xf32, #tpu.memory_space<vmem>>) target_semaphore(%arg14 : memref<!tpu.dma_semaphore, #tpu.memory_space<semaphore_mem>>)
    %dma_wait3A_260 = arith.constant 0 : i32
    %dma_wait3A_261 = tpu.memref_slice %arg2[%add3A_183, %dma_wait3A_260] : memref<32768x768xf32, #tpu.memory_space<hbm>> -> memref<32x768xf32, #tpu.memory_space<hbm>>
    %dma_wait3A_262 = arith.constant 0 : i32
    %dma_wait3A_263 = tpu.memref_slice %arg2[%add3A_183, %dma_wait3A_262] : memref<32768x768xf32, #tpu.memory_space<hbm>> -> memref<32x768xf32, #tpu.memory_space<hbm>>
    tpu.wait_dma2 semaphore(%arg11 : memref<!tpu.dma_semaphore, #tpu.memory_space<semaphore_mem>>) src(%dma_wait3A_263 : memref<32x768xf32, #tpu.memory_space<hbm>>) dst(%arg6 : memref<32x768xf32, #tpu.memory_space<vmem>>)
    %dma_start3A_264 = arith.constant 10 : i32
    %dma_start3A_265 = arith.constant 0 : i32
    %dma_start3A_266 = tpu.memref_slice %arg5[%dma_start3A_264, %dma_start3A_265] : memref<16x32xi32, #tpu.memory_space<vmem>> -> memref<1x32xi32, #tpu.memory_space<vmem>>
    %dma_start3A_267 = tpu.memref_squeeze %dma_start3A_266 : memref<1x32xi32, #tpu.memory_space<vmem>> -> memref<32xi32, #tpu.memory_space<vmem>>
    %dma_start3A_268 = arith.constant 0 : i32
    %dma_start3A_269 = arith.constant 0 : i32
    %dma_start3A_270 = tpu.memref_slice %arg4[%dma_start3A_268, %dma_start3A_269] : memref<24576x768xf32, #tpu.memory_space<hbm>> -> memref<24576x768xf32, #tpu.memory_space<hbm>>
    tpu.enqueue_indirect_dma source(%arg6 : memref<32x768xf32, #tpu.memory_space<vmem>>) target(%dma_start3A_270 : memref<24576x768xf32, #tpu.memory_space<hbm>>) offsets(%dma_start3A_267 : memref<32xi32, #tpu.memory_space<vmem>>) semaphore(%arg16 : memref<!tpu.dma_semaphore, #tpu.memory_space<semaphore_mem>>)
    %dma_wait3A_271 = arith.constant 9 : i32
    %dma_wait3A_272 = arith.constant 0 : i32
    %dma_wait3A_273 = tpu.memref_slice %arg5[%dma_wait3A_271, %dma_wait3A_272] : memref<16x32xi32, #tpu.memory_space<vmem>> -> memref<1x32xi32, #tpu.memory_space<vmem>>
    %dma_wait3A_274 = tpu.memref_squeeze %dma_wait3A_273 : memref<1x32xi32, #tpu.memory_space<vmem>> -> memref<32xi32, #tpu.memory_space<vmem>>
    %dma_wait3A_275 = arith.constant 0 : i32
    %dma_wait3A_276 = arith.constant 0 : i32
    %dma_wait3A_277 = tpu.memref_slice %arg4[%dma_wait3A_275, %dma_wait3A_276] : memref<24576x768xf32, #tpu.memory_space<hbm>> -> memref<24576x768xf32, #tpu.memory_space<hbm>>
    tpu.wait_indirect_dma semaphore(%arg20 : memref<!tpu.dma_semaphore, #tpu.memory_space<semaphore_mem>>) src(%arg10 : memref<32x768xf32, #tpu.memory_space<vmem>>) dst(%dma_wait3A_277 : memref<24576x768xf32, #tpu.memory_space<hbm>>)
    %add3A_278 = arith.constant 448 : i32
    %add3A_279 = arith.addi %add3A_4, %add3A_278 : i32
    %dma_start3A_280 = arith.constant 0 : i32
    %dma_start3A_281 = tpu.memref_slice %arg2[%add3A_279, %dma_start3A_280] : memref<32768x768xf32, #tpu.memory_space<hbm>> -> memref<32x768xf32, #tpu.memory_space<hbm>>
    %dma_start3A_282 = arith.constant 0 : i32
    %dma_start3A_283 = tpu.memref_slice %arg2[%add3A_279, %dma_start3A_282] : memref<32768x768xf32, #tpu.memory_space<hbm>> -> memref<32x768xf32, #tpu.memory_space<hbm>>
    tpu.enqueue_dma source(%dma_start3A_283 : memref<32x768xf32, #tpu.memory_space<hbm>>) target(%arg10 : memref<32x768xf32, #tpu.memory_space<vmem>>) target_semaphore(%arg15 : memref<!tpu.dma_semaphore, #tpu.memory_space<semaphore_mem>>)
    %dma_wait3A_284 = arith.constant 0 : i32
    %dma_wait3A_285 = tpu.memref_slice %arg2[%add3A_207, %dma_wait3A_284] : memref<32768x768xf32, #tpu.memory_space<hbm>> -> memref<32x768xf32, #tpu.memory_space<hbm>>
    %dma_wait3A_286 = arith.constant 0 : i32
    %dma_wait3A_287 = tpu.memref_slice %arg2[%add3A_207, %dma_wait3A_286] : memref<32768x768xf32, #tpu.memory_space<hbm>> -> memref<32x768xf32, #tpu.memory_space<hbm>>
    tpu.wait_dma2 semaphore(%arg12 : memref<!tpu.dma_semaphore, #tpu.memory_space<semaphore_mem>>) src(%dma_wait3A_287 : memref<32x768xf32, #tpu.memory_space<hbm>>) dst(%arg7 : memref<32x768xf32, #tpu.memory_space<vmem>>)
    %dma_start3A_288 = arith.constant 11 : i32
    %dma_start3A_289 = arith.constant 0 : i32
    %dma_start3A_290 = tpu.memref_slice %arg5[%dma_start3A_288, %dma_start3A_289] : memref<16x32xi32, #tpu.memory_space<vmem>> -> memref<1x32xi32, #tpu.memory_space<vmem>>
    %dma_start3A_291 = tpu.memref_squeeze %dma_start3A_290 : memref<1x32xi32, #tpu.memory_space<vmem>> -> memref<32xi32, #tpu.memory_space<vmem>>
    %dma_start3A_292 = arith.constant 0 : i32
    %dma_start3A_293 = arith.constant 0 : i32
    %dma_start3A_294 = tpu.memref_slice %arg4[%dma_start3A_292, %dma_start3A_293] : memref<24576x768xf32, #tpu.memory_space<hbm>> -> memref<24576x768xf32, #tpu.memory_space<hbm>>
    tpu.enqueue_indirect_dma source(%arg7 : memref<32x768xf32, #tpu.memory_space<vmem>>) target(%dma_start3A_294 : memref<24576x768xf32, #tpu.memory_space<hbm>>) offsets(%dma_start3A_291 : memref<32xi32, #tpu.memory_space<vmem>>) semaphore(%arg17 : memref<!tpu.dma_semaphore, #tpu.memory_space<semaphore_mem>>)
    %dma_wait3A_295 = arith.constant 10 : i32
    %dma_wait3A_296 = arith.constant 0 : i32
    %dma_wait3A_297 = tpu.memref_slice %arg5[%dma_wait3A_295, %dma_wait3A_296] : memref<16x32xi32, #tpu.memory_space<vmem>> -> memref<1x32xi32, #tpu.memory_space<vmem>>
    %dma_wait3A_298 = tpu.memref_squeeze %dma_wait3A_297 : memref<1x32xi32, #tpu.memory_space<vmem>> -> memref<32xi32, #tpu.memory_space<vmem>>
    %dma_wait3A_299 = arith.constant 0 : i32
    %dma_wait3A_300 = arith.constant 0 : i32
    %dma_wait3A_301 = tpu.memref_slice %arg4[%dma_wait3A_299, %dma_wait3A_300] : memref<24576x768xf32, #tpu.memory_space<hbm>> -> memref<24576x768xf32, #tpu.memory_space<hbm>>
    tpu.wait_indirect_dma semaphore(%arg16 : memref<!tpu.dma_semaphore, #tpu.memory_space<semaphore_mem>>) src(%arg6 : memref<32x768xf32, #tpu.memory_space<vmem>>) dst(%dma_wait3A_301 : memref<24576x768xf32, #tpu.memory_space<hbm>>)
    %add3A_302 = arith.constant 480 : i32
    %add3A_303 = arith.addi %add3A_4, %add3A_302 : i32
    %dma_start3A_304 = arith.constant 0 : i32
    %dma_start3A_305 = tpu.memref_slice %arg2[%add3A_303, %dma_start3A_304] : memref<32768x768xf32, #tpu.memory_space<hbm>> -> memref<32x768xf32, #tpu.memory_space<hbm>>
    %dma_start3A_306 = arith.constant 0 : i32
    %dma_start3A_307 = tpu.memref_slice %arg2[%add3A_303, %dma_start3A_306] : memref<32768x768xf32, #tpu.memory_space<hbm>> -> memref<32x768xf32, #tpu.memory_space<hbm>>
    tpu.enqueue_dma source(%dma_start3A_307 : memref<32x768xf32, #tpu.memory_space<hbm>>) target(%arg6 : memref<32x768xf32, #tpu.memory_space<vmem>>) target_semaphore(%arg11 : memref<!tpu.dma_semaphore, #tpu.memory_space<semaphore_mem>>)
    %dma_wait3A_308 = arith.constant 0 : i32
    %dma_wait3A_309 = tpu.memref_slice %arg2[%add3A_231, %dma_wait3A_308] : memref<32768x768xf32, #tpu.memory_space<hbm>> -> memref<32x768xf32, #tpu.memory_space<hbm>>
    %dma_wait3A_310 = arith.constant 0 : i32
    %dma_wait3A_311 = tpu.memref_slice %arg2[%add3A_231, %dma_wait3A_310] : memref<32768x768xf32, #tpu.memory_space<hbm>> -> memref<32x768xf32, #tpu.memory_space<hbm>>
    tpu.wait_dma2 semaphore(%arg13 : memref<!tpu.dma_semaphore, #tpu.memory_space<semaphore_mem>>) src(%dma_wait3A_311 : memref<32x768xf32, #tpu.memory_space<hbm>>) dst(%arg8 : memref<32x768xf32, #tpu.memory_space<vmem>>)
    %dma_start3A_312 = arith.constant 12 : i32
    %dma_start3A_313 = arith.constant 0 : i32
    %dma_start3A_314 = tpu.memref_slice %arg5[%dma_start3A_312, %dma_start3A_313] : memref<16x32xi32, #tpu.memory_space<vmem>> -> memref<1x32xi32, #tpu.memory_space<vmem>>
    %dma_start3A_315 = tpu.memref_squeeze %dma_start3A_314 : memref<1x32xi32, #tpu.memory_space<vmem>> -> memref<32xi32, #tpu.memory_space<vmem>>
    %dma_start3A_316 = arith.constant 0 : i32
    %dma_start3A_317 = arith.constant 0 : i32
    %dma_start3A_318 = tpu.memref_slice %arg4[%dma_start3A_316, %dma_start3A_317] : memref<24576x768xf32, #tpu.memory_space<hbm>> -> memref<24576x768xf32, #tpu.memory_space<hbm>>
    tpu.enqueue_indirect_dma source(%arg8 : memref<32x768xf32, #tpu.memory_space<vmem>>) target(%dma_start3A_318 : memref<24576x768xf32, #tpu.memory_space<hbm>>) offsets(%dma_start3A_315 : memref<32xi32, #tpu.memory_space<vmem>>) semaphore(%arg18 : memref<!tpu.dma_semaphore, #tpu.memory_space<semaphore_mem>>)
    %dma_wait3A_319 = arith.constant 0 : i32
    %dma_wait3A_320 = tpu.memref_slice %arg2[%add3A_255, %dma_wait3A_319] : memref<32768x768xf32, #tpu.memory_space<hbm>> -> memref<32x768xf32, #tpu.memory_space<hbm>>
    %dma_wait3A_321 = arith.constant 0 : i32
    %dma_wait3A_322 = tpu.memref_slice %arg2[%add3A_255, %dma_wait3A_321] : memref<32768x768xf32, #tpu.memory_space<hbm>> -> memref<32x768xf32, #tpu.memory_space<hbm>>
    tpu.wait_dma2 semaphore(%arg14 : memref<!tpu.dma_semaphore, #tpu.memory_space<semaphore_mem>>) src(%dma_wait3A_322 : memref<32x768xf32, #tpu.memory_space<hbm>>) dst(%arg9 : memref<32x768xf32, #tpu.memory_space<vmem>>)
    %dma_start3A_323 = arith.constant 13 : i32
    %dma_start3A_324 = arith.constant 0 : i32
    %dma_start3A_325 = tpu.memref_slice %arg5[%dma_start3A_323, %dma_start3A_324] : memref<16x32xi32, #tpu.memory_space<vmem>> -> memref<1x32xi32, #tpu.memory_space<vmem>>
    %dma_start3A_326 = tpu.memref_squeeze %dma_start3A_325 : memref<1x32xi32, #tpu.memory_space<vmem>> -> memref<32xi32, #tpu.memory_space<vmem>>
    %dma_start3A_327 = arith.constant 0 : i32
    %dma_start3A_328 = arith.constant 0 : i32
    %dma_start3A_329 = tpu.memref_slice %arg4[%dma_start3A_327, %dma_start3A_328] : memref<24576x768xf32, #tpu.memory_space<hbm>> -> memref<24576x768xf32, #tpu.memory_space<hbm>>
    tpu.enqueue_indirect_dma source(%arg9 : memref<32x768xf32, #tpu.memory_space<vmem>>) target(%dma_start3A_329 : memref<24576x768xf32, #tpu.memory_space<hbm>>) offsets(%dma_start3A_326 : memref<32xi32, #tpu.memory_space<vmem>>) semaphore(%arg19 : memref<!tpu.dma_semaphore, #tpu.memory_space<semaphore_mem>>)
    %dma_wait3A_330 = arith.constant 0 : i32
    %dma_wait3A_331 = tpu.memref_slice %arg2[%add3A_279, %dma_wait3A_330] : memref<32768x768xf32, #tpu.memory_space<hbm>> -> memref<32x768xf32, #tpu.memory_space<hbm>>
    %dma_wait3A_332 = arith.constant 0 : i32
    %dma_wait3A_333 = tpu.memref_slice %arg2[%add3A_279, %dma_wait3A_332] : memref<32768x768xf32, #tpu.memory_space<hbm>> -> memref<32x768xf32, #tpu.memory_space<hbm>>
    tpu.wait_dma2 semaphore(%arg15 : memref<!tpu.dma_semaphore, #tpu.memory_space<semaphore_mem>>) src(%dma_wait3A_333 : memref<32x768xf32, #tpu.memory_space<hbm>>) dst(%arg10 : memref<32x768xf32, #tpu.memory_space<vmem>>)
    %dma_start3A_334 = arith.constant 14 : i32
    %dma_start3A_335 = arith.constant 0 : i32
    %dma_start3A_336 = tpu.memref_slice %arg5[%dma_start3A_334, %dma_start3A_335] : memref<16x32xi32, #tpu.memory_space<vmem>> -> memref<1x32xi32, #tpu.memory_space<vmem>>
    %dma_start3A_337 = tpu.memref_squeeze %dma_start3A_336 : memref<1x32xi32, #tpu.memory_space<vmem>> -> memref<32xi32, #tpu.memory_space<vmem>>
    %dma_start3A_338 = arith.constant 0 : i32
    %dma_start3A_339 = arith.constant 0 : i32
    %dma_start3A_340 = tpu.memref_slice %arg4[%dma_start3A_338, %dma_start3A_339] : memref<24576x768xf32, #tpu.memory_space<hbm>> -> memref<24576x768xf32, #tpu.memory_space<hbm>>
    tpu.enqueue_indirect_dma source(%arg10 : memref<32x768xf32, #tpu.memory_space<vmem>>) target(%dma_start3A_340 : memref<24576x768xf32, #tpu.memory_space<hbm>>) offsets(%dma_start3A_337 : memref<32xi32, #tpu.memory_space<vmem>>) semaphore(%arg20 : memref<!tpu.dma_semaphore, #tpu.memory_space<semaphore_mem>>)
    %dma_wait3A_341 = arith.constant 0 : i32
    %dma_wait3A_342 = tpu.memref_slice %arg2[%add3A_303, %dma_wait3A_341] : memref<32768x768xf32, #tpu.memory_space<hbm>> -> memref<32x768xf32, #tpu.memory_space<hbm>>
    %dma_wait3A_343 = arith.constant 0 : i32
    %dma_wait3A_344 = tpu.memref_slice %arg2[%add3A_303, %dma_wait3A_343] : memref<32768x768xf32, #tpu.memory_space<hbm>> -> memref<32x768xf32, #tpu.memory_space<hbm>>
    tpu.wait_dma2 semaphore(%arg11 : memref<!tpu.dma_semaphore, #tpu.memory_space<semaphore_mem>>) src(%dma_wait3A_344 : memref<32x768xf32, #tpu.memory_space<hbm>>) dst(%arg6 : memref<32x768xf32, #tpu.memory_space<vmem>>)
    %dma_start3A_345 = arith.constant 15 : i32
    %dma_start3A_346 = arith.constant 0 : i32
    %dma_start3A_347 = tpu.memref_slice %arg5[%dma_start3A_345, %dma_start3A_346] : memref<16x32xi32, #tpu.memory_space<vmem>> -> memref<1x32xi32, #tpu.memory_space<vmem>>
    %dma_start3A_348 = tpu.memref_squeeze %dma_start3A_347 : memref<1x32xi32, #tpu.memory_space<vmem>> -> memref<32xi32, #tpu.memory_space<vmem>>
    %dma_start3A_349 = arith.constant 0 : i32
    %dma_start3A_350 = arith.constant 0 : i32
    %dma_start3A_351 = tpu.memref_slice %arg4[%dma_start3A_349, %dma_start3A_350] : memref<24576x768xf32, #tpu.memory_space<hbm>> -> memref<24576x768xf32, #tpu.memory_space<hbm>>
    tpu.enqueue_indirect_dma source(%arg6 : memref<32x768xf32, #tpu.memory_space<vmem>>) target(%dma_start3A_351 : memref<24576x768xf32, #tpu.memory_space<hbm>>) offsets(%dma_start3A_348 : memref<32xi32, #tpu.memory_space<vmem>>) semaphore(%arg16 : memref<!tpu.dma_semaphore, #tpu.memory_space<semaphore_mem>>)
    %dma_wait3A_352 = arith.constant 11 : i32
    %dma_wait3A_353 = arith.constant 0 : i32
    %dma_wait3A_354 = tpu.memref_slice %arg5[%dma_wait3A_352, %dma_wait3A_353] : memref<16x32xi32, #tpu.memory_space<vmem>> -> memref<1x32xi32, #tpu.memory_space<vmem>>
    %dma_wait3A_355 = tpu.memref_squeeze %dma_wait3A_354 : memref<1x32xi32, #tpu.memory_space<vmem>> -> memref<32xi32, #tpu.memory_space<vmem>>
    %dma_wait3A_356 = arith.constant 0 : i32
    %dma_wait3A_357 = arith.constant 0 : i32
    %dma_wait3A_358 = tpu.memref_slice %arg4[%dma_wait3A_356, %dma_wait3A_357] : memref<24576x768xf32, #tpu.memory_space<hbm>> -> memref<24576x768xf32, #tpu.memory_space<hbm>>
    tpu.wait_indirect_dma semaphore(%arg17 : memref<!tpu.dma_semaphore, #tpu.memory_space<semaphore_mem>>) src(%arg7 : memref<32x768xf32, #tpu.memory_space<vmem>>) dst(%dma_wait3A_358 : memref<24576x768xf32, #tpu.memory_space<hbm>>)
    %dma_wait3A_359 = arith.constant 12 : i32
    %dma_wait3A_360 = arith.constant 0 : i32
    %dma_wait3A_361 = tpu.memref_slice %arg5[%dma_wait3A_359, %dma_wait3A_360] : memref<16x32xi32, #tpu.memory_space<vmem>> -> memref<1x32xi32, #tpu.memory_space<vmem>>
    %dma_wait3A_362 = tpu.memref_squeeze %dma_wait3A_361 : memref<1x32xi32, #tpu.memory_space<vmem>> -> memref<32xi32, #tpu.memory_space<vmem>>
    %dma_wait3A_363 = arith.constant 0 : i32
    %dma_wait3A_364 = arith.constant 0 : i32
    %dma_wait3A_365 = tpu.memref_slice %arg4[%dma_wait3A_363, %dma_wait3A_364] : memref<24576x768xf32, #tpu.memory_space<hbm>> -> memref<24576x768xf32, #tpu.memory_space<hbm>>
    tpu.wait_indirect_dma semaphore(%arg18 : memref<!tpu.dma_semaphore, #tpu.memory_space<semaphore_mem>>) src(%arg8 : memref<32x768xf32, #tpu.memory_space<vmem>>) dst(%dma_wait3A_365 : memref<24576x768xf32, #tpu.memory_space<hbm>>)
    %dma_wait3A_366 = arith.constant 13 : i32
    %dma_wait3A_367 = arith.constant 0 : i32
    %dma_wait3A_368 = tpu.memref_slice %arg5[%dma_wait3A_366, %dma_wait3A_367] : memref<16x32xi32, #tpu.memory_space<vmem>> -> memref<1x32xi32, #tpu.memory_space<vmem>>
    %dma_wait3A_369 = tpu.memref_squeeze %dma_wait3A_368 : memref<1x32xi32, #tpu.memory_space<vmem>> -> memref<32xi32, #tpu.memory_space<vmem>>
    %dma_wait3A_370 = arith.constant 0 : i32
    %dma_wait3A_371 = arith.constant 0 : i32
    %dma_wait3A_372 = tpu.memref_slice %arg4[%dma_wait3A_370, %dma_wait3A_371] : memref<24576x768xf32, #tpu.memory_space<hbm>> -> memref<24576x768xf32, #tpu.memory_space<hbm>>
    tpu.wait_indirect_dma semaphore(%arg19 : memref<!tpu.dma_semaphore, #tpu.memory_space<semaphore_mem>>) src(%arg9 : memref<32x768xf32, #tpu.memory_space<vmem>>) dst(%dma_wait3A_372 : memref<24576x768xf32, #tpu.memory_space<hbm>>)
    %dma_wait3A_373 = arith.constant 14 : i32
    %dma_wait3A_374 = arith.constant 0 : i32
    %dma_wait3A_375 = tpu.memref_slice %arg5[%dma_wait3A_373, %dma_wait3A_374] : memref<16x32xi32, #tpu.memory_space<vmem>> -> memref<1x32xi32, #tpu.memory_space<vmem>>
    %dma_wait3A_376 = tpu.memref_squeeze %dma_wait3A_375 : memref<1x32xi32, #tpu.memory_space<vmem>> -> memref<32xi32, #tpu.memory_space<vmem>>
    %dma_wait3A_377 = arith.constant 0 : i32
    %dma_wait3A_378 = arith.constant 0 : i32
    %dma_wait3A_379 = tpu.memref_slice %arg4[%dma_wait3A_377, %dma_wait3A_378] : memref<24576x768xf32, #tpu.memory_space<hbm>> -> memref<24576x768xf32, #tpu.memory_space<hbm>>
    tpu.wait_indirect_dma semaphore(%arg20 : memref<!tpu.dma_semaphore, #tpu.memory_space<semaphore_mem>>) src(%arg10 : memref<32x768xf32, #tpu.memory_space<vmem>>) dst(%dma_wait3A_379 : memref<24576x768xf32, #tpu.memory_space<hbm>>)
    %dma_wait3A_380 = arith.constant 15 : i32
    %dma_wait3A_381 = arith.constant 0 : i32
    %dma_wait3A_382 = tpu.memref_slice %arg5[%dma_wait3A_380, %dma_wait3A_381] : memref<16x32xi32, #tpu.memory_space<vmem>> -> memref<1x32xi32, #tpu.memory_space<vmem>>
    %dma_wait3A_383 = tpu.memref_squeeze %dma_wait3A_382 : memref<1x32xi32, #tpu.memory_space<vmem>> -> memref<32xi32, #tpu.memory_space<vmem>>
    %dma_wait3A_384 = arith.constant 0 : i32
    %dma_wait3A_385 = arith.constant 0 : i32
    %dma_wait3A_386 = tpu.memref_slice %arg4[%dma_wait3A_384, %dma_wait3A_385] : memref<24576x768xf32, #tpu.memory_space<hbm>> -> memref<24576x768xf32, #tpu.memory_space<hbm>>
    tpu.wait_indirect_dma semaphore(%arg16 : memref<!tpu.dma_semaphore, #tpu.memory_space<semaphore_mem>>) src(%arg6 : memref<32x768xf32, #tpu.memory_space<vmem>>) dst(%dma_wait3A_386 : memref<24576x768xf32, #tpu.memory_space<hbm>>)
    return
  }
}

#map = affine_map<(d0, d1) -> (0, 0)>
#map1 = affine_map<(d0, d1) -> (0, 0, 0)>
module attributes {stable_mosaic.version = 14 : i64} {
  func.func @gather_y(%arg0: i32, %arg1: i32, %arg2: memref<24576x128xf32, #tpu.memory_space<hbm>>, %arg3: memref<32x4x128xi32, #tpu.memory_space<hbm>>, %arg4: memref<16384x128xf32, #tpu.memory_space<hbm>>, %arg5: memref<4x128xi32, #tpu.memory_space<vmem>>, %arg6: memref<128x128xf32, #tpu.memory_space<vmem>>, %arg7: memref<128x128xf32, #tpu.memory_space<vmem>>, %arg8: memref<128x128xf32, #tpu.memory_space<vmem>>, %arg9: memref<128x128xf32, #tpu.memory_space<vmem>>, %arg10: memref<!tpu.dma_semaphore, #tpu.memory_space<semaphore_mem>>, %arg11: memref<!tpu.dma_semaphore, #tpu.memory_space<semaphore_mem>>, %arg12: memref<!tpu.dma_semaphore, #tpu.memory_space<semaphore_mem>>, %arg13: memref<!tpu.dma_semaphore, #tpu.memory_space<semaphore_mem>>) attributes {dimension_semantics = [#tpu.dimension_semantics<core_parallel>, #tpu.dimension_semantics<subcore_parallel>], iteration_bounds = array<i64: 2, 16>, scalar_prefetch = 0 : i64, scratch_operands = 9 : i64, tpu.core_type = #tpu.core_type<sc_vector_subcore>, window_params = [{transform_indices = #map}, {transform_indices = #map1}, {transform_indices = #map}]} {
    %mul3A = arith.constant 2 : i32
    %mul3A_0 = arith.muli %arg1, %mul3A : i32
    %add3A = arith.addi %mul3A_0, %arg0 : i32
    %mul3A_1 = arith.constant 512 : i32
    %mul3A_2 = arith.muli %add3A, %mul3A_1 : i32
    "tpu.region"() ({
      %run_scoped3A = tpu.sem_alloc : memref<!tpu.dma_semaphore, #tpu.memory_space<semaphore_mem>>
      %dma_start3A_65 = arith.constant 0 : i32
      %dma_start3A_66 = arith.constant 0 : i32
      %dma_start3A_67 = tpu.memref_slice %arg3[%add3A, %dma_start3A_65, %dma_start3A_66] : memref<32x4x128xi32, #tpu.memory_space<hbm>> -> memref<1x4x128xi32, #tpu.memory_space<hbm>>
      %dma_start3A_68 = tpu.memref_squeeze %dma_start3A_67 : memref<1x4x128xi32, #tpu.memory_space<hbm>> -> memref<4x128xi32, #tpu.memory_space<hbm>>
      %dma_start3A_69 = arith.constant 0 : i32
      %dma_start3A_70 = arith.constant 0 : i32
      %dma_start3A_71 = tpu.memref_slice %arg3[%add3A, %dma_start3A_69, %dma_start3A_70] : memref<32x4x128xi32, #tpu.memory_space<hbm>> -> memref<1x4x128xi32, #tpu.memory_space<hbm>>
      %dma_start3A_72 = tpu.memref_squeeze %dma_start3A_71 : memref<1x4x128xi32, #tpu.memory_space<hbm>> -> memref<4x128xi32, #tpu.memory_space<hbm>>
      tpu.enqueue_dma source(%dma_start3A_72 : memref<4x128xi32, #tpu.memory_space<hbm>>) target(%arg5 : memref<4x128xi32, #tpu.memory_space<vmem>>) target_semaphore(%run_scoped3A : memref<!tpu.dma_semaphore, #tpu.memory_space<semaphore_mem>>)
      %dma_wait3A_73 = arith.constant 0 : i32
      %dma_wait3A_74 = arith.constant 0 : i32
      %dma_wait3A_75 = tpu.memref_slice %arg3[%add3A, %dma_wait3A_73, %dma_wait3A_74] : memref<32x4x128xi32, #tpu.memory_space<hbm>> -> memref<1x4x128xi32, #tpu.memory_space<hbm>>
      %dma_wait3A_76 = tpu.memref_squeeze %dma_wait3A_75 : memref<1x4x128xi32, #tpu.memory_space<hbm>> -> memref<4x128xi32, #tpu.memory_space<hbm>>
      %dma_wait3A_77 = arith.constant 0 : i32
      %dma_wait3A_78 = arith.constant 0 : i32
      %dma_wait3A_79 = tpu.memref_slice %arg3[%add3A, %dma_wait3A_77, %dma_wait3A_78] : memref<32x4x128xi32, #tpu.memory_space<hbm>> -> memref<1x4x128xi32, #tpu.memory_space<hbm>>
      %dma_wait3A_80 = tpu.memref_squeeze %dma_wait3A_79 : memref<1x4x128xi32, #tpu.memory_space<hbm>> -> memref<4x128xi32, #tpu.memory_space<hbm>>
      tpu.wait_dma2 semaphore(%run_scoped3A : memref<!tpu.dma_semaphore, #tpu.memory_space<semaphore_mem>>) src(%dma_wait3A_80 : memref<4x128xi32, #tpu.memory_space<hbm>>) dst(%arg5 : memref<4x128xi32, #tpu.memory_space<vmem>>)
      tpu.yield
    }) : () -> ()
    %dma_start3A = arith.constant 0 : i32
    %dma_start3A_3 = arith.constant 0 : i32
    %dma_start3A_4 = tpu.memref_slice %arg5[%dma_start3A, %dma_start3A_3] : memref<4x128xi32, #tpu.memory_space<vmem>> -> memref<1x128xi32, #tpu.memory_space<vmem>>
    %dma_start3A_5 = tpu.memref_squeeze %dma_start3A_4 : memref<1x128xi32, #tpu.memory_space<vmem>> -> memref<128xi32, #tpu.memory_space<vmem>>
    %dma_start3A_6 = arith.constant 0 : i32
    %dma_start3A_7 = arith.constant 0 : i32
    %dma_start3A_8 = tpu.memref_slice %arg2[%dma_start3A_6, %dma_start3A_7] : memref<24576x128xf32, #tpu.memory_space<hbm>> -> memref<24576x128xf32, #tpu.memory_space<hbm>>
    tpu.enqueue_indirect_dma source(%dma_start3A_8 : memref<24576x128xf32, #tpu.memory_space<hbm>>) target(%arg6 : memref<128x128xf32, #tpu.memory_space<vmem>>) offsets(%dma_start3A_5 : memref<128xi32, #tpu.memory_space<vmem>>) semaphore(%arg10 : memref<!tpu.dma_semaphore, #tpu.memory_space<semaphore_mem>>)
    %dma_start3A_9 = arith.constant 1 : i32
    %dma_start3A_10 = arith.constant 0 : i32
    %dma_start3A_11 = tpu.memref_slice %arg5[%dma_start3A_9, %dma_start3A_10] : memref<4x128xi32, #tpu.memory_space<vmem>> -> memref<1x128xi32, #tpu.memory_space<vmem>>
    %dma_start3A_12 = tpu.memref_squeeze %dma_start3A_11 : memref<1x128xi32, #tpu.memory_space<vmem>> -> memref<128xi32, #tpu.memory_space<vmem>>
    %dma_start3A_13 = arith.constant 0 : i32
    %dma_start3A_14 = arith.constant 0 : i32
    %dma_start3A_15 = tpu.memref_slice %arg2[%dma_start3A_13, %dma_start3A_14] : memref<24576x128xf32, #tpu.memory_space<hbm>> -> memref<24576x128xf32, #tpu.memory_space<hbm>>
    tpu.enqueue_indirect_dma source(%dma_start3A_15 : memref<24576x128xf32, #tpu.memory_space<hbm>>) target(%arg7 : memref<128x128xf32, #tpu.memory_space<vmem>>) offsets(%dma_start3A_12 : memref<128xi32, #tpu.memory_space<vmem>>) semaphore(%arg11 : memref<!tpu.dma_semaphore, #tpu.memory_space<semaphore_mem>>)
    %dma_start3A_16 = arith.constant 2 : i32
    %dma_start3A_17 = arith.constant 0 : i32
    %dma_start3A_18 = tpu.memref_slice %arg5[%dma_start3A_16, %dma_start3A_17] : memref<4x128xi32, #tpu.memory_space<vmem>> -> memref<1x128xi32, #tpu.memory_space<vmem>>
    %dma_start3A_19 = tpu.memref_squeeze %dma_start3A_18 : memref<1x128xi32, #tpu.memory_space<vmem>> -> memref<128xi32, #tpu.memory_space<vmem>>
    %dma_start3A_20 = arith.constant 0 : i32
    %dma_start3A_21 = arith.constant 0 : i32
    %dma_start3A_22 = tpu.memref_slice %arg2[%dma_start3A_20, %dma_start3A_21] : memref<24576x128xf32, #tpu.memory_space<hbm>> -> memref<24576x128xf32, #tpu.memory_space<hbm>>
    tpu.enqueue_indirect_dma source(%dma_start3A_22 : memref<24576x128xf32, #tpu.memory_space<hbm>>) target(%arg8 : memref<128x128xf32, #tpu.memory_space<vmem>>) offsets(%dma_start3A_19 : memref<128xi32, #tpu.memory_space<vmem>>) semaphore(%arg12 : memref<!tpu.dma_semaphore, #tpu.memory_space<semaphore_mem>>)
    %dma_start3A_23 = arith.constant 3 : i32
    %dma_start3A_24 = arith.constant 0 : i32
    %dma_start3A_25 = tpu.memref_slice %arg5[%dma_start3A_23, %dma_start3A_24] : memref<4x128xi32, #tpu.memory_space<vmem>> -> memref<1x128xi32, #tpu.memory_space<vmem>>
    %dma_start3A_26 = tpu.memref_squeeze %dma_start3A_25 : memref<1x128xi32, #tpu.memory_space<vmem>> -> memref<128xi32, #tpu.memory_space<vmem>>
    %dma_start3A_27 = arith.constant 0 : i32
    %dma_start3A_28 = arith.constant 0 : i32
    %dma_start3A_29 = tpu.memref_slice %arg2[%dma_start3A_27, %dma_start3A_28] : memref<24576x128xf32, #tpu.memory_space<hbm>> -> memref<24576x128xf32, #tpu.memory_space<hbm>>
    tpu.enqueue_indirect_dma source(%dma_start3A_29 : memref<24576x128xf32, #tpu.memory_space<hbm>>) target(%arg9 : memref<128x128xf32, #tpu.memory_space<vmem>>) offsets(%dma_start3A_26 : memref<128xi32, #tpu.memory_space<vmem>>) semaphore(%arg13 : memref<!tpu.dma_semaphore, #tpu.memory_space<semaphore_mem>>)
    %dma_wait3A = arith.constant 0 : i32
    %dma_wait3A_30 = arith.constant 0 : i32
    %dma_wait3A_31 = tpu.memref_slice %arg5[%dma_wait3A, %dma_wait3A_30] : memref<4x128xi32, #tpu.memory_space<vmem>> -> memref<1x128xi32, #tpu.memory_space<vmem>>
    %dma_wait3A_32 = tpu.memref_squeeze %dma_wait3A_31 : memref<1x128xi32, #tpu.memory_space<vmem>> -> memref<128xi32, #tpu.memory_space<vmem>>
    %dma_wait3A_33 = arith.constant 0 : i32
    %dma_wait3A_34 = arith.constant 0 : i32
    %dma_wait3A_35 = tpu.memref_slice %arg2[%dma_wait3A_33, %dma_wait3A_34] : memref<24576x128xf32, #tpu.memory_space<hbm>> -> memref<24576x128xf32, #tpu.memory_space<hbm>>
    tpu.wait_indirect_dma semaphore(%arg10 : memref<!tpu.dma_semaphore, #tpu.memory_space<semaphore_mem>>) src(%dma_wait3A_35 : memref<24576x128xf32, #tpu.memory_space<hbm>>) dst(%arg6 : memref<128x128xf32, #tpu.memory_space<vmem>>)
    %add3A_36 = arith.constant 0 : i32
    %add3A_37 = arith.addi %mul3A_2, %add3A_36 : i32
    "tpu.region"() ({
      %run_scoped3A = tpu.sem_alloc : memref<!tpu.dma_semaphore, #tpu.memory_space<semaphore_mem>>
      %dma_start3A_65 = arith.constant 0 : i32
      %dma_start3A_66 = tpu.memref_slice %arg4[%add3A_37, %dma_start3A_65] : memref<16384x128xf32, #tpu.memory_space<hbm>> -> memref<128x128xf32, #tpu.memory_space<hbm>>
      %dma_start3A_67 = arith.constant 0 : i32
      %dma_start3A_68 = tpu.memref_slice %arg4[%add3A_37, %dma_start3A_67] : memref<16384x128xf32, #tpu.memory_space<hbm>> -> memref<128x128xf32, #tpu.memory_space<hbm>>
      tpu.enqueue_dma source(%arg6 : memref<128x128xf32, #tpu.memory_space<vmem>>) target(%dma_start3A_68 : memref<128x128xf32, #tpu.memory_space<hbm>>) target_semaphore(%run_scoped3A : memref<!tpu.dma_semaphore, #tpu.memory_space<semaphore_mem>>)
      %dma_wait3A_69 = arith.constant 0 : i32
      %dma_wait3A_70 = tpu.memref_slice %arg4[%add3A_37, %dma_wait3A_69] : memref<16384x128xf32, #tpu.memory_space<hbm>> -> memref<128x128xf32, #tpu.memory_space<hbm>>
      %dma_wait3A_71 = arith.constant 0 : i32
      %dma_wait3A_72 = tpu.memref_slice %arg4[%add3A_37, %dma_wait3A_71] : memref<16384x128xf32, #tpu.memory_space<hbm>> -> memref<128x128xf32, #tpu.memory_space<hbm>>
      tpu.wait_dma2 semaphore(%run_scoped3A : memref<!tpu.dma_semaphore, #tpu.memory_space<semaphore_mem>>) src(%arg6 : memref<128x128xf32, #tpu.memory_space<vmem>>) dst(%dma_wait3A_72 : memref<128x128xf32, #tpu.memory_space<hbm>>)
      tpu.yield
    }) : () -> ()
    %dma_wait3A_38 = arith.constant 1 : i32
    %dma_wait3A_39 = arith.constant 0 : i32
    %dma_wait3A_40 = tpu.memref_slice %arg5[%dma_wait3A_38, %dma_wait3A_39] : memref<4x128xi32, #tpu.memory_space<vmem>> -> memref<1x128xi32, #tpu.memory_space<vmem>>
    %dma_wait3A_41 = tpu.memref_squeeze %dma_wait3A_40 : memref<1x128xi32, #tpu.memory_space<vmem>> -> memref<128xi32, #tpu.memory_space<vmem>>
    %dma_wait3A_42 = arith.constant 0 : i32
    %dma_wait3A_43 = arith.constant 0 : i32
    %dma_wait3A_44 = tpu.memref_slice %arg2[%dma_wait3A_42, %dma_wait3A_43] : memref<24576x128xf32, #tpu.memory_space<hbm>> -> memref<24576x128xf32, #tpu.memory_space<hbm>>
    tpu.wait_indirect_dma semaphore(%arg11 : memref<!tpu.dma_semaphore, #tpu.memory_space<semaphore_mem>>) src(%dma_wait3A_44 : memref<24576x128xf32, #tpu.memory_space<hbm>>) dst(%arg7 : memref<128x128xf32, #tpu.memory_space<vmem>>)
    %add3A_45 = arith.constant 128 : i32
    %add3A_46 = arith.addi %mul3A_2, %add3A_45 : i32
    "tpu.region"() ({
      %run_scoped3A = tpu.sem_alloc : memref<!tpu.dma_semaphore, #tpu.memory_space<semaphore_mem>>
      %dma_start3A_65 = arith.constant 0 : i32
      %dma_start3A_66 = tpu.memref_slice %arg4[%add3A_46, %dma_start3A_65] : memref<16384x128xf32, #tpu.memory_space<hbm>> -> memref<128x128xf32, #tpu.memory_space<hbm>>
      %dma_start3A_67 = arith.constant 0 : i32
      %dma_start3A_68 = tpu.memref_slice %arg4[%add3A_46, %dma_start3A_67] : memref<16384x128xf32, #tpu.memory_space<hbm>> -> memref<128x128xf32, #tpu.memory_space<hbm>>
      tpu.enqueue_dma source(%arg7 : memref<128x128xf32, #tpu.memory_space<vmem>>) target(%dma_start3A_68 : memref<128x128xf32, #tpu.memory_space<hbm>>) target_semaphore(%run_scoped3A : memref<!tpu.dma_semaphore, #tpu.memory_space<semaphore_mem>>)
      %dma_wait3A_69 = arith.constant 0 : i32
      %dma_wait3A_70 = tpu.memref_slice %arg4[%add3A_46, %dma_wait3A_69] : memref<16384x128xf32, #tpu.memory_space<hbm>> -> memref<128x128xf32, #tpu.memory_space<hbm>>
      %dma_wait3A_71 = arith.constant 0 : i32
      %dma_wait3A_72 = tpu.memref_slice %arg4[%add3A_46, %dma_wait3A_71] : memref<16384x128xf32, #tpu.memory_space<hbm>> -> memref<128x128xf32, #tpu.memory_space<hbm>>
      tpu.wait_dma2 semaphore(%run_scoped3A : memref<!tpu.dma_semaphore, #tpu.memory_space<semaphore_mem>>) src(%arg7 : memref<128x128xf32, #tpu.memory_space<vmem>>) dst(%dma_wait3A_72 : memref<128x128xf32, #tpu.memory_space<hbm>>)
      tpu.yield
    }) : () -> ()
    %dma_wait3A_47 = arith.constant 2 : i32
    %dma_wait3A_48 = arith.constant 0 : i32
    %dma_wait3A_49 = tpu.memref_slice %arg5[%dma_wait3A_47, %dma_wait3A_48] : memref<4x128xi32, #tpu.memory_space<vmem>> -> memref<1x128xi32, #tpu.memory_space<vmem>>
    %dma_wait3A_50 = tpu.memref_squeeze %dma_wait3A_49 : memref<1x128xi32, #tpu.memory_space<vmem>> -> memref<128xi32, #tpu.memory_space<vmem>>
    %dma_wait3A_51 = arith.constant 0 : i32
    %dma_wait3A_52 = arith.constant 0 : i32
    %dma_wait3A_53 = tpu.memref_slice %arg2[%dma_wait3A_51, %dma_wait3A_52] : memref<24576x128xf32, #tpu.memory_space<hbm>> -> memref<24576x128xf32, #tpu.memory_space<hbm>>
    tpu.wait_indirect_dma semaphore(%arg12 : memref<!tpu.dma_semaphore, #tpu.memory_space<semaphore_mem>>) src(%dma_wait3A_53 : memref<24576x128xf32, #tpu.memory_space<hbm>>) dst(%arg8 : memref<128x128xf32, #tpu.memory_space<vmem>>)
    %add3A_54 = arith.constant 256 : i32
    %add3A_55 = arith.addi %mul3A_2, %add3A_54 : i32
    "tpu.region"() ({
      %run_scoped3A = tpu.sem_alloc : memref<!tpu.dma_semaphore, #tpu.memory_space<semaphore_mem>>
      %dma_start3A_65 = arith.constant 0 : i32
      %dma_start3A_66 = tpu.memref_slice %arg4[%add3A_55, %dma_start3A_65] : memref<16384x128xf32, #tpu.memory_space<hbm>> -> memref<128x128xf32, #tpu.memory_space<hbm>>
      %dma_start3A_67 = arith.constant 0 : i32
      %dma_start3A_68 = tpu.memref_slice %arg4[%add3A_55, %dma_start3A_67] : memref<16384x128xf32, #tpu.memory_space<hbm>> -> memref<128x128xf32, #tpu.memory_space<hbm>>
      tpu.enqueue_dma source(%arg8 : memref<128x128xf32, #tpu.memory_space<vmem>>) target(%dma_start3A_68 : memref<128x128xf32, #tpu.memory_space<hbm>>) target_semaphore(%run_scoped3A : memref<!tpu.dma_semaphore, #tpu.memory_space<semaphore_mem>>)
      %dma_wait3A_69 = arith.constant 0 : i32
      %dma_wait3A_70 = tpu.memref_slice %arg4[%add3A_55, %dma_wait3A_69] : memref<16384x128xf32, #tpu.memory_space<hbm>> -> memref<128x128xf32, #tpu.memory_space<hbm>>
      %dma_wait3A_71 = arith.constant 0 : i32
      %dma_wait3A_72 = tpu.memref_slice %arg4[%add3A_55, %dma_wait3A_71] : memref<16384x128xf32, #tpu.memory_space<hbm>> -> memref<128x128xf32, #tpu.memory_space<hbm>>
      tpu.wait_dma2 semaphore(%run_scoped3A : memref<!tpu.dma_semaphore, #tpu.memory_space<semaphore_mem>>) src(%arg8 : memref<128x128xf32, #tpu.memory_space<vmem>>) dst(%dma_wait3A_72 : memref<128x128xf32, #tpu.memory_space<hbm>>)
      tpu.yield
    }) : () -> ()
    %dma_wait3A_56 = arith.constant 3 : i32
    %dma_wait3A_57 = arith.constant 0 : i32
    %dma_wait3A_58 = tpu.memref_slice %arg5[%dma_wait3A_56, %dma_wait3A_57] : memref<4x128xi32, #tpu.memory_space<vmem>> -> memref<1x128xi32, #tpu.memory_space<vmem>>
    %dma_wait3A_59 = tpu.memref_squeeze %dma_wait3A_58 : memref<1x128xi32, #tpu.memory_space<vmem>> -> memref<128xi32, #tpu.memory_space<vmem>>
    %dma_wait3A_60 = arith.constant 0 : i32
    %dma_wait3A_61 = arith.constant 0 : i32
    %dma_wait3A_62 = tpu.memref_slice %arg2[%dma_wait3A_60, %dma_wait3A_61] : memref<24576x128xf32, #tpu.memory_space<hbm>> -> memref<24576x128xf32, #tpu.memory_space<hbm>>
    tpu.wait_indirect_dma semaphore(%arg13 : memref<!tpu.dma_semaphore, #tpu.memory_space<semaphore_mem>>) src(%dma_wait3A_62 : memref<24576x128xf32, #tpu.memory_space<hbm>>) dst(%arg9 : memref<128x128xf32, #tpu.memory_space<vmem>>)
    %add3A_63 = arith.constant 384 : i32
    %add3A_64 = arith.addi %mul3A_2, %add3A_63 : i32
    "tpu.region"() ({
      %run_scoped3A = tpu.sem_alloc : memref<!tpu.dma_semaphore, #tpu.memory_space<semaphore_mem>>
      %dma_start3A_65 = arith.constant 0 : i32
      %dma_start3A_66 = tpu.memref_slice %arg4[%add3A_64, %dma_start3A_65] : memref<16384x128xf32, #tpu.memory_space<hbm>> -> memref<128x128xf32, #tpu.memory_space<hbm>>
      %dma_start3A_67 = arith.constant 0 : i32
      %dma_start3A_68 = tpu.memref_slice %arg4[%add3A_64, %dma_start3A_67] : memref<16384x128xf32, #tpu.memory_space<hbm>> -> memref<128x128xf32, #tpu.memory_space<hbm>>
      tpu.enqueue_dma source(%arg9 : memref<128x128xf32, #tpu.memory_space<vmem>>) target(%dma_start3A_68 : memref<128x128xf32, #tpu.memory_space<hbm>>) target_semaphore(%run_scoped3A : memref<!tpu.dma_semaphore, #tpu.memory_space<semaphore_mem>>)
      %dma_wait3A_69 = arith.constant 0 : i32
      %dma_wait3A_70 = tpu.memref_slice %arg4[%add3A_64, %dma_wait3A_69] : memref<16384x128xf32, #tpu.memory_space<hbm>> -> memref<128x128xf32, #tpu.memory_space<hbm>>
      %dma_wait3A_71 = arith.constant 0 : i32
      %dma_wait3A_72 = tpu.memref_slice %arg4[%add3A_64, %dma_wait3A_71] : memref<16384x128xf32, #tpu.memory_space<hbm>> -> memref<128x128xf32, #tpu.memory_space<hbm>>
      tpu.wait_dma2 semaphore(%run_scoped3A : memref<!tpu.dma_semaphore, #tpu.memory_space<semaphore_mem>>) src(%arg9 : memref<128x128xf32, #tpu.memory_space<vmem>>) dst(%dma_wait3A_72 : memref<128x128xf32, #tpu.memory_space<hbm>>)
      tpu.yield
    }) : () -> ()
    return
  }
}

module attributes {stable_mosaic.version = 14 : i64} {
  func.func @_route_body(%arg0: memref<256x128xf32, #tpu.memory_space<vmem>>, %arg1: memref<7xf32, #tpu.memory_space<smem>>, %arg2: memref<256x128xi32, #tpu.memory_space<vmem>>, %arg3: memref<2x256xi32, #tpu.memory_space<vmem>>, %arg4: memref<2x256xi32, #tpu.memory_space<vmem>>) attributes {dimension_semantics = [], scalar_prefetch = 0 : i64, scratch_operands = 0 : i64, tpu.core_type = #tpu.core_type<tc>} {
    %get3A = arith.constant 0 : index
    %get3A_0 = arith.constant 0 : index
    %get3A_1 = vector.load %arg0[%get3A, %get3A_0] : memref<256x128xf32, #tpu.memory_space<vmem>>, vector<256x128xf32>
    %broadcast_in_dim3A = arith.constant 0 : i32
    %broadcast_in_dim3A_2 = vector.broadcast %broadcast_in_dim3A : i32 to vector<256x128xi32>
    %get3A_3 = arith.constant 0 : index
    %get3A_4 = memref.load %arg1[%get3A_3] : memref<7xf32, #tpu.memory_space<smem>>
    %gt3A = vector.broadcast %get3A_4 : f32 to vector<256x128xf32>
    %gt3A_5 = arith.cmpf ogt, %get3A_1, %gt3A : vector<256x128xf32>
    %convert_element_type3A = arith.extui %gt3A_5 : vector<256x128xi1> to vector<256x128xi32>
    %add3A = arith.addi %broadcast_in_dim3A_2, %convert_element_type3A : vector<256x128xi32>
    %get3A_6 = arith.constant 1 : index
    %get3A_7 = memref.load %arg1[%get3A_6] : memref<7xf32, #tpu.memory_space<smem>>
    %gt3A_8 = vector.broadcast %get3A_7 : f32 to vector<256x128xf32>
    %gt3A_9 = arith.cmpf ogt, %get3A_1, %gt3A_8 : vector<256x128xf32>
    %convert_element_type3A_10 = arith.extui %gt3A_9 : vector<256x128xi1> to vector<256x128xi32>
    %add3A_11 = arith.addi %add3A, %convert_element_type3A_10 : vector<256x128xi32>
    %get3A_12 = arith.constant 2 : index
    %get3A_13 = memref.load %arg1[%get3A_12] : memref<7xf32, #tpu.memory_space<smem>>
    %gt3A_14 = vector.broadcast %get3A_13 : f32 to vector<256x128xf32>
    %gt3A_15 = arith.cmpf ogt, %get3A_1, %gt3A_14 : vector<256x128xf32>
    %convert_element_type3A_16 = arith.extui %gt3A_15 : vector<256x128xi1> to vector<256x128xi32>
    %add3A_17 = arith.addi %add3A_11, %convert_element_type3A_16 : vector<256x128xi32>
    %get3A_18 = arith.constant 3 : index
    %get3A_19 = memref.load %arg1[%get3A_18] : memref<7xf32, #tpu.memory_space<smem>>
    %gt3A_20 = vector.broadcast %get3A_19 : f32 to vector<256x128xf32>
    %gt3A_21 = arith.cmpf ogt, %get3A_1, %gt3A_20 : vector<256x128xf32>
    %convert_element_type3A_22 = arith.extui %gt3A_21 : vector<256x128xi1> to vector<256x128xi32>
    %add3A_23 = arith.addi %add3A_17, %convert_element_type3A_22 : vector<256x128xi32>
    %get3A_24 = arith.constant 4 : index
    %get3A_25 = memref.load %arg1[%get3A_24] : memref<7xf32, #tpu.memory_space<smem>>
    %gt3A_26 = vector.broadcast %get3A_25 : f32 to vector<256x128xf32>
    %gt3A_27 = arith.cmpf ogt, %get3A_1, %gt3A_26 : vector<256x128xf32>
    %convert_element_type3A_28 = arith.extui %gt3A_27 : vector<256x128xi1> to vector<256x128xi32>
    %add3A_29 = arith.addi %add3A_23, %convert_element_type3A_28 : vector<256x128xi32>
    %get3A_30 = arith.constant 5 : index
    %get3A_31 = memref.load %arg1[%get3A_30] : memref<7xf32, #tpu.memory_space<smem>>
    %gt3A_32 = vector.broadcast %get3A_31 : f32 to vector<256x128xf32>
    %gt3A_33 = arith.cmpf ogt, %get3A_1, %gt3A_32 : vector<256x128xf32>
    %convert_element_type3A_34 = arith.extui %gt3A_33 : vector<256x128xi1> to vector<256x128xi32>
    %add3A_35 = arith.addi %add3A_29, %convert_element_type3A_34 : vector<256x128xi32>
    %get3A_36 = arith.constant 6 : index
    %get3A_37 = memref.load %arg1[%get3A_36] : memref<7xf32, #tpu.memory_space<smem>>
    %gt3A_38 = vector.broadcast %get3A_37 : f32 to vector<256x128xf32>
    %gt3A_39 = arith.cmpf ogt, %get3A_1, %gt3A_38 : vector<256x128xf32>
    %convert_element_type3A_40 = arith.extui %gt3A_39 : vector<256x128xi1> to vector<256x128xi32>
    %add3A_41 = arith.addi %add3A_35, %convert_element_type3A_40 : vector<256x128xi32>
    %iota3A = tpu.iota {dimensions = array<i32: 0>} : vector<128x128xi32>
    %iota3A_42 = tpu.iota {dimensions = array<i32: 1>} : vector<128x128xi32>
    %le3A = arith.cmpi sle, %iota3A, %iota3A_42 : vector<128x128xi32>
    %convert_element_type3A_43 = arith.extui %le3A : vector<128x128xi1> to vector<128x128xi32>
    %convert_element_type3A_44 = arith.sitofp %convert_element_type3A_43 : vector<128x128xi32> to vector<128x128xf32>
    %iota3A_45 = tpu.iota {dimensions = array<i32: 0>} : vector<128x128xi32>
    %iota3A_46 = tpu.iota {dimensions = array<i32: 1>} : vector<128x128xi32>
    %lt3A = arith.cmpi slt, %iota3A_46, %iota3A_45 : vector<128x128xi32>
    %convert_element_type3A_47 = arith.extui %lt3A : vector<128x128xi1> to vector<128x128xi32>
    %convert_element_type3A_48 = arith.sitofp %convert_element_type3A_47 : vector<128x128xi32> to vector<128x128xf32>
    %iota3A_49 = tpu.iota {dimensions = array<i32: 1>} : vector<1x256xi32>
    %slice3A = vector.extract_strided_slice %add3A_41 {offsets = [0, 0], sizes = [128, 128], strides = [1, 1]} : vector<256x128xi32> to vector<128x128xi32>
    %broadcast_in_dim3A_50 = arith.constant 0.000000e+00 : f32
    %broadcast_in_dim3A_51 = vector.broadcast %broadcast_in_dim3A_50 : f32 to vector<128x128xf32>
    %broadcast_in_dim3A_52 = arith.constant -1 : i32
    %broadcast_in_dim3A_53 = vector.broadcast %broadcast_in_dim3A_52 : i32 to vector<1x256xi32>
    %eq3A = arith.constant 0 : i32
    %eq3A_54 = vector.broadcast %eq3A : i32 to vector<128x128xi32>
    %eq3A_55 = arith.cmpi eq, %slice3A, %eq3A_54 : vector<128x128xi32>
    %convert_element_type3A_56 = arith.extui %eq3A_55 : vector<128x128xi1> to vector<128x128xi32>
    %convert_element_type3A_57 = arith.sitofp %convert_element_type3A_56 : vector<128x128xi32> to vector<128x128xf32>
    %dot_general3A = arith.constant dense<0.000000e+00> : vector<128x128xf32>
    %dot_general3A_58 = tpu.matmul %convert_element_type3A_57, %convert_element_type3A_44, %dot_general3A {dimension_numbers = #tpu.dot_dimension_numbers<[1], [0], [0], [1], [0, 0, 1, 1], [], []>, transpose_lhs_hint = false} : vector<128x128xf32>, vector<128x128xf32>, vector<128x128xf32> -> vector<128x128xf32>
    %sub3A = arith.subf %dot_general3A_58, %convert_element_type3A_57 : vector<128x128xf32>
    %slice3A_59 = vector.extract_strided_slice %dot_general3A_58 {offsets = [0, 127], sizes = [128, 1], strides = [1, 1]} : vector<128x128xf32> to vector<128x1xf32>
    %broadcast_in_dim3A_60 = vector.shape_cast %slice3A_59 : vector<128x1xf32> to vector<128x1xf32>
    %broadcast_in_dim3A_61 = vector.broadcast %broadcast_in_dim3A_60 : vector<128x1xf32> to vector<128x128xf32>
    %dot_general3A_62 = arith.constant dense<0.000000e+00> : vector<128x128xf32>
    %dot_general3A_63 = tpu.matmul %convert_element_type3A_48, %broadcast_in_dim3A_61, %dot_general3A_62 {dimension_numbers = #tpu.dot_dimension_numbers<[1], [0], [0], [1], [0, 0, 1, 1], [], []>, transpose_lhs_hint = false} : vector<128x128xf32>, vector<128x128xf32>, vector<128x128xf32> -> vector<128x128xf32>
    %reduce_sum3A = vector.shape_cast %convert_element_type3A_57 : vector<128x128xf32> to vector<1x128x128xf32>
    %reduce_sum3A_64 = arith.constant dense<0.000000e+00> : vector<1xf32>
    %reduce_sum3A_65 = vector.multi_reduction <add>, %reduce_sum3A, %reduce_sum3A_64 [1, 2] : vector<1x128x128xf32> to vector<1xf32>
    %reduce_sum3A_66 = vector.shape_cast %reduce_sum3A_65 : vector<1xf32> to vector<1x1x1xf32>
    %reduce_sum3A_67 = vector.extract %reduce_sum3A_66[0, 0, 0] : f32 from vector<1x1x1xf32>
    %convert_element_type3A_68 = arith.fptosi %reduce_sum3A_67 : f32 to i32
    %add3A_69 = arith.addf %sub3A, %dot_general3A_63 : vector<128x128xf32>
    %add3A_70 = arith.constant 0.000000e+00 : f32
    %add3A_71 = vector.broadcast %add3A_70 : f32 to vector<128x128xf32>
    %add3A_72 = arith.addf %add3A_69, %add3A_71 : vector<128x128xf32>
    %mul3A = arith.mulf %convert_element_type3A_57, %add3A_72 : vector<128x128xf32>
    %add3A_73 = arith.addf %broadcast_in_dim3A_51, %mul3A : vector<128x128xf32>
    %jit3A = arith.constant 0 : i32
    %jit3A_74 = arith.constant 1024 : i32
    %div3A = arith.divsi %jit3A, %jit3A_74 : i32
    %sign3A = arith.constant 0 : i32
    %sign3A_75 = arith.cmpi sgt, %jit3A, %sign3A : i32
    %sign3A_76 = arith.extui %sign3A_75 : i1 to i32
    %sign3A_77 = arith.constant 0 : i32
    %sign3A_78 = arith.cmpi slt, %jit3A, %sign3A_77 : i32
    %sign3A_79 = arith.extui %sign3A_78 : i1 to i32
    %sign3A_80 = arith.subi %sign3A_76, %sign3A_79 : i32
    %sign3A_81 = arith.constant 0 : i32
    %sign3A_82 = arith.cmpi sgt, %jit3A_74, %sign3A_81 : i32
    %sign3A_83 = arith.extui %sign3A_82 : i1 to i32
    %sign3A_84 = arith.constant 0 : i32
    %sign3A_85 = arith.cmpi slt, %jit3A_74, %sign3A_84 : i32
    %sign3A_86 = arith.extui %sign3A_85 : i1 to i32
    %sign3A_87 = arith.subi %sign3A_83, %sign3A_86 : i32
    %ne3A = arith.cmpi ne, %sign3A_80, %sign3A_87 : i32
    %rem3A = arith.remsi %jit3A, %jit3A_74 : i32
    %ne3A_88 = arith.constant 0 : i32
    %ne3A_89 = arith.cmpi ne, %rem3A, %ne3A_88 : i32
    %and3A = arith.andi %ne3A, %ne3A_89 : i1
    %sub3A_90 = arith.constant 1 : i32
    %sub3A_91 = arith.subi %div3A, %sub3A_90 : i32
    %select_n3A = arith.select %and3A, %sub3A_91, %div3A : i32
    %ge3A = vector.broadcast %select_n3A : i32 to vector<1x256xi32>
    %ge3A_92 = arith.cmpi sge, %iota3A_49, %ge3A : vector<1x256xi32>
    %convert_element_type3A_93 = arith.extui %ge3A_92 : vector<1x256xi1> to vector<1x256xi32>
    %add3A_94 = arith.addi %broadcast_in_dim3A_53, %convert_element_type3A_93 : vector<1x256xi32>
    %add3A_95 = arith.constant 1024 : i32
    %add3A_96 = arith.addi %convert_element_type3A_68, %add3A_95 : i32
    %sub3A_97 = arith.constant 1 : i32
    %sub3A_98 = arith.subi %add3A_96, %sub3A_97 : i32
    %jit3A_99 = arith.constant 1024 : i32
    %div3A_100 = arith.divsi %sub3A_98, %jit3A_99 : i32
    %sign3A_101 = arith.constant 0 : i32
    %sign3A_102 = arith.cmpi sgt, %sub3A_98, %sign3A_101 : i32
    %sign3A_103 = arith.extui %sign3A_102 : i1 to i32
    %sign3A_104 = arith.constant 0 : i32
    %sign3A_105 = arith.cmpi slt, %sub3A_98, %sign3A_104 : i32
    %sign3A_106 = arith.extui %sign3A_105 : i1 to i32
    %sign3A_107 = arith.subi %sign3A_103, %sign3A_106 : i32
    %sign3A_108 = arith.constant 0 : i32
    %sign3A_109 = arith.cmpi sgt, %jit3A_99, %sign3A_108 : i32
    %sign3A_110 = arith.extui %sign3A_109 : i1 to i32
    %sign3A_111 = arith.constant 0 : i32
    %sign3A_112 = arith.cmpi slt, %jit3A_99, %sign3A_111 : i32
    %sign3A_113 = arith.extui %sign3A_112 : i1 to i32
    %sign3A_114 = arith.subi %sign3A_110, %sign3A_113 : i32
    %ne3A_115 = arith.cmpi ne, %sign3A_107, %sign3A_114 : i32
    %rem3A_116 = arith.remsi %sub3A_98, %jit3A_99 : i32
    %ne3A_117 = arith.constant 0 : i32
    %ne3A_118 = arith.cmpi ne, %rem3A_116, %ne3A_117 : i32
    %and3A_119 = arith.andi %ne3A_115, %ne3A_118 : i1
    %sub3A_120 = arith.constant 1 : i32
    %sub3A_121 = arith.subi %div3A_100, %sub3A_120 : i32
    %select_n3A_122 = arith.select %and3A_119, %sub3A_121, %div3A_100 : i32
    %mul3A_123 = arith.constant 1024 : i32
    %mul3A_124 = arith.muli %select_n3A_122, %mul3A_123 : i32
    %add3A_125 = arith.constant 0 : i32
    %add3A_126 = arith.addi %add3A_125, %mul3A_124 : i32
    %eq3A_127 = arith.constant 1 : i32
    %eq3A_128 = vector.broadcast %eq3A_127 : i32 to vector<128x128xi32>
    %eq3A_129 = arith.cmpi eq, %slice3A, %eq3A_128 : vector<128x128xi32>
    %convert_element_type3A_130 = arith.extui %eq3A_129 : vector<128x128xi1> to vector<128x128xi32>
    %convert_element_type3A_131 = arith.sitofp %convert_element_type3A_130 : vector<128x128xi32> to vector<128x128xf32>
    %dot_general3A_132 = arith.constant dense<0.000000e+00> : vector<128x128xf32>
    %dot_general3A_133 = tpu.matmul %convert_element_type3A_131, %convert_element_type3A_44, %dot_general3A_132 {dimension_numbers = #tpu.dot_dimension_numbers<[1], [0], [0], [1], [0, 0, 1, 1], [], []>, transpose_lhs_hint = false} : vector<128x128xf32>, vector<128x128xf32>, vector<128x128xf32> -> vector<128x128xf32>
    %sub3A_134 = arith.subf %dot_general3A_133, %convert_element_type3A_131 : vector<128x128xf32>
    %slice3A_135 = vector.extract_strided_slice %dot_general3A_133 {offsets = [0, 127], sizes = [128, 1], strides = [1, 1]} : vector<128x128xf32> to vector<128x1xf32>
    %broadcast_in_dim3A_136 = vector.shape_cast %slice3A_135 : vector<128x1xf32> to vector<128x1xf32>
    %broadcast_in_dim3A_137 = vector.broadcast %broadcast_in_dim3A_136 : vector<128x1xf32> to vector<128x128xf32>
    %dot_general3A_138 = arith.constant dense<0.000000e+00> : vector<128x128xf32>
    %dot_general3A_139 = tpu.matmul %convert_element_type3A_48, %broadcast_in_dim3A_137, %dot_general3A_138 {dimension_numbers = #tpu.dot_dimension_numbers<[1], [0], [0], [1], [0, 0, 1, 1], [], []>, transpose_lhs_hint = false} : vector<128x128xf32>, vector<128x128xf32>, vector<128x128xf32> -> vector<128x128xf32>
    %reduce_sum3A_140 = vector.shape_cast %convert_element_type3A_131 : vector<128x128xf32> to vector<1x128x128xf32>
    %reduce_sum3A_141 = arith.constant dense<0.000000e+00> : vector<1xf32>
    %reduce_sum3A_142 = vector.multi_reduction <add>, %reduce_sum3A_140, %reduce_sum3A_141 [1, 2] : vector<1x128x128xf32> to vector<1xf32>
    %reduce_sum3A_143 = vector.shape_cast %reduce_sum3A_142 : vector<1xf32> to vector<1x1x1xf32>
    %reduce_sum3A_144 = vector.extract %reduce_sum3A_143[0, 0, 0] : f32 from vector<1x1x1xf32>
    %convert_element_type3A_145 = arith.fptosi %reduce_sum3A_144 : f32 to i32
    %add3A_146 = arith.addf %sub3A_134, %dot_general3A_139 : vector<128x128xf32>
    %convert_element_type3A_147 = arith.sitofp %add3A_126 : i32 to f32
    %add3A_148 = vector.broadcast %convert_element_type3A_147 : f32 to vector<128x128xf32>
    %add3A_149 = arith.addf %add3A_146, %add3A_148 : vector<128x128xf32>
    %mul3A_150 = arith.mulf %convert_element_type3A_131, %add3A_149 : vector<128x128xf32>
    %add3A_151 = arith.addf %add3A_73, %mul3A_150 : vector<128x128xf32>
    %jit3A_152 = arith.constant 1024 : i32
    %div3A_153 = arith.divsi %add3A_126, %jit3A_152 : i32
    %sign3A_154 = arith.constant 0 : i32
    %sign3A_155 = arith.cmpi sgt, %add3A_126, %sign3A_154 : i32
    %sign3A_156 = arith.extui %sign3A_155 : i1 to i32
    %sign3A_157 = arith.constant 0 : i32
    %sign3A_158 = arith.cmpi slt, %add3A_126, %sign3A_157 : i32
    %sign3A_159 = arith.extui %sign3A_158 : i1 to i32
    %sign3A_160 = arith.subi %sign3A_156, %sign3A_159 : i32
    %sign3A_161 = arith.constant 0 : i32
    %sign3A_162 = arith.cmpi sgt, %jit3A_152, %sign3A_161 : i32
    %sign3A_163 = arith.extui %sign3A_162 : i1 to i32
    %sign3A_164 = arith.constant 0 : i32
    %sign3A_165 = arith.cmpi slt, %jit3A_152, %sign3A_164 : i32
    %sign3A_166 = arith.extui %sign3A_165 : i1 to i32
    %sign3A_167 = arith.subi %sign3A_163, %sign3A_166 : i32
    %ne3A_168 = arith.cmpi ne, %sign3A_160, %sign3A_167 : i32
    %rem3A_169 = arith.remsi %add3A_126, %jit3A_152 : i32
    %ne3A_170 = arith.constant 0 : i32
    %ne3A_171 = arith.cmpi ne, %rem3A_169, %ne3A_170 : i32
    %and3A_172 = arith.andi %ne3A_168, %ne3A_171 : i1
    %sub3A_173 = arith.constant 1 : i32
    %sub3A_174 = arith.subi %div3A_153, %sub3A_173 : i32
    %select_n3A_175 = arith.select %and3A_172, %sub3A_174, %div3A_153 : i32
    %ge3A_176 = vector.broadcast %select_n3A_175 : i32 to vector<1x256xi32>
    %ge3A_177 = arith.cmpi sge, %iota3A_49, %ge3A_176 : vector<1x256xi32>
    %convert_element_type3A_178 = arith.extui %ge3A_177 : vector<1x256xi1> to vector<1x256xi32>
    %add3A_179 = arith.addi %add3A_94, %convert_element_type3A_178 : vector<1x256xi32>
    %add3A_180 = arith.constant 1024 : i32
    %add3A_181 = arith.addi %convert_element_type3A_145, %add3A_180 : i32
    %sub3A_182 = arith.constant 1 : i32
    %sub3A_183 = arith.subi %add3A_181, %sub3A_182 : i32
    %jit3A_184 = arith.constant 1024 : i32
    %div3A_185 = arith.divsi %sub3A_183, %jit3A_184 : i32
    %sign3A_186 = arith.constant 0 : i32
    %sign3A_187 = arith.cmpi sgt, %sub3A_183, %sign3A_186 : i32
    %sign3A_188 = arith.extui %sign3A_187 : i1 to i32
    %sign3A_189 = arith.constant 0 : i32
    %sign3A_190 = arith.cmpi slt, %sub3A_183, %sign3A_189 : i32
    %sign3A_191 = arith.extui %sign3A_190 : i1 to i32
    %sign3A_192 = arith.subi %sign3A_188, %sign3A_191 : i32
    %sign3A_193 = arith.constant 0 : i32
    %sign3A_194 = arith.cmpi sgt, %jit3A_184, %sign3A_193 : i32
    %sign3A_195 = arith.extui %sign3A_194 : i1 to i32
    %sign3A_196 = arith.constant 0 : i32
    %sign3A_197 = arith.cmpi slt, %jit3A_184, %sign3A_196 : i32
    %sign3A_198 = arith.extui %sign3A_197 : i1 to i32
    %sign3A_199 = arith.subi %sign3A_195, %sign3A_198 : i32
    %ne3A_200 = arith.cmpi ne, %sign3A_192, %sign3A_199 : i32
    %rem3A_201 = arith.remsi %sub3A_183, %jit3A_184 : i32
    %ne3A_202 = arith.constant 0 : i32
    %ne3A_203 = arith.cmpi ne, %rem3A_201, %ne3A_202 : i32
    %and3A_204 = arith.andi %ne3A_200, %ne3A_203 : i1
    %sub3A_205 = arith.constant 1 : i32
    %sub3A_206 = arith.subi %div3A_185, %sub3A_205 : i32
    %select_n3A_207 = arith.select %and3A_204, %sub3A_206, %div3A_185 : i32
    %mul3A_208 = arith.constant 1024 : i32
    %mul3A_209 = arith.muli %select_n3A_207, %mul3A_208 : i32
    %add3A_210 = arith.addi %add3A_126, %mul3A_209 : i32
    %eq3A_211 = arith.constant 2 : i32
    %eq3A_212 = vector.broadcast %eq3A_211 : i32 to vector<128x128xi32>
    %eq3A_213 = arith.cmpi eq, %slice3A, %eq3A_212 : vector<128x128xi32>
    %convert_element_type3A_214 = arith.extui %eq3A_213 : vector<128x128xi1> to vector<128x128xi32>
    %convert_element_type3A_215 = arith.sitofp %convert_element_type3A_214 : vector<128x128xi32> to vector<128x128xf32>
    %dot_general3A_216 = arith.constant dense<0.000000e+00> : vector<128x128xf32>
    %dot_general3A_217 = tpu.matmul %convert_element_type3A_215, %convert_element_type3A_44, %dot_general3A_216 {dimension_numbers = #tpu.dot_dimension_numbers<[1], [0], [0], [1], [0, 0, 1, 1], [], []>, transpose_lhs_hint = false} : vector<128x128xf32>, vector<128x128xf32>, vector<128x128xf32> -> vector<128x128xf32>
    %sub3A_218 = arith.subf %dot_general3A_217, %convert_element_type3A_215 : vector<128x128xf32>
    %slice3A_219 = vector.extract_strided_slice %dot_general3A_217 {offsets = [0, 127], sizes = [128, 1], strides = [1, 1]} : vector<128x128xf32> to vector<128x1xf32>
    %broadcast_in_dim3A_220 = vector.shape_cast %slice3A_219 : vector<128x1xf32> to vector<128x1xf32>
    %broadcast_in_dim3A_221 = vector.broadcast %broadcast_in_dim3A_220 : vector<128x1xf32> to vector<128x128xf32>
    %dot_general3A_222 = arith.constant dense<0.000000e+00> : vector<128x128xf32>
    %dot_general3A_223 = tpu.matmul %convert_element_type3A_48, %broadcast_in_dim3A_221, %dot_general3A_222 {dimension_numbers = #tpu.dot_dimension_numbers<[1], [0], [0], [1], [0, 0, 1, 1], [], []>, transpose_lhs_hint = false} : vector<128x128xf32>, vector<128x128xf32>, vector<128x128xf32> -> vector<128x128xf32>
    %reduce_sum3A_224 = vector.shape_cast %convert_element_type3A_215 : vector<128x128xf32> to vector<1x128x128xf32>
    %reduce_sum3A_225 = arith.constant dense<0.000000e+00> : vector<1xf32>
    %reduce_sum3A_226 = vector.multi_reduction <add>, %reduce_sum3A_224, %reduce_sum3A_225 [1, 2] : vector<1x128x128xf32> to vector<1xf32>
    %reduce_sum3A_227 = vector.shape_cast %reduce_sum3A_226 : vector<1xf32> to vector<1x1x1xf32>
    %reduce_sum3A_228 = vector.extract %reduce_sum3A_227[0, 0, 0] : f32 from vector<1x1x1xf32>
    %convert_element_type3A_229 = arith.fptosi %reduce_sum3A_228 : f32 to i32
    %add3A_230 = arith.addf %sub3A_218, %dot_general3A_223 : vector<128x128xf32>
    %convert_element_type3A_231 = arith.sitofp %add3A_210 : i32 to f32
    %add3A_232 = vector.broadcast %convert_element_type3A_231 : f32 to vector<128x128xf32>
    %add3A_233 = arith.addf %add3A_230, %add3A_232 : vector<128x128xf32>
    %mul3A_234 = arith.mulf %convert_element_type3A_215, %add3A_233 : vector<128x128xf32>
    %add3A_235 = arith.addf %add3A_151, %mul3A_234 : vector<128x128xf32>
    %jit3A_236 = arith.constant 1024 : i32
    %div3A_237 = arith.divsi %add3A_210, %jit3A_236 : i32
    %sign3A_238 = arith.constant 0 : i32
    %sign3A_239 = arith.cmpi sgt, %add3A_210, %sign3A_238 : i32
    %sign3A_240 = arith.extui %sign3A_239 : i1 to i32
    %sign3A_241 = arith.constant 0 : i32
    %sign3A_242 = arith.cmpi slt, %add3A_210, %sign3A_241 : i32
    %sign3A_243 = arith.extui %sign3A_242 : i1 to i32
    %sign3A_244 = arith.subi %sign3A_240, %sign3A_243 : i32
    %sign3A_245 = arith.constant 0 : i32
    %sign3A_246 = arith.cmpi sgt, %jit3A_236, %sign3A_245 : i32
    %sign3A_247 = arith.extui %sign3A_246 : i1 to i32
    %sign3A_248 = arith.constant 0 : i32
    %sign3A_249 = arith.cmpi slt, %jit3A_236, %sign3A_248 : i32
    %sign3A_250 = arith.extui %sign3A_249 : i1 to i32
    %sign3A_251 = arith.subi %sign3A_247, %sign3A_250 : i32
    %ne3A_252 = arith.cmpi ne, %sign3A_244, %sign3A_251 : i32
    %rem3A_253 = arith.remsi %add3A_210, %jit3A_236 : i32
    %ne3A_254 = arith.constant 0 : i32
    %ne3A_255 = arith.cmpi ne, %rem3A_253, %ne3A_254 : i32
    %and3A_256 = arith.andi %ne3A_252, %ne3A_255 : i1
    %sub3A_257 = arith.constant 1 : i32
    %sub3A_258 = arith.subi %div3A_237, %sub3A_257 : i32
    %select_n3A_259 = arith.select %and3A_256, %sub3A_258, %div3A_237 : i32
    %ge3A_260 = vector.broadcast %select_n3A_259 : i32 to vector<1x256xi32>
    %ge3A_261 = arith.cmpi sge, %iota3A_49, %ge3A_260 : vector<1x256xi32>
    %convert_element_type3A_262 = arith.extui %ge3A_261 : vector<1x256xi1> to vector<1x256xi32>
    %add3A_263 = arith.addi %add3A_179, %convert_element_type3A_262 : vector<1x256xi32>
    %add3A_264 = arith.constant 1024 : i32
    %add3A_265 = arith.addi %convert_element_type3A_229, %add3A_264 : i32
    %sub3A_266 = arith.constant 1 : i32
    %sub3A_267 = arith.subi %add3A_265, %sub3A_266 : i32
    %jit3A_268 = arith.constant 1024 : i32
    %div3A_269 = arith.divsi %sub3A_267, %jit3A_268 : i32
    %sign3A_270 = arith.constant 0 : i32
    %sign3A_271 = arith.cmpi sgt, %sub3A_267, %sign3A_270 : i32
    %sign3A_272 = arith.extui %sign3A_271 : i1 to i32
    %sign3A_273 = arith.constant 0 : i32
    %sign3A_274 = arith.cmpi slt, %sub3A_267, %sign3A_273 : i32
    %sign3A_275 = arith.extui %sign3A_274 : i1 to i32
    %sign3A_276 = arith.subi %sign3A_272, %sign3A_275 : i32
    %sign3A_277 = arith.constant 0 : i32
    %sign3A_278 = arith.cmpi sgt, %jit3A_268, %sign3A_277 : i32
    %sign3A_279 = arith.extui %sign3A_278 : i1 to i32
    %sign3A_280 = arith.constant 0 : i32
    %sign3A_281 = arith.cmpi slt, %jit3A_268, %sign3A_280 : i32
    %sign3A_282 = arith.extui %sign3A_281 : i1 to i32
    %sign3A_283 = arith.subi %sign3A_279, %sign3A_282 : i32
    %ne3A_284 = arith.cmpi ne, %sign3A_276, %sign3A_283 : i32
    %rem3A_285 = arith.remsi %sub3A_267, %jit3A_268 : i32
    %ne3A_286 = arith.constant 0 : i32
    %ne3A_287 = arith.cmpi ne, %rem3A_285, %ne3A_286 : i32
    %and3A_288 = arith.andi %ne3A_284, %ne3A_287 : i1
    %sub3A_289 = arith.constant 1 : i32
    %sub3A_290 = arith.subi %div3A_269, %sub3A_289 : i32
    %select_n3A_291 = arith.select %and3A_288, %sub3A_290, %div3A_269 : i32
    %mul3A_292 = arith.constant 1024 : i32
    %mul3A_293 = arith.muli %select_n3A_291, %mul3A_292 : i32
    %add3A_294 = arith.addi %add3A_210, %mul3A_293 : i32
    %eq3A_295 = arith.constant 3 : i32
    %eq3A_296 = vector.broadcast %eq3A_295 : i32 to vector<128x128xi32>
    %eq3A_297 = arith.cmpi eq, %slice3A, %eq3A_296 : vector<128x128xi32>
    %convert_element_type3A_298 = arith.extui %eq3A_297 : vector<128x128xi1> to vector<128x128xi32>
    %convert_element_type3A_299 = arith.sitofp %convert_element_type3A_298 : vector<128x128xi32> to vector<128x128xf32>
    %dot_general3A_300 = arith.constant dense<0.000000e+00> : vector<128x128xf32>
    %dot_general3A_301 = tpu.matmul %convert_element_type3A_299, %convert_element_type3A_44, %dot_general3A_300 {dimension_numbers = #tpu.dot_dimension_numbers<[1], [0], [0], [1], [0, 0, 1, 1], [], []>, transpose_lhs_hint = false} : vector<128x128xf32>, vector<128x128xf32>, vector<128x128xf32> -> vector<128x128xf32>
    %sub3A_302 = arith.subf %dot_general3A_301, %convert_element_type3A_299 : vector<128x128xf32>
    %slice3A_303 = vector.extract_strided_slice %dot_general3A_301 {offsets = [0, 127], sizes = [128, 1], strides = [1, 1]} : vector<128x128xf32> to vector<128x1xf32>
    %broadcast_in_dim3A_304 = vector.shape_cast %slice3A_303 : vector<128x1xf32> to vector<128x1xf32>
    %broadcast_in_dim3A_305 = vector.broadcast %broadcast_in_dim3A_304 : vector<128x1xf32> to vector<128x128xf32>
    %dot_general3A_306 = arith.constant dense<0.000000e+00> : vector<128x128xf32>
    %dot_general3A_307 = tpu.matmul %convert_element_type3A_48, %broadcast_in_dim3A_305, %dot_general3A_306 {dimension_numbers = #tpu.dot_dimension_numbers<[1], [0], [0], [1], [0, 0, 1, 1], [], []>, transpose_lhs_hint = false} : vector<128x128xf32>, vector<128x128xf32>, vector<128x128xf32> -> vector<128x128xf32>
    %reduce_sum3A_308 = vector.shape_cast %convert_element_type3A_299 : vector<128x128xf32> to vector<1x128x128xf32>
    %reduce_sum3A_309 = arith.constant dense<0.000000e+00> : vector<1xf32>
    %reduce_sum3A_310 = vector.multi_reduction <add>, %reduce_sum3A_308, %reduce_sum3A_309 [1, 2] : vector<1x128x128xf32> to vector<1xf32>
    %reduce_sum3A_311 = vector.shape_cast %reduce_sum3A_310 : vector<1xf32> to vector<1x1x1xf32>
    %reduce_sum3A_312 = vector.extract %reduce_sum3A_311[0, 0, 0] : f32 from vector<1x1x1xf32>
    %convert_element_type3A_313 = arith.fptosi %reduce_sum3A_312 : f32 to i32
    %add3A_314 = arith.addf %sub3A_302, %dot_general3A_307 : vector<128x128xf32>
    %convert_element_type3A_315 = arith.sitofp %add3A_294 : i32 to f32
    %add3A_316 = vector.broadcast %convert_element_type3A_315 : f32 to vector<128x128xf32>
    %add3A_317 = arith.addf %add3A_314, %add3A_316 : vector<128x128xf32>
    %mul3A_318 = arith.mulf %convert_element_type3A_299, %add3A_317 : vector<128x128xf32>
    %add3A_319 = arith.addf %add3A_235, %mul3A_318 : vector<128x128xf32>
    %jit3A_320 = arith.constant 1024 : i32
    %div3A_321 = arith.divsi %add3A_294, %jit3A_320 : i32
    %sign3A_322 = arith.constant 0 : i32
    %sign3A_323 = arith.cmpi sgt, %add3A_294, %sign3A_322 : i32
    %sign3A_324 = arith.extui %sign3A_323 : i1 to i32
    %sign3A_325 = arith.constant 0 : i32
    %sign3A_326 = arith.cmpi slt, %add3A_294, %sign3A_325 : i32
    %sign3A_327 = arith.extui %sign3A_326 : i1 to i32
    %sign3A_328 = arith.subi %sign3A_324, %sign3A_327 : i32
    %sign3A_329 = arith.constant 0 : i32
    %sign3A_330 = arith.cmpi sgt, %jit3A_320, %sign3A_329 : i32
    %sign3A_331 = arith.extui %sign3A_330 : i1 to i32
    %sign3A_332 = arith.constant 0 : i32
    %sign3A_333 = arith.cmpi slt, %jit3A_320, %sign3A_332 : i32
    %sign3A_334 = arith.extui %sign3A_333 : i1 to i32
    %sign3A_335 = arith.subi %sign3A_331, %sign3A_334 : i32
    %ne3A_336 = arith.cmpi ne, %sign3A_328, %sign3A_335 : i32
    %rem3A_337 = arith.remsi %add3A_294, %jit3A_320 : i32
    %ne3A_338 = arith.constant 0 : i32
    %ne3A_339 = arith.cmpi ne, %rem3A_337, %ne3A_338 : i32
    %and3A_340 = arith.andi %ne3A_336, %ne3A_339 : i1
    %sub3A_341 = arith.constant 1 : i32
    %sub3A_342 = arith.subi %div3A_321, %sub3A_341 : i32
    %select_n3A_343 = arith.select %and3A_340, %sub3A_342, %div3A_321 : i32
    %ge3A_344 = vector.broadcast %select_n3A_343 : i32 to vector<1x256xi32>
    %ge3A_345 = arith.cmpi sge, %iota3A_49, %ge3A_344 : vector<1x256xi32>
    %convert_element_type3A_346 = arith.extui %ge3A_345 : vector<1x256xi1> to vector<1x256xi32>
    %add3A_347 = arith.addi %add3A_263, %convert_element_type3A_346 : vector<1x256xi32>
    %add3A_348 = arith.constant 1024 : i32
    %add3A_349 = arith.addi %convert_element_type3A_313, %add3A_348 : i32
    %sub3A_350 = arith.constant 1 : i32
    %sub3A_351 = arith.subi %add3A_349, %sub3A_350 : i32
    %jit3A_352 = arith.constant 1024 : i32
    %div3A_353 = arith.divsi %sub3A_351, %jit3A_352 : i32
    %sign3A_354 = arith.constant 0 : i32
    %sign3A_355 = arith.cmpi sgt, %sub3A_351, %sign3A_354 : i32
    %sign3A_356 = arith.extui %sign3A_355 : i1 to i32
    %sign3A_357 = arith.constant 0 : i32
    %sign3A_358 = arith.cmpi slt, %sub3A_351, %sign3A_357 : i32
    %sign3A_359 = arith.extui %sign3A_358 : i1 to i32
    %sign3A_360 = arith.subi %sign3A_356, %sign3A_359 : i32
    %sign3A_361 = arith.constant 0 : i32
    %sign3A_362 = arith.cmpi sgt, %jit3A_352, %sign3A_361 : i32
    %sign3A_363 = arith.extui %sign3A_362 : i1 to i32
    %sign3A_364 = arith.constant 0 : i32
    %sign3A_365 = arith.cmpi slt, %jit3A_352, %sign3A_364 : i32
    %sign3A_366 = arith.extui %sign3A_365 : i1 to i32
    %sign3A_367 = arith.subi %sign3A_363, %sign3A_366 : i32
    %ne3A_368 = arith.cmpi ne, %sign3A_360, %sign3A_367 : i32
    %rem3A_369 = arith.remsi %sub3A_351, %jit3A_352 : i32
    %ne3A_370 = arith.constant 0 : i32
    %ne3A_371 = arith.cmpi ne, %rem3A_369, %ne3A_370 : i32
    %and3A_372 = arith.andi %ne3A_368, %ne3A_371 : i1
    %sub3A_373 = arith.constant 1 : i32
    %sub3A_374 = arith.subi %div3A_353, %sub3A_373 : i32
    %select_n3A_375 = arith.select %and3A_372, %sub3A_374, %div3A_353 : i32
    %mul3A_376 = arith.constant 1024 : i32
    %mul3A_377 = arith.muli %select_n3A_375, %mul3A_376 : i32
    %add3A_378 = arith.addi %add3A_294, %mul3A_377 : i32
    %eq3A_379 = arith.constant 4 : i32
    %eq3A_380 = vector.broadcast %eq3A_379 : i32 to vector<128x128xi32>
    %eq3A_381 = arith.cmpi eq, %slice3A, %eq3A_380 : vector<128x128xi32>
    %convert_element_type3A_382 = arith.extui %eq3A_381 : vector<128x128xi1> to vector<128x128xi32>
    %convert_element_type3A_383 = arith.sitofp %convert_element_type3A_382 : vector<128x128xi32> to vector<128x128xf32>
    %dot_general3A_384 = arith.constant dense<0.000000e+00> : vector<128x128xf32>
    %dot_general3A_385 = tpu.matmul %convert_element_type3A_383, %convert_element_type3A_44, %dot_general3A_384 {dimension_numbers = #tpu.dot_dimension_numbers<[1], [0], [0], [1], [0, 0, 1, 1], [], []>, transpose_lhs_hint = false} : vector<128x128xf32>, vector<128x128xf32>, vector<128x128xf32> -> vector<128x128xf32>
    %sub3A_386 = arith.subf %dot_general3A_385, %convert_element_type3A_383 : vector<128x128xf32>
    %slice3A_387 = vector.extract_strided_slice %dot_general3A_385 {offsets = [0, 127], sizes = [128, 1], strides = [1, 1]} : vector<128x128xf32> to vector<128x1xf32>
    %broadcast_in_dim3A_388 = vector.shape_cast %slice3A_387 : vector<128x1xf32> to vector<128x1xf32>
    %broadcast_in_dim3A_389 = vector.broadcast %broadcast_in_dim3A_388 : vector<128x1xf32> to vector<128x128xf32>
    %dot_general3A_390 = arith.constant dense<0.000000e+00> : vector<128x128xf32>
    %dot_general3A_391 = tpu.matmul %convert_element_type3A_48, %broadcast_in_dim3A_389, %dot_general3A_390 {dimension_numbers = #tpu.dot_dimension_numbers<[1], [0], [0], [1], [0, 0, 1, 1], [], []>, transpose_lhs_hint = false} : vector<128x128xf32>, vector<128x128xf32>, vector<128x128xf32> -> vector<128x128xf32>
    %reduce_sum3A_392 = vector.shape_cast %convert_element_type3A_383 : vector<128x128xf32> to vector<1x128x128xf32>
    %reduce_sum3A_393 = arith.constant dense<0.000000e+00> : vector<1xf32>
    %reduce_sum3A_394 = vector.multi_reduction <add>, %reduce_sum3A_392, %reduce_sum3A_393 [1, 2] : vector<1x128x128xf32> to vector<1xf32>
    %reduce_sum3A_395 = vector.shape_cast %reduce_sum3A_394 : vector<1xf32> to vector<1x1x1xf32>
    %reduce_sum3A_396 = vector.extract %reduce_sum3A_395[0, 0, 0] : f32 from vector<1x1x1xf32>
    %convert_element_type3A_397 = arith.fptosi %reduce_sum3A_396 : f32 to i32
    %add3A_398 = arith.addf %sub3A_386, %dot_general3A_391 : vector<128x128xf32>
    %convert_element_type3A_399 = arith.sitofp %add3A_378 : i32 to f32
    %add3A_400 = vector.broadcast %convert_element_type3A_399 : f32 to vector<128x128xf32>
    %add3A_401 = arith.addf %add3A_398, %add3A_400 : vector<128x128xf32>
    %mul3A_402 = arith.mulf %convert_element_type3A_383, %add3A_401 : vector<128x128xf32>
    %add3A_403 = arith.addf %add3A_319, %mul3A_402 : vector<128x128xf32>
    %jit3A_404 = arith.constant 1024 : i32
    %div3A_405 = arith.divsi %add3A_378, %jit3A_404 : i32
    %sign3A_406 = arith.constant 0 : i32
    %sign3A_407 = arith.cmpi sgt, %add3A_378, %sign3A_406 : i32
    %sign3A_408 = arith.extui %sign3A_407 : i1 to i32
    %sign3A_409 = arith.constant 0 : i32
    %sign3A_410 = arith.cmpi slt, %add3A_378, %sign3A_409 : i32
    %sign3A_411 = arith.extui %sign3A_410 : i1 to i32
    %sign3A_412 = arith.subi %sign3A_408, %sign3A_411 : i32
    %sign3A_413 = arith.constant 0 : i32
    %sign3A_414 = arith.cmpi sgt, %jit3A_404, %sign3A_413 : i32
    %sign3A_415 = arith.extui %sign3A_414 : i1 to i32
    %sign3A_416 = arith.constant 0 : i32
    %sign3A_417 = arith.cmpi slt, %jit3A_404, %sign3A_416 : i32
    %sign3A_418 = arith.extui %sign3A_417 : i1 to i32
    %sign3A_419 = arith.subi %sign3A_415, %sign3A_418 : i32
    %ne3A_420 = arith.cmpi ne, %sign3A_412, %sign3A_419 : i32
    %rem3A_421 = arith.remsi %add3A_378, %jit3A_404 : i32
    %ne3A_422 = arith.constant 0 : i32
    %ne3A_423 = arith.cmpi ne, %rem3A_421, %ne3A_422 : i32
    %and3A_424 = arith.andi %ne3A_420, %ne3A_423 : i1
    %sub3A_425 = arith.constant 1 : i32
    %sub3A_426 = arith.subi %div3A_405, %sub3A_425 : i32
    %select_n3A_427 = arith.select %and3A_424, %sub3A_426, %div3A_405 : i32
    %ge3A_428 = vector.broadcast %select_n3A_427 : i32 to vector<1x256xi32>
    %ge3A_429 = arith.cmpi sge, %iota3A_49, %ge3A_428 : vector<1x256xi32>
    %convert_element_type3A_430 = arith.extui %ge3A_429 : vector<1x256xi1> to vector<1x256xi32>
    %add3A_431 = arith.addi %add3A_347, %convert_element_type3A_430 : vector<1x256xi32>
    %add3A_432 = arith.constant 1024 : i32
    %add3A_433 = arith.addi %convert_element_type3A_397, %add3A_432 : i32
    %sub3A_434 = arith.constant 1 : i32
    %sub3A_435 = arith.subi %add3A_433, %sub3A_434 : i32
    %jit3A_436 = arith.constant 1024 : i32
    %div3A_437 = arith.divsi %sub3A_435, %jit3A_436 : i32
    %sign3A_438 = arith.constant 0 : i32
    %sign3A_439 = arith.cmpi sgt, %sub3A_435, %sign3A_438 : i32
    %sign3A_440 = arith.extui %sign3A_439 : i1 to i32
    %sign3A_441 = arith.constant 0 : i32
    %sign3A_442 = arith.cmpi slt, %sub3A_435, %sign3A_441 : i32
    %sign3A_443 = arith.extui %sign3A_442 : i1 to i32
    %sign3A_444 = arith.subi %sign3A_440, %sign3A_443 : i32
    %sign3A_445 = arith.constant 0 : i32
    %sign3A_446 = arith.cmpi sgt, %jit3A_436, %sign3A_445 : i32
    %sign3A_447 = arith.extui %sign3A_446 : i1 to i32
    %sign3A_448 = arith.constant 0 : i32
    %sign3A_449 = arith.cmpi slt, %jit3A_436, %sign3A_448 : i32
    %sign3A_450 = arith.extui %sign3A_449 : i1 to i32
    %sign3A_451 = arith.subi %sign3A_447, %sign3A_450 : i32
    %ne3A_452 = arith.cmpi ne, %sign3A_444, %sign3A_451 : i32
    %rem3A_453 = arith.remsi %sub3A_435, %jit3A_436 : i32
    %ne3A_454 = arith.constant 0 : i32
    %ne3A_455 = arith.cmpi ne, %rem3A_453, %ne3A_454 : i32
    %and3A_456 = arith.andi %ne3A_452, %ne3A_455 : i1
    %sub3A_457 = arith.constant 1 : i32
    %sub3A_458 = arith.subi %div3A_437, %sub3A_457 : i32
    %select_n3A_459 = arith.select %and3A_456, %sub3A_458, %div3A_437 : i32
    %mul3A_460 = arith.constant 1024 : i32
    %mul3A_461 = arith.muli %select_n3A_459, %mul3A_460 : i32
    %add3A_462 = arith.addi %add3A_378, %mul3A_461 : i32
    %eq3A_463 = arith.constant 5 : i32
    %eq3A_464 = vector.broadcast %eq3A_463 : i32 to vector<128x128xi32>
    %eq3A_465 = arith.cmpi eq, %slice3A, %eq3A_464 : vector<128x128xi32>
    %convert_element_type3A_466 = arith.extui %eq3A_465 : vector<128x128xi1> to vector<128x128xi32>
    %convert_element_type3A_467 = arith.sitofp %convert_element_type3A_466 : vector<128x128xi32> to vector<128x128xf32>
    %dot_general3A_468 = arith.constant dense<0.000000e+00> : vector<128x128xf32>
    %dot_general3A_469 = tpu.matmul %convert_element_type3A_467, %convert_element_type3A_44, %dot_general3A_468 {dimension_numbers = #tpu.dot_dimension_numbers<[1], [0], [0], [1], [0, 0, 1, 1], [], []>, transpose_lhs_hint = false} : vector<128x128xf32>, vector<128x128xf32>, vector<128x128xf32> -> vector<128x128xf32>
    %sub3A_470 = arith.subf %dot_general3A_469, %convert_element_type3A_467 : vector<128x128xf32>
    %slice3A_471 = vector.extract_strided_slice %dot_general3A_469 {offsets = [0, 127], sizes = [128, 1], strides = [1, 1]} : vector<128x128xf32> to vector<128x1xf32>
    %broadcast_in_dim3A_472 = vector.shape_cast %slice3A_471 : vector<128x1xf32> to vector<128x1xf32>
    %broadcast_in_dim3A_473 = vector.broadcast %broadcast_in_dim3A_472 : vector<128x1xf32> to vector<128x128xf32>
    %dot_general3A_474 = arith.constant dense<0.000000e+00> : vector<128x128xf32>
    %dot_general3A_475 = tpu.matmul %convert_element_type3A_48, %broadcast_in_dim3A_473, %dot_general3A_474 {dimension_numbers = #tpu.dot_dimension_numbers<[1], [0], [0], [1], [0, 0, 1, 1], [], []>, transpose_lhs_hint = false} : vector<128x128xf32>, vector<128x128xf32>, vector<128x128xf32> -> vector<128x128xf32>
    %reduce_sum3A_476 = vector.shape_cast %convert_element_type3A_467 : vector<128x128xf32> to vector<1x128x128xf32>
    %reduce_sum3A_477 = arith.constant dense<0.000000e+00> : vector<1xf32>
    %reduce_sum3A_478 = vector.multi_reduction <add>, %reduce_sum3A_476, %reduce_sum3A_477 [1, 2] : vector<1x128x128xf32> to vector<1xf32>
    %reduce_sum3A_479 = vector.shape_cast %reduce_sum3A_478 : vector<1xf32> to vector<1x1x1xf32>
    %reduce_sum3A_480 = vector.extract %reduce_sum3A_479[0, 0, 0] : f32 from vector<1x1x1xf32>
    %convert_element_type3A_481 = arith.fptosi %reduce_sum3A_480 : f32 to i32
    %add3A_482 = arith.addf %sub3A_470, %dot_general3A_475 : vector<128x128xf32>
    %convert_element_type3A_483 = arith.sitofp %add3A_462 : i32 to f32
    %add3A_484 = vector.broadcast %convert_element_type3A_483 : f32 to vector<128x128xf32>
    %add3A_485 = arith.addf %add3A_482, %add3A_484 : vector<128x128xf32>
    %mul3A_486 = arith.mulf %convert_element_type3A_467, %add3A_485 : vector<128x128xf32>
    %add3A_487 = arith.addf %add3A_403, %mul3A_486 : vector<128x128xf32>
    %jit3A_488 = arith.constant 1024 : i32
    %div3A_489 = arith.divsi %add3A_462, %jit3A_488 : i32
    %sign3A_490 = arith.constant 0 : i32
    %sign3A_491 = arith.cmpi sgt, %add3A_462, %sign3A_490 : i32
    %sign3A_492 = arith.extui %sign3A_491 : i1 to i32
    %sign3A_493 = arith.constant 0 : i32
    %sign3A_494 = arith.cmpi slt, %add3A_462, %sign3A_493 : i32
    %sign3A_495 = arith.extui %sign3A_494 : i1 to i32
    %sign3A_496 = arith.subi %sign3A_492, %sign3A_495 : i32
    %sign3A_497 = arith.constant 0 : i32
    %sign3A_498 = arith.cmpi sgt, %jit3A_488, %sign3A_497 : i32
    %sign3A_499 = arith.extui %sign3A_498 : i1 to i32
    %sign3A_500 = arith.constant 0 : i32
    %sign3A_501 = arith.cmpi slt, %jit3A_488, %sign3A_500 : i32
    %sign3A_502 = arith.extui %sign3A_501 : i1 to i32
    %sign3A_503 = arith.subi %sign3A_499, %sign3A_502 : i32
    %ne3A_504 = arith.cmpi ne, %sign3A_496, %sign3A_503 : i32
    %rem3A_505 = arith.remsi %add3A_462, %jit3A_488 : i32
    %ne3A_506 = arith.constant 0 : i32
    %ne3A_507 = arith.cmpi ne, %rem3A_505, %ne3A_506 : i32
    %and3A_508 = arith.andi %ne3A_504, %ne3A_507 : i1
    %sub3A_509 = arith.constant 1 : i32
    %sub3A_510 = arith.subi %div3A_489, %sub3A_509 : i32
    %select_n3A_511 = arith.select %and3A_508, %sub3A_510, %div3A_489 : i32
    %ge3A_512 = vector.broadcast %select_n3A_511 : i32 to vector<1x256xi32>
    %ge3A_513 = arith.cmpi sge, %iota3A_49, %ge3A_512 : vector<1x256xi32>
    %convert_element_type3A_514 = arith.extui %ge3A_513 : vector<1x256xi1> to vector<1x256xi32>
    %add3A_515 = arith.addi %add3A_431, %convert_element_type3A_514 : vector<1x256xi32>
    %add3A_516 = arith.constant 1024 : i32
    %add3A_517 = arith.addi %convert_element_type3A_481, %add3A_516 : i32
    %sub3A_518 = arith.constant 1 : i32
    %sub3A_519 = arith.subi %add3A_517, %sub3A_518 : i32
    %jit3A_520 = arith.constant 1024 : i32
    %div3A_521 = arith.divsi %sub3A_519, %jit3A_520 : i32
    %sign3A_522 = arith.constant 0 : i32
    %sign3A_523 = arith.cmpi sgt, %sub3A_519, %sign3A_522 : i32
    %sign3A_524 = arith.extui %sign3A_523 : i1 to i32
    %sign3A_525 = arith.constant 0 : i32
    %sign3A_526 = arith.cmpi slt, %sub3A_519, %sign3A_525 : i32
    %sign3A_527 = arith.extui %sign3A_526 : i1 to i32
    %sign3A_528 = arith.subi %sign3A_524, %sign3A_527 : i32
    %sign3A_529 = arith.constant 0 : i32
    %sign3A_530 = arith.cmpi sgt, %jit3A_520, %sign3A_529 : i32
    %sign3A_531 = arith.extui %sign3A_530 : i1 to i32
    %sign3A_532 = arith.constant 0 : i32
    %sign3A_533 = arith.cmpi slt, %jit3A_520, %sign3A_532 : i32
    %sign3A_534 = arith.extui %sign3A_533 : i1 to i32
    %sign3A_535 = arith.subi %sign3A_531, %sign3A_534 : i32
    %ne3A_536 = arith.cmpi ne, %sign3A_528, %sign3A_535 : i32
    %rem3A_537 = arith.remsi %sub3A_519, %jit3A_520 : i32
    %ne3A_538 = arith.constant 0 : i32
    %ne3A_539 = arith.cmpi ne, %rem3A_537, %ne3A_538 : i32
    %and3A_540 = arith.andi %ne3A_536, %ne3A_539 : i1
    %sub3A_541 = arith.constant 1 : i32
    %sub3A_542 = arith.subi %div3A_521, %sub3A_541 : i32
    %select_n3A_543 = arith.select %and3A_540, %sub3A_542, %div3A_521 : i32
    %mul3A_544 = arith.constant 1024 : i32
    %mul3A_545 = arith.muli %select_n3A_543, %mul3A_544 : i32
    %add3A_546 = arith.addi %add3A_462, %mul3A_545 : i32
    %eq3A_547 = arith.constant 6 : i32
    %eq3A_548 = vector.broadcast %eq3A_547 : i32 to vector<128x128xi32>
    %eq3A_549 = arith.cmpi eq, %slice3A, %eq3A_548 : vector<128x128xi32>
    %convert_element_type3A_550 = arith.extui %eq3A_549 : vector<128x128xi1> to vector<128x128xi32>
    %convert_element_type3A_551 = arith.sitofp %convert_element_type3A_550 : vector<128x128xi32> to vector<128x128xf32>
    %dot_general3A_552 = arith.constant dense<0.000000e+00> : vector<128x128xf32>
    %dot_general3A_553 = tpu.matmul %convert_element_type3A_551, %convert_element_type3A_44, %dot_general3A_552 {dimension_numbers = #tpu.dot_dimension_numbers<[1], [0], [0], [1], [0, 0, 1, 1], [], []>, transpose_lhs_hint = false} : vector<128x128xf32>, vector<128x128xf32>, vector<128x128xf32> -> vector<128x128xf32>
    %sub3A_554 = arith.subf %dot_general3A_553, %convert_element_type3A_551 : vector<128x128xf32>
    %slice3A_555 = vector.extract_strided_slice %dot_general3A_553 {offsets = [0, 127], sizes = [128, 1], strides = [1, 1]} : vector<128x128xf32> to vector<128x1xf32>
    %broadcast_in_dim3A_556 = vector.shape_cast %slice3A_555 : vector<128x1xf32> to vector<128x1xf32>
    %broadcast_in_dim3A_557 = vector.broadcast %broadcast_in_dim3A_556 : vector<128x1xf32> to vector<128x128xf32>
    %dot_general3A_558 = arith.constant dense<0.000000e+00> : vector<128x128xf32>
    %dot_general3A_559 = tpu.matmul %convert_element_type3A_48, %broadcast_in_dim3A_557, %dot_general3A_558 {dimension_numbers = #tpu.dot_dimension_numbers<[1], [0], [0], [1], [0, 0, 1, 1], [], []>, transpose_lhs_hint = false} : vector<128x128xf32>, vector<128x128xf32>, vector<128x128xf32> -> vector<128x128xf32>
    %reduce_sum3A_560 = vector.shape_cast %convert_element_type3A_551 : vector<128x128xf32> to vector<1x128x128xf32>
    %reduce_sum3A_561 = arith.constant dense<0.000000e+00> : vector<1xf32>
    %reduce_sum3A_562 = vector.multi_reduction <add>, %reduce_sum3A_560, %reduce_sum3A_561 [1, 2] : vector<1x128x128xf32> to vector<1xf32>
    %reduce_sum3A_563 = vector.shape_cast %reduce_sum3A_562 : vector<1xf32> to vector<1x1x1xf32>
    %reduce_sum3A_564 = vector.extract %reduce_sum3A_563[0, 0, 0] : f32 from vector<1x1x1xf32>
    %convert_element_type3A_565 = arith.fptosi %reduce_sum3A_564 : f32 to i32
    %add3A_566 = arith.addf %sub3A_554, %dot_general3A_559 : vector<128x128xf32>
    %convert_element_type3A_567 = arith.sitofp %add3A_546 : i32 to f32
    %add3A_568 = vector.broadcast %convert_element_type3A_567 : f32 to vector<128x128xf32>
    %add3A_569 = arith.addf %add3A_566, %add3A_568 : vector<128x128xf32>
    %mul3A_570 = arith.mulf %convert_element_type3A_551, %add3A_569 : vector<128x128xf32>
    %add3A_571 = arith.addf %add3A_487, %mul3A_570 : vector<128x128xf32>
    %jit3A_572 = arith.constant 1024 : i32
    %div3A_573 = arith.divsi %add3A_546, %jit3A_572 : i32
    %sign3A_574 = arith.constant 0 : i32
    %sign3A_575 = arith.cmpi sgt, %add3A_546, %sign3A_574 : i32
    %sign3A_576 = arith.extui %sign3A_575 : i1 to i32
    %sign3A_577 = arith.constant 0 : i32
    %sign3A_578 = arith.cmpi slt, %add3A_546, %sign3A_577 : i32
    %sign3A_579 = arith.extui %sign3A_578 : i1 to i32
    %sign3A_580 = arith.subi %sign3A_576, %sign3A_579 : i32
    %sign3A_581 = arith.constant 0 : i32
    %sign3A_582 = arith.cmpi sgt, %jit3A_572, %sign3A_581 : i32
    %sign3A_583 = arith.extui %sign3A_582 : i1 to i32
    %sign3A_584 = arith.constant 0 : i32
    %sign3A_585 = arith.cmpi slt, %jit3A_572, %sign3A_584 : i32
    %sign3A_586 = arith.extui %sign3A_585 : i1 to i32
    %sign3A_587 = arith.subi %sign3A_583, %sign3A_586 : i32
    %ne3A_588 = arith.cmpi ne, %sign3A_580, %sign3A_587 : i32
    %rem3A_589 = arith.remsi %add3A_546, %jit3A_572 : i32
    %ne3A_590 = arith.constant 0 : i32
    %ne3A_591 = arith.cmpi ne, %rem3A_589, %ne3A_590 : i32
    %and3A_592 = arith.andi %ne3A_588, %ne3A_591 : i1
    %sub3A_593 = arith.constant 1 : i32
    %sub3A_594 = arith.subi %div3A_573, %sub3A_593 : i32
    %select_n3A_595 = arith.select %and3A_592, %sub3A_594, %div3A_573 : i32
    %ge3A_596 = vector.broadcast %select_n3A_595 : i32 to vector<1x256xi32>
    %ge3A_597 = arith.cmpi sge, %iota3A_49, %ge3A_596 : vector<1x256xi32>
    %convert_element_type3A_598 = arith.extui %ge3A_597 : vector<1x256xi1> to vector<1x256xi32>
    %add3A_599 = arith.addi %add3A_515, %convert_element_type3A_598 : vector<1x256xi32>
    %add3A_600 = arith.constant 1024 : i32
    %add3A_601 = arith.addi %convert_element_type3A_565, %add3A_600 : i32
    %sub3A_602 = arith.constant 1 : i32
    %sub3A_603 = arith.subi %add3A_601, %sub3A_602 : i32
    %jit3A_604 = arith.constant 1024 : i32
    %div3A_605 = arith.divsi %sub3A_603, %jit3A_604 : i32
    %sign3A_606 = arith.constant 0 : i32
    %sign3A_607 = arith.cmpi sgt, %sub3A_603, %sign3A_606 : i32
    %sign3A_608 = arith.extui %sign3A_607 : i1 to i32
    %sign3A_609 = arith.constant 0 : i32
    %sign3A_610 = arith.cmpi slt, %sub3A_603, %sign3A_609 : i32
    %sign3A_611 = arith.extui %sign3A_610 : i1 to i32
    %sign3A_612 = arith.subi %sign3A_608, %sign3A_611 : i32
    %sign3A_613 = arith.constant 0 : i32
    %sign3A_614 = arith.cmpi sgt, %jit3A_604, %sign3A_613 : i32
    %sign3A_615 = arith.extui %sign3A_614 : i1 to i32
    %sign3A_616 = arith.constant 0 : i32
    %sign3A_617 = arith.cmpi slt, %jit3A_604, %sign3A_616 : i32
    %sign3A_618 = arith.extui %sign3A_617 : i1 to i32
    %sign3A_619 = arith.subi %sign3A_615, %sign3A_618 : i32
    %ne3A_620 = arith.cmpi ne, %sign3A_612, %sign3A_619 : i32
    %rem3A_621 = arith.remsi %sub3A_603, %jit3A_604 : i32
    %ne3A_622 = arith.constant 0 : i32
    %ne3A_623 = arith.cmpi ne, %rem3A_621, %ne3A_622 : i32
    %and3A_624 = arith.andi %ne3A_620, %ne3A_623 : i1
    %sub3A_625 = arith.constant 1 : i32
    %sub3A_626 = arith.subi %div3A_605, %sub3A_625 : i32
    %select_n3A_627 = arith.select %and3A_624, %sub3A_626, %div3A_605 : i32
    %mul3A_628 = arith.constant 1024 : i32
    %mul3A_629 = arith.muli %select_n3A_627, %mul3A_628 : i32
    %add3A_630 = arith.addi %add3A_546, %mul3A_629 : i32
    %eq3A_631 = arith.constant 7 : i32
    %eq3A_632 = vector.broadcast %eq3A_631 : i32 to vector<128x128xi32>
    %eq3A_633 = arith.cmpi eq, %slice3A, %eq3A_632 : vector<128x128xi32>
    %convert_element_type3A_634 = arith.extui %eq3A_633 : vector<128x128xi1> to vector<128x128xi32>
    %convert_element_type3A_635 = arith.sitofp %convert_element_type3A_634 : vector<128x128xi32> to vector<128x128xf32>
    %dot_general3A_636 = arith.constant dense<0.000000e+00> : vector<128x128xf32>
    %dot_general3A_637 = tpu.matmul %convert_element_type3A_635, %convert_element_type3A_44, %dot_general3A_636 {dimension_numbers = #tpu.dot_dimension_numbers<[1], [0], [0], [1], [0, 0, 1, 1], [], []>, transpose_lhs_hint = false} : vector<128x128xf32>, vector<128x128xf32>, vector<128x128xf32> -> vector<128x128xf32>
    %sub3A_638 = arith.subf %dot_general3A_637, %convert_element_type3A_635 : vector<128x128xf32>
    %slice3A_639 = vector.extract_strided_slice %dot_general3A_637 {offsets = [0, 127], sizes = [128, 1], strides = [1, 1]} : vector<128x128xf32> to vector<128x1xf32>
    %broadcast_in_dim3A_640 = vector.shape_cast %slice3A_639 : vector<128x1xf32> to vector<128x1xf32>
    %broadcast_in_dim3A_641 = vector.broadcast %broadcast_in_dim3A_640 : vector<128x1xf32> to vector<128x128xf32>
    %dot_general3A_642 = arith.constant dense<0.000000e+00> : vector<128x128xf32>
    %dot_general3A_643 = tpu.matmul %convert_element_type3A_48, %broadcast_in_dim3A_641, %dot_general3A_642 {dimension_numbers = #tpu.dot_dimension_numbers<[1], [0], [0], [1], [0, 0, 1, 1], [], []>, transpose_lhs_hint = false} : vector<128x128xf32>, vector<128x128xf32>, vector<128x128xf32> -> vector<128x128xf32>
    %reduce_sum3A_644 = vector.shape_cast %convert_element_type3A_635 : vector<128x128xf32> to vector<1x128x128xf32>
    %reduce_sum3A_645 = arith.constant dense<0.000000e+00> : vector<1xf32>
    %reduce_sum3A_646 = vector.multi_reduction <add>, %reduce_sum3A_644, %reduce_sum3A_645 [1, 2] : vector<1x128x128xf32> to vector<1xf32>
    %reduce_sum3A_647 = vector.shape_cast %reduce_sum3A_646 : vector<1xf32> to vector<1x1x1xf32>
    %reduce_sum3A_648 = vector.extract %reduce_sum3A_647[0, 0, 0] : f32 from vector<1x1x1xf32>
    %convert_element_type3A_649 = arith.fptosi %reduce_sum3A_648 : f32 to i32
    %add3A_650 = arith.addf %sub3A_638, %dot_general3A_643 : vector<128x128xf32>
    %convert_element_type3A_651 = arith.sitofp %add3A_630 : i32 to f32
    %add3A_652 = vector.broadcast %convert_element_type3A_651 : f32 to vector<128x128xf32>
    %add3A_653 = arith.addf %add3A_650, %add3A_652 : vector<128x128xf32>
    %mul3A_654 = arith.mulf %convert_element_type3A_635, %add3A_653 : vector<128x128xf32>
    %add3A_655 = arith.addf %add3A_571, %mul3A_654 : vector<128x128xf32>
    %jit3A_656 = arith.constant 1024 : i32
    %div3A_657 = arith.divsi %add3A_630, %jit3A_656 : i32
    %sign3A_658 = arith.constant 0 : i32
    %sign3A_659 = arith.cmpi sgt, %add3A_630, %sign3A_658 : i32
    %sign3A_660 = arith.extui %sign3A_659 : i1 to i32
    %sign3A_661 = arith.constant 0 : i32
    %sign3A_662 = arith.cmpi slt, %add3A_630, %sign3A_661 : i32
    %sign3A_663 = arith.extui %sign3A_662 : i1 to i32
    %sign3A_664 = arith.subi %sign3A_660, %sign3A_663 : i32
    %sign3A_665 = arith.constant 0 : i32
    %sign3A_666 = arith.cmpi sgt, %jit3A_656, %sign3A_665 : i32
    %sign3A_667 = arith.extui %sign3A_666 : i1 to i32
    %sign3A_668 = arith.constant 0 : i32
    %sign3A_669 = arith.cmpi slt, %jit3A_656, %sign3A_668 : i32
    %sign3A_670 = arith.extui %sign3A_669 : i1 to i32
    %sign3A_671 = arith.subi %sign3A_667, %sign3A_670 : i32
    %ne3A_672 = arith.cmpi ne, %sign3A_664, %sign3A_671 : i32
    %rem3A_673 = arith.remsi %add3A_630, %jit3A_656 : i32
    %ne3A_674 = arith.constant 0 : i32
    %ne3A_675 = arith.cmpi ne, %rem3A_673, %ne3A_674 : i32
    %and3A_676 = arith.andi %ne3A_672, %ne3A_675 : i1
    %sub3A_677 = arith.constant 1 : i32
    %sub3A_678 = arith.subi %div3A_657, %sub3A_677 : i32
    %select_n3A_679 = arith.select %and3A_676, %sub3A_678, %div3A_657 : i32
    %ge3A_680 = vector.broadcast %select_n3A_679 : i32 to vector<1x256xi32>
    %ge3A_681 = arith.cmpi sge, %iota3A_49, %ge3A_680 : vector<1x256xi32>
    %convert_element_type3A_682 = arith.extui %ge3A_681 : vector<1x256xi1> to vector<1x256xi32>
    %add3A_683 = arith.addi %add3A_599, %convert_element_type3A_682 : vector<1x256xi32>
    %add3A_684 = arith.constant 1024 : i32
    %add3A_685 = arith.addi %convert_element_type3A_649, %add3A_684 : i32
    %sub3A_686 = arith.constant 1 : i32
    %sub3A_687 = arith.subi %add3A_685, %sub3A_686 : i32
    %jit3A_688 = arith.constant 1024 : i32
    %div3A_689 = arith.divsi %sub3A_687, %jit3A_688 : i32
    %sign3A_690 = arith.constant 0 : i32
    %sign3A_691 = arith.cmpi sgt, %sub3A_687, %sign3A_690 : i32
    %sign3A_692 = arith.extui %sign3A_691 : i1 to i32
    %sign3A_693 = arith.constant 0 : i32
    %sign3A_694 = arith.cmpi slt, %sub3A_687, %sign3A_693 : i32
    %sign3A_695 = arith.extui %sign3A_694 : i1 to i32
    %sign3A_696 = arith.subi %sign3A_692, %sign3A_695 : i32
    %sign3A_697 = arith.constant 0 : i32
    %sign3A_698 = arith.cmpi sgt, %jit3A_688, %sign3A_697 : i32
    %sign3A_699 = arith.extui %sign3A_698 : i1 to i32
    %sign3A_700 = arith.constant 0 : i32
    %sign3A_701 = arith.cmpi slt, %jit3A_688, %sign3A_700 : i32
    %sign3A_702 = arith.extui %sign3A_701 : i1 to i32
    %sign3A_703 = arith.subi %sign3A_699, %sign3A_702 : i32
    %ne3A_704 = arith.cmpi ne, %sign3A_696, %sign3A_703 : i32
    %rem3A_705 = arith.remsi %sub3A_687, %jit3A_688 : i32
    %ne3A_706 = arith.constant 0 : i32
    %ne3A_707 = arith.cmpi ne, %rem3A_705, %ne3A_706 : i32
    %and3A_708 = arith.andi %ne3A_704, %ne3A_707 : i1
    %sub3A_709 = arith.constant 1 : i32
    %sub3A_710 = arith.subi %div3A_689, %sub3A_709 : i32
    %select_n3A_711 = arith.select %and3A_708, %sub3A_710, %div3A_689 : i32
    %mul3A_712 = arith.constant 1024 : i32
    %mul3A_713 = arith.muli %select_n3A_711, %mul3A_712 : i32
    %add3A_714 = arith.addi %add3A_630, %mul3A_713 : i32
    %convert_element_type3A_715 = arith.fptosi %add3A_655 : vector<128x128xf32> to vector<128x128xi32>
    %jit3A_716 = arith.constant 1024 : i32
    %div3A_717 = arith.divsi %add3A_714, %jit3A_716 : i32
    %sign3A_718 = arith.constant 0 : i32
    %sign3A_719 = arith.cmpi sgt, %add3A_714, %sign3A_718 : i32
    %sign3A_720 = arith.extui %sign3A_719 : i1 to i32
    %sign3A_721 = arith.constant 0 : i32
    %sign3A_722 = arith.cmpi slt, %add3A_714, %sign3A_721 : i32
    %sign3A_723 = arith.extui %sign3A_722 : i1 to i32
    %sign3A_724 = arith.subi %sign3A_720, %sign3A_723 : i32
    %sign3A_725 = arith.constant 0 : i32
    %sign3A_726 = arith.cmpi sgt, %jit3A_716, %sign3A_725 : i32
    %sign3A_727 = arith.extui %sign3A_726 : i1 to i32
    %sign3A_728 = arith.constant 0 : i32
    %sign3A_729 = arith.cmpi slt, %jit3A_716, %sign3A_728 : i32
    %sign3A_730 = arith.extui %sign3A_729 : i1 to i32
    %sign3A_731 = arith.subi %sign3A_727, %sign3A_730 : i32
    %ne3A_732 = arith.cmpi ne, %sign3A_724, %sign3A_731 : i32
    %rem3A_733 = arith.remsi %add3A_714, %jit3A_716 : i32
    %ne3A_734 = arith.constant 0 : i32
    %ne3A_735 = arith.cmpi ne, %rem3A_733, %ne3A_734 : i32
    %and3A_736 = arith.andi %ne3A_732, %ne3A_735 : i1
    %sub3A_737 = arith.constant 1 : i32
    %sub3A_738 = arith.subi %div3A_717, %sub3A_737 : i32
    %select_n3A_739 = arith.select %and3A_736, %sub3A_738, %div3A_717 : i32
    %sub3A_740 = arith.constant 1 : i32
    %sub3A_741 = arith.subi %select_n3A_739, %sub3A_740 : i32
    %min3A = vector.broadcast %sub3A_741 : i32 to vector<1x256xi32>
    %min3A_742 = arith.minsi %iota3A_49, %min3A : vector<1x256xi32>
    %slice3A_743 = vector.extract_strided_slice %add3A_41 {offsets = [128, 0], sizes = [128, 128], strides = [1, 1]} : vector<256x128xi32> to vector<128x128xi32>
    %broadcast_in_dim3A_744 = arith.constant 0.000000e+00 : f32
    %broadcast_in_dim3A_745 = vector.broadcast %broadcast_in_dim3A_744 : f32 to vector<128x128xf32>
    %broadcast_in_dim3A_746 = arith.constant -1 : i32
    %broadcast_in_dim3A_747 = vector.broadcast %broadcast_in_dim3A_746 : i32 to vector<1x256xi32>
    %eq3A_748 = arith.constant 0 : i32
    %eq3A_749 = vector.broadcast %eq3A_748 : i32 to vector<128x128xi32>
    %eq3A_750 = arith.cmpi eq, %slice3A_743, %eq3A_749 : vector<128x128xi32>
    %convert_element_type3A_751 = arith.extui %eq3A_750 : vector<128x128xi1> to vector<128x128xi32>
    %convert_element_type3A_752 = arith.sitofp %convert_element_type3A_751 : vector<128x128xi32> to vector<128x128xf32>
    %dot_general3A_753 = arith.constant dense<0.000000e+00> : vector<128x128xf32>
    %dot_general3A_754 = tpu.matmul %convert_element_type3A_752, %convert_element_type3A_44, %dot_general3A_753 {dimension_numbers = #tpu.dot_dimension_numbers<[1], [0], [0], [1], [0, 0, 1, 1], [], []>, transpose_lhs_hint = false} : vector<128x128xf32>, vector<128x128xf32>, vector<128x128xf32> -> vector<128x128xf32>
    %sub3A_755 = arith.subf %dot_general3A_754, %convert_element_type3A_752 : vector<128x128xf32>
    %slice3A_756 = vector.extract_strided_slice %dot_general3A_754 {offsets = [0, 127], sizes = [128, 1], strides = [1, 1]} : vector<128x128xf32> to vector<128x1xf32>
    %broadcast_in_dim3A_757 = vector.shape_cast %slice3A_756 : vector<128x1xf32> to vector<128x1xf32>
    %broadcast_in_dim3A_758 = vector.broadcast %broadcast_in_dim3A_757 : vector<128x1xf32> to vector<128x128xf32>
    %dot_general3A_759 = arith.constant dense<0.000000e+00> : vector<128x128xf32>
    %dot_general3A_760 = tpu.matmul %convert_element_type3A_48, %broadcast_in_dim3A_758, %dot_general3A_759 {dimension_numbers = #tpu.dot_dimension_numbers<[1], [0], [0], [1], [0, 0, 1, 1], [], []>, transpose_lhs_hint = false} : vector<128x128xf32>, vector<128x128xf32>, vector<128x128xf32> -> vector<128x128xf32>
    %reduce_sum3A_761 = vector.shape_cast %convert_element_type3A_752 : vector<128x128xf32> to vector<1x128x128xf32>
    %reduce_sum3A_762 = arith.constant dense<0.000000e+00> : vector<1xf32>
    %reduce_sum3A_763 = vector.multi_reduction <add>, %reduce_sum3A_761, %reduce_sum3A_762 [1, 2] : vector<1x128x128xf32> to vector<1xf32>
    %reduce_sum3A_764 = vector.shape_cast %reduce_sum3A_763 : vector<1xf32> to vector<1x1x1xf32>
    %reduce_sum3A_765 = vector.extract %reduce_sum3A_764[0, 0, 0] : f32 from vector<1x1x1xf32>
    %convert_element_type3A_766 = arith.fptosi %reduce_sum3A_765 : f32 to i32
    %add3A_767 = arith.addf %sub3A_755, %dot_general3A_760 : vector<128x128xf32>
    %add3A_768 = arith.constant 0.000000e+00 : f32
    %add3A_769 = vector.broadcast %add3A_768 : f32 to vector<128x128xf32>
    %add3A_770 = arith.addf %add3A_767, %add3A_769 : vector<128x128xf32>
    %mul3A_771 = arith.mulf %convert_element_type3A_752, %add3A_770 : vector<128x128xf32>
    %add3A_772 = arith.addf %broadcast_in_dim3A_745, %mul3A_771 : vector<128x128xf32>
    %jit3A_773 = arith.constant 0 : i32
    %jit3A_774 = arith.constant 1024 : i32
    %div3A_775 = arith.divsi %jit3A_773, %jit3A_774 : i32
    %sign3A_776 = arith.constant 0 : i32
    %sign3A_777 = arith.cmpi sgt, %jit3A_773, %sign3A_776 : i32
    %sign3A_778 = arith.extui %sign3A_777 : i1 to i32
    %sign3A_779 = arith.constant 0 : i32
    %sign3A_780 = arith.cmpi slt, %jit3A_773, %sign3A_779 : i32
    %sign3A_781 = arith.extui %sign3A_780 : i1 to i32
    %sign3A_782 = arith.subi %sign3A_778, %sign3A_781 : i32
    %sign3A_783 = arith.constant 0 : i32
    %sign3A_784 = arith.cmpi sgt, %jit3A_774, %sign3A_783 : i32
    %sign3A_785 = arith.extui %sign3A_784 : i1 to i32
    %sign3A_786 = arith.constant 0 : i32
    %sign3A_787 = arith.cmpi slt, %jit3A_774, %sign3A_786 : i32
    %sign3A_788 = arith.extui %sign3A_787 : i1 to i32
    %sign3A_789 = arith.subi %sign3A_785, %sign3A_788 : i32
    %ne3A_790 = arith.cmpi ne, %sign3A_782, %sign3A_789 : i32
    %rem3A_791 = arith.remsi %jit3A_773, %jit3A_774 : i32
    %ne3A_792 = arith.constant 0 : i32
    %ne3A_793 = arith.cmpi ne, %rem3A_791, %ne3A_792 : i32
    %and3A_794 = arith.andi %ne3A_790, %ne3A_793 : i1
    %sub3A_795 = arith.constant 1 : i32
    %sub3A_796 = arith.subi %div3A_775, %sub3A_795 : i32
    %select_n3A_797 = arith.select %and3A_794, %sub3A_796, %div3A_775 : i32
    %ge3A_798 = vector.broadcast %select_n3A_797 : i32 to vector<1x256xi32>
    %ge3A_799 = arith.cmpi sge, %iota3A_49, %ge3A_798 : vector<1x256xi32>
    %convert_element_type3A_800 = arith.extui %ge3A_799 : vector<1x256xi1> to vector<1x256xi32>
    %add3A_801 = arith.addi %broadcast_in_dim3A_747, %convert_element_type3A_800 : vector<1x256xi32>
    %add3A_802 = arith.constant 1024 : i32
    %add3A_803 = arith.addi %convert_element_type3A_766, %add3A_802 : i32
    %sub3A_804 = arith.constant 1 : i32
    %sub3A_805 = arith.subi %add3A_803, %sub3A_804 : i32
    %jit3A_806 = arith.constant 1024 : i32
    %div3A_807 = arith.divsi %sub3A_805, %jit3A_806 : i32
    %sign3A_808 = arith.constant 0 : i32
    %sign3A_809 = arith.cmpi sgt, %sub3A_805, %sign3A_808 : i32
    %sign3A_810 = arith.extui %sign3A_809 : i1 to i32
    %sign3A_811 = arith.constant 0 : i32
    %sign3A_812 = arith.cmpi slt, %sub3A_805, %sign3A_811 : i32
    %sign3A_813 = arith.extui %sign3A_812 : i1 to i32
    %sign3A_814 = arith.subi %sign3A_810, %sign3A_813 : i32
    %sign3A_815 = arith.constant 0 : i32
    %sign3A_816 = arith.cmpi sgt, %jit3A_806, %sign3A_815 : i32
    %sign3A_817 = arith.extui %sign3A_816 : i1 to i32
    %sign3A_818 = arith.constant 0 : i32
    %sign3A_819 = arith.cmpi slt, %jit3A_806, %sign3A_818 : i32
    %sign3A_820 = arith.extui %sign3A_819 : i1 to i32
    %sign3A_821 = arith.subi %sign3A_817, %sign3A_820 : i32
    %ne3A_822 = arith.cmpi ne, %sign3A_814, %sign3A_821 : i32
    %rem3A_823 = arith.remsi %sub3A_805, %jit3A_806 : i32
    %ne3A_824 = arith.constant 0 : i32
    %ne3A_825 = arith.cmpi ne, %rem3A_823, %ne3A_824 : i32
    %and3A_826 = arith.andi %ne3A_822, %ne3A_825 : i1
    %sub3A_827 = arith.constant 1 : i32
    %sub3A_828 = arith.subi %div3A_807, %sub3A_827 : i32
    %select_n3A_829 = arith.select %and3A_826, %sub3A_828, %div3A_807 : i32
    %mul3A_830 = arith.constant 1024 : i32
    %mul3A_831 = arith.muli %select_n3A_829, %mul3A_830 : i32
    %add3A_832 = arith.constant 0 : i32
    %add3A_833 = arith.addi %add3A_832, %mul3A_831 : i32
    %eq3A_834 = arith.constant 1 : i32
    %eq3A_835 = vector.broadcast %eq3A_834 : i32 to vector<128x128xi32>
    %eq3A_836 = arith.cmpi eq, %slice3A_743, %eq3A_835 : vector<128x128xi32>
    %convert_element_type3A_837 = arith.extui %eq3A_836 : vector<128x128xi1> to vector<128x128xi32>
    %convert_element_type3A_838 = arith.sitofp %convert_element_type3A_837 : vector<128x128xi32> to vector<128x128xf32>
    %dot_general3A_839 = arith.constant dense<0.000000e+00> : vector<128x128xf32>
    %dot_general3A_840 = tpu.matmul %convert_element_type3A_838, %convert_element_type3A_44, %dot_general3A_839 {dimension_numbers = #tpu.dot_dimension_numbers<[1], [0], [0], [1], [0, 0, 1, 1], [], []>, transpose_lhs_hint = false} : vector<128x128xf32>, vector<128x128xf32>, vector<128x128xf32> -> vector<128x128xf32>
    %sub3A_841 = arith.subf %dot_general3A_840, %convert_element_type3A_838 : vector<128x128xf32>
    %slice3A_842 = vector.extract_strided_slice %dot_general3A_840 {offsets = [0, 127], sizes = [128, 1], strides = [1, 1]} : vector<128x128xf32> to vector<128x1xf32>
    %broadcast_in_dim3A_843 = vector.shape_cast %slice3A_842 : vector<128x1xf32> to vector<128x1xf32>
    %broadcast_in_dim3A_844 = vector.broadcast %broadcast_in_dim3A_843 : vector<128x1xf32> to vector<128x128xf32>
    %dot_general3A_845 = arith.constant dense<0.000000e+00> : vector<128x128xf32>
    %dot_general3A_846 = tpu.matmul %convert_element_type3A_48, %broadcast_in_dim3A_844, %dot_general3A_845 {dimension_numbers = #tpu.dot_dimension_numbers<[1], [0], [0], [1], [0, 0, 1, 1], [], []>, transpose_lhs_hint = false} : vector<128x128xf32>, vector<128x128xf32>, vector<128x128xf32> -> vector<128x128xf32>
    %reduce_sum3A_847 = vector.shape_cast %convert_element_type3A_838 : vector<128x128xf32> to vector<1x128x128xf32>
    %reduce_sum3A_848 = arith.constant dense<0.000000e+00> : vector<1xf32>
    %reduce_sum3A_849 = vector.multi_reduction <add>, %reduce_sum3A_847, %reduce_sum3A_848 [1, 2] : vector<1x128x128xf32> to vector<1xf32>
    %reduce_sum3A_850 = vector.shape_cast %reduce_sum3A_849 : vector<1xf32> to vector<1x1x1xf32>
    %reduce_sum3A_851 = vector.extract %reduce_sum3A_850[0, 0, 0] : f32 from vector<1x1x1xf32>
    %convert_element_type3A_852 = arith.fptosi %reduce_sum3A_851 : f32 to i32
    %add3A_853 = arith.addf %sub3A_841, %dot_general3A_846 : vector<128x128xf32>
    %convert_element_type3A_854 = arith.sitofp %add3A_833 : i32 to f32
    %add3A_855 = vector.broadcast %convert_element_type3A_854 : f32 to vector<128x128xf32>
    %add3A_856 = arith.addf %add3A_853, %add3A_855 : vector<128x128xf32>
    %mul3A_857 = arith.mulf %convert_element_type3A_838, %add3A_856 : vector<128x128xf32>
    %add3A_858 = arith.addf %add3A_772, %mul3A_857 : vector<128x128xf32>
    %jit3A_859 = arith.constant 1024 : i32
    %div3A_860 = arith.divsi %add3A_833, %jit3A_859 : i32
    %sign3A_861 = arith.constant 0 : i32
    %sign3A_862 = arith.cmpi sgt, %add3A_833, %sign3A_861 : i32
    %sign3A_863 = arith.extui %sign3A_862 : i1 to i32
    %sign3A_864 = arith.constant 0 : i32
    %sign3A_865 = arith.cmpi slt, %add3A_833, %sign3A_864 : i32
    %sign3A_866 = arith.extui %sign3A_865 : i1 to i32
    %sign3A_867 = arith.subi %sign3A_863, %sign3A_866 : i32
    %sign3A_868 = arith.constant 0 : i32
    %sign3A_869 = arith.cmpi sgt, %jit3A_859, %sign3A_868 : i32
    %sign3A_870 = arith.extui %sign3A_869 : i1 to i32
    %sign3A_871 = arith.constant 0 : i32
    %sign3A_872 = arith.cmpi slt, %jit3A_859, %sign3A_871 : i32
    %sign3A_873 = arith.extui %sign3A_872 : i1 to i32
    %sign3A_874 = arith.subi %sign3A_870, %sign3A_873 : i32
    %ne3A_875 = arith.cmpi ne, %sign3A_867, %sign3A_874 : i32
    %rem3A_876 = arith.remsi %add3A_833, %jit3A_859 : i32
    %ne3A_877 = arith.constant 0 : i32
    %ne3A_878 = arith.cmpi ne, %rem3A_876, %ne3A_877 : i32
    %and3A_879 = arith.andi %ne3A_875, %ne3A_878 : i1
    %sub3A_880 = arith.constant 1 : i32
    %sub3A_881 = arith.subi %div3A_860, %sub3A_880 : i32
    %select_n3A_882 = arith.select %and3A_879, %sub3A_881, %div3A_860 : i32
    %ge3A_883 = vector.broadcast %select_n3A_882 : i32 to vector<1x256xi32>
    %ge3A_884 = arith.cmpi sge, %iota3A_49, %ge3A_883 : vector<1x256xi32>
    %convert_element_type3A_885 = arith.extui %ge3A_884 : vector<1x256xi1> to vector<1x256xi32>
    %add3A_886 = arith.addi %add3A_801, %convert_element_type3A_885 : vector<1x256xi32>
    %add3A_887 = arith.constant 1024 : i32
    %add3A_888 = arith.addi %convert_element_type3A_852, %add3A_887 : i32
    %sub3A_889 = arith.constant 1 : i32
    %sub3A_890 = arith.subi %add3A_888, %sub3A_889 : i32
    %jit3A_891 = arith.constant 1024 : i32
    %div3A_892 = arith.divsi %sub3A_890, %jit3A_891 : i32
    %sign3A_893 = arith.constant 0 : i32
    %sign3A_894 = arith.cmpi sgt, %sub3A_890, %sign3A_893 : i32
    %sign3A_895 = arith.extui %sign3A_894 : i1 to i32
    %sign3A_896 = arith.constant 0 : i32
    %sign3A_897 = arith.cmpi slt, %sub3A_890, %sign3A_896 : i32
    %sign3A_898 = arith.extui %sign3A_897 : i1 to i32
    %sign3A_899 = arith.subi %sign3A_895, %sign3A_898 : i32
    %sign3A_900 = arith.constant 0 : i32
    %sign3A_901 = arith.cmpi sgt, %jit3A_891, %sign3A_900 : i32
    %sign3A_902 = arith.extui %sign3A_901 : i1 to i32
    %sign3A_903 = arith.constant 0 : i32
    %sign3A_904 = arith.cmpi slt, %jit3A_891, %sign3A_903 : i32
    %sign3A_905 = arith.extui %sign3A_904 : i1 to i32
    %sign3A_906 = arith.subi %sign3A_902, %sign3A_905 : i32
    %ne3A_907 = arith.cmpi ne, %sign3A_899, %sign3A_906 : i32
    %rem3A_908 = arith.remsi %sub3A_890, %jit3A_891 : i32
    %ne3A_909 = arith.constant 0 : i32
    %ne3A_910 = arith.cmpi ne, %rem3A_908, %ne3A_909 : i32
    %and3A_911 = arith.andi %ne3A_907, %ne3A_910 : i1
    %sub3A_912 = arith.constant 1 : i32
    %sub3A_913 = arith.subi %div3A_892, %sub3A_912 : i32
    %select_n3A_914 = arith.select %and3A_911, %sub3A_913, %div3A_892 : i32
    %mul3A_915 = arith.constant 1024 : i32
    %mul3A_916 = arith.muli %select_n3A_914, %mul3A_915 : i32
    %add3A_917 = arith.addi %add3A_833, %mul3A_916 : i32
    %eq3A_918 = arith.constant 2 : i32
    %eq3A_919 = vector.broadcast %eq3A_918 : i32 to vector<128x128xi32>
    %eq3A_920 = arith.cmpi eq, %slice3A_743, %eq3A_919 : vector<128x128xi32>
    %convert_element_type3A_921 = arith.extui %eq3A_920 : vector<128x128xi1> to vector<128x128xi32>
    %convert_element_type3A_922 = arith.sitofp %convert_element_type3A_921 : vector<128x128xi32> to vector<128x128xf32>
    %dot_general3A_923 = arith.constant dense<0.000000e+00> : vector<128x128xf32>
    %dot_general3A_924 = tpu.matmul %convert_element_type3A_922, %convert_element_type3A_44, %dot_general3A_923 {dimension_numbers = #tpu.dot_dimension_numbers<[1], [0], [0], [1], [0, 0, 1, 1], [], []>, transpose_lhs_hint = false} : vector<128x128xf32>, vector<128x128xf32>, vector<128x128xf32> -> vector<128x128xf32>
    %sub3A_925 = arith.subf %dot_general3A_924, %convert_element_type3A_922 : vector<128x128xf32>
    %slice3A_926 = vector.extract_strided_slice %dot_general3A_924 {offsets = [0, 127], sizes = [128, 1], strides = [1, 1]} : vector<128x128xf32> to vector<128x1xf32>
    %broadcast_in_dim3A_927 = vector.shape_cast %slice3A_926 : vector<128x1xf32> to vector<128x1xf32>
    %broadcast_in_dim3A_928 = vector.broadcast %broadcast_in_dim3A_927 : vector<128x1xf32> to vector<128x128xf32>
    %dot_general3A_929 = arith.constant dense<0.000000e+00> : vector<128x128xf32>
    %dot_general3A_930 = tpu.matmul %convert_element_type3A_48, %broadcast_in_dim3A_928, %dot_general3A_929 {dimension_numbers = #tpu.dot_dimension_numbers<[1], [0], [0], [1], [0, 0, 1, 1], [], []>, transpose_lhs_hint = false} : vector<128x128xf32>, vector<128x128xf32>, vector<128x128xf32> -> vector<128x128xf32>
    %reduce_sum3A_931 = vector.shape_cast %convert_element_type3A_922 : vector<128x128xf32> to vector<1x128x128xf32>
    %reduce_sum3A_932 = arith.constant dense<0.000000e+00> : vector<1xf32>
    %reduce_sum3A_933 = vector.multi_reduction <add>, %reduce_sum3A_931, %reduce_sum3A_932 [1, 2] : vector<1x128x128xf32> to vector<1xf32>
    %reduce_sum3A_934 = vector.shape_cast %reduce_sum3A_933 : vector<1xf32> to vector<1x1x1xf32>
    %reduce_sum3A_935 = vector.extract %reduce_sum3A_934[0, 0, 0] : f32 from vector<1x1x1xf32>
    %convert_element_type3A_936 = arith.fptosi %reduce_sum3A_935 : f32 to i32
    %add3A_937 = arith.addf %sub3A_925, %dot_general3A_930 : vector<128x128xf32>
    %convert_element_type3A_938 = arith.sitofp %add3A_917 : i32 to f32
    %add3A_939 = vector.broadcast %convert_element_type3A_938 : f32 to vector<128x128xf32>
    %add3A_940 = arith.addf %add3A_937, %add3A_939 : vector<128x128xf32>
    %mul3A_941 = arith.mulf %convert_element_type3A_922, %add3A_940 : vector<128x128xf32>
    %add3A_942 = arith.addf %add3A_858, %mul3A_941 : vector<128x128xf32>
    %jit3A_943 = arith.constant 1024 : i32
    %div3A_944 = arith.divsi %add3A_917, %jit3A_943 : i32
    %sign3A_945 = arith.constant 0 : i32
    %sign3A_946 = arith.cmpi sgt, %add3A_917, %sign3A_945 : i32
    %sign3A_947 = arith.extui %sign3A_946 : i1 to i32
    %sign3A_948 = arith.constant 0 : i32
    %sign3A_949 = arith.cmpi slt, %add3A_917, %sign3A_948 : i32
    %sign3A_950 = arith.extui %sign3A_949 : i1 to i32
    %sign3A_951 = arith.subi %sign3A_947, %sign3A_950 : i32
    %sign3A_952 = arith.constant 0 : i32
    %sign3A_953 = arith.cmpi sgt, %jit3A_943, %sign3A_952 : i32
    %sign3A_954 = arith.extui %sign3A_953 : i1 to i32
    %sign3A_955 = arith.constant 0 : i32
    %sign3A_956 = arith.cmpi slt, %jit3A_943, %sign3A_955 : i32
    %sign3A_957 = arith.extui %sign3A_956 : i1 to i32
    %sign3A_958 = arith.subi %sign3A_954, %sign3A_957 : i32
    %ne3A_959 = arith.cmpi ne, %sign3A_951, %sign3A_958 : i32
    %rem3A_960 = arith.remsi %add3A_917, %jit3A_943 : i32
    %ne3A_961 = arith.constant 0 : i32
    %ne3A_962 = arith.cmpi ne, %rem3A_960, %ne3A_961 : i32
    %and3A_963 = arith.andi %ne3A_959, %ne3A_962 : i1
    %sub3A_964 = arith.constant 1 : i32
    %sub3A_965 = arith.subi %div3A_944, %sub3A_964 : i32
    %select_n3A_966 = arith.select %and3A_963, %sub3A_965, %div3A_944 : i32
    %ge3A_967 = vector.broadcast %select_n3A_966 : i32 to vector<1x256xi32>
    %ge3A_968 = arith.cmpi sge, %iota3A_49, %ge3A_967 : vector<1x256xi32>
    %convert_element_type3A_969 = arith.extui %ge3A_968 : vector<1x256xi1> to vector<1x256xi32>
    %add3A_970 = arith.addi %add3A_886, %convert_element_type3A_969 : vector<1x256xi32>
    %add3A_971 = arith.constant 1024 : i32
    %add3A_972 = arith.addi %convert_element_type3A_936, %add3A_971 : i32
    %sub3A_973 = arith.constant 1 : i32
    %sub3A_974 = arith.subi %add3A_972, %sub3A_973 : i32
    %jit3A_975 = arith.constant 1024 : i32
    %div3A_976 = arith.divsi %sub3A_974, %jit3A_975 : i32
    %sign3A_977 = arith.constant 0 : i32
    %sign3A_978 = arith.cmpi sgt, %sub3A_974, %sign3A_977 : i32
    %sign3A_979 = arith.extui %sign3A_978 : i1 to i32
    %sign3A_980 = arith.constant 0 : i32
    %sign3A_981 = arith.cmpi slt, %sub3A_974, %sign3A_980 : i32
    %sign3A_982 = arith.extui %sign3A_981 : i1 to i32
    %sign3A_983 = arith.subi %sign3A_979, %sign3A_982 : i32
    %sign3A_984 = arith.constant 0 : i32
    %sign3A_985 = arith.cmpi sgt, %jit3A_975, %sign3A_984 : i32
    %sign3A_986 = arith.extui %sign3A_985 : i1 to i32
    %sign3A_987 = arith.constant 0 : i32
    %sign3A_988 = arith.cmpi slt, %jit3A_975, %sign3A_987 : i32
    %sign3A_989 = arith.extui %sign3A_988 : i1 to i32
    %sign3A_990 = arith.subi %sign3A_986, %sign3A_989 : i32
    %ne3A_991 = arith.cmpi ne, %sign3A_983, %sign3A_990 : i32
    %rem3A_992 = arith.remsi %sub3A_974, %jit3A_975 : i32
    %ne3A_993 = arith.constant 0 : i32
    %ne3A_994 = arith.cmpi ne, %rem3A_992, %ne3A_993 : i32
    %and3A_995 = arith.andi %ne3A_991, %ne3A_994 : i1
    %sub3A_996 = arith.constant 1 : i32
    %sub3A_997 = arith.subi %div3A_976, %sub3A_996 : i32
    %select_n3A_998 = arith.select %and3A_995, %sub3A_997, %div3A_976 : i32
    %mul3A_999 = arith.constant 1024 : i32
    %mul3A_1000 = arith.muli %select_n3A_998, %mul3A_999 : i32
    %add3A_1001 = arith.addi %add3A_917, %mul3A_1000 : i32
    %eq3A_1002 = arith.constant 3 : i32
    %eq3A_1003 = vector.broadcast %eq3A_1002 : i32 to vector<128x128xi32>
    %eq3A_1004 = arith.cmpi eq, %slice3A_743, %eq3A_1003 : vector<128x128xi32>
    %convert_element_type3A_1005 = arith.extui %eq3A_1004 : vector<128x128xi1> to vector<128x128xi32>
    %convert_element_type3A_1006 = arith.sitofp %convert_element_type3A_1005 : vector<128x128xi32> to vector<128x128xf32>
    %dot_general3A_1007 = arith.constant dense<0.000000e+00> : vector<128x128xf32>
    %dot_general3A_1008 = tpu.matmul %convert_element_type3A_1006, %convert_element_type3A_44, %dot_general3A_1007 {dimension_numbers = #tpu.dot_dimension_numbers<[1], [0], [0], [1], [0, 0, 1, 1], [], []>, transpose_lhs_hint = false} : vector<128x128xf32>, vector<128x128xf32>, vector<128x128xf32> -> vector<128x128xf32>
    %sub3A_1009 = arith.subf %dot_general3A_1008, %convert_element_type3A_1006 : vector<128x128xf32>
    %slice3A_1010 = vector.extract_strided_slice %dot_general3A_1008 {offsets = [0, 127], sizes = [128, 1], strides = [1, 1]} : vector<128x128xf32> to vector<128x1xf32>
    %broadcast_in_dim3A_1011 = vector.shape_cast %slice3A_1010 : vector<128x1xf32> to vector<128x1xf32>
    %broadcast_in_dim3A_1012 = vector.broadcast %broadcast_in_dim3A_1011 : vector<128x1xf32> to vector<128x128xf32>
    %dot_general3A_1013 = arith.constant dense<0.000000e+00> : vector<128x128xf32>
    %dot_general3A_1014 = tpu.matmul %convert_element_type3A_48, %broadcast_in_dim3A_1012, %dot_general3A_1013 {dimension_numbers = #tpu.dot_dimension_numbers<[1], [0], [0], [1], [0, 0, 1, 1], [], []>, transpose_lhs_hint = false} : vector<128x128xf32>, vector<128x128xf32>, vector<128x128xf32> -> vector<128x128xf32>
    %reduce_sum3A_1015 = vector.shape_cast %convert_element_type3A_1006 : vector<128x128xf32> to vector<1x128x128xf32>
    %reduce_sum3A_1016 = arith.constant dense<0.000000e+00> : vector<1xf32>
    %reduce_sum3A_1017 = vector.multi_reduction <add>, %reduce_sum3A_1015, %reduce_sum3A_1016 [1, 2] : vector<1x128x128xf32> to vector<1xf32>
    %reduce_sum3A_1018 = vector.shape_cast %reduce_sum3A_1017 : vector<1xf32> to vector<1x1x1xf32>
    %reduce_sum3A_1019 = vector.extract %reduce_sum3A_1018[0, 0, 0] : f32 from vector<1x1x1xf32>
    %convert_element_type3A_1020 = arith.fptosi %reduce_sum3A_1019 : f32 to i32
    %add3A_1021 = arith.addf %sub3A_1009, %dot_general3A_1014 : vector<128x128xf32>
    %convert_element_type3A_1022 = arith.sitofp %add3A_1001 : i32 to f32
    %add3A_1023 = vector.broadcast %convert_element_type3A_1022 : f32 to vector<128x128xf32>
    %add3A_1024 = arith.addf %add3A_1021, %add3A_1023 : vector<128x128xf32>
    %mul3A_1025 = arith.mulf %convert_element_type3A_1006, %add3A_1024 : vector<128x128xf32>
    %add3A_1026 = arith.addf %add3A_942, %mul3A_1025 : vector<128x128xf32>
    %jit3A_1027 = arith.constant 1024 : i32
    %div3A_1028 = arith.divsi %add3A_1001, %jit3A_1027 : i32
    %sign3A_1029 = arith.constant 0 : i32
    %sign3A_1030 = arith.cmpi sgt, %add3A_1001, %sign3A_1029 : i32
    %sign3A_1031 = arith.extui %sign3A_1030 : i1 to i32
    %sign3A_1032 = arith.constant 0 : i32
    %sign3A_1033 = arith.cmpi slt, %add3A_1001, %sign3A_1032 : i32
    %sign3A_1034 = arith.extui %sign3A_1033 : i1 to i32
    %sign3A_1035 = arith.subi %sign3A_1031, %sign3A_1034 : i32
    %sign3A_1036 = arith.constant 0 : i32
    %sign3A_1037 = arith.cmpi sgt, %jit3A_1027, %sign3A_1036 : i32
    %sign3A_1038 = arith.extui %sign3A_1037 : i1 to i32
    %sign3A_1039 = arith.constant 0 : i32
    %sign3A_1040 = arith.cmpi slt, %jit3A_1027, %sign3A_1039 : i32
    %sign3A_1041 = arith.extui %sign3A_1040 : i1 to i32
    %sign3A_1042 = arith.subi %sign3A_1038, %sign3A_1041 : i32
    %ne3A_1043 = arith.cmpi ne, %sign3A_1035, %sign3A_1042 : i32
    %rem3A_1044 = arith.remsi %add3A_1001, %jit3A_1027 : i32
    %ne3A_1045 = arith.constant 0 : i32
    %ne3A_1046 = arith.cmpi ne, %rem3A_1044, %ne3A_1045 : i32
    %and3A_1047 = arith.andi %ne3A_1043, %ne3A_1046 : i1
    %sub3A_1048 = arith.constant 1 : i32
    %sub3A_1049 = arith.subi %div3A_1028, %sub3A_1048 : i32
    %select_n3A_1050 = arith.select %and3A_1047, %sub3A_1049, %div3A_1028 : i32
    %ge3A_1051 = vector.broadcast %select_n3A_1050 : i32 to vector<1x256xi32>
    %ge3A_1052 = arith.cmpi sge, %iota3A_49, %ge3A_1051 : vector<1x256xi32>
    %convert_element_type3A_1053 = arith.extui %ge3A_1052 : vector<1x256xi1> to vector<1x256xi32>
    %add3A_1054 = arith.addi %add3A_970, %convert_element_type3A_1053 : vector<1x256xi32>
    %add3A_1055 = arith.constant 1024 : i32
    %add3A_1056 = arith.addi %convert_element_type3A_1020, %add3A_1055 : i32
    %sub3A_1057 = arith.constant 1 : i32
    %sub3A_1058 = arith.subi %add3A_1056, %sub3A_1057 : i32
    %jit3A_1059 = arith.constant 1024 : i32
    %div3A_1060 = arith.divsi %sub3A_1058, %jit3A_1059 : i32
    %sign3A_1061 = arith.constant 0 : i32
    %sign3A_1062 = arith.cmpi sgt, %sub3A_1058, %sign3A_1061 : i32
    %sign3A_1063 = arith.extui %sign3A_1062 : i1 to i32
    %sign3A_1064 = arith.constant 0 : i32
    %sign3A_1065 = arith.cmpi slt, %sub3A_1058, %sign3A_1064 : i32
    %sign3A_1066 = arith.extui %sign3A_1065 : i1 to i32
    %sign3A_1067 = arith.subi %sign3A_1063, %sign3A_1066 : i32
    %sign3A_1068 = arith.constant 0 : i32
    %sign3A_1069 = arith.cmpi sgt, %jit3A_1059, %sign3A_1068 : i32
    %sign3A_1070 = arith.extui %sign3A_1069 : i1 to i32
    %sign3A_1071 = arith.constant 0 : i32
    %sign3A_1072 = arith.cmpi slt, %jit3A_1059, %sign3A_1071 : i32
    %sign3A_1073 = arith.extui %sign3A_1072 : i1 to i32
    %sign3A_1074 = arith.subi %sign3A_1070, %sign3A_1073 : i32
    %ne3A_1075 = arith.cmpi ne, %sign3A_1067, %sign3A_1074 : i32
    %rem3A_1076 = arith.remsi %sub3A_1058, %jit3A_1059 : i32
    %ne3A_1077 = arith.constant 0 : i32
    %ne3A_1078 = arith.cmpi ne, %rem3A_1076, %ne3A_1077 : i32
    %and3A_1079 = arith.andi %ne3A_1075, %ne3A_1078 : i1
    %sub3A_1080 = arith.constant 1 : i32
    %sub3A_1081 = arith.subi %div3A_1060, %sub3A_1080 : i32
    %select_n3A_1082 = arith.select %and3A_1079, %sub3A_1081, %div3A_1060 : i32
    %mul3A_1083 = arith.constant 1024 : i32
    %mul3A_1084 = arith.muli %select_n3A_1082, %mul3A_1083 : i32
    %add3A_1085 = arith.addi %add3A_1001, %mul3A_1084 : i32
    %eq3A_1086 = arith.constant 4 : i32
    %eq3A_1087 = vector.broadcast %eq3A_1086 : i32 to vector<128x128xi32>
    %eq3A_1088 = arith.cmpi eq, %slice3A_743, %eq3A_1087 : vector<128x128xi32>
    %convert_element_type3A_1089 = arith.extui %eq3A_1088 : vector<128x128xi1> to vector<128x128xi32>
    %convert_element_type3A_1090 = arith.sitofp %convert_element_type3A_1089 : vector<128x128xi32> to vector<128x128xf32>
    %dot_general3A_1091 = arith.constant dense<0.000000e+00> : vector<128x128xf32>
    %dot_general3A_1092 = tpu.matmul %convert_element_type3A_1090, %convert_element_type3A_44, %dot_general3A_1091 {dimension_numbers = #tpu.dot_dimension_numbers<[1], [0], [0], [1], [0, 0, 1, 1], [], []>, transpose_lhs_hint = false} : vector<128x128xf32>, vector<128x128xf32>, vector<128x128xf32> -> vector<128x128xf32>
    %sub3A_1093 = arith.subf %dot_general3A_1092, %convert_element_type3A_1090 : vector<128x128xf32>
    %slice3A_1094 = vector.extract_strided_slice %dot_general3A_1092 {offsets = [0, 127], sizes = [128, 1], strides = [1, 1]} : vector<128x128xf32> to vector<128x1xf32>
    %broadcast_in_dim3A_1095 = vector.shape_cast %slice3A_1094 : vector<128x1xf32> to vector<128x1xf32>
    %broadcast_in_dim3A_1096 = vector.broadcast %broadcast_in_dim3A_1095 : vector<128x1xf32> to vector<128x128xf32>
    %dot_general3A_1097 = arith.constant dense<0.000000e+00> : vector<128x128xf32>
    %dot_general3A_1098 = tpu.matmul %convert_element_type3A_48, %broadcast_in_dim3A_1096, %dot_general3A_1097 {dimension_numbers = #tpu.dot_dimension_numbers<[1], [0], [0], [1], [0, 0, 1, 1], [], []>, transpose_lhs_hint = false} : vector<128x128xf32>, vector<128x128xf32>, vector<128x128xf32> -> vector<128x128xf32>
    %reduce_sum3A_1099 = vector.shape_cast %convert_element_type3A_1090 : vector<128x128xf32> to vector<1x128x128xf32>
    %reduce_sum3A_1100 = arith.constant dense<0.000000e+00> : vector<1xf32>
    %reduce_sum3A_1101 = vector.multi_reduction <add>, %reduce_sum3A_1099, %reduce_sum3A_1100 [1, 2] : vector<1x128x128xf32> to vector<1xf32>
    %reduce_sum3A_1102 = vector.shape_cast %reduce_sum3A_1101 : vector<1xf32> to vector<1x1x1xf32>
    %reduce_sum3A_1103 = vector.extract %reduce_sum3A_1102[0, 0, 0] : f32 from vector<1x1x1xf32>
    %convert_element_type3A_1104 = arith.fptosi %reduce_sum3A_1103 : f32 to i32
    %add3A_1105 = arith.addf %sub3A_1093, %dot_general3A_1098 : vector<128x128xf32>
    %convert_element_type3A_1106 = arith.sitofp %add3A_1085 : i32 to f32
    %add3A_1107 = vector.broadcast %convert_element_type3A_1106 : f32 to vector<128x128xf32>
    %add3A_1108 = arith.addf %add3A_1105, %add3A_1107 : vector<128x128xf32>
    %mul3A_1109 = arith.mulf %convert_element_type3A_1090, %add3A_1108 : vector<128x128xf32>
    %add3A_1110 = arith.addf %add3A_1026, %mul3A_1109 : vector<128x128xf32>
    %jit3A_1111 = arith.constant 1024 : i32
    %div3A_1112 = arith.divsi %add3A_1085, %jit3A_1111 : i32
    %sign3A_1113 = arith.constant 0 : i32
    %sign3A_1114 = arith.cmpi sgt, %add3A_1085, %sign3A_1113 : i32
    %sign3A_1115 = arith.extui %sign3A_1114 : i1 to i32
    %sign3A_1116 = arith.constant 0 : i32
    %sign3A_1117 = arith.cmpi slt, %add3A_1085, %sign3A_1116 : i32
    %sign3A_1118 = arith.extui %sign3A_1117 : i1 to i32
    %sign3A_1119 = arith.subi %sign3A_1115, %sign3A_1118 : i32
    %sign3A_1120 = arith.constant 0 : i32
    %sign3A_1121 = arith.cmpi sgt, %jit3A_1111, %sign3A_1120 : i32
    %sign3A_1122 = arith.extui %sign3A_1121 : i1 to i32
    %sign3A_1123 = arith.constant 0 : i32
    %sign3A_1124 = arith.cmpi slt, %jit3A_1111, %sign3A_1123 : i32
    %sign3A_1125 = arith.extui %sign3A_1124 : i1 to i32
    %sign3A_1126 = arith.subi %sign3A_1122, %sign3A_1125 : i32
    %ne3A_1127 = arith.cmpi ne, %sign3A_1119, %sign3A_1126 : i32
    %rem3A_1128 = arith.remsi %add3A_1085, %jit3A_1111 : i32
    %ne3A_1129 = arith.constant 0 : i32
    %ne3A_1130 = arith.cmpi ne, %rem3A_1128, %ne3A_1129 : i32
    %and3A_1131 = arith.andi %ne3A_1127, %ne3A_1130 : i1
    %sub3A_1132 = arith.constant 1 : i32
    %sub3A_1133 = arith.subi %div3A_1112, %sub3A_1132 : i32
    %select_n3A_1134 = arith.select %and3A_1131, %sub3A_1133, %div3A_1112 : i32
    %ge3A_1135 = vector.broadcast %select_n3A_1134 : i32 to vector<1x256xi32>
    %ge3A_1136 = arith.cmpi sge, %iota3A_49, %ge3A_1135 : vector<1x256xi32>
    %convert_element_type3A_1137 = arith.extui %ge3A_1136 : vector<1x256xi1> to vector<1x256xi32>
    %add3A_1138 = arith.addi %add3A_1054, %convert_element_type3A_1137 : vector<1x256xi32>
    %add3A_1139 = arith.constant 1024 : i32
    %add3A_1140 = arith.addi %convert_element_type3A_1104, %add3A_1139 : i32
    %sub3A_1141 = arith.constant 1 : i32
    %sub3A_1142 = arith.subi %add3A_1140, %sub3A_1141 : i32
    %jit3A_1143 = arith.constant 1024 : i32
    %div3A_1144 = arith.divsi %sub3A_1142, %jit3A_1143 : i32
    %sign3A_1145 = arith.constant 0 : i32
    %sign3A_1146 = arith.cmpi sgt, %sub3A_1142, %sign3A_1145 : i32
    %sign3A_1147 = arith.extui %sign3A_1146 : i1 to i32
    %sign3A_1148 = arith.constant 0 : i32
    %sign3A_1149 = arith.cmpi slt, %sub3A_1142, %sign3A_1148 : i32
    %sign3A_1150 = arith.extui %sign3A_1149 : i1 to i32
    %sign3A_1151 = arith.subi %sign3A_1147, %sign3A_1150 : i32
    %sign3A_1152 = arith.constant 0 : i32
    %sign3A_1153 = arith.cmpi sgt, %jit3A_1143, %sign3A_1152 : i32
    %sign3A_1154 = arith.extui %sign3A_1153 : i1 to i32
    %sign3A_1155 = arith.constant 0 : i32
    %sign3A_1156 = arith.cmpi slt, %jit3A_1143, %sign3A_1155 : i32
    %sign3A_1157 = arith.extui %sign3A_1156 : i1 to i32
    %sign3A_1158 = arith.subi %sign3A_1154, %sign3A_1157 : i32
    %ne3A_1159 = arith.cmpi ne, %sign3A_1151, %sign3A_1158 : i32
    %rem3A_1160 = arith.remsi %sub3A_1142, %jit3A_1143 : i32
    %ne3A_1161 = arith.constant 0 : i32
    %ne3A_1162 = arith.cmpi ne, %rem3A_1160, %ne3A_1161 : i32
    %and3A_1163 = arith.andi %ne3A_1159, %ne3A_1162 : i1
    %sub3A_1164 = arith.constant 1 : i32
    %sub3A_1165 = arith.subi %div3A_1144, %sub3A_1164 : i32
    %select_n3A_1166 = arith.select %and3A_1163, %sub3A_1165, %div3A_1144 : i32
    %mul3A_1167 = arith.constant 1024 : i32
    %mul3A_1168 = arith.muli %select_n3A_1166, %mul3A_1167 : i32
    %add3A_1169 = arith.addi %add3A_1085, %mul3A_1168 : i32
    %eq3A_1170 = arith.constant 5 : i32
    %eq3A_1171 = vector.broadcast %eq3A_1170 : i32 to vector<128x128xi32>
    %eq3A_1172 = arith.cmpi eq, %slice3A_743, %eq3A_1171 : vector<128x128xi32>
    %convert_element_type3A_1173 = arith.extui %eq3A_1172 : vector<128x128xi1> to vector<128x128xi32>
    %convert_element_type3A_1174 = arith.sitofp %convert_element_type3A_1173 : vector<128x128xi32> to vector<128x128xf32>
    %dot_general3A_1175 = arith.constant dense<0.000000e+00> : vector<128x128xf32>
    %dot_general3A_1176 = tpu.matmul %convert_element_type3A_1174, %convert_element_type3A_44, %dot_general3A_1175 {dimension_numbers = #tpu.dot_dimension_numbers<[1], [0], [0], [1], [0, 0, 1, 1], [], []>, transpose_lhs_hint = false} : vector<128x128xf32>, vector<128x128xf32>, vector<128x128xf32> -> vector<128x128xf32>
    %sub3A_1177 = arith.subf %dot_general3A_1176, %convert_element_type3A_1174 : vector<128x128xf32>
    %slice3A_1178 = vector.extract_strided_slice %dot_general3A_1176 {offsets = [0, 127], sizes = [128, 1], strides = [1, 1]} : vector<128x128xf32> to vector<128x1xf32>
    %broadcast_in_dim3A_1179 = vector.shape_cast %slice3A_1178 : vector<128x1xf32> to vector<128x1xf32>
    %broadcast_in_dim3A_1180 = vector.broadcast %broadcast_in_dim3A_1179 : vector<128x1xf32> to vector<128x128xf32>
    %dot_general3A_1181 = arith.constant dense<0.000000e+00> : vector<128x128xf32>
    %dot_general3A_1182 = tpu.matmul %convert_element_type3A_48, %broadcast_in_dim3A_1180, %dot_general3A_1181 {dimension_numbers = #tpu.dot_dimension_numbers<[1], [0], [0], [1], [0, 0, 1, 1], [], []>, transpose_lhs_hint = false} : vector<128x128xf32>, vector<128x128xf32>, vector<128x128xf32> -> vector<128x128xf32>
    %reduce_sum3A_1183 = vector.shape_cast %convert_element_type3A_1174 : vector<128x128xf32> to vector<1x128x128xf32>
    %reduce_sum3A_1184 = arith.constant dense<0.000000e+00> : vector<1xf32>
    %reduce_sum3A_1185 = vector.multi_reduction <add>, %reduce_sum3A_1183, %reduce_sum3A_1184 [1, 2] : vector<1x128x128xf32> to vector<1xf32>
    %reduce_sum3A_1186 = vector.shape_cast %reduce_sum3A_1185 : vector<1xf32> to vector<1x1x1xf32>
    %reduce_sum3A_1187 = vector.extract %reduce_sum3A_1186[0, 0, 0] : f32 from vector<1x1x1xf32>
    %convert_element_type3A_1188 = arith.fptosi %reduce_sum3A_1187 : f32 to i32
    %add3A_1189 = arith.addf %sub3A_1177, %dot_general3A_1182 : vector<128x128xf32>
    %convert_element_type3A_1190 = arith.sitofp %add3A_1169 : i32 to f32
    %add3A_1191 = vector.broadcast %convert_element_type3A_1190 : f32 to vector<128x128xf32>
    %add3A_1192 = arith.addf %add3A_1189, %add3A_1191 : vector<128x128xf32>
    %mul3A_1193 = arith.mulf %convert_element_type3A_1174, %add3A_1192 : vector<128x128xf32>
    %add3A_1194 = arith.addf %add3A_1110, %mul3A_1193 : vector<128x128xf32>
    %jit3A_1195 = arith.constant 1024 : i32
    %div3A_1196 = arith.divsi %add3A_1169, %jit3A_1195 : i32
    %sign3A_1197 = arith.constant 0 : i32
    %sign3A_1198 = arith.cmpi sgt, %add3A_1169, %sign3A_1197 : i32
    %sign3A_1199 = arith.extui %sign3A_1198 : i1 to i32
    %sign3A_1200 = arith.constant 0 : i32
    %sign3A_1201 = arith.cmpi slt, %add3A_1169, %sign3A_1200 : i32
    %sign3A_1202 = arith.extui %sign3A_1201 : i1 to i32
    %sign3A_1203 = arith.subi %sign3A_1199, %sign3A_1202 : i32
    %sign3A_1204 = arith.constant 0 : i32
    %sign3A_1205 = arith.cmpi sgt, %jit3A_1195, %sign3A_1204 : i32
    %sign3A_1206 = arith.extui %sign3A_1205 : i1 to i32
    %sign3A_1207 = arith.constant 0 : i32
    %sign3A_1208 = arith.cmpi slt, %jit3A_1195, %sign3A_1207 : i32
    %sign3A_1209 = arith.extui %sign3A_1208 : i1 to i32
    %sign3A_1210 = arith.subi %sign3A_1206, %sign3A_1209 : i32
    %ne3A_1211 = arith.cmpi ne, %sign3A_1203, %sign3A_1210 : i32
    %rem3A_1212 = arith.remsi %add3A_1169, %jit3A_1195 : i32
    %ne3A_1213 = arith.constant 0 : i32
    %ne3A_1214 = arith.cmpi ne, %rem3A_1212, %ne3A_1213 : i32
    %and3A_1215 = arith.andi %ne3A_1211, %ne3A_1214 : i1
    %sub3A_1216 = arith.constant 1 : i32
    %sub3A_1217 = arith.subi %div3A_1196, %sub3A_1216 : i32
    %select_n3A_1218 = arith.select %and3A_1215, %sub3A_1217, %div3A_1196 : i32
    %ge3A_1219 = vector.broadcast %select_n3A_1218 : i32 to vector<1x256xi32>
    %ge3A_1220 = arith.cmpi sge, %iota3A_49, %ge3A_1219 : vector<1x256xi32>
    %convert_element_type3A_1221 = arith.extui %ge3A_1220 : vector<1x256xi1> to vector<1x256xi32>
    %add3A_1222 = arith.addi %add3A_1138, %convert_element_type3A_1221 : vector<1x256xi32>
    %add3A_1223 = arith.constant 1024 : i32
    %add3A_1224 = arith.addi %convert_element_type3A_1188, %add3A_1223 : i32
    %sub3A_1225 = arith.constant 1 : i32
    %sub3A_1226 = arith.subi %add3A_1224, %sub3A_1225 : i32
    %jit3A_1227 = arith.constant 1024 : i32
    %div3A_1228 = arith.divsi %sub3A_1226, %jit3A_1227 : i32
    %sign3A_1229 = arith.constant 0 : i32
    %sign3A_1230 = arith.cmpi sgt, %sub3A_1226, %sign3A_1229 : i32
    %sign3A_1231 = arith.extui %sign3A_1230 : i1 to i32
    %sign3A_1232 = arith.constant 0 : i32
    %sign3A_1233 = arith.cmpi slt, %sub3A_1226, %sign3A_1232 : i32
    %sign3A_1234 = arith.extui %sign3A_1233 : i1 to i32
    %sign3A_1235 = arith.subi %sign3A_1231, %sign3A_1234 : i32
    %sign3A_1236 = arith.constant 0 : i32
    %sign3A_1237 = arith.cmpi sgt, %jit3A_1227, %sign3A_1236 : i32
    %sign3A_1238 = arith.extui %sign3A_1237 : i1 to i32
    %sign3A_1239 = arith.constant 0 : i32
    %sign3A_1240 = arith.cmpi slt, %jit3A_1227, %sign3A_1239 : i32
    %sign3A_1241 = arith.extui %sign3A_1240 : i1 to i32
    %sign3A_1242 = arith.subi %sign3A_1238, %sign3A_1241 : i32
    %ne3A_1243 = arith.cmpi ne, %sign3A_1235, %sign3A_1242 : i32
    %rem3A_1244 = arith.remsi %sub3A_1226, %jit3A_1227 : i32
    %ne3A_1245 = arith.constant 0 : i32
    %ne3A_1246 = arith.cmpi ne, %rem3A_1244, %ne3A_1245 : i32
    %and3A_1247 = arith.andi %ne3A_1243, %ne3A_1246 : i1
    %sub3A_1248 = arith.constant 1 : i32
    %sub3A_1249 = arith.subi %div3A_1228, %sub3A_1248 : i32
    %select_n3A_1250 = arith.select %and3A_1247, %sub3A_1249, %div3A_1228 : i32
    %mul3A_1251 = arith.constant 1024 : i32
    %mul3A_1252 = arith.muli %select_n3A_1250, %mul3A_1251 : i32
    %add3A_1253 = arith.addi %add3A_1169, %mul3A_1252 : i32
    %eq3A_1254 = arith.constant 6 : i32
    %eq3A_1255 = vector.broadcast %eq3A_1254 : i32 to vector<128x128xi32>
    %eq3A_1256 = arith.cmpi eq, %slice3A_743, %eq3A_1255 : vector<128x128xi32>
    %convert_element_type3A_1257 = arith.extui %eq3A_1256 : vector<128x128xi1> to vector<128x128xi32>
    %convert_element_type3A_1258 = arith.sitofp %convert_element_type3A_1257 : vector<128x128xi32> to vector<128x128xf32>
    %dot_general3A_1259 = arith.constant dense<0.000000e+00> : vector<128x128xf32>
    %dot_general3A_1260 = tpu.matmul %convert_element_type3A_1258, %convert_element_type3A_44, %dot_general3A_1259 {dimension_numbers = #tpu.dot_dimension_numbers<[1], [0], [0], [1], [0, 0, 1, 1], [], []>, transpose_lhs_hint = false} : vector<128x128xf32>, vector<128x128xf32>, vector<128x128xf32> -> vector<128x128xf32>
    %sub3A_1261 = arith.subf %dot_general3A_1260, %convert_element_type3A_1258 : vector<128x128xf32>
    %slice3A_1262 = vector.extract_strided_slice %dot_general3A_1260 {offsets = [0, 127], sizes = [128, 1], strides = [1, 1]} : vector<128x128xf32> to vector<128x1xf32>
    %broadcast_in_dim3A_1263 = vector.shape_cast %slice3A_1262 : vector<128x1xf32> to vector<128x1xf32>
    %broadcast_in_dim3A_1264 = vector.broadcast %broadcast_in_dim3A_1263 : vector<128x1xf32> to vector<128x128xf32>
    %dot_general3A_1265 = arith.constant dense<0.000000e+00> : vector<128x128xf32>
    %dot_general3A_1266 = tpu.matmul %convert_element_type3A_48, %broadcast_in_dim3A_1264, %dot_general3A_1265 {dimension_numbers = #tpu.dot_dimension_numbers<[1], [0], [0], [1], [0, 0, 1, 1], [], []>, transpose_lhs_hint = false} : vector<128x128xf32>, vector<128x128xf32>, vector<128x128xf32> -> vector<128x128xf32>
    %reduce_sum3A_1267 = vector.shape_cast %convert_element_type3A_1258 : vector<128x128xf32> to vector<1x128x128xf32>
    %reduce_sum3A_1268 = arith.constant dense<0.000000e+00> : vector<1xf32>
    %reduce_sum3A_1269 = vector.multi_reduction <add>, %reduce_sum3A_1267, %reduce_sum3A_1268 [1, 2] : vector<1x128x128xf32> to vector<1xf32>
    %reduce_sum3A_1270 = vector.shape_cast %reduce_sum3A_1269 : vector<1xf32> to vector<1x1x1xf32>
    %reduce_sum3A_1271 = vector.extract %reduce_sum3A_1270[0, 0, 0] : f32 from vector<1x1x1xf32>
    %convert_element_type3A_1272 = arith.fptosi %reduce_sum3A_1271 : f32 to i32
    %add3A_1273 = arith.addf %sub3A_1261, %dot_general3A_1266 : vector<128x128xf32>
    %convert_element_type3A_1274 = arith.sitofp %add3A_1253 : i32 to f32
    %add3A_1275 = vector.broadcast %convert_element_type3A_1274 : f32 to vector<128x128xf32>
    %add3A_1276 = arith.addf %add3A_1273, %add3A_1275 : vector<128x128xf32>
    %mul3A_1277 = arith.mulf %convert_element_type3A_1258, %add3A_1276 : vector<128x128xf32>
    %add3A_1278 = arith.addf %add3A_1194, %mul3A_1277 : vector<128x128xf32>
    %jit3A_1279 = arith.constant 1024 : i32
    %div3A_1280 = arith.divsi %add3A_1253, %jit3A_1279 : i32
    %sign3A_1281 = arith.constant 0 : i32
    %sign3A_1282 = arith.cmpi sgt, %add3A_1253, %sign3A_1281 : i32
    %sign3A_1283 = arith.extui %sign3A_1282 : i1 to i32
    %sign3A_1284 = arith.constant 0 : i32
    %sign3A_1285 = arith.cmpi slt, %add3A_1253, %sign3A_1284 : i32
    %sign3A_1286 = arith.extui %sign3A_1285 : i1 to i32
    %sign3A_1287 = arith.subi %sign3A_1283, %sign3A_1286 : i32
    %sign3A_1288 = arith.constant 0 : i32
    %sign3A_1289 = arith.cmpi sgt, %jit3A_1279, %sign3A_1288 : i32
    %sign3A_1290 = arith.extui %sign3A_1289 : i1 to i32
    %sign3A_1291 = arith.constant 0 : i32
    %sign3A_1292 = arith.cmpi slt, %jit3A_1279, %sign3A_1291 : i32
    %sign3A_1293 = arith.extui %sign3A_1292 : i1 to i32
    %sign3A_1294 = arith.subi %sign3A_1290, %sign3A_1293 : i32
    %ne3A_1295 = arith.cmpi ne, %sign3A_1287, %sign3A_1294 : i32
    %rem3A_1296 = arith.remsi %add3A_1253, %jit3A_1279 : i32
    %ne3A_1297 = arith.constant 0 : i32
    %ne3A_1298 = arith.cmpi ne, %rem3A_1296, %ne3A_1297 : i32
    %and3A_1299 = arith.andi %ne3A_1295, %ne3A_1298 : i1
    %sub3A_1300 = arith.constant 1 : i32
    %sub3A_1301 = arith.subi %div3A_1280, %sub3A_1300 : i32
    %select_n3A_1302 = arith.select %and3A_1299, %sub3A_1301, %div3A_1280 : i32
    %ge3A_1303 = vector.broadcast %select_n3A_1302 : i32 to vector<1x256xi32>
    %ge3A_1304 = arith.cmpi sge, %iota3A_49, %ge3A_1303 : vector<1x256xi32>
    %convert_element_type3A_1305 = arith.extui %ge3A_1304 : vector<1x256xi1> to vector<1x256xi32>
    %add3A_1306 = arith.addi %add3A_1222, %convert_element_type3A_1305 : vector<1x256xi32>
    %add3A_1307 = arith.constant 1024 : i32
    %add3A_1308 = arith.addi %convert_element_type3A_1272, %add3A_1307 : i32
    %sub3A_1309 = arith.constant 1 : i32
    %sub3A_1310 = arith.subi %add3A_1308, %sub3A_1309 : i32
    %jit3A_1311 = arith.constant 1024 : i32
    %div3A_1312 = arith.divsi %sub3A_1310, %jit3A_1311 : i32
    %sign3A_1313 = arith.constant 0 : i32
    %sign3A_1314 = arith.cmpi sgt, %sub3A_1310, %sign3A_1313 : i32
    %sign3A_1315 = arith.extui %sign3A_1314 : i1 to i32
    %sign3A_1316 = arith.constant 0 : i32
    %sign3A_1317 = arith.cmpi slt, %sub3A_1310, %sign3A_1316 : i32
    %sign3A_1318 = arith.extui %sign3A_1317 : i1 to i32
    %sign3A_1319 = arith.subi %sign3A_1315, %sign3A_1318 : i32
    %sign3A_1320 = arith.constant 0 : i32
    %sign3A_1321 = arith.cmpi sgt, %jit3A_1311, %sign3A_1320 : i32
    %sign3A_1322 = arith.extui %sign3A_1321 : i1 to i32
    %sign3A_1323 = arith.constant 0 : i32
    %sign3A_1324 = arith.cmpi slt, %jit3A_1311, %sign3A_1323 : i32
    %sign3A_1325 = arith.extui %sign3A_1324 : i1 to i32
    %sign3A_1326 = arith.subi %sign3A_1322, %sign3A_1325 : i32
    %ne3A_1327 = arith.cmpi ne, %sign3A_1319, %sign3A_1326 : i32
    %rem3A_1328 = arith.remsi %sub3A_1310, %jit3A_1311 : i32
    %ne3A_1329 = arith.constant 0 : i32
    %ne3A_1330 = arith.cmpi ne, %rem3A_1328, %ne3A_1329 : i32
    %and3A_1331 = arith.andi %ne3A_1327, %ne3A_1330 : i1
    %sub3A_1332 = arith.constant 1 : i32
    %sub3A_1333 = arith.subi %div3A_1312, %sub3A_1332 : i32
    %select_n3A_1334 = arith.select %and3A_1331, %sub3A_1333, %div3A_1312 : i32
    %mul3A_1335 = arith.constant 1024 : i32
    %mul3A_1336 = arith.muli %select_n3A_1334, %mul3A_1335 : i32
    %add3A_1337 = arith.addi %add3A_1253, %mul3A_1336 : i32
    %eq3A_1338 = arith.constant 7 : i32
    %eq3A_1339 = vector.broadcast %eq3A_1338 : i32 to vector<128x128xi32>
    %eq3A_1340 = arith.cmpi eq, %slice3A_743, %eq3A_1339 : vector<128x128xi32>
    %convert_element_type3A_1341 = arith.extui %eq3A_1340 : vector<128x128xi1> to vector<128x128xi32>
    %convert_element_type3A_1342 = arith.sitofp %convert_element_type3A_1341 : vector<128x128xi32> to vector<128x128xf32>
    %dot_general3A_1343 = arith.constant dense<0.000000e+00> : vector<128x128xf32>
    %dot_general3A_1344 = tpu.matmul %convert_element_type3A_1342, %convert_element_type3A_44, %dot_general3A_1343 {dimension_numbers = #tpu.dot_dimension_numbers<[1], [0], [0], [1], [0, 0, 1, 1], [], []>, transpose_lhs_hint = false} : vector<128x128xf32>, vector<128x128xf32>, vector<128x128xf32> -> vector<128x128xf32>
    %sub3A_1345 = arith.subf %dot_general3A_1344, %convert_element_type3A_1342 : vector<128x128xf32>
    %slice3A_1346 = vector.extract_strided_slice %dot_general3A_1344 {offsets = [0, 127], sizes = [128, 1], strides = [1, 1]} : vector<128x128xf32> to vector<128x1xf32>
    %broadcast_in_dim3A_1347 = vector.shape_cast %slice3A_1346 : vector<128x1xf32> to vector<128x1xf32>
    %broadcast_in_dim3A_1348 = vector.broadcast %broadcast_in_dim3A_1347 : vector<128x1xf32> to vector<128x128xf32>
    %dot_general3A_1349 = arith.constant dense<0.000000e+00> : vector<128x128xf32>
    %dot_general3A_1350 = tpu.matmul %convert_element_type3A_48, %broadcast_in_dim3A_1348, %dot_general3A_1349 {dimension_numbers = #tpu.dot_dimension_numbers<[1], [0], [0], [1], [0, 0, 1, 1], [], []>, transpose_lhs_hint = false} : vector<128x128xf32>, vector<128x128xf32>, vector<128x128xf32> -> vector<128x128xf32>
    %reduce_sum3A_1351 = vector.shape_cast %convert_element_type3A_1342 : vector<128x128xf32> to vector<1x128x128xf32>
    %reduce_sum3A_1352 = arith.constant dense<0.000000e+00> : vector<1xf32>
    %reduce_sum3A_1353 = vector.multi_reduction <add>, %reduce_sum3A_1351, %reduce_sum3A_1352 [1, 2] : vector<1x128x128xf32> to vector<1xf32>
    %reduce_sum3A_1354 = vector.shape_cast %reduce_sum3A_1353 : vector<1xf32> to vector<1x1x1xf32>
    %reduce_sum3A_1355 = vector.extract %reduce_sum3A_1354[0, 0, 0] : f32 from vector<1x1x1xf32>
    %convert_element_type3A_1356 = arith.fptosi %reduce_sum3A_1355 : f32 to i32
    %add3A_1357 = arith.addf %sub3A_1345, %dot_general3A_1350 : vector<128x128xf32>
    %convert_element_type3A_1358 = arith.sitofp %add3A_1337 : i32 to f32
    %add3A_1359 = vector.broadcast %convert_element_type3A_1358 : f32 to vector<128x128xf32>
    %add3A_1360 = arith.addf %add3A_1357, %add3A_1359 : vector<128x128xf32>
    %mul3A_1361 = arith.mulf %convert_element_type3A_1342, %add3A_1360 : vector<128x128xf32>
    %add3A_1362 = arith.addf %add3A_1278, %mul3A_1361 : vector<128x128xf32>
    %jit3A_1363 = arith.constant 1024 : i32
    %div3A_1364 = arith.divsi %add3A_1337, %jit3A_1363 : i32
    %sign3A_1365 = arith.constant 0 : i32
    %sign3A_1366 = arith.cmpi sgt, %add3A_1337, %sign3A_1365 : i32
    %sign3A_1367 = arith.extui %sign3A_1366 : i1 to i32
    %sign3A_1368 = arith.constant 0 : i32
    %sign3A_1369 = arith.cmpi slt, %add3A_1337, %sign3A_1368 : i32
    %sign3A_1370 = arith.extui %sign3A_1369 : i1 to i32
    %sign3A_1371 = arith.subi %sign3A_1367, %sign3A_1370 : i32
    %sign3A_1372 = arith.constant 0 : i32
    %sign3A_1373 = arith.cmpi sgt, %jit3A_1363, %sign3A_1372 : i32
    %sign3A_1374 = arith.extui %sign3A_1373 : i1 to i32
    %sign3A_1375 = arith.constant 0 : i32
    %sign3A_1376 = arith.cmpi slt, %jit3A_1363, %sign3A_1375 : i32
    %sign3A_1377 = arith.extui %sign3A_1376 : i1 to i32
    %sign3A_1378 = arith.subi %sign3A_1374, %sign3A_1377 : i32
    %ne3A_1379 = arith.cmpi ne, %sign3A_1371, %sign3A_1378 : i32
    %rem3A_1380 = arith.remsi %add3A_1337, %jit3A_1363 : i32
    %ne3A_1381 = arith.constant 0 : i32
    %ne3A_1382 = arith.cmpi ne, %rem3A_1380, %ne3A_1381 : i32
    %and3A_1383 = arith.andi %ne3A_1379, %ne3A_1382 : i1
    %sub3A_1384 = arith.constant 1 : i32
    %sub3A_1385 = arith.subi %div3A_1364, %sub3A_1384 : i32
    %select_n3A_1386 = arith.select %and3A_1383, %sub3A_1385, %div3A_1364 : i32
    %ge3A_1387 = vector.broadcast %select_n3A_1386 : i32 to vector<1x256xi32>
    %ge3A_1388 = arith.cmpi sge, %iota3A_49, %ge3A_1387 : vector<1x256xi32>
    %convert_element_type3A_1389 = arith.extui %ge3A_1388 : vector<1x256xi1> to vector<1x256xi32>
    %add3A_1390 = arith.addi %add3A_1306, %convert_element_type3A_1389 : vector<1x256xi32>
    %add3A_1391 = arith.constant 1024 : i32
    %add3A_1392 = arith.addi %convert_element_type3A_1356, %add3A_1391 : i32
    %sub3A_1393 = arith.constant 1 : i32
    %sub3A_1394 = arith.subi %add3A_1392, %sub3A_1393 : i32
    %jit3A_1395 = arith.constant 1024 : i32
    %div3A_1396 = arith.divsi %sub3A_1394, %jit3A_1395 : i32
    %sign3A_1397 = arith.constant 0 : i32
    %sign3A_1398 = arith.cmpi sgt, %sub3A_1394, %sign3A_1397 : i32
    %sign3A_1399 = arith.extui %sign3A_1398 : i1 to i32
    %sign3A_1400 = arith.constant 0 : i32
    %sign3A_1401 = arith.cmpi slt, %sub3A_1394, %sign3A_1400 : i32
    %sign3A_1402 = arith.extui %sign3A_1401 : i1 to i32
    %sign3A_1403 = arith.subi %sign3A_1399, %sign3A_1402 : i32
    %sign3A_1404 = arith.constant 0 : i32
    %sign3A_1405 = arith.cmpi sgt, %jit3A_1395, %sign3A_1404 : i32
    %sign3A_1406 = arith.extui %sign3A_1405 : i1 to i32
    %sign3A_1407 = arith.constant 0 : i32
    %sign3A_1408 = arith.cmpi slt, %jit3A_1395, %sign3A_1407 : i32
    %sign3A_1409 = arith.extui %sign3A_1408 : i1 to i32
    %sign3A_1410 = arith.subi %sign3A_1406, %sign3A_1409 : i32
    %ne3A_1411 = arith.cmpi ne, %sign3A_1403, %sign3A_1410 : i32
    %rem3A_1412 = arith.remsi %sub3A_1394, %jit3A_1395 : i32
    %ne3A_1413 = arith.constant 0 : i32
    %ne3A_1414 = arith.cmpi ne, %rem3A_1412, %ne3A_1413 : i32
    %and3A_1415 = arith.andi %ne3A_1411, %ne3A_1414 : i1
    %sub3A_1416 = arith.constant 1 : i32
    %sub3A_1417 = arith.subi %div3A_1396, %sub3A_1416 : i32
    %select_n3A_1418 = arith.select %and3A_1415, %sub3A_1417, %div3A_1396 : i32
    %mul3A_1419 = arith.constant 1024 : i32
    %mul3A_1420 = arith.muli %select_n3A_1418, %mul3A_1419 : i32
    %add3A_1421 = arith.addi %add3A_1337, %mul3A_1420 : i32
    %convert_element_type3A_1422 = arith.fptosi %add3A_1362 : vector<128x128xf32> to vector<128x128xi32>
    %jit3A_1423 = arith.constant 1024 : i32
    %div3A_1424 = arith.divsi %add3A_1421, %jit3A_1423 : i32
    %sign3A_1425 = arith.constant 0 : i32
    %sign3A_1426 = arith.cmpi sgt, %add3A_1421, %sign3A_1425 : i32
    %sign3A_1427 = arith.extui %sign3A_1426 : i1 to i32
    %sign3A_1428 = arith.constant 0 : i32
    %sign3A_1429 = arith.cmpi slt, %add3A_1421, %sign3A_1428 : i32
    %sign3A_1430 = arith.extui %sign3A_1429 : i1 to i32
    %sign3A_1431 = arith.subi %sign3A_1427, %sign3A_1430 : i32
    %sign3A_1432 = arith.constant 0 : i32
    %sign3A_1433 = arith.cmpi sgt, %jit3A_1423, %sign3A_1432 : i32
    %sign3A_1434 = arith.extui %sign3A_1433 : i1 to i32
    %sign3A_1435 = arith.constant 0 : i32
    %sign3A_1436 = arith.cmpi slt, %jit3A_1423, %sign3A_1435 : i32
    %sign3A_1437 = arith.extui %sign3A_1436 : i1 to i32
    %sign3A_1438 = arith.subi %sign3A_1434, %sign3A_1437 : i32
    %ne3A_1439 = arith.cmpi ne, %sign3A_1431, %sign3A_1438 : i32
    %rem3A_1440 = arith.remsi %add3A_1421, %jit3A_1423 : i32
    %ne3A_1441 = arith.constant 0 : i32
    %ne3A_1442 = arith.cmpi ne, %rem3A_1440, %ne3A_1441 : i32
    %and3A_1443 = arith.andi %ne3A_1439, %ne3A_1442 : i1
    %sub3A_1444 = arith.constant 1 : i32
    %sub3A_1445 = arith.subi %div3A_1424, %sub3A_1444 : i32
    %select_n3A_1446 = arith.select %and3A_1443, %sub3A_1445, %div3A_1424 : i32
    %sub3A_1447 = arith.constant 1 : i32
    %sub3A_1448 = arith.subi %select_n3A_1446, %sub3A_1447 : i32
    %min3A_1449 = vector.broadcast %sub3A_1448 : i32 to vector<1x256xi32>
    %min3A_1450 = arith.minsi %iota3A_49, %min3A_1449 : vector<1x256xi32>
    %concatenate3A = tpu.concatenate %convert_element_type3A_715, %convert_element_type3A_1422 in 0 : vector<128x128xi32>, vector<128x128xi32> -> vector<256x128xi32>
    %swap3A = arith.constant 0 : index
    %swap3A_1451 = arith.constant 0 : index
    %swap3A_1452 = vector.load %arg2[%swap3A, %swap3A_1451] : memref<256x128xi32, #tpu.memory_space<vmem>>, vector<256x128xi32>
    tpu.vector_store %arg2[%swap3A, %swap3A_1451], %concatenate3A {strides = array<i32>} : memref<256x128xi32, #tpu.memory_space<vmem>>, vector<256x128xi32>,
    %concatenate3A_1453 = tpu.concatenate %add3A_683, %add3A_1390 in 0 : vector<1x256xi32>, vector<1x256xi32> -> vector<2x256xi32>
    %swap3A_1454 = arith.constant 0 : index
    %swap3A_1455 = arith.constant 0 : index
    %swap3A_1456 = vector.load %arg3[%swap3A_1454, %swap3A_1455] : memref<2x256xi32, #tpu.memory_space<vmem>>, vector<2x256xi32>
    tpu.vector_store %arg3[%swap3A_1454, %swap3A_1455], %concatenate3A_1453 {strides = array<i32>} : memref<2x256xi32, #tpu.memory_space<vmem>>, vector<2x256xi32>,
    %concatenate3A_1457 = tpu.concatenate %min3A_742, %min3A_1450 in 0 : vector<1x256xi32>, vector<1x256xi32> -> vector<2x256xi32>
    %swap3A_1458 = arith.constant 0 : index
    %swap3A_1459 = arith.constant 0 : index
    %swap3A_1460 = vector.load %arg4[%swap3A_1458, %swap3A_1459] : memref<2x256xi32, #tpu.memory_space<vmem>>, vector<2x256xi32>
    tpu.vector_store %arg4[%swap3A_1458, %swap3A_1459], %concatenate3A_1457 {strides = array<i32>} : memref<2x256xi32, #tpu.memory_space<vmem>>, vector<2x256xi32>,
    return
  }
}

module attributes {stable_mosaic.version = 14 : i64} {
  func.func @_mlp_body(%arg0: i32, %arg1: memref<24xi32, #tpu.memory_space<smem>>, %arg2: memref<24xi32, #tpu.memory_space<smem>>, %arg3: memref<1024x768xf32, #tpu.memory_space<vmem>>, %arg4: memref<1x768x256xbf16, #tpu.memory_space<vmem>>, %arg5: memref<1x1x256xf32, #tpu.memory_space<vmem>>, %arg6: memref<1x256x256xbf16, #tpu.memory_space<vmem>>, %arg7: memref<1x1x256xf32, #tpu.memory_space<vmem>>, %arg8: memref<1x256x128xbf16, #tpu.memory_space<vmem>>, %arg9: memref<1x1x128xf32, #tpu.memory_space<vmem>>, %arg10: memref<1024x128xf32, #tpu.memory_space<vmem>>) attributes {dimension_semantics = [#tpu.dimension_semantics<arbitrary>], iteration_bounds = array<i64: 24>, scalar_prefetch = 2 : i64, scratch_operands = 0 : i64, tpu.core_type = #tpu.core_type<tc>, window_params = [{transform_indices = @transform_0, window_bounds = array<i64: 1024, 768>}, {transform_indices = @transform_1, window_bounds = array<i64: 1, 768, 256>}, {transform_indices = @transform_2, window_bounds = array<i64: 1, 1, 256>}, {transform_indices = @transform_3, window_bounds = array<i64: 1, 256, 256>}, {transform_indices = @transform_4, window_bounds = array<i64: 1, 1, 256>}, {transform_indices = @transform_5, window_bounds = array<i64: 1, 256, 128>}, {transform_indices = @transform_6, window_bounds = array<i64: 1, 1, 128>}, {transform_indices = @transform_7, window_bounds = array<i64: 1024, 128>}]} {
    %get3A = arith.index_cast %arg0 : i32 to index
    %get3A_0 = memref.load %arg2[%get3A] : memref<24xi32, #tpu.memory_space<smem>>
    %eq3A = arith.cmpi eq, %get3A_0, %arg0 : i32
    %convert_element_type3A = arith.extui %eq3A : i1 to i32
    %cond3A = arith.constant 0 : i32
    %cond3A_1 = arith.cmpi ne, %convert_element_type3A, %cond3A : i32
    scf.if %cond3A_1 {
      %get3A_2 = arith.constant 0 : index
      %get3A_3 = arith.constant 0 : index
      %get3A_4 = vector.load %arg3[%get3A_2, %get3A_3] : memref<1024x768xf32, #tpu.memory_space<vmem>>, vector<1024x768xf32>
      %convert_element_type3A_5 = arith.truncf %get3A_4 : vector<1024x768xf32> to vector<1024x768xbf16>
      %get3A_6 = arith.constant 0 : index
      %get3A_7 = arith.constant 0 : index
      %get3A_8 = arith.constant 0 : index
      %get3A_9 = vector.load %arg4[%get3A_6, %get3A_7, %get3A_8] : memref<1x768x256xbf16, #tpu.memory_space<vmem>>, vector<1x768x256xbf16>
      %get3A_10 = vector.shape_cast %get3A_9 : vector<1x768x256xbf16> to vector<768x256xbf16>
      %dot_general3A = arith.constant dense<0.000000e+00> : vector<1024x256xf32>
      %dot_general3A_11 = tpu.matmul %convert_element_type3A_5, %get3A_10, %dot_general3A {dimension_numbers = #tpu.dot_dimension_numbers<[1], [0], [0], [1], [0, 0, 1, 1], [], []>, transpose_lhs_hint = false} : vector<1024x768xbf16>, vector<768x256xbf16>, vector<1024x256xf32> -> vector<1024x256xf32>
      %get3A_12 = arith.constant 0 : index
      %get3A_13 = arith.constant 0 : index
      %get3A_14 = arith.constant 0 : index
      %get3A_15 = vector.load %arg5[%get3A_12, %get3A_13, %get3A_14] : memref<1x1x256xf32, #tpu.memory_space<vmem>>, vector<1x1x256xf32>
      %get3A_16 = vector.shape_cast %get3A_15 : vector<1x1x256xf32> to vector<1x256xf32>
      %add3A = vector.broadcast %get3A_16 : vector<1x256xf32> to vector<1024x256xf32>
      %add3A_17 = arith.addf %dot_general3A_11, %add3A : vector<1024x256xf32>
      %tanh3A = math.tanh %add3A_17 : vector<1024x256xf32>
      %convert_element_type3A_18 = arith.truncf %tanh3A : vector<1024x256xf32> to vector<1024x256xbf16>
      %get3A_19 = arith.constant 0 : index
      %get3A_20 = arith.constant 0 : index
      %get3A_21 = arith.constant 0 : index
      %get3A_22 = vector.load %arg6[%get3A_19, %get3A_20, %get3A_21] : memref<1x256x256xbf16, #tpu.memory_space<vmem>>, vector<1x256x256xbf16>
      %get3A_23 = vector.shape_cast %get3A_22 : vector<1x256x256xbf16> to vector<256x256xbf16>
      %dot_general3A_24 = arith.constant dense<0.000000e+00> : vector<1024x256xf32>
      %dot_general3A_25 = tpu.matmul %convert_element_type3A_18, %get3A_23, %dot_general3A_24 {dimension_numbers = #tpu.dot_dimension_numbers<[1], [0], [0], [1], [0, 0, 1, 1], [], []>, transpose_lhs_hint = false} : vector<1024x256xbf16>, vector<256x256xbf16>, vector<1024x256xf32> -> vector<1024x256xf32>
      %get3A_26 = arith.constant 0 : index
      %get3A_27 = arith.constant 0 : index
      %get3A_28 = arith.constant 0 : index
      %get3A_29 = vector.load %arg7[%get3A_26, %get3A_27, %get3A_28] : memref<1x1x256xf32, #tpu.memory_space<vmem>>, vector<1x1x256xf32>
      %get3A_30 = vector.shape_cast %get3A_29 : vector<1x1x256xf32> to vector<1x256xf32>
      %add3A_31 = vector.broadcast %get3A_30 : vector<1x256xf32> to vector<1024x256xf32>
      %add3A_32 = arith.addf %dot_general3A_25, %add3A_31 : vector<1024x256xf32>
      %tanh3A_33 = math.tanh %add3A_32 : vector<1024x256xf32>
      %convert_element_type3A_34 = arith.truncf %tanh3A_33 : vector<1024x256xf32> to vector<1024x256xbf16>
      %get3A_35 = arith.constant 0 : index
      %get3A_36 = arith.constant 0 : index
      %get3A_37 = arith.constant 0 : index
      %get3A_38 = vector.load %arg8[%get3A_35, %get3A_36, %get3A_37] : memref<1x256x128xbf16, #tpu.memory_space<vmem>>, vector<1x256x128xbf16>
      %get3A_39 = vector.shape_cast %get3A_38 : vector<1x256x128xbf16> to vector<256x128xbf16>
      %dot_general3A_40 = arith.constant dense<0.000000e+00> : vector<1024x128xf32>
      %dot_general3A_41 = tpu.matmul %convert_element_type3A_34, %get3A_39, %dot_general3A_40 {dimension_numbers = #tpu.dot_dimension_numbers<[1], [0], [0], [1], [0, 0, 1, 1], [], []>, transpose_lhs_hint = false} : vector<1024x256xbf16>, vector<256x128xbf16>, vector<1024x128xf32> -> vector<1024x128xf32>
      %get3A_42 = arith.constant 0 : index
      %get3A_43 = arith.constant 0 : index
      %get3A_44 = arith.constant 0 : index
      %get3A_45 = vector.load %arg9[%get3A_42, %get3A_43, %get3A_44] : memref<1x1x128xf32, #tpu.memory_space<vmem>>, vector<1x1x128xf32>
      %get3A_46 = vector.shape_cast %get3A_45 : vector<1x1x128xf32> to vector<1x128xf32>
      %add3A_47 = vector.broadcast %get3A_46 : vector<1x128xf32> to vector<1024x128xf32>
      %add3A_48 = arith.addf %dot_general3A_41, %add3A_47 : vector<1024x128xf32>
      %swap3A = arith.constant 0 : index
      %swap3A_49 = arith.constant 0 : index
      %swap3A_50 = vector.load %arg10[%swap3A, %swap3A_49] : memref<1024x128xf32, #tpu.memory_space<vmem>>, vector<1024x128xf32>
      tpu.vector_store %arg10[%swap3A, %swap3A_49], %add3A_48 {strides = array<i32>} : memref<1024x128xf32, #tpu.memory_space<vmem>>, vector<1024x128xf32>,
    } else {
    }
    return
  }
  func.func @transform_0(%arg0: i32, %arg1: memref<24xi32, #tpu.memory_space<smem>>, %arg2: memref<24xi32, #tpu.memory_space<smem>>) -> (i32, i32) {
    %get3A = arith.index_cast %arg0 : i32 to index
    %get3A_0 = memref.load %arg2[%get3A] : memref<24xi32, #tpu.memory_space<smem>>
    %c0_i32 = arith.constant 0 : i32
    %c0_i32_1 = arith.constant 0 : i32
    return %get3A_0, %c0_i32 : i32, i32
  }
  func.func @transform_1(%arg0: i32, %arg1: memref<24xi32, #tpu.memory_space<smem>>, %arg2: memref<24xi32, #tpu.memory_space<smem>>) -> (i32, i32, i32) {
    %get3A = arith.index_cast %arg0 : i32 to index
    %get3A_0 = memref.load %arg2[%get3A] : memref<24xi32, #tpu.memory_space<smem>>
    %get3A_1 = arith.index_cast %get3A_0 : i32 to index
    %get3A_2 = memref.load %arg1[%get3A_1] : memref<24xi32, #tpu.memory_space<smem>>
    %c0_i32 = arith.constant 0 : i32
    %c0_i32_3 = arith.constant 0 : i32
    %c0_i32_4 = arith.constant 0 : i32
    return %get3A_2, %c0_i32, %c0_i32_3 : i32, i32, i32
  }
  func.func @transform_2(%arg0: i32, %arg1: memref<24xi32, #tpu.memory_space<smem>>, %arg2: memref<24xi32, #tpu.memory_space<smem>>) -> (i32, i32, i32) {
    %get3A = arith.index_cast %arg0 : i32 to index
    %get3A_0 = memref.load %arg2[%get3A] : memref<24xi32, #tpu.memory_space<smem>>
    %get3A_1 = arith.index_cast %get3A_0 : i32 to index
    %get3A_2 = memref.load %arg1[%get3A_1] : memref<24xi32, #tpu.memory_space<smem>>
    %c0_i32 = arith.constant 0 : i32
    %c0_i32_3 = arith.constant 0 : i32
    %c0_i32_4 = arith.constant 0 : i32
    return %get3A_2, %c0_i32, %c0_i32_3 : i32, i32, i32
  }
  func.func @transform_3(%arg0: i32, %arg1: memref<24xi32, #tpu.memory_space<smem>>, %arg2: memref<24xi32, #tpu.memory_space<smem>>) -> (i32, i32, i32) {
    %get3A = arith.index_cast %arg0 : i32 to index
    %get3A_0 = memref.load %arg2[%get3A] : memref<24xi32, #tpu.memory_space<smem>>
    %get3A_1 = arith.index_cast %get3A_0 : i32 to index
    %get3A_2 = memref.load %arg1[%get3A_1] : memref<24xi32, #tpu.memory_space<smem>>
    %c0_i32 = arith.constant 0 : i32
    %c0_i32_3 = arith.constant 0 : i32
    %c0_i32_4 = arith.constant 0 : i32
    return %get3A_2, %c0_i32, %c0_i32_3 : i32, i32, i32
  }
  func.func @transform_4(%arg0: i32, %arg1: memref<24xi32, #tpu.memory_space<smem>>, %arg2: memref<24xi32, #tpu.memory_space<smem>>) -> (i32, i32, i32) {
    %get3A = arith.index_cast %arg0 : i32 to index
    %get3A_0 = memref.load %arg2[%get3A] : memref<24xi32, #tpu.memory_space<smem>>
    %get3A_1 = arith.index_cast %get3A_0 : i32 to index
    %get3A_2 = memref.load %arg1[%get3A_1] : memref<24xi32, #tpu.memory_space<smem>>
    %c0_i32 = arith.constant 0 : i32
    %c0_i32_3 = arith.constant 0 : i32
    %c0_i32_4 = arith.constant 0 : i32
    return %get3A_2, %c0_i32, %c0_i32_3 : i32, i32, i32
  }
  func.func @transform_5(%arg0: i32, %arg1: memref<24xi32, #tpu.memory_space<smem>>, %arg2: memref<24xi32, #tpu.memory_space<smem>>) -> (i32, i32, i32) {
    %get3A = arith.index_cast %arg0 : i32 to index
    %get3A_0 = memref.load %arg2[%get3A] : memref<24xi32, #tpu.memory_space<smem>>
    %get3A_1 = arith.index_cast %get3A_0 : i32 to index
    %get3A_2 = memref.load %arg1[%get3A_1] : memref<24xi32, #tpu.memory_space<smem>>
    %c0_i32 = arith.constant 0 : i32
    %c0_i32_3 = arith.constant 0 : i32
    %c0_i32_4 = arith.constant 0 : i32
    return %get3A_2, %c0_i32, %c0_i32_3 : i32, i32, i32
  }
  func.func @transform_6(%arg0: i32, %arg1: memref<24xi32, #tpu.memory_space<smem>>, %arg2: memref<24xi32, #tpu.memory_space<smem>>) -> (i32, i32, i32) {
    %get3A = arith.index_cast %arg0 : i32 to index
    %get3A_0 = memref.load %arg2[%get3A] : memref<24xi32, #tpu.memory_space<smem>>
    %get3A_1 = arith.index_cast %get3A_0 : i32 to index
    %get3A_2 = memref.load %arg1[%get3A_1] : memref<24xi32, #tpu.memory_space<smem>>
    %c0_i32 = arith.constant 0 : i32
    %c0_i32_3 = arith.constant 0 : i32
    %c0_i32_4 = arith.constant 0 : i32
    return %get3A_2, %c0_i32, %c0_i32_3 : i32, i32, i32
  }
  func.func @transform_7(%arg0: i32, %arg1: memref<24xi32, #tpu.memory_space<smem>>, %arg2: memref<24xi32, #tpu.memory_space<smem>>) -> (i32, i32) {
    %get3A = arith.index_cast %arg0 : i32 to index
    %get3A_0 = memref.load %arg2[%get3A] : memref<24xi32, #tpu.memory_space<smem>>
    %c0_i32 = arith.constant 0 : i32
    %c0_i32_1 = arith.constant 0 : i32
    return %get3A_0, %c0_i32 : i32, i32
  }
}

</mosaic_0001>

<sc_bundles>
// kernel: kernel.12.cloned.1.call-start
scs
__scs_entry_jumppad:
0x0: {  	(pc) =	sbr.rel $0x88, $3  }
0x1: {  	(tag) =	ssettag $0x0;
	lr =	simm.s32 $0x1  }
0x2: {  	[smem:$0x3F99] =	sst lr;
	_ =	strace $0xD0000000  }
0x3: {  	_ = 	snop  }
0x4: {  	_ = 	snop  }
0x5: {  	_ = 	snop  }
0x6: {  	_ = 	snop  }
0x7: {  	_ = 	snop  }
__scs_overlays_trampoline_lowered:
0x8: {  	[smem:$0x3FA8] =	sst s0  }
0x9: {  	[smem:$0x3FA9] =	sst s1  }
0xa: {  	[smem:$0x3FAA] =	sst s2  }
0xb: {  	[smem:$0x3FAB] =	sst s3  }
0xc: {  	[smem:$0x3FAC] =	sst s4  }
0xd: {  	[smem:$0x3FAD] =	sst s5  }
0xe: {  	[smem:$0x3FAE] =	sst s6  }
0xf: {  	[smem:$0x3FAF] =	sst s7  }
0x10: {  	[smem:$0x3FB0] =	sst s8  }
0x11: {  	[smem:$0x3FB1] =	sst s9;
	s0 =	simm.s32 @!p0 $0x0  }
0x12: {  	s1 =	sld [smem:$0x3F97];
	s0 =	simm.s32 @p0 $0x1  }
0x13: {  	[smem:$0x3FB2] =	sst s0;
	s0 =	simm.s32 @!p1 $0x0  }
0x14: {  	s2 =	sld [smem:$0x3F96];
	s0 =	simm.s32 @p1 $0x1  }
0x15: {  	[smem:$0x3FB3] =	sst s0;
	s0 =	simm.s32 @!p2 $0x0  }
0x16: {  	s3 =	sld [smem:$0x3FDB];
	s0 =	simm.s32 @p2 $0x1  }
0x17: {  	s4 =	simm.s32 $0x1BF5;
	[smem:$0x3FB5] =	sst s0  }
0x18: {  	s0 =	sld [smem:$0x3F98];
	_ =	swait.ge [sflag:s4], $0x0  }
0x19: {  	s7 =	sld [smem:$0x3F99]  }
0x1a: {  	s8 =	sadd.s32 $0xFFFFE003, lr  }
0x1b: {  	s9 =	sadd.s32 $0xFFFFFEF7, lr;
	s5 =	simm.s32 $0xFFFFFFFF;
	p2 =	slt.u32 s8, $0xFFFFF086  }
0x1c: {  	p1 =	slt.u32 s9, $0xF7A;
	s5 =	simm.s32 @!p2 $0x0  }
0x1d: {  	s5 =	simm.s32 @p1 $0x1;
	p0 =	seq.s32 s7, s2  }
0x1e: {  	s7 =	smul.u32 @!p0 $0xF7A, s2;
	p2 =	seq.s32 @!p0 s5, $0x0  }
0x1f: {  	s9 =	smul.u32 $0xF7A, s1;
	s8 =	simm.s32 @!p0 $0x1BF5;
	p2 =	por !p2, p0  }
0x20: {  	[sflag:s8] =	ssyncset.s32 @!p0 $0xFFFFF086;
	s6 =	sadd.s32 @!p0 s3, s7;
	s7 =	simm.s32 @!p0 $0x108  }
0x21: {  	s3 =	sadd.s32 s3, s9;
	s6 =	sadd.s32 @!p0 $0x88, s6;
	s7 =	simm.s32 @p2 $0x1082  }
0x22: {  	[simem:s7], [sflag:s8] =	dma.local @!p0 [hbm:s6], $0xF7A  }
0x23: {  	s9 =	sor.u32 $0xD0000000, s2;
	s6 =	simm.s32 $0x108;
	_ =	swait.ge @!p0 [sflag:s8], $0x0  }
0x24: {  	s3 =	sadd.s32 $0x88, s3;
	s6 =	simm.s32 @!p1 $0x1082;
	[sflag:s4] =	ssyncset.s32 $0xFFFFF086  }
0x25: {  	[simem:s6], [sflag:s4] =	dma.local [hbm:s3], $0xF7A  }
0x26: {  	[smem:$0x3F99] =	sst s1;
	(tag) =	ssettag s2;
	_ =	strace s9  }
0x27: {  	s1 =	sld [smem:$0x3FA9]  }
0x28: {  	s2 =	sld [smem:$0x3FAA]  }
0x29: {  	s4 =	sld [smem:$0x3FAC]  }
0x2a: {  	p0 =	seq.s32 s5, $0x0;
	s5 =	sld [smem:$0x3FAD]  }
0x2b: {  	s6 =	sld [smem:$0x3FAE]  }
0x2c: {  	s7 =	sld [smem:$0x3FAF]  }
0x2d: {  	s3 =	simm.s32 $0x108;
	s8 =	sld [smem:$0x3FB0]  }
0x2e: {  	s3 =	simm.s32 @!p0 $0x1082;
	s9 =	sld [smem:$0x3FB1]  }
0x2f: {  	lr =	sadd.s32 s0, s3;
	s0 =	sld [smem:$0x3FA8]  }
0x30: {  	s3 =	sld [smem:$0x3FAB]  }
0x31: {  	[smem:$0x3FB4] =	sst s10  }
0x32: {  	s10 =	sld [smem:$0x3FB2];
	_ =	sdelay $0x3  }
0x33: {  	p0 =	seq.s32 s10, $0x1;
	s10 =	sld [smem:$0x3FB4];
	_ =	sdelay $0x3  }
0x34: {  	[smem:$0x3FB4] =	sst s10  }
0x35: {  	s10 =	sld [smem:$0x3FB3];
	_ =	sdelay $0x3  }
0x36: {  	p1 =	seq.s32 s10, $0x1;
	s10 =	sld [smem:$0x3FB4];
	_ =	sdelay $0x3  }
0x37: {  	[smem:$0x3FB4] =	sst s10  }
0x38: {  	s10 =	sld [smem:$0x3FB5]  }
0x39: {  	_ = 	snop;
	(pc) =	sbr.ind lr, $3  }
0x3a: {  	_ = 	snop  }
0x3b: {  	_ = 	snop  }
0x3c: {  	p2 =	seq.s32 s10, $0x1;
	s10 =	sld [smem:$0x3FB4]  }
0x3d: {  	_ =	shalt  }
0x3e: {  	_ =	shalt  }
0x3f: {  	_ =	shalt  }
0x40: {  	_ =	shalt  }
0x41: {  	_ =	shalt  }
0x42: {  	_ =	shalt  }
0x43: {  	_ =	shalt  }
0x44: {  	_ =	shalt  }
0x45: {  	_ =	shalt  }
0x46: {  	_ =	shalt  }
0x47: {  	_ =	shalt  }
0x48: {  	_ =	shalt  }
0x49: {  	_ =	shalt  }
0x4a: {  	_ =	shalt  }
0x4b: {  	_ =	shalt  }
0x4c: {  	_ =	shalt  }
0x4d: {  	_ =	shalt  }
0x4e: {  	_ =	shalt  }
0x4f: {  	_ =	shalt  }
0x50: {  	_ =	shalt  }
0x51: {  	_ =	shalt  }
0x52: {  	_ =	shalt  }
0x53: {  	_ =	shalt  }
0x54: {  	_ =	shalt  }
0x55: {  	_ =	shalt  }
0x56: {  	_ =	shalt  }
0x57: {  	_ =	shalt  }
0x58: {  	_ =	shalt  }
0x59: {  	_ =	shalt  }
0x5a: {  	_ =	shalt  }
0x5b: {  	_ =	shalt  }
0x5c: {  	_ =	shalt  }
0x5d: {  	_ =	shalt  }
0x5e: {  	_ =	shalt  }
0x5f: {  	_ =	shalt  }
0x60: {  	_ =	shalt  }
0x61: {  	_ =	shalt  }
0x62: {  	_ =	shalt  }
0x63: {  	_ =	shalt  }
0x64: {  	_ =	shalt  }
0x65: {  	_ =	shalt  }
0x66: {  	_ =	shalt  }
0x67: {  	_ =	shalt  }
0x68: {  	_ =	shalt  }
0x69: {  	_ =	shalt  }
0x6a: {  	_ =	shalt  }
0x6b: {  	_ =	shalt  }
0x6c: {  	_ =	shalt  }
0x6d: {  	_ =	shalt  }
0x6e: {  	_ =	shalt  }
0x6f: {  	_ =	shalt  }
0x70: {  	_ =	shalt  }
0x71: {  	_ =	shalt  }
0x72: {  	_ =	shalt  }
0x73: {  	_ =	shalt  }
0x74: {  	_ =	shalt  }
0x75: {  	_ =	shalt  }
0x76: {  	_ =	shalt  }
0x77: {  	_ =	shalt  }
0x78: {  	_ =	shalt  }
0x79: {  	_ =	shalt  }
0x7a: {  	_ =	shalt  }
0x7b: {  	_ =	shalt  }
0x7c: {  	_ =	shalt  }
0x7d: {  	_ =	shalt  }
0x7e: {  	_ =	shalt  }
0x7f: {  	_ =	shalt  }
0x80: {  	_ =	shalt  }
0x81: {  	_ =	shalt  }
0x82: {  	_ =	shalt  }
0x83: {  	_ =	shalt  }
0x84: {  	_ =	shalt  }
0x85: {  	_ =	shalt  }
0x86: {  	_ =	shalt  }
0x87: {  	_ =	shalt  }
.Lfunc_end0:
.L_simem_size_0:
called_computation.1_lowered:
.L_overlay_start_0:
0x88: {  	s2 =	sld [smem:$0x3FD9]  }
0x89: {  	s3 =	sld [smem:$0x3FFE];
	_ =	sdelay $0x1  }
0x8a: {  	s1 =	srdreg.scid  }
0x8b: {  	s0 =	sand.u32 $0x1, s1  }
0x8c: {  	s17 =	sshll.u32 s0, $0xA;
	s2 =	sadd.s32 s3, s2  }
0x8d: {  	s2 =	sadd.s32 s2, s17  }
0x8e: {  	[smem:$0x3FC0] =	sst s2  }
0x8f: {  	_ = 	snop  }
0x90: {  	(tm) =	ssettm $0x1  }
0x91: {  	s18 =	sld [smem:$0x3FFB];
	_ =	sdelay $0x3  }
0x92: {  	_ =	strace s18  }
0x93: {  	s2 =	sld [smem:$0x3FFC];
	_ =	sdelay $0x3  }
0x94: {  	_ =	strace s2  }
0x95: {  	s2 =	sld [smem:$0x3FFD];
	_ =	sdelay $0x3  }
0x96: {  	_ =	strace s2  }
0x97: {  	_ =	strace $0x8FFFFFFF  }
0x98: {  	s19 =	sld [smem:$0x3FDB];
	_ =	sdelay $0x1  }
0x99: {  	s20 =	simm.s32 $_scs_section_size  }
0x9a: {  	s4 =	simm.s32 $_size__tile_overlayer_lowered;
	s5 =	simm.s32 $_tile_overlayer_lowered  }
0x9b: {  	s6 =	simm.s32 $0x1BFF;
	s21 =	sshll.u32 s5, $0x1;
	s3 =	sadd.s32 s20, s19  }
0x9c: {  	s22 =	simm.s32 $0x0;
	s4 =	sshll.u32 s4, $0x1;
	s5 =	sadd.s32 s21, s3  }
0x9d: {  	[timem:s22], [sflag:s6] =	dma.local [hbm:s5], s4  }
0x9e: {  	_ =	swait.ge [sflag:s6], s4  }
0x9f: {  	s4 =	ssub.s32 $0x0, s4;
	[sflag:s6] =	ssyncset.done $0x0  }
0xa0: {  	[sflag:s6] =	ssyncadd.s32 s4;
	_ =	sdelay $0x1  }
0xa1: {  	s23 =	simm.s32 $0x1B8B  }
0xa2: {  	_ =	swait.ge [sflag:s23], $0x1  }
0xa3: {  	[sflag:s23] =	ssyncset.done $0x0  }
0xa4: {  	[sflag:s23] =	ssyncadd.s32 $0xFFFFFFFF  }
0xa5: {  	s4 =	sld [smem:$0x0]  }
0xa6: {  	s5 =	sand.u32 $0xFFFFFFFE, s1  }
0xa7: {  	p0 =	sne.s32 s1, s5  }
0xa8: {  	s5 =	sshll.u32 @p0 s5, $0xE  }
0xa9: {  	s5 =	sadd.s32 @p0 $0x11B8D, s5;
	s6 =	sshll.u32 @p0 s4, $0x11  }
0xaa: {  	s5 =	sor.u32 @p0 s6, s5  }
0xab: {  	[sflag:s5] =	ssyncadd.remote.s32 @p0 $0x1;
	_ =	sdelay $0x1  }
0xac: {  	s5 =	simm.s32 @p0 $0x1B8D  }
0xad: {  	_ =	swait.eq @p0 [sflag:s5], $0x1  }
0xae: {  	[sflag:s5] =	ssyncadd.s32 @p0 $0xFFFFFFFF  }
0xaf: {  	s6 =	sshll.u32 @!p0 s1, $0xE  }
0xb0: {  	s6 =	sor.u32 @!p0 $0x4000, s6;
	s5 =	simm.s32 @!p0 $0x1B8D  }
0xb1: {  	s4 =	sshll.u32 @!p0 s4, $0x11;
	s6 =	sadd.s32 @!p0 $0x11B8D, s6;
	_ =	swait.eq @!p0 [sflag:s5], $0x1  }
0xb2: {  	s4 =	sor.u32 @!p0 s4, s6;
	[sflag:s5] =	ssyncadd.s32 @!p0 $0xFFFFFFFF  }
0xb3: {  	s25 =	simm.s32 $0x1B8E;
	s24 =	sld [smem:$0x3FFE];
	[sflag:s4] =	ssyncadd.remote.s32 @!p0 $0x1  }
0xb4: {  	s26 =	simm.s32 $execute0_lowered;
	[smem:$0x3FD2] =	sst s25  }
0xb5: {  	s5 =	sshll.u32 s26, $0x1;
	_ =	strace $0x8000004F;
	[dreg:$0x1] =	wrdreg $0xFFFFFFFF  }
0xb6: {  	s28 =	simm.s32 $_size_execute0_lowered;
	s3 =	sadd.s32 s3, s5;
	[dreg:$0x0] =	wrdreg $0x0  }
0xb7: {  	s5 =	sshll.u32 s28, $0x1;
	[dreg:$0x2] =	wrdreg s3  }
0xb8: {  	[dreg:$0x3] =	wrdreg s5  }
0xb9: {  	[dreg:$0x4] =	wrdreg $0xC0  }
0xba: {  	_ =	task [dreg:s22], $0x5FFFF  }
0xbb: {  	[dreg:$0x1] =	wrdreg $0xFFFFFFFF  }
0xbc: {  	[dreg:$0x0] =	wrdreg $0x60  }
0xbd: {  	[dreg:$0x2] =	wrdreg s24  }
0xbe: {  	[dreg:$0x3] =	wrdreg $0x9  }
0xbf: {  	_ =	task.clear_ibuf [dreg:s22], $0x4FFFF;
	_ =	strace $0x9000004F  }
0xc0: {  	s29 =	simm.s32 $0x9;
	_ =	strace $0x80000051  }
0xc1: {  	_ =	swait.ge [sflag:s29], $0x1  }
0xc2: {  	[sflag:s29] =	ssyncadd.s32 $0xFFFFFFFF  }
0xc3: {  	_ =	strace $0x90000051  }
0xc4: {  	_ =	sfence  }
0xc5: {  	s30 =	sld [smem:$0x0];
	_ =	sdelay $0x2  }
0xc6: {  	s31 =	sshll.u32 s1, $0xD;
	s1 =	sshrl.u32 s1, $0x2  }
0xc7: {  	s4 =	sand.u32 $0x4000, s31;
	s1 =	sadd.s32 s1, s30  }
0xc8: {  	s0 =	sor.u32 s4, s0;
	s1 =	sshll.u32 s1, $0x11  }
0xc9: {  	s0 =	sor.u32 s1, s0  }
0xca: {  	s0 =	sadd.s32 $0x8F2B, s0  }
0xcb: {  	[sflag:s0] =	ssyncadd.remote.s32 $0x1  }
0xcc: {  	_ =	sfence.sel $0xFFFF  }
0xcd: {  	[dreg:$0x0] =	wrdreg $0xFFFFFFFF;
	(pc) =	sbr.abs _section_cstart, $3  }
0xce: {  	[dreg:$0x1] =	wrdreg $0xFFFFFFFF  }
0xcf: {  	_ =	task.clear_ibuf [dreg:s22], $0x2FFFF;
	_ =	strace $0x9FFFFFFF  }
0xd0: {  	(tm) =	ssettm $0x7FFFFFFF  }
0xd1: {  	_ =	shalt  }
tec
execute0_lowered:
.L_overlay_start_1:
0x0: {  	(tag) =	ssettag $0x1  }
0x1: {  	s1 =	srdreg.scid  }
0x2: {  	s0 =	stileid.u32;
	s19 =	sand.u32 $0x1, s1  }
0x3: {  	s31 =	sshll.u32 s0, $0xA;
	s2 =	sshll.u32 s19, $0x9  }
0x4: {  	s14 =	rddreg [dreg:$0x0];
	s15 =	sor.u32 s2, s31  }
0x5: {  	s1 =	rddreg [dreg:$0x1];
	s2 =	simm.s32 $0x0;
	s3 =	sshrl.u32 s15, $0x3  }
0x6: {  	[smem:$0x7FF] =	sst s2;
	s3 =	sadd.s32 s3, s14  }
0x7: {  	_ =	strace $0x80000050;
	s4 =	sadd.s32 $0x244600, s3;
	s3 =	simm.s32 $0x5  }
0x8: {  	[tilespmem:s2], [sflag:$0x5] =	stream.linear.gather [hbm4b:s4+s2], $0x200, $0x38;
	[tilespmem:$0x10200] =	vst v63  }
0x9: {  	_ =	swait.ge [sflag:s3], $0x200  }
0xa: {  	s6 =	simm.s32 $0x80;
	[sflag:s3] =	ssyncset.done $0x0  }
0xb: {  	s7 =	simm.s32 $0x200;
	s5 =	sadd.s32 $0xA3A00, s14;
	[sflag:s3] =	ssyncadd.s32 $0xFFFFFE00  }
0xc: {  	[tilespmem:s7], [sflag:$0x1] =	stream.indirect.gather [hbm4b:s5+s6], $0x80, s2, s6, $0xb8;
	[tilespmem:$0x10200] =	vst v63  }
0xd: {  	s8 =	simm.s32 $0x4200  }
0xe: {  	[tilespmem:s8], [sflag:$0x2] =	stream.indirect.gather [hbm4b:s5+s6], $0x80, s6, s6, $0xb8;
	[tilespmem:$0x10200] =	vst v63  }
0xf: {  	s9 =	simm.s32 $0x100;
	s10 =	simm.s32 $0x8200  }
0x10: {  	[tilespmem:s10], [sflag:$0x3] =	stream.indirect.gather [hbm4b:s5+s6], $0x80, s9, s6, $0xb8;
	[tilespmem:$0x10200] =	vst v63  }
0x11: {  	s11 =	simm.s32 $0x180;
	s12 =	simm.s32 $0xC200;
	s13 =	simm.s32 $0x1  }
0x12: {  	[tilespmem:s12], [sflag:$0x4] =	stream.indirect.gather [hbm4b:s5+s6], $0x80, s11, s6, $0xb8;
	[tilespmem:$0x10200] =	vst v63  }
0x13: {  	s15 =	sshll.u32 s15, $0x4;
	_ =	swait.ge [sflag:s13], $0x4000  }
0x14: {  	s20 =	sadd.s32 s15, s14;
	[sflag:s13] =	ssyncset.done $0x0  }
0x15: {  	s14 =	sadd.s32 $0x103A00, s20;
	[sflag:s13] =	ssyncadd.s32 $0xFFFFC000  }
0x16: {  	[hbm4b:s14+s2] =	stream.linear.scatter [tilespmem:s7], [sflag:$0x5], $0x4000, $0x38;
	[tilespmem:$0x10200] =	vst v63  }
0x17: {  	_ =	swait.ge [sflag:s3], $0x4000  }
0x18: {  	[sflag:s3] =	ssyncset.done $0x0  }
0x19: {  	s15 =	simm.s32 $0x2;
	[sflag:s3] =	ssyncadd.s32 $0xFFFFC000  }
0x1a: {  	_ =	swait.ge [sflag:s15], $0x4000  }
0x1b: {  	[sflag:s15] =	ssyncset.done $0x0  }
0x1c: {  	s16 =	sadd.s32 $0x104200, s20;
	[sflag:s15] =	ssyncadd.s32 $0xFFFFC000  }
0x1d: {  	[hbm4b:s16+s2] =	stream.linear.scatter [tilespmem:s8], [sflag:$0x5], $0x4000, $0x38;
	[tilespmem:$0x10200] =	vst v63  }
0x1e: {  	_ =	swait.ge [sflag:s3], $0x4000  }
0x1f: {  	[sflag:s3] =	ssyncset.done $0x0  }
0x20: {  	s17 =	simm.s32 $0x3;
	[sflag:s3] =	ssyncadd.s32 $0xFFFFC000  }
0x21: {  	_ =	swait.ge [sflag:s17], $0x4000  }
0x22: {  	[sflag:s17] =	ssyncset.done $0x0  }
0x23: {  	s21 =	ssub.s32 $0x2, s19;
	s18 =	sadd.s32 $0x104A00, s20;
	[sflag:s17] =	ssyncadd.s32 $0xFFFFC000  }
0x24: {  	[hbm4b:s18+s2] =	stream.linear.scatter [tilespmem:s10], [sflag:$0x5], $0x4000, $0x38;
	[tilespmem:$0x10200] =	vst v63  }
0x25: {  	s22 =	sshrl.u32 s21, $0x1;
	_ =	swait.ge [sflag:s3], $0x4000  }
0x26: {  	s21 =	ssub.s32 s21, s22;
	[sflag:s3] =	ssyncset.done $0x0  }
0x27: {  	s19 =	simm.s32 $0x4;
	s21 =	smax.u32 s21, $0x1;
	[sflag:s3] =	ssyncadd.s32 $0xFFFFC000  }
0x28: {  	p0 =	sne.s32 s21, $0x1;
	_ =	swait.ge [sflag:s19], $0x4000  }
.Ltmp0:
0x29: {  	[sflag:s19] =	ssyncset.done $0x0;
	(pc) =	sbr.rel @!p0 .LBB2_2-.Ltmp0, $4  }
0x2a: {  	s20 =	sadd.s32 $0x105200, s20;
	[sflag:s19] =	ssyncadd.s32 $0xFFFFC000  }
0x2b: {  	[hbm4b:s20+s2] =	stream.linear.scatter [tilespmem:s12], [sflag:$0x5], $0x4000, $0x38;
	[tilespmem:$0x10200] =	vst v63  }
0x2c: {  	_ =	swait.ge [sflag:s3], $0x4000  }
0x2d: {  	s21 =	sadd.s32 $0xFFFFFFFF, s21;
	[sflag:s3] =	ssyncset.done $0x0  }
.LBB2_1:
0x2e: {  	p0 =	sne.s32 s21, $0x1;
	s21 =	sadd.s32 $0xFFFFFFFF, s21;
	[sflag:s3] =	ssyncadd.s32 $0xFFFFC000  }
0x2f: {  	[tilespmem:s2], [sflag:$0x5] =	stream.linear.gather [hbm4b:s4+s2], $0x200, $0x38;
	[tilespmem:$0x10200] =	vst v63  }
0x30: {  	_ =	swait.ge [sflag:s3], $0x200  }
0x31: {  	[sflag:s3] =	ssyncset.done $0x0  }
0x32: {  	[sflag:s3] =	ssyncadd.s32 $0xFFFFFE00  }
0x33: {  	[tilespmem:s7], [sflag:$0x1] =	stream.indirect.gather [hbm4b:s5+s6], $0x80, s2, s6, $0xb8;
	[tilespmem:$0x10200] =	vst v63  }
0x34: {  	_ = 	snop  }
0x35: {  	[tilespmem:s8], [sflag:$0x2] =	stream.indirect.gather [hbm4b:s5+s6], $0x80, s6, s6, $0xb8;
	[tilespmem:$0x10200] =	vst v63  }
0x36: {  	_ = 	snop  }
0x37: {  	[tilespmem:s10], [sflag:$0x3] =	stream.indirect.gather [hbm4b:s5+s6], $0x80, s9, s6, $0xb8;
	[tilespmem:$0x10200] =	vst v63  }
0x38: {  	_ = 	snop  }
0x39: {  	[tilespmem:s12], [sflag:$0x4] =	stream.indirect.gather [hbm4b:s5+s6], $0x80, s11, s6, $0xb8;
	[tilespmem:$0x10200] =	vst v63  }
0x3a: {  	_ =	swait.ge [sflag:s13], $0x4000  }
0x3b: {  	[sflag:s13] =	ssyncset.done $0x0  }
0x3c: {  	[sflag:s13] =	ssyncadd.s32 $0xFFFFC000  }
0x3d: {  	[hbm4b:s14+s2] =	stream.linear.scatter [tilespmem:s7], [sflag:$0x5], $0x4000, $0x38;
	[tilespmem:$0x10200] =	vst v63  }
0x3e: {  	_ =	swait.ge [sflag:s3], $0x4000  }
0x3f: {  	[sflag:s3] =	ssyncset.done $0x0  }
0x40: {  	[sflag:s3] =	ssyncadd.s32 $0xFFFFC000  }
0x41: {  	_ =	swait.ge [sflag:s15], $0x4000  }
0x42: {  	[sflag:s15] =	ssyncset.done $0x0  }
0x43: {  	[sflag:s15] =	ssyncadd.s32 $0xFFFFC000  }
0x44: {  	[hbm4b:s16+s2] =	stream.linear.scatter [tilespmem:s8], [sflag:$0x5], $0x4000, $0x38;
	[tilespmem:$0x10200] =	vst v63  }
0x45: {  	_ =	swait.ge [sflag:s3], $0x4000  }
0x46: {  	[sflag:s3] =	ssyncset.done $0x0  }
0x47: {  	[sflag:s3] =	ssyncadd.s32 $0xFFFFC000  }
0x48: {  	_ =	swait.ge [sflag:s17], $0x4000  }
0x49: {  	[sflag:s17] =	ssyncset.done $0x0  }
0x4a: {  	[sflag:s17] =	ssyncadd.s32 $0xFFFFC000  }
0x4b: {  	[hbm4b:s18+s2] =	stream.linear.scatter [tilespmem:s10], [sflag:$0x5], $0x4000, $0x38;
	[tilespmem:$0x10200] =	vst v63  }
0x4c: {  	_ =	swait.ge [sflag:s3], $0x4000  }
0x4d: {  	[sflag:s3] =	ssyncset.done $0x0  }
0x4e: {  	[sflag:s3] =	ssyncadd.s32 $0xFFFFC000  }
0x4f: {  	_ =	swait.ge [sflag:s19], $0x4000  }
.Ltmp1:
0x50: {  	[sflag:s19] =	ssyncset.done $0x0;
	(pc) =	sbr.rel @p0 .LBB2_1-.Ltmp1, $4  }
0x51: {  	[sflag:s19] =	ssyncadd.s32 $0xFFFFC000  }
0x52: {  	[hbm4b:s20+s2] =	stream.linear.scatter [tilespmem:s12], [sflag:$0x5], $0x4000, $0x38;
	[tilespmem:$0x10200] =	vst v63  }
0x53: {  	_ =	swait.ge [sflag:s3], $0x4000  }
0x54: {  	[sflag:s3] =	ssyncset.done $0x0  }
.LBB2_2:
0x55: {  	[sflag:s3] =	ssyncadd.s32 $0xFFFFC000  }
0x56: {  	_ =	sfence.sel $0x180000  }
0x57: {  	[bflag:$0x0] =	sbarrier.arrive $0xFFFF  }
0x58: {  	p0 =	sne.s32 s0, $0x0;
	_ =	strace $0x90000050  }
0x59: {  	s0 =	sadd.s32 @!p0 $0x100000, s1;
	[bflag:$0x2] =	sbarrier.arrive $0xFFFF  }
0x5a: {  	[sflag:s0] =	ssyncadd.tile.s32 @!p0 $0x1;
	_ =	shalt  }
.Lfunc_end2:
_tile_overlayer_lowered:
.L_overlay_start_2:
0x5b: {  	(tag) =	ssettag $0x2  }
0x5c: {  	s0 =	rddreg [dreg:$0x0];
	s2 =	stileid.u32  }
0x5d: {  	s1 =	rddreg [dreg:$0x1];
	p0 =	sne.s32 s2, $0x0  }
0x5e: {  	s3 =	rddreg [dreg:$0x2];
	[bflag:$0x3] =	sbarrier.arrive $0xFFFF;
	s2 =	simm.s32 @!p0 $0x1C05  }
0x5f: {  	[timem:s3], [sflag:s2] =	dma.local @!p0 [hbm:s0], s1  }
0x60: {  	s0 =	simm.s32 @!p0 $0x5  }
0x61: {  	_ =	swait.ge @!p0 [sflag:s0], s1  }
0x62: {  	s1 =	ssub.s32 @!p0 $0x0, s1;
	[sflag:s0] =	ssyncset.done @!p0 $0x0  }
0x63: {  	[sflag:s0] =	ssyncadd.s32 @!p0 s1  }
0x64: {  	[bflag:$0x3] =	sbarrier.arrive $0xFFFF  }
0x65: {  	_ =	shalt  }

// kernel: kernel.15.cloned.1.call-start
scs
__scs_entry_jumppad:
0x0: {  	(pc) =	sbr.rel $0x88, $3  }
0x1: {  	(tag) =	ssettag $0x0;
	lr =	simm.s32 $0x1  }
0x2: {  	[smem:$0x3F99] =	sst lr;
	_ =	strace $0xD0000000  }
0x3: {  	_ = 	snop  }
0x4: {  	_ = 	snop  }
0x5: {  	_ = 	snop  }
0x6: {  	_ = 	snop  }
0x7: {  	_ = 	snop  }
__scs_overlays_trampoline_lowered:
0x8: {  	[smem:$0x3FA8] =	sst s0  }
0x9: {  	[smem:$0x3FA9] =	sst s1  }
0xa: {  	[smem:$0x3FAA] =	sst s2  }
0xb: {  	[smem:$0x3FAB] =	sst s3  }
0xc: {  	[smem:$0x3FAC] =	sst s4  }
0xd: {  	[smem:$0x3FAD] =	sst s5  }
0xe: {  	[smem:$0x3FAE] =	sst s6  }
0xf: {  	[smem:$0x3FAF] =	sst s7  }
0x10: {  	[smem:$0x3FB0] =	sst s8  }
0x11: {  	[smem:$0x3FB1] =	sst s9;
	s0 =	simm.s32 @!p0 $0x0  }
0x12: {  	s1 =	sld [smem:$0x3F97];
	s0 =	simm.s32 @p0 $0x1  }
0x13: {  	[smem:$0x3FB2] =	sst s0;
	s0 =	simm.s32 @!p1 $0x0  }
0x14: {  	s2 =	sld [smem:$0x3F96];
	s0 =	simm.s32 @p1 $0x1  }
0x15: {  	[smem:$0x3FB3] =	sst s0;
	s0 =	simm.s32 @!p2 $0x0  }
0x16: {  	s3 =	sld [smem:$0x3FDB];
	s0 =	simm.s32 @p2 $0x1  }
0x17: {  	s4 =	simm.s32 $0x1BF5;
	[smem:$0x3FB5] =	sst s0  }
0x18: {  	s0 =	sld [smem:$0x3F98];
	_ =	swait.ge [sflag:s4], $0x0  }
0x19: {  	s7 =	sld [smem:$0x3F99]  }
0x1a: {  	s8 =	sadd.s32 $0xFFFFE003, lr  }
0x1b: {  	s9 =	sadd.s32 $0xFFFFFEF7, lr;
	s5 =	simm.s32 $0xFFFFFFFF;
	p2 =	slt.u32 s8, $0xFFFFF086  }
0x1c: {  	p1 =	slt.u32 s9, $0xF7A;
	s5 =	simm.s32 @!p2 $0x0  }
0x1d: {  	s5 =	simm.s32 @p1 $0x1;
	p0 =	seq.s32 s7, s2  }
0x1e: {  	s7 =	smul.u32 @!p0 $0xF7A, s2;
	p2 =	seq.s32 @!p0 s5, $0x0  }
0x1f: {  	s9 =	smul.u32 $0xF7A, s1;
	s8 =	simm.s32 @!p0 $0x1BF5;
	p2 =	por !p2, p0  }
0x20: {  	[sflag:s8] =	ssyncset.s32 @!p0 $0xFFFFF086;
	s6 =	sadd.s32 @!p0 s3, s7;
	s7 =	simm.s32 @!p0 $0x108  }
0x21: {  	s3 =	sadd.s32 s3, s9;
	s6 =	sadd.s32 @!p0 $0x88, s6;
	s7 =	simm.s32 @p2 $0x1082  }
0x22: {  	[simem:s7], [sflag:s8] =	dma.local @!p0 [hbm:s6], $0xF7A  }
0x23: {  	s9 =	sor.u32 $0xD0000000, s2;
	s6 =	simm.s32 $0x108;
	_ =	swait.ge @!p0 [sflag:s8], $0x0  }
0x24: {  	s3 =	sadd.s32 $0x88, s3;
	s6 =	simm.s32 @!p1 $0x1082;
	[sflag:s4] =	ssyncset.s32 $0xFFFFF086  }
0x25: {  	[simem:s6], [sflag:s4] =	dma.local [hbm:s3], $0xF7A  }
0x26: {  	[smem:$0x3F99] =	sst s1;
	(tag) =	ssettag s2;
	_ =	strace s9  }
0x27: {  	s1 =	sld [smem:$0x3FA9]  }
0x28: {  	s2 =	sld [smem:$0x3FAA]  }
0x29: {  	s4 =	sld [smem:$0x3FAC]  }
0x2a: {  	p0 =	seq.s32 s5, $0x0;
	s5 =	sld [smem:$0x3FAD]  }
0x2b: {  	s6 =	sld [smem:$0x3FAE]  }
0x2c: {  	s7 =	sld [smem:$0x3FAF]  }
0x2d: {  	s3 =	simm.s32 $0x108;
	s8 =	sld [smem:$0x3FB0]  }
0x2e: {  	s3 =	simm.s32 @!p0 $0x1082;
	s9 =	sld [smem:$0x3FB1]  }
0x2f: {  	lr =	sadd.s32 s0, s3;
	s0 =	sld [smem:$0x3FA8]  }
0x30: {  	s3 =	sld [smem:$0x3FAB]  }
0x31: {  	[smem:$0x3FB4] =	sst s10  }
0x32: {  	s10 =	sld [smem:$0x3FB2];
	_ =	sdelay $0x3  }
0x33: {  	p0 =	seq.s32 s10, $0x1;
	s10 =	sld [smem:$0x3FB4];
	_ =	sdelay $0x3  }
0x34: {  	[smem:$0x3FB4] =	sst s10  }
0x35: {  	s10 =	sld [smem:$0x3FB3];
	_ =	sdelay $0x3  }
0x36: {  	p1 =	seq.s32 s10, $0x1;
	s10 =	sld [smem:$0x3FB4];
	_ =	sdelay $0x3  }
0x37: {  	[smem:$0x3FB4] =	sst s10  }
0x38: {  	s10 =	sld [smem:$0x3FB5]  }
0x39: {  	_ = 	snop;
	(pc) =	sbr.ind lr, $3  }
0x3a: {  	_ = 	snop  }
0x3b: {  	_ = 	snop  }
0x3c: {  	p2 =	seq.s32 s10, $0x1;
	s10 =	sld [smem:$0x3FB4]  }
0x3d: {  	_ =	shalt  }
0x3e: {  	_ =	shalt  }
0x3f: {  	_ =	shalt  }
0x40: {  	_ =	shalt  }
0x41: {  	_ =	shalt  }
0x42: {  	_ =	shalt  }
0x43: {  	_ =	shalt  }
0x44: {  	_ =	shalt  }
0x45: {  	_ =	shalt  }
0x46: {  	_ =	shalt  }
0x47: {  	_ =	shalt  }
0x48: {  	_ =	shalt  }
0x49: {  	_ =	shalt  }
0x4a: {  	_ =	shalt  }
0x4b: {  	_ =	shalt  }
0x4c: {  	_ =	shalt  }
0x4d: {  	_ =	shalt  }
0x4e: {  	_ =	shalt  }
0x4f: {  	_ =	shalt  }
0x50: {  	_ =	shalt  }
0x51: {  	_ =	shalt  }
0x52: {  	_ =	shalt  }
0x53: {  	_ =	shalt  }
0x54: {  	_ =	shalt  }
0x55: {  	_ =	shalt  }
0x56: {  	_ =	shalt  }
0x57: {  	_ =	shalt  }
0x58: {  	_ =	shalt  }
0x59: {  	_ =	shalt  }
0x5a: {  	_ =	shalt  }
0x5b: {  	_ =	shalt  }
0x5c: {  	_ =	shalt  }
0x5d: {  	_ =	shalt  }
0x5e: {  	_ =	shalt  }
0x5f: {  	_ =	shalt  }
0x60: {  	_ =	shalt  }
0x61: {  	_ =	shalt  }
0x62: {  	_ =	shalt  }
0x63: {  	_ =	shalt  }
0x64: {  	_ =	shalt  }
0x65: {  	_ =	shalt  }
0x66: {  	_ =	shalt  }
0x67: {  	_ =	shalt  }
0x68: {  	_ =	shalt  }
0x69: {  	_ =	shalt  }
0x6a: {  	_ =	shalt  }
0x6b: {  	_ =	shalt  }
0x6c: {  	_ =	shalt  }
0x6d: {  	_ =	shalt  }
0x6e: {  	_ =	shalt  }
0x6f: {  	_ =	shalt  }
0x70: {  	_ =	shalt  }
0x71: {  	_ =	shalt  }
0x72: {  	_ =	shalt  }
0x73: {  	_ =	shalt  }
0x74: {  	_ =	shalt  }
0x75: {  	_ =	shalt  }
0x76: {  	_ =	shalt  }
0x77: {  	_ =	shalt  }
0x78: {  	_ =	shalt  }
0x79: {  	_ =	shalt  }
0x7a: {  	_ =	shalt  }
0x7b: {  	_ =	shalt  }
0x7c: {  	_ =	shalt  }
0x7d: {  	_ =	shalt  }
0x7e: {  	_ =	shalt  }
0x7f: {  	_ =	shalt  }
0x80: {  	_ =	shalt  }
0x81: {  	_ =	shalt  }
0x82: {  	_ =	shalt  }
0x83: {  	_ =	shalt  }
0x84: {  	_ =	shalt  }
0x85: {  	_ =	shalt  }
0x86: {  	_ =	shalt  }
0x87: {  	_ =	shalt  }
.Lfunc_end0:
.L_simem_size_0:
called_computation.2_lowered:
.L_overlay_start_0:
0x88: {  	s2 =	sld [smem:$0x3FD9]  }
0x89: {  	s3 =	sld [smem:$0x3FFE];
	_ =	sdelay $0x1  }
0x8a: {  	s1 =	srdreg.scid  }
0x8b: {  	s0 =	sand.u32 $0x1, s1  }
0x8c: {  	s17 =	sshll.u32 s0, $0xA;
	s2 =	sadd.s32 s3, s2  }
0x8d: {  	s2 =	sadd.s32 s2, s17  }
0x8e: {  	[smem:$0x3FC0] =	sst s2  }
0x8f: {  	_ = 	snop  }
0x90: {  	s2 =	sld [smem:$0x3FC9]  }
0x91: {  	s18 =	sld [smem:$0x3FD0];
	(tm) =	ssettm $0x1  }
0x92: {  	s4 =	sld [smem:$0x3FFB];
	_ =	sdelay $0x3  }
0x93: {  	_ =	strace s4  }
0x94: {  	s4 =	sld [smem:$0x3FFC];
	_ =	sdelay $0x3  }
0x95: {  	_ =	strace s4  }
0x96: {  	s4 =	sld [smem:$0x3FFD];
	_ =	sdelay $0x3  }
0x97: {  	_ =	strace s4  }
0x98: {  	_ =	strace $0x8FFFFFFF  }
0x99: {  	s19 =	sld [smem:$0x3FDB];
	_ =	sdelay $0x1  }
0x9a: {  	s5 =	simm.s32 $_scs_section_size  }
0x9b: {  	s6 =	simm.s32 $_size__tile_overlayer_lowered;
	s7 =	simm.s32 $_tile_overlayer_lowered  }
0x9c: {  	s22 =	simm.s32 $0x1BFF;
	s21 =	sshll.u32 s7, $0x1;
	s4 =	sadd.s32 s5, s19  }
0x9d: {  	s8 =	simm.s32 $0x0;
	s20 =	sshll.u32 s6, $0x1;
	s6 =	sadd.s32 s21, s4  }
0x9e: {  	[timem:s8], [sflag:s22] =	dma.local [hbm:s6], s20  }
0x9f: {  	_ =	swait.ge [sflag:s22], s20  }
0xa0: {  	s5 =	ssub.s32 $0x0, s20;
	[sflag:s22] =	ssyncset.done $0x0  }
0xa1: {  	[sflag:s22] =	ssyncadd.s32 s5;
	_ =	sdelay $0x1  }
0xa2: {  	s23 =	simm.s32 $0x1B8B  }
0xa3: {  	_ =	swait.ge [sflag:s23], $0x1  }
0xa4: {  	[sflag:s23] =	ssyncset.done $0x0  }
0xa5: {  	s25 =	simm.s32 $0x1B8E;
	s24 =	sld [smem:$0x3FFE];
	[sflag:s23] =	ssyncadd.s32 $0xFFFFFFFF  }
0xa6: {  	s26 =	simm.s32 $execute0_lowered;
	[smem:$0x3FD2] =	sst s25  }
0xa7: {  	s6 =	sshll.u32 s26, $0x1;
	_ =	strace $0x80000046;
	[dreg:$0x1] =	wrdreg $0xFFFFFFFF  }
0xa8: {  	s28 =	simm.s32 $_size_execute0_lowered;
	s4 =	sadd.s32 s4, s6;
	[dreg:$0x0] =	wrdreg $0x0  }
0xa9: {  	s6 =	sshll.u32 s28, $0x1;
	[dreg:$0x2] =	wrdreg s4  }
0xaa: {  	[dreg:$0x3] =	wrdreg s6  }
0xab: {  	[dreg:$0x4] =	wrdreg $0xC0  }
0xac: {  	_ =	task [dreg:s8], $0x5FFFF  }
0xad: {  	[dreg:$0x1] =	wrdreg $0xFFFFFFFF  }
0xae: {  	[dreg:$0x0] =	wrdreg $0x60  }
0xaf: {  	[dreg:$0x2] =	wrdreg s2  }
0xb0: {  	[dreg:$0x3] =	wrdreg s18  }
0xb1: {  	[dreg:$0x4] =	wrdreg s24  }
0xb2: {  	[dreg:$0x5] =	wrdreg $0xA  }
0xb3: {  	_ =	task.clear_ibuf [dreg:s8], $0x6FFFF;
	_ =	strace $0x90000046  }
0xb4: {  	s29 =	simm.s32 $0xA;
	_ =	strace $0x80000048  }
0xb5: {  	_ =	swait.ge [sflag:s29], $0x1  }
0xb6: {  	[sflag:s29] =	ssyncadd.s32 $0xFFFFFFFF  }
0xb7: {  	_ =	strace $0x90000048  }
0xb8: {  	_ =	sfence  }
0xb9: {  	s30 =	sld [smem:$0x0];
	_ =	sdelay $0x2  }
0xba: {  	s31 =	sshll.u32 s1, $0xD;
	s1 =	sshrl.u32 s1, $0x2  }
0xbb: {  	s3 =	sand.u32 $0x4000, s31;
	s1 =	sadd.s32 s1, s30  }
0xbc: {  	s0 =	sor.u32 s3, s0;
	s1 =	sshll.u32 s1, $0x11  }
0xbd: {  	s0 =	sor.u32 s1, s0  }
0xbe: {  	s0 =	sadd.s32 $0x8F2B, s0  }
0xbf: {  	[sflag:s0] =	ssyncadd.remote.s32 $0x1  }
0xc0: {  	_ =	sfence.sel $0xFFFF  }
0xc1: {  	[dreg:$0x0] =	wrdreg $0xFFFFFFFF;
	(pc) =	sbr.abs _section_cstart, $3  }
0xc2: {  	[dreg:$0x1] =	wrdreg $0xFFFFFFFF  }
0xc3: {  	_ =	task.clear_ibuf [dreg:s8], $0x2FFFF;
	_ =	strace $0x9FFFFFFF  }
0xc4: {  	(tm) =	ssettm $0x7FFFFFFF  }
0xc5: {  	_ =	shalt  }
tec
execute0_lowered:
.L_overlay_start_1:
0x0: {  	(tag) =	ssettag $0x1  }
0x1: {  	s1 =	srdreg.scid;
	s2 =	stileid.u32  }
0x2: {  	s1 =	sand.u32 $0x1, s1;
	s2 =	sshll.u32 s2, $0x1  }
0x3: {  	s0 =	rddreg [dreg:$0x0];
	s4 =	sor.u32 s1, s2  }
0x4: {  	s3 =	rddreg [dreg:$0x1];
	s6 =	smul.u32 $0xC000, s4  }
0x5: {  	s5 =	rddreg [dreg:$0x2];
	s2 =	simm.s32 $0x0;
	s4 =	sshll.u32 s4, $0x8  }
0x6: {  	[smem:$0x7FF] =	sst s2;
	s3 =	sadd.s32 s3, s4;
	s0 =	sadd.s32 s6, s0  }
0x7: {  	_ =	strace $0x80000047;
	[dreg:$0x4] =	wrdreg s3;
	s11 =	sadd.s32 $0x180000, s0  }
0x8: {  	s12 =	sadd.s32 $0x180C00, s0;
	[dreg:$0x5] =	wrdreg s11  }
0x9: {  	s13 =	sadd.s32 $0x181800, s0;
	[dreg:$0x6] =	wrdreg s12  }
0xa: {  	s30 =	simm.s32 $0x6;
	s14 =	sadd.s32 $0x182400, s0;
	[dreg:$0x7] =	wrdreg s13  }
0xb: {  	s31 =	simm.s32 $0x3;
	s15 =	sadd.s32 $0x183000, s0;
	[dreg:$0x8] =	wrdreg s14  }
0xc: {  	s29 =	simm.s32 $0x7;
	s16 =	sadd.s32 $0x183C00, s0;
	[dreg:$0x9] =	wrdreg s15  }
0xd: {  	s28 =	simm.s32 $0x8;
	s17 =	sadd.s32 $0x184800, s0;
	[dreg:$0xa] =	wrdreg s16  }
0xe: {  	s7 =	simm.s32 $0xA;
	s18 =	sadd.s32 $0x185400, s0;
	[dreg:$0xb] =	wrdreg s17  }
0xf: {  	s1 =	ssub.s32 $0x2, s1;
	s19 =	sadd.s32 $0x186000, s0;
	[dreg:$0xc] =	wrdreg s18  }
0x10: {  	s25 =	sshrl.u32 s1, $0x1;
	s20 =	sadd.s32 $0x186C00, s0;
	[dreg:$0xd] =	wrdreg s19  }
0x11: {  	s1 =	ssub.s32 s1, s25;
	s21 =	sadd.s32 $0x187800, s0;
	[dreg:$0xe] =	wrdreg s20  }
0x12: {  	s4 =	sadd.s32 $0x4700, s5;
	s22 =	sadd.s32 $0x188400, s0;
	[dreg:$0xf] =	wrdreg s21  }
0x13: {  	s25 =	simm.s32 $0x2;
	s23 =	sadd.s32 $0x189000, s0;
	[dreg:$0x10] =	wrdreg s22  }
0x14: {  	s3 =	sadd.s32 $0x4600, s5;
	s24 =	sadd.s32 $0x189C00, s0;
	[dreg:$0x11] =	wrdreg s23  }
0x15: {  	s5 =	sadd.s32 $0x4800, s5;
	s26 =	sadd.s32 $0x18A800, s0;
	[dreg:$0x12] =	wrdreg s24  }
0x16: {  	s6 =	smax.u32 s1, $0x1;
	s0 =	sadd.s32 $0x18B400, s0;
	[dreg:$0x13] =	wrdreg s26  }
0x17: {  	v2 =	vlaneseq.u32;
	s1 =	simm.s32 $0x4;
	[dreg:$0x14] =	wrdreg s0;
	s22 =	simm.s32 $0x800  }
0x18: {  	vm0 =	vmmov $0xffff;
	v1 =	vshrl.u32 v2, $0x3;
	s12 =	simm.s32 $0x1;
	s0 =	simm.s32 $0x5;
	s26 =	simm.s32 $0x9  }
0x19: {  	v0 =	vand.u32 $0x7, v2;
	v2 =	vor.u32 $0x8, v2;
	v1 =	vmul.u32 $0x8, v1;
	s11 =	simm.s32 $0xC800;
	s24 =	simm.s32 $0x12800;
	s23 =	simm.s32 $0x1D800  }
.LBB2_1:
0x1a: {  	s13 =	rddreg [dreg:$0x4];
	s14 =	simm.s32 $0xB  }
0x1b: {  	[tilespmem:s2], [sflag:$0xB] =	stream.linear.gather [hbm4b:s13+s2], $0x800, $0x38;
	[tilespmem:$0x1E800] =	vst v63  }
0x1c: {  	_ =	swait.ge [sflag:s14], $0x800  }
0x1d: {  	[sflag:s14] =	ssyncset.done $0x0  }
0x1e: {  	s21 =	rddreg [dreg:$0x5];
	[sflag:s14] =	ssyncadd.s32 $0xFFFFF800  }
0x1f: {  	[tilespmem:s22], [sflag:$0x1] =	stream.linear.gather [hbm4b:s21+s2], $0x6000, $0x38;
	[tilespmem:$0x1E800] =	vst v63  }
0x20: {  	s10 =	simm.s32 $0x6800;
	s8 =	rddreg [dreg:$0x6]  }
0x21: {  	[tilespmem:s10], [sflag:$0x2] =	stream.linear.gather [hbm4b:s8+s2], $0x6000, $0x38;
	[tilespmem:$0x1E800] =	vst v63  }
0x22: {  	s9 =	rddreg [dreg:$0x7]  }
0x23: {  	[tilespmem:s11], [sflag:$0x3] =	stream.linear.gather [hbm4b:s9+s2], $0x6000, $0x38;
	[tilespmem:$0x1E800] =	vst v63  }
0x24: {  	s15 =	rddreg [dreg:$0x8]  }
0x25: {  	[tilespmem:s24], [sflag:$0x4] =	stream.linear.gather [hbm4b:s15+s2], $0x6000, $0x38;
	[tilespmem:$0x1E800] =	vst v63  }
0x26: {  	_ =	swait.ge [sflag:s12], $0x6000  }
0x27: {  	[sflag:s12] =	ssyncset.done $0x0  }
0x28: {  	[sflag:s12] =	ssyncadd.s32 $0xFFFFA000  }
0x29: {  	v3 =	vld [tilespmem:$0x0];
	_ =	sdelay $0x4  }
0x2a: {  	v4 =	vshrl.u32 v3, $0x3  }
0x2b: {  	v4 =	vmul.u32 $0x30, v4  }
0x2c: {  	v3 =	vand.u32 $0x7, v3  }
0x2d: {  	v3 =	vor.u32 v3, v4  }
0x2e: {  	v4 =	vperm.xlane v3, v0;
	_ =	sdelay $0x1  }
0x2f: {  	v4 =	vadd.s32 v1, v4;
	_ =	sdelay $0x3  }
0x30: {  	v3 =	vperm.xlane v3, v2  }
0x31: {  	[hbm4b:s3+s2] =	stream.indirect_vreg.scatter [tilespmem:s22], [sflag:$0x6], $0x80, v4, vm0, $0xb8;
	[tilespmem:$0x1E800] =	vst v63  }
0x32: {  	s8 =	simm.s32 $0x1000;
	v3 =	vadd.s32 v1, v3  }
0x33: {  	[hbm4b:s4+s2] =	stream.indirect_vreg.scatter [tilespmem:s8], [sflag:$0x6], $0x80, v4, vm0, $0xb8;
	[tilespmem:$0x1E800] =	vst v63  }
0x34: {  	s16 =	simm.s32 $0x1800  }
0x35: {  	[hbm4b:s5+s2] =	stream.indirect_vreg.scatter [tilespmem:s16], [sflag:$0x6], $0x80, v4, vm0, $0xb8;
	[tilespmem:$0x1E800] =	vst v63  }
0x36: {  	s17 =	simm.s32 $0x2000  }
0x37: {  	[hbm4b:s3+s2] =	stream.indirect_vreg.scatter [tilespmem:s17], [sflag:$0x6], $0x80, v3, vm0, $0xb8;
	[tilespmem:$0x1E800] =	vst v63  }
0x38: {  	s18 =	simm.s32 $0x2800  }
0x39: {  	[hbm4b:s4+s2] =	stream.indirect_vreg.scatter [tilespmem:s18], [sflag:$0x6], $0x80, v3, vm0, $0xb8;
	[tilespmem:$0x1E800] =	vst v63  }
0x3a: {  	s19 =	simm.s32 $0x3000  }
0x3b: {  	[hbm4b:s5+s2] =	stream.indirect_vreg.scatter [tilespmem:s19], [sflag:$0x6], $0x80, v3, vm0, $0xb8;
	[tilespmem:$0x1E800] =	vst v63  }
0x3c: {  	v3 =	vld [tilespmem:$0x10];
	_ =	sdelay $0x4  }
0x3d: {  	v33 =	vshrl.u32 v3, $0x3  }
0x3e: {  	v4 =	vmul.u32 $0x30, v33  }
0x3f: {  	v3 =	vand.u32 $0x7, v3  }
0x40: {  	v3 =	vor.u32 v3, v4  }
0x41: {  	v4 =	vperm.xlane v3, v0;
	_ =	sdelay $0x1  }
0x42: {  	v4 =	vadd.s32 v1, v4;
	_ =	sdelay $0x3  }
0x43: {  	s20 =	simm.s32 $0x3800;
	v3 =	vperm.xlane v3, v2  }
0x44: {  	[hbm4b:s3+s2] =	stream.indirect_vreg.scatter [tilespmem:s20], [sflag:$0x6], $0x80, v4, vm0, $0xb8;
	[tilespmem:$0x1E800] =	vst v63  }
0x45: {  	s21 =	simm.s32 $0x4000;
	v3 =	vadd.s32 v1, v3  }
0x46: {  	[hbm4b:s4+s2] =	stream.indirect_vreg.scatter [tilespmem:s21], [sflag:$0x6], $0x80, v4, vm0, $0xb8;
	[tilespmem:$0x1E800] =	vst v63  }
0x47: {  	s9 =	simm.s32 $0x4800  }
0x48: {  	[hbm4b:s5+s2] =	stream.indirect_vreg.scatter [tilespmem:s9], [sflag:$0x6], $0x80, v4, vm0, $0xb8;
	[tilespmem:$0x1E800] =	vst v63  }
0x49: {  	s13 =	simm.s32 $0x5000  }
0x4a: {  	[hbm4b:s3+s2] =	stream.indirect_vreg.scatter [tilespmem:s13], [sflag:$0x6], $0x80, v3, vm0, $0xb8;
	[tilespmem:$0x1E800] =	vst v63  }
0x4b: {  	s14 =	simm.s32 $0x5800  }
0x4c: {  	[hbm4b:s4+s2] =	stream.indirect_vreg.scatter [tilespmem:s14], [sflag:$0x6], $0x80, v3, vm0, $0xb8;
	[tilespmem:$0x1E800] =	vst v63  }
0x4d: {  	s16 =	simm.s32 $0x6000  }
0x4e: {  	[hbm4b:s5+s2] =	stream.indirect_vreg.scatter [tilespmem:s16], [sflag:$0x6], $0x80, v3, vm0, $0xb8;
	[tilespmem:$0x1E800] =	vst v63  }
0x4f: {  	s15 =	rddreg [dreg:$0x9];
	s8 =	simm.s32 $0x18800  }
0x50: {  	[tilespmem:s8], [sflag:$0x5] =	stream.linear.gather [hbm4b:s15+s2], $0x6000, $0x38;
	[tilespmem:$0x1E800] =	vst v63  }
0x51: {  	_ =	swait.ge [sflag:s25], $0x6000  }
0x52: {  	[sflag:s25] =	ssyncset.done $0x0  }
0x53: {  	[sflag:s25] =	ssyncadd.s32 $0xFFFFA000  }
0x54: {  	v3 =	vld [tilespmem:$0x80];
	_ =	sdelay $0x4  }
0x55: {  	v34 =	vshrl.u32 v3, $0x3  }
0x56: {  	v4 =	vmul.u32 $0x30, v34  }
0x57: {  	v3 =	vand.u32 $0x7, v3  }
0x58: {  	v3 =	vor.u32 v3, v4  }
0x59: {  	v4 =	vperm.xlane v3, v0;
	_ =	sdelay $0x1  }
0x5a: {  	v4 =	vadd.s32 v1, v4;
	_ =	sdelay $0x3  }
0x5b: {  	v3 =	vperm.xlane v3, v2  }
0x5c: {  	[hbm4b:s3+s2] =	stream.indirect_vreg.scatter [tilespmem:s10], [sflag:$0x7], $0x80, v4, vm0, $0xb8;
	[tilespmem:$0x1E800] =	vst v63  }
0x5d: {  	s9 =	simm.s32 $0x7000;
	v3 =	vadd.s32 v1, v3  }
0x5e: {  	[hbm4b:s4+s2] =	stream.indirect_vreg.scatter [tilespmem:s9], [sflag:$0x7], $0x80, v4, vm0, $0xb8;
	[tilespmem:$0x1E800] =	vst v63  }
0x5f: {  	s17 =	simm.s32 $0x7800  }
0x60: {  	[hbm4b:s5+s2] =	stream.indirect_vreg.scatter [tilespmem:s17], [sflag:$0x7], $0x80, v4, vm0, $0xb8;
	[tilespmem:$0x1E800] =	vst v63  }
0x61: {  	s20 =	simm.s32 $0x8000  }
0x62: {  	[hbm4b:s3+s2] =	stream.indirect_vreg.scatter [tilespmem:s20], [sflag:$0x7], $0x80, v3, vm0, $0xb8;
	[tilespmem:$0x1E800] =	vst v63  }
0x63: {  	s21 =	simm.s32 $0x8800  }
0x64: {  	[hbm4b:s4+s2] =	stream.indirect_vreg.scatter [tilespmem:s21], [sflag:$0x7], $0x80, v3, vm0, $0xb8;
	[tilespmem:$0x1E800] =	vst v63  }
0x65: {  	s13 =	simm.s32 $0x9000  }
0x66: {  	[hbm4b:s5+s2] =	stream.indirect_vreg.scatter [tilespmem:s13], [sflag:$0x7], $0x80, v3, vm0, $0xb8;
	[tilespmem:$0x1E800] =	vst v63  }
0x67: {  	v3 =	vld [tilespmem:$0x90];
	_ =	sdelay $0x4  }
0x68: {  	v35 =	vshrl.u32 v3, $0x3  }
0x69: {  	v4 =	vmul.u32 $0x30, v35  }
0x6a: {  	v3 =	vand.u32 $0x7, v3  }
0x6b: {  	v3 =	vor.u32 v3, v4  }
0x6c: {  	v4 =	vperm.xlane v3, v0;
	_ =	sdelay $0x1  }
0x6d: {  	v4 =	vadd.s32 v1, v4;
	_ =	sdelay $0x3  }
0x6e: {  	s14 =	simm.s32 $0x9800;
	v3 =	vperm.xlane v3, v2  }
0x6f: {  	[hbm4b:s3+s2] =	stream.indirect_vreg.scatter [tilespmem:s14], [sflag:$0x7], $0x80, v4, vm0, $0xb8;
	[tilespmem:$0x1E800] =	vst v63  }
0x70: {  	s15 =	simm.s32 $0xA000;
	v3 =	vadd.s32 v1, v3  }
0x71: {  	[hbm4b:s4+s2] =	stream.indirect_vreg.scatter [tilespmem:s15], [sflag:$0x7], $0x80, v4, vm0, $0xb8;
	[tilespmem:$0x1E800] =	vst v63  }
0x72: {  	s16 =	simm.s32 $0xA800  }
0x73: {  	[hbm4b:s5+s2] =	stream.indirect_vreg.scatter [tilespmem:s16], [sflag:$0x7], $0x80, v4, vm0, $0xb8;
	[tilespmem:$0x1E800] =	vst v63  }
0x74: {  	s17 =	simm.s32 $0xB000  }
0x75: {  	[hbm4b:s3+s2] =	stream.indirect_vreg.scatter [tilespmem:s17], [sflag:$0x7], $0x80, v3, vm0, $0xb8;
	[tilespmem:$0x1E800] =	vst v63  }
0x76: {  	s20 =	simm.s32 $0xB800  }
0x77: {  	[hbm4b:s4+s2] =	stream.indirect_vreg.scatter [tilespmem:s20], [sflag:$0x7], $0x80, v3, vm0, $0xb8;
	[tilespmem:$0x1E800] =	vst v63  }
0x78: {  	s21 =	simm.s32 $0xC000  }
0x79: {  	[hbm4b:s5+s2] =	stream.indirect_vreg.scatter [tilespmem:s21], [sflag:$0x7], $0x80, v3, vm0, $0xb8;
	[tilespmem:$0x1E800] =	vst v63  }
0x7a: {  	_ =	swait.ge [sflag:s30], $0x6000  }
0x7b: {  	[sflag:s30] =	ssyncset.done $0x0  }
0x7c: {  	s9 =	rddreg [dreg:$0xa];
	[sflag:s30] =	ssyncadd.s32 $0xFFFFA000  }
0x7d: {  	[tilespmem:s22], [sflag:$0x1] =	stream.linear.gather [hbm4b:s9+s2], $0x6000, $0x38;
	[tilespmem:$0x1E800] =	vst v63  }
0x7e: {  	_ =	swait.ge [sflag:s31], $0x6000  }
0x7f: {  	[sflag:s31] =	ssyncset.done $0x0  }
0x80: {  	[sflag:s31] =	ssyncadd.s32 $0xFFFFA000  }
0x81: {  	v3 =	vld [tilespmem:$0x100];
	_ =	sdelay $0x4  }
0x82: {  	v36 =	vshrl.u32 v3, $0x3  }
0x83: {  	v4 =	vmul.u32 $0x30, v36  }
0x84: {  	v3 =	vand.u32 $0x7, v3  }
0x85: {  	v3 =	vor.u32 v3, v4  }
0x86: {  	v4 =	vperm.xlane v3, v0;
	_ =	sdelay $0x1  }
0x87: {  	v4 =	vadd.s32 v1, v4;
	_ =	sdelay $0x3  }
0x88: {  	v3 =	vperm.xlane v3, v2  }
0x89: {  	[hbm4b:s3+s2] =	stream.indirect_vreg.scatter [tilespmem:s11], [sflag:$0x8], $0x80, v4, vm0, $0xb8;
	[tilespmem:$0x1E800] =	vst v63  }
0x8a: {  	s14 =	simm.s32 $0xD000;
	v3 =	vadd.s32 v1, v3  }
0x8b: {  	[hbm4b:s4+s2] =	stream.indirect_vreg.scatter [tilespmem:s14], [sflag:$0x8], $0x80, v4, vm0, $0xb8;
	[tilespmem:$0x1E800] =	vst v63  }
0x8c: {  	s15 =	simm.s32 $0xD800  }
0x8d: {  	[hbm4b:s5+s2] =	stream.indirect_vreg.scatter [tilespmem:s15], [sflag:$0x8], $0x80, v4, vm0, $0xb8;
	[tilespmem:$0x1E800] =	vst v63  }
0x8e: {  	s16 =	simm.s32 $0xE000  }
0x8f: {  	[hbm4b:s3+s2] =	stream.indirect_vreg.scatter [tilespmem:s16], [sflag:$0x8], $0x80, v3, vm0, $0xb8;
	[tilespmem:$0x1E800] =	vst v63  }
0x90: {  	s17 =	simm.s32 $0xE800  }
0x91: {  	[hbm4b:s4+s2] =	stream.indirect_vreg.scatter [tilespmem:s17], [sflag:$0x8], $0x80, v3, vm0, $0xb8;
	[tilespmem:$0x1E800] =	vst v63  }
0x92: {  	s20 =	simm.s32 $0xF000  }
0x93: {  	[hbm4b:s5+s2] =	stream.indirect_vreg.scatter [tilespmem:s20], [sflag:$0x8], $0x80, v3, vm0, $0xb8;
	[tilespmem:$0x1E800] =	vst v63  }
0x94: {  	v3 =	vld [tilespmem:$0x110];
	_ =	sdelay $0x4  }
0x95: {  	v37 =	vshrl.u32 v3, $0x3  }
0x96: {  	v4 =	vmul.u32 $0x30, v37  }
0x97: {  	v3 =	vand.u32 $0x7, v3  }
0x98: {  	v3 =	vor.u32 v3, v4  }
0x99: {  	v4 =	vperm.xlane v3, v0;
	_ =	sdelay $0x1  }
0x9a: {  	v4 =	vadd.s32 v1, v4;
	_ =	sdelay $0x3  }
0x9b: {  	s21 =	simm.s32 $0xF800;
	v3 =	vperm.xlane v3, v2  }
0x9c: {  	[hbm4b:s3+s2] =	stream.indirect_vreg.scatter [tilespmem:s21], [sflag:$0x8], $0x80, v4, vm0, $0xb8;
	[tilespmem:$0x1E800] =	vst v63  }
0x9d: {  	s13 =	simm.s32 $0x10000;
	v3 =	vadd.s32 v1, v3  }
0x9e: {  	[hbm4b:s4+s2] =	stream.indirect_vreg.scatter [tilespmem:s13], [sflag:$0x8], $0x80, v4, vm0, $0xb8;
	[tilespmem:$0x1E800] =	vst v63  }
0x9f: {  	s14 =	simm.s32 $0x10800  }
0xa0: {  	[hbm4b:s5+s2] =	stream.indirect_vreg.scatter [tilespmem:s14], [sflag:$0x8], $0x80, v4, vm0, $0xb8;
	[tilespmem:$0x1E800] =	vst v63  }
0xa1: {  	s15 =	simm.s32 $0x11000  }
0xa2: {  	[hbm4b:s3+s2] =	stream.indirect_vreg.scatter [tilespmem:s15], [sflag:$0x8], $0x80, v3, vm0, $0xb8;
	[tilespmem:$0x1E800] =	vst v63  }
0xa3: {  	s16 =	simm.s32 $0x11800  }
0xa4: {  	[hbm4b:s4+s2] =	stream.indirect_vreg.scatter [tilespmem:s16], [sflag:$0x8], $0x80, v3, vm0, $0xb8;
	[tilespmem:$0x1E800] =	vst v63  }
0xa5: {  	s17 =	simm.s32 $0x12000  }
0xa6: {  	[hbm4b:s5+s2] =	stream.indirect_vreg.scatter [tilespmem:s17], [sflag:$0x8], $0x80, v3, vm0, $0xb8;
	[tilespmem:$0x1E800] =	vst v63  }
0xa7: {  	_ =	swait.ge [sflag:s29], $0x6000  }
0xa8: {  	[sflag:s29] =	ssyncset.done $0x0  }
0xa9: {  	s20 =	rddreg [dreg:$0xb];
	[sflag:s29] =	ssyncadd.s32 $0xFFFFA000  }
0xaa: {  	[tilespmem:s10], [sflag:$0x2] =	stream.linear.gather [hbm4b:s20+s2], $0x6000, $0x38;
	[tilespmem:$0x1E800] =	vst v63  }
0xab: {  	_ =	swait.ge [sflag:s1], $0x6000  }
0xac: {  	[sflag:s1] =	ssyncset.done $0x0  }
0xad: {  	[sflag:s1] =	ssyncadd.s32 $0xFFFFA000  }
0xae: {  	v3 =	vld [tilespmem:$0x180];
	_ =	sdelay $0x4  }
0xaf: {  	v38 =	vshrl.u32 v3, $0x3  }
0xb0: {  	v4 =	vmul.u32 $0x30, v38  }
0xb1: {  	v3 =	vand.u32 $0x7, v3  }
0xb2: {  	v3 =	vor.u32 v3, v4  }
0xb3: {  	v4 =	vperm.xlane v3, v0;
	_ =	sdelay $0x1  }
0xb4: {  	v4 =	vadd.s32 v1, v4;
	_ =	sdelay $0x3  }
0xb5: {  	v3 =	vperm.xlane v3, v2  }
0xb6: {  	[hbm4b:s3+s2] =	stream.indirect_vreg.scatter [tilespmem:s24], [sflag:$0x9], $0x80, v4, vm0, $0xb8;
	[tilespmem:$0x1E800] =	vst v63  }
0xb7: {  	s21 =	simm.s32 $0x13000;
	v3 =	vadd.s32 v1, v3  }
0xb8: {  	[hbm4b:s4+s2] =	stream.indirect_vreg.scatter [tilespmem:s21], [sflag:$0x9], $0x80, v4, vm0, $0xb8;
	[tilespmem:$0x1E800] =	vst v63  }
0xb9: {  	s13 =	simm.s32 $0x13800  }
0xba: {  	[hbm4b:s5+s2] =	stream.indirect_vreg.scatter [tilespmem:s13], [sflag:$0x9], $0x80, v4, vm0, $0xb8;
	[tilespmem:$0x1E800] =	vst v63  }
0xbb: {  	s14 =	simm.s32 $0x14000  }
0xbc: {  	[hbm4b:s3+s2] =	stream.indirect_vreg.scatter [tilespmem:s14], [sflag:$0x9], $0x80, v3, vm0, $0xb8;
	[tilespmem:$0x1E800] =	vst v63  }
0xbd: {  	s15 =	simm.s32 $0x14800  }
0xbe: {  	[hbm4b:s4+s2] =	stream.indirect_vreg.scatter [tilespmem:s15], [sflag:$0x9], $0x80, v3, vm0, $0xb8;
	[tilespmem:$0x1E800] =	vst v63  }
0xbf: {  	s16 =	simm.s32 $0x15000  }
0xc0: {  	[hbm4b:s5+s2] =	stream.indirect_vreg.scatter [tilespmem:s16], [sflag:$0x9], $0x80, v3, vm0, $0xb8;
	[tilespmem:$0x1E800] =	vst v63  }
0xc1: {  	v3 =	vld [tilespmem:$0x190];
	_ =	sdelay $0x4  }
0xc2: {  	v39 =	vshrl.u32 v3, $0x3  }
0xc3: {  	v4 =	vmul.u32 $0x30, v39  }
0xc4: {  	v3 =	vand.u32 $0x7, v3  }
0xc5: {  	v3 =	vor.u32 v3, v4  }
0xc6: {  	v4 =	vperm.xlane v3, v0;
	_ =	sdelay $0x1  }
0xc7: {  	v4 =	vadd.s32 v1, v4;
	_ =	sdelay $0x3  }
0xc8: {  	s17 =	simm.s32 $0x15800;
	v3 =	vperm.xlane v3, v2  }
0xc9: {  	[hbm4b:s3+s2] =	stream.indirect_vreg.scatter [tilespmem:s17], [sflag:$0x9], $0x80, v4, vm0, $0xb8;
	[tilespmem:$0x1E800] =	vst v63  }
0xca: {  	s20 =	simm.s32 $0x16000;
	v3 =	vadd.s32 v1, v3  }
0xcb: {  	[hbm4b:s4+s2] =	stream.indirect_vreg.scatter [tilespmem:s20], [sflag:$0x9], $0x80, v4, vm0, $0xb8;
	[tilespmem:$0x1E800] =	vst v63  }
0xcc: {  	s21 =	simm.s32 $0x16800  }
0xcd: {  	[hbm4b:s5+s2] =	stream.indirect_vreg.scatter [tilespmem:s21], [sflag:$0x9], $0x80, v4, vm0, $0xb8;
	[tilespmem:$0x1E800] =	vst v63  }
0xce: {  	s13 =	simm.s32 $0x17000  }
0xcf: {  	[hbm4b:s3+s2] =	stream.indirect_vreg.scatter [tilespmem:s13], [sflag:$0x9], $0x80, v3, vm0, $0xb8;
	[tilespmem:$0x1E800] =	vst v63  }
0xd0: {  	s14 =	simm.s32 $0x17800  }
0xd1: {  	[hbm4b:s4+s2] =	stream.indirect_vreg.scatter [tilespmem:s14], [sflag:$0x9], $0x80, v3, vm0, $0xb8;
	[tilespmem:$0x1E800] =	vst v63  }
0xd2: {  	s15 =	simm.s32 $0x18000  }
0xd3: {  	[hbm4b:s5+s2] =	stream.indirect_vreg.scatter [tilespmem:s15], [sflag:$0x9], $0x80, v3, vm0, $0xb8;
	[tilespmem:$0x1E800] =	vst v63  }
0xd4: {  	_ =	swait.ge [sflag:s28], $0x6000  }
0xd5: {  	[sflag:s28] =	ssyncset.done $0x0  }
0xd6: {  	s16 =	rddreg [dreg:$0xc];
	[sflag:s28] =	ssyncadd.s32 $0xFFFFA000  }
0xd7: {  	[tilespmem:s11], [sflag:$0x3] =	stream.linear.gather [hbm4b:s16+s2], $0x6000, $0x38;
	[tilespmem:$0x1E800] =	vst v63  }
0xd8: {  	_ =	swait.ge [sflag:s0], $0x6000  }
0xd9: {  	[sflag:s0] =	ssyncset.done $0x0  }
0xda: {  	[sflag:s0] =	ssyncadd.s32 $0xFFFFA000  }
0xdb: {  	v3 =	vld [tilespmem:$0x200];
	_ =	sdelay $0x4  }
0xdc: {  	v40 =	vshrl.u32 v3, $0x3  }
0xdd: {  	v4 =	vmul.u32 $0x30, v40  }
0xde: {  	v3 =	vand.u32 $0x7, v3  }
0xdf: {  	v3 =	vor.u32 v3, v4  }
0xe0: {  	v4 =	vperm.xlane v3, v0;
	_ =	sdelay $0x1  }
0xe1: {  	v4 =	vadd.s32 v1, v4;
	_ =	sdelay $0x3  }
0xe2: {  	v3 =	vperm.xlane v3, v2  }
0xe3: {  	[hbm4b:s3+s2] =	stream.indirect_vreg.scatter [tilespmem:s8], [sflag:$0xA], $0x80, v4, vm0, $0xb8;
	[tilespmem:$0x1E800] =	vst v63  }
0xe4: {  	s17 =	simm.s32 $0x19000;
	v3 =	vadd.s32 v1, v3  }
0xe5: {  	[hbm4b:s4+s2] =	stream.indirect_vreg.scatter [tilespmem:s17], [sflag:$0xA], $0x80, v4, vm0, $0xb8;
	[tilespmem:$0x1E800] =	vst v63  }
0xe6: {  	s14 =	simm.s32 $0x19800  }
0xe7: {  	[hbm4b:s5+s2] =	stream.indirect_vreg.scatter [tilespmem:s14], [sflag:$0xA], $0x80, v4, vm0, $0xb8;
	[tilespmem:$0x1E800] =	vst v63  }
0xe8: {  	s20 =	simm.s32 $0x1A000  }
0xe9: {  	[hbm4b:s3+s2] =	stream.indirect_vreg.scatter [tilespmem:s20], [sflag:$0xA], $0x80, v3, vm0, $0xb8;
	[tilespmem:$0x1E800] =	vst v63  }
0xea: {  	s21 =	simm.s32 $0x1A800  }
0xeb: {  	[hbm4b:s4+s2] =	stream.indirect_vreg.scatter [tilespmem:s21], [sflag:$0xA], $0x80, v3, vm0, $0xb8;
	[tilespmem:$0x1E800] =	vst v63  }
0xec: {  	s13 =	simm.s32 $0x1B000  }
0xed: {  	[hbm4b:s5+s2] =	stream.indirect_vreg.scatter [tilespmem:s13], [sflag:$0xA], $0x80, v3, vm0, $0xb8;
	[tilespmem:$0x1E800] =	vst v63  }
0xee: {  	v3 =	vld [tilespmem:$0x210];
	_ =	sdelay $0x4  }
0xef: {  	v41 =	vshrl.u32 v3, $0x3  }
0xf0: {  	v4 =	vmul.u32 $0x30, v41  }
0xf1: {  	v3 =	vand.u32 $0x7, v3  }
0xf2: {  	v3 =	vor.u32 v3, v4  }
0xf3: {  	v4 =	vperm.xlane v3, v0;
	_ =	sdelay $0x1  }
0xf4: {  	v4 =	vadd.s32 v1, v4;
	_ =	sdelay $0x3  }
0xf5: {  	s15 =	simm.s32 $0x1B800;
	v3 =	vperm.xlane v3, v2  }
0xf6: {  	[hbm4b:s3+s2] =	stream.indirect_vreg.scatter [tilespmem:s15], [sflag:$0xA], $0x80, v4, vm0, $0xb8;
	[tilespmem:$0x1E800] =	vst v63  }
0xf7: {  	s16 =	simm.s32 $0x1C000;
	v3 =	vadd.s32 v1, v3  }
0xf8: {  	[hbm4b:s4+s2] =	stream.indirect_vreg.scatter [tilespmem:s16], [sflag:$0xA], $0x80, v4, vm0, $0xb8;
	[tilespmem:$0x1E800] =	vst v63  }
0xf9: {  	s17 =	simm.s32 $0x1C800  }
0xfa: {  	[hbm4b:s5+s2] =	stream.indirect_vreg.scatter [tilespmem:s17], [sflag:$0xA], $0x80, v4, vm0, $0xb8;
	[tilespmem:$0x1E800] =	vst v63  }
0xfb: {  	s20 =	simm.s32 $0x1D000  }
0xfc: {  	[hbm4b:s3+s2] =	stream.indirect_vreg.scatter [tilespmem:s20], [sflag:$0xA], $0x80, v3, vm0, $0xb8;
	[tilespmem:$0x1E800] =	vst v63  }
0xfd: {  	_ = 	snop  }
0xfe: {  	[hbm4b:s4+s2] =	stream.indirect_vreg.scatter [tilespmem:s23], [sflag:$0xA], $0x80, v3, vm0, $0xb8;
	[tilespmem:$0x1E800] =	vst v63  }
0xff: {  	s21 =	simm.s32 $0x1E000  }
0x100: {  	[hbm4b:s5+s2] =	stream.indirect_vreg.scatter [tilespmem:s21], [sflag:$0xA], $0x80, v3, vm0, $0xb8;
	[tilespmem:$0x1E800] =	vst v63  }
0x101: {  	_ =	swait.ge [sflag:s26], $0x6000  }
0x102: {  	[sflag:s26] =	ssyncset.done $0x0  }
0x103: {  	s9 =	rddreg [dreg:$0xd];
	[sflag:s26] =	ssyncadd.s32 $0xFFFFA000  }
0x104: {  	[tilespmem:s24], [sflag:$0x4] =	stream.linear.gather [hbm4b:s9+s2], $0x6000, $0x38;
	[tilespmem:$0x1E800] =	vst v63  }
0x105: {  	_ =	swait.ge [sflag:s12], $0x6000  }
0x106: {  	[sflag:s12] =	ssyncset.done $0x0  }
0x107: {  	[sflag:s12] =	ssyncadd.s32 $0xFFFFA000  }
0x108: {  	v3 =	vld [tilespmem:$0x280];
	_ =	sdelay $0x4  }
0x109: {  	v42 =	vshrl.u32 v3, $0x3  }
0x10a: {  	v4 =	vmul.u32 $0x30, v42  }
0x10b: {  	v3 =	vand.u32 $0x7, v3  }
0x10c: {  	v3 =	vor.u32 v3, v4  }
0x10d: {  	v4 =	vperm.xlane v3, v0;
	_ =	sdelay $0x1  }
0x10e: {  	v4 =	vadd.s32 v1, v4;
	_ =	sdelay $0x3  }
0x10f: {  	v3 =	vperm.xlane v3, v2  }
0x110: {  	[hbm4b:s3+s2] =	stream.indirect_vreg.scatter [tilespmem:s22], [sflag:$0x6], $0x80, v4, vm0, $0xb8;
	[tilespmem:$0x1E800] =	vst v63  }
0x111: {  	s15 =	simm.s32 $0x1000;
	v3 =	vadd.s32 v1, v3  }
0x112: {  	[hbm4b:s4+s2] =	stream.indirect_vreg.scatter [tilespmem:s15], [sflag:$0x6], $0x80, v4, vm0, $0xb8;
	[tilespmem:$0x1E800] =	vst v63  }
0x113: {  	s9 =	simm.s32 $0x1800  }
0x114: {  	[hbm4b:s5+s2] =	stream.indirect_vreg.scatter [tilespmem:s9], [sflag:$0x6], $0x80, v4, vm0, $0xb8;
	[tilespmem:$0x1E800] =	vst v63  }
0x115: {  	s16 =	simm.s32 $0x2000  }
0x116: {  	[hbm4b:s3+s2] =	stream.indirect_vreg.scatter [tilespmem:s16], [sflag:$0x6], $0x80, v3, vm0, $0xb8;
	[tilespmem:$0x1E800] =	vst v63  }
0x117: {  	s17 =	simm.s32 $0x2800  }
0x118: {  	[hbm4b:s4+s2] =	stream.indirect_vreg.scatter [tilespmem:s17], [sflag:$0x6], $0x80, v3, vm0, $0xb8;
	[tilespmem:$0x1E800] =	vst v63  }
0x119: {  	s18 =	simm.s32 $0x3000  }
0x11a: {  	[hbm4b:s5+s2] =	stream.indirect_vreg.scatter [tilespmem:s18], [sflag:$0x6], $0x80, v3, vm0, $0xb8;
	[tilespmem:$0x1E800] =	vst v63  }
0x11b: {  	v3 =	vld [tilespmem:$0x290];
	_ =	sdelay $0x4  }
0x11c: {  	v43 =	vshrl.u32 v3, $0x3  }
0x11d: {  	v4 =	vmul.u32 $0x30, v43  }
0x11e: {  	v3 =	vand.u32 $0x7, v3  }
0x11f: {  	v3 =	vor.u32 v3, v4  }
0x120: {  	v4 =	vperm.xlane v3, v0;
	_ =	sdelay $0x1  }
0x121: {  	v4 =	vadd.s32 v1, v4;
	_ =	sdelay $0x3  }
0x122: {  	s19 =	simm.s32 $0x3800;
	v3 =	vperm.xlane v3, v2  }
0x123: {  	[hbm4b:s3+s2] =	stream.indirect_vreg.scatter [tilespmem:s19], [sflag:$0x6], $0x80, v4, vm0, $0xb8;
	[tilespmem:$0x1E800] =	vst v63  }
0x124: {  	s18 =	simm.s32 $0x4000;
	v3 =	vadd.s32 v1, v3  }
0x125: {  	[hbm4b:s4+s2] =	stream.indirect_vreg.scatter [tilespmem:s18], [sflag:$0x6], $0x80, v4, vm0, $0xb8;
	[tilespmem:$0x1E800] =	vst v63  }
0x126: {  	s19 =	simm.s32 $0x4800  }
0x127: {  	[hbm4b:s5+s2] =	stream.indirect_vreg.scatter [tilespmem:s19], [sflag:$0x6], $0x80, v4, vm0, $0xb8;
	[tilespmem:$0x1E800] =	vst v63  }
0x128: {  	s20 =	simm.s32 $0x5000  }
0x129: {  	[hbm4b:s3+s2] =	stream.indirect_vreg.scatter [tilespmem:s20], [sflag:$0x6], $0x80, v3, vm0, $0xb8;
	[tilespmem:$0x1E800] =	vst v63  }
0x12a: {  	s21 =	simm.s32 $0x5800  }
0x12b: {  	[hbm4b:s4+s2] =	stream.indirect_vreg.scatter [tilespmem:s21], [sflag:$0x6], $0x80, v3, vm0, $0xb8;
	[tilespmem:$0x1E800] =	vst v63  }
0x12c: {  	s13 =	simm.s32 $0x6000  }
0x12d: {  	[hbm4b:s5+s2] =	stream.indirect_vreg.scatter [tilespmem:s13], [sflag:$0x6], $0x80, v3, vm0, $0xb8;
	[tilespmem:$0x1E800] =	vst v63  }
0x12e: {  	_ =	swait.ge [sflag:s7], $0x6000  }
0x12f: {  	[sflag:s7] =	ssyncset.done $0x0  }
0x130: {  	s13 =	rddreg [dreg:$0xe];
	[sflag:s7] =	ssyncadd.s32 $0xFFFFA000  }
0x131: {  	[tilespmem:s8], [sflag:$0x5] =	stream.linear.gather [hbm4b:s13+s2], $0x6000, $0x38;
	[tilespmem:$0x1E800] =	vst v63  }
0x132: {  	_ =	swait.ge [sflag:s25], $0x6000  }
0x133: {  	[sflag:s25] =	ssyncset.done $0x0  }
0x134: {  	[sflag:s25] =	ssyncadd.s32 $0xFFFFA000  }
0x135: {  	v3 =	vld [tilespmem:$0x300];
	_ =	sdelay $0x4  }
0x136: {  	v44 =	vshrl.u32 v3, $0x3  }
0x137: {  	v4 =	vmul.u32 $0x30, v44  }
0x138: {  	v3 =	vand.u32 $0x7, v3  }
0x139: {  	v3 =	vor.u32 v3, v4  }
0x13a: {  	v4 =	vperm.xlane v3, v0;
	_ =	sdelay $0x1  }
0x13b: {  	v4 =	vadd.s32 v1, v4;
	_ =	sdelay $0x3  }
0x13c: {  	v3 =	vperm.xlane v3, v2  }
0x13d: {  	[hbm4b:s3+s2] =	stream.indirect_vreg.scatter [tilespmem:s10], [sflag:$0x7], $0x80, v4, vm0, $0xb8;
	[tilespmem:$0x1E800] =	vst v63  }
0x13e: {  	s13 =	simm.s32 $0x7000;
	v3 =	vadd.s32 v1, v3  }
0x13f: {  	[hbm4b:s4+s2] =	stream.indirect_vreg.scatter [tilespmem:s13], [sflag:$0x7], $0x80, v4, vm0, $0xb8;
	[tilespmem:$0x1E800] =	vst v63  }
0x140: {  	s13 =	simm.s32 $0x7800  }
0x141: {  	[hbm4b:s5+s2] =	stream.indirect_vreg.scatter [tilespmem:s13], [sflag:$0x7], $0x80, v4, vm0, $0xb8;
	[tilespmem:$0x1E800] =	vst v63  }
0x142: {  	s13 =	simm.s32 $0x8000  }
0x143: {  	[hbm4b:s3+s2] =	stream.indirect_vreg.scatter [tilespmem:s13], [sflag:$0x7], $0x80, v3, vm0, $0xb8;
	[tilespmem:$0x1E800] =	vst v63  }
0x144: {  	s13 =	simm.s32 $0x8800  }
0x145: {  	[hbm4b:s4+s2] =	stream.indirect_vreg.scatter [tilespmem:s13], [sflag:$0x7], $0x80, v3, vm0, $0xb8;
	[tilespmem:$0x1E800] =	vst v63  }
0x146: {  	s13 =	simm.s32 $0x9000  }
0x147: {  	[hbm4b:s5+s2] =	stream.indirect_vreg.scatter [tilespmem:s13], [sflag:$0x7], $0x80, v3, vm0, $0xb8;
	[tilespmem:$0x1E800] =	vst v63  }
0x148: {  	v3 =	vld [tilespmem:$0x310];
	_ =	sdelay $0x4  }
0x149: {  	v45 =	vshrl.u32 v3, $0x3  }
0x14a: {  	v4 =	vmul.u32 $0x30, v45  }
0x14b: {  	v3 =	vand.u32 $0x7, v3  }
0x14c: {  	v3 =	vor.u32 v3, v4  }
0x14d: {  	v4 =	vperm.xlane v3, v0;
	_ =	sdelay $0x1  }
0x14e: {  	v4 =	vadd.s32 v1, v4;
	_ =	sdelay $0x3  }
0x14f: {  	s13 =	simm.s32 $0x9800;
	v3 =	vperm.xlane v3, v2  }
0x150: {  	[hbm4b:s3+s2] =	stream.indirect_vreg.scatter [tilespmem:s13], [sflag:$0x7], $0x80, v4, vm0, $0xb8;
	[tilespmem:$0x1E800] =	vst v63  }
0x151: {  	v3 =	vadd.s32 v1, v3;
	s13 =	simm.s32 $0xA000  }
0x152: {  	[hbm4b:s4+s2] =	stream.indirect_vreg.scatter [tilespmem:s13], [sflag:$0x7], $0x80, v4, vm0, $0xb8;
	[tilespmem:$0x1E800] =	vst v63  }
0x153: {  	s13 =	simm.s32 $0xA800  }
0x154: {  	[hbm4b:s5+s2] =	stream.indirect_vreg.scatter [tilespmem:s13], [sflag:$0x7], $0x80, v4, vm0, $0xb8;
	[tilespmem:$0x1E800] =	vst v63  }
0x155: {  	s13 =	simm.s32 $0xB000  }
0x156: {  	[hbm4b:s3+s2] =	stream.indirect_vreg.scatter [tilespmem:s13], [sflag:$0x7], $0x80, v3, vm0, $0xb8;
	[tilespmem:$0x1E800] =	vst v63  }
0x157: {  	s13 =	simm.s32 $0xB800  }
0x158: {  	[hbm4b:s4+s2] =	stream.indirect_vreg.scatter [tilespmem:s13], [sflag:$0x7], $0x80, v3, vm0, $0xb8;
	[tilespmem:$0x1E800] =	vst v63  }
0x159: {  	s13 =	simm.s32 $0xC000  }
0x15a: {  	[hbm4b:s5+s2] =	stream.indirect_vreg.scatter [tilespmem:s13], [sflag:$0x7], $0x80, v3, vm0, $0xb8;
	[tilespmem:$0x1E800] =	vst v63  }
0x15b: {  	_ =	swait.ge [sflag:s30], $0x6000  }
0x15c: {  	[sflag:s30] =	ssyncset.done $0x0  }
0x15d: {  	s13 =	rddreg [dreg:$0xf];
	[sflag:s30] =	ssyncadd.s32 $0xFFFFA000  }
0x15e: {  	[tilespmem:s22], [sflag:$0x1] =	stream.linear.gather [hbm4b:s13+s2], $0x6000, $0x38;
	[tilespmem:$0x1E800] =	vst v63  }
0x15f: {  	_ =	swait.ge [sflag:s31], $0x6000  }
0x160: {  	[sflag:s31] =	ssyncset.done $0x0  }
0x161: {  	[sflag:s31] =	ssyncadd.s32 $0xFFFFA000  }
0x162: {  	v3 =	vld [tilespmem:$0x380];
	_ =	sdelay $0x4  }
0x163: {  	v46 =	vshrl.u32 v3, $0x3  }
0x164: {  	v4 =	vmul.u32 $0x30, v46  }
0x165: {  	v3 =	vand.u32 $0x7, v3  }
0x166: {  	v3 =	vor.u32 v3, v4  }
0x167: {  	v4 =	vperm.xlane v3, v0;
	_ =	sdelay $0x1  }
0x168: {  	v4 =	vadd.s32 v1, v4;
	_ =	sdelay $0x3  }
0x169: {  	v3 =	vperm.xlane v3, v2  }
0x16a: {  	[hbm4b:s3+s2] =	stream.indirect_vreg.scatter [tilespmem:s11], [sflag:$0x8], $0x80, v4, vm0, $0xb8;
	[tilespmem:$0x1E800] =	vst v63  }
0x16b: {  	s13 =	simm.s32 $0xD000;
	v3 =	vadd.s32 v1, v3  }
0x16c: {  	[hbm4b:s4+s2] =	stream.indirect_vreg.scatter [tilespmem:s13], [sflag:$0x8], $0x80, v4, vm0, $0xb8;
	[tilespmem:$0x1E800] =	vst v63  }
0x16d: {  	s13 =	simm.s32 $0xD800  }
0x16e: {  	[hbm4b:s5+s2] =	stream.indirect_vreg.scatter [tilespmem:s13], [sflag:$0x8], $0x80, v4, vm0, $0xb8;
	[tilespmem:$0x1E800] =	vst v63  }
0x16f: {  	s13 =	simm.s32 $0xE000  }
0x170: {  	[hbm4b:s3+s2] =	stream.indirect_vreg.scatter [tilespmem:s13], [sflag:$0x8], $0x80, v3, vm0, $0xb8;
	[tilespmem:$0x1E800] =	vst v63  }
0x171: {  	s13 =	simm.s32 $0xE800  }
0x172: {  	[hbm4b:s4+s2] =	stream.indirect_vreg.scatter [tilespmem:s13], [sflag:$0x8], $0x80, v3, vm0, $0xb8;
	[tilespmem:$0x1E800] =	vst v63  }
0x173: {  	s13 =	simm.s32 $0xF000  }
0x174: {  	[hbm4b:s5+s2] =	stream.indirect_vreg.scatter [tilespmem:s13], [sflag:$0x8], $0x80, v3, vm0, $0xb8;
	[tilespmem:$0x1E800] =	vst v63  }
0x175: {  	v3 =	vld [tilespmem:$0x390];
	_ =	sdelay $0x4  }
0x176: {  	v47 =	vshrl.u32 v3, $0x3  }
0x177: {  	v4 =	vmul.u32 $0x30, v47  }
0x178: {  	v3 =	vand.u32 $0x7, v3  }
0x179: {  	v3 =	vor.u32 v3, v4  }
0x17a: {  	v4 =	vperm.xlane v3, v0;
	_ =	sdelay $0x1  }
0x17b: {  	v4 =	vadd.s32 v1, v4;
	_ =	sdelay $0x3  }
0x17c: {  	s13 =	simm.s32 $0xF800;
	v3 =	vperm.xlane v3, v2  }
0x17d: {  	[hbm4b:s3+s2] =	stream.indirect_vreg.scatter [tilespmem:s13], [sflag:$0x8], $0x80, v4, vm0, $0xb8;
	[tilespmem:$0x1E800] =	vst v63  }
0x17e: {  	v3 =	vadd.s32 v1, v3;
	s13 =	simm.s32 $0x10000  }
0x17f: {  	[hbm4b:s4+s2] =	stream.indirect_vreg.scatter [tilespmem:s13], [sflag:$0x8], $0x80, v4, vm0, $0xb8;
	[tilespmem:$0x1E800] =	vst v63  }
0x180: {  	s13 =	simm.s32 $0x10800  }
0x181: {  	[hbm4b:s5+s2] =	stream.indirect_vreg.scatter [tilespmem:s13], [sflag:$0x8], $0x80, v4, vm0, $0xb8;
	[tilespmem:$0x1E800] =	vst v63  }
0x182: {  	s13 =	simm.s32 $0x11000  }
0x183: {  	[hbm4b:s3+s2] =	stream.indirect_vreg.scatter [tilespmem:s13], [sflag:$0x8], $0x80, v3, vm0, $0xb8;
	[tilespmem:$0x1E800] =	vst v63  }
0x184: {  	s13 =	simm.s32 $0x11800  }
0x185: {  	[hbm4b:s4+s2] =	stream.indirect_vreg.scatter [tilespmem:s13], [sflag:$0x8], $0x80, v3, vm0, $0xb8;
	[tilespmem:$0x1E800] =	vst v63  }
0x186: {  	s13 =	simm.s32 $0x12000  }
0x187: {  	[hbm4b:s5+s2] =	stream.indirect_vreg.scatter [tilespmem:s13], [sflag:$0x8], $0x80, v3, vm0, $0xb8;
	[tilespmem:$0x1E800] =	vst v63  }
0x188: {  	_ =	swait.ge [sflag:s29], $0x6000  }
0x189: {  	[sflag:s29] =	ssyncset.done $0x0  }
0x18a: {  	s13 =	rddreg [dreg:$0x10];
	[sflag:s29] =	ssyncadd.s32 $0xFFFFA000  }
0x18b: {  	[tilespmem:s10], [sflag:$0x2] =	stream.linear.gather [hbm4b:s13+s2], $0x6000, $0x38;
	[tilespmem:$0x1E800] =	vst v63  }
0x18c: {  	_ =	swait.ge [sflag:s1], $0x6000  }
0x18d: {  	[sflag:s1] =	ssyncset.done $0x0  }
0x18e: {  	[sflag:s1] =	ssyncadd.s32 $0xFFFFA000  }
0x18f: {  	v3 =	vld [tilespmem:$0x400];
	_ =	sdelay $0x4  }
0x190: {  	v48 =	vshrl.u32 v3, $0x3  }
0x191: {  	v4 =	vmul.u32 $0x30, v48  }
0x192: {  	v3 =	vand.u32 $0x7, v3  }
0x193: {  	v3 =	vor.u32 v3, v4  }
0x194: {  	v4 =	vperm.xlane v3, v0;
	_ =	sdelay $0x1  }
0x195: {  	v4 =	vadd.s32 v1, v4;
	_ =	sdelay $0x3  }
0x196: {  	v3 =	vperm.xlane v3, v2  }
0x197: {  	[hbm4b:s3+s2] =	stream.indirect_vreg.scatter [tilespmem:s24], [sflag:$0x9], $0x80, v4, vm0, $0xb8;
	[tilespmem:$0x1E800] =	vst v63  }
0x198: {  	s13 =	simm.s32 $0x13000;
	v3 =	vadd.s32 v1, v3  }
0x199: {  	[hbm4b:s4+s2] =	stream.indirect_vreg.scatter [tilespmem:s13], [sflag:$0x9], $0x80, v4, vm0, $0xb8;
	[tilespmem:$0x1E800] =	vst v63  }
0x19a: {  	s13 =	simm.s32 $0x13800  }
0x19b: {  	[hbm4b:s5+s2] =	stream.indirect_vreg.scatter [tilespmem:s13], [sflag:$0x9], $0x80, v4, vm0, $0xb8;
	[tilespmem:$0x1E800] =	vst v63  }
0x19c: {  	s13 =	simm.s32 $0x14000  }
0x19d: {  	[hbm4b:s3+s2] =	stream.indirect_vreg.scatter [tilespmem:s13], [sflag:$0x9], $0x80, v3, vm0, $0xb8;
	[tilespmem:$0x1E800] =	vst v63  }
0x19e: {  	s13 =	simm.s32 $0x14800  }
0x19f: {  	[hbm4b:s4+s2] =	stream.indirect_vreg.scatter [tilespmem:s13], [sflag:$0x9], $0x80, v3, vm0, $0xb8;
	[tilespmem:$0x1E800] =	vst v63  }
0x1a0: {  	s13 =	simm.s32 $0x15000  }
0x1a1: {  	[hbm4b:s5+s2] =	stream.indirect_vreg.scatter [tilespmem:s13], [sflag:$0x9], $0x80, v3, vm0, $0xb8;
	[tilespmem:$0x1E800] =	vst v63  }
0x1a2: {  	v3 =	vld [tilespmem:$0x410];
	_ =	sdelay $0x4  }
0x1a3: {  	v49 =	vshrl.u32 v3, $0x3  }
0x1a4: {  	v4 =	vmul.u32 $0x30, v49  }
0x1a5: {  	v3 =	vand.u32 $0x7, v3  }
0x1a6: {  	v3 =	vor.u32 v3, v4  }
0x1a7: {  	v4 =	vperm.xlane v3, v0;
	_ =	sdelay $0x1  }
0x1a8: {  	v4 =	vadd.s32 v1, v4;
	_ =	sdelay $0x3  }
0x1a9: {  	s13 =	simm.s32 $0x15800;
	v3 =	vperm.xlane v3, v2  }
0x1aa: {  	[hbm4b:s3+s2] =	stream.indirect_vreg.scatter [tilespmem:s13], [sflag:$0x9], $0x80, v4, vm0, $0xb8;
	[tilespmem:$0x1E800] =	vst v63  }
0x1ab: {  	v3 =	vadd.s32 v1, v3;
	s13 =	simm.s32 $0x16000  }
0x1ac: {  	[hbm4b:s4+s2] =	stream.indirect_vreg.scatter [tilespmem:s13], [sflag:$0x9], $0x80, v4, vm0, $0xb8;
	[tilespmem:$0x1E800] =	vst v63  }
0x1ad: {  	s13 =	simm.s32 $0x16800  }
0x1ae: {  	[hbm4b:s5+s2] =	stream.indirect_vreg.scatter [tilespmem:s13], [sflag:$0x9], $0x80, v4, vm0, $0xb8;
	[tilespmem:$0x1E800] =	vst v63  }
0x1af: {  	s13 =	simm.s32 $0x17000  }
0x1b0: {  	[hbm4b:s3+s2] =	stream.indirect_vreg.scatter [tilespmem:s13], [sflag:$0x9], $0x80, v3, vm0, $0xb8;
	[tilespmem:$0x1E800] =	vst v63  }
0x1b1: {  	s13 =	simm.s32 $0x17800  }
0x1b2: {  	[hbm4b:s4+s2] =	stream.indirect_vreg.scatter [tilespmem:s13], [sflag:$0x9], $0x80, v3, vm0, $0xb8;
	[tilespmem:$0x1E800] =	vst v63  }
0x1b3: {  	s13 =	simm.s32 $0x18000  }
0x1b4: {  	[hbm4b:s5+s2] =	stream.indirect_vreg.scatter [tilespmem:s13], [sflag:$0x9], $0x80, v3, vm0, $0xb8;
	[tilespmem:$0x1E800] =	vst v63  }
0x1b5: {  	_ =	swait.ge [sflag:s28], $0x6000  }
0x1b6: {  	[sflag:s28] =	ssyncset.done $0x0  }
0x1b7: {  	s13 =	rddreg [dreg:$0x11];
	[sflag:s28] =	ssyncadd.s32 $0xFFFFA000  }
0x1b8: {  	[tilespmem:s11], [sflag:$0x3] =	stream.linear.gather [hbm4b:s13+s2], $0x6000, $0x38;
	[tilespmem:$0x1E800] =	vst v63  }
0x1b9: {  	_ =	swait.ge [sflag:s0], $0x6000  }
0x1ba: {  	[sflag:s0] =	ssyncset.done $0x0  }
0x1bb: {  	[sflag:s0] =	ssyncadd.s32 $0xFFFFA000  }
0x1bc: {  	v3 =	vld [tilespmem:$0x480];
	_ =	sdelay $0x4  }
0x1bd: {  	v50 =	vshrl.u32 v3, $0x3  }
0x1be: {  	v4 =	vmul.u32 $0x30, v50  }
0x1bf: {  	v3 =	vand.u32 $0x7, v3  }
0x1c0: {  	v3 =	vor.u32 v3, v4  }
0x1c1: {  	v4 =	vperm.xlane v3, v0;
	_ =	sdelay $0x1  }
0x1c2: {  	v4 =	vadd.s32 v1, v4;
	_ =	sdelay $0x3  }
0x1c3: {  	v3 =	vperm.xlane v3, v2  }
0x1c4: {  	[hbm4b:s3+s2] =	stream.indirect_vreg.scatter [tilespmem:s8], [sflag:$0xA], $0x80, v4, vm0, $0xb8;
	[tilespmem:$0x1E800] =	vst v63  }
0x1c5: {  	s13 =	simm.s32 $0x19000;
	v3 =	vadd.s32 v1, v3  }
0x1c6: {  	[hbm4b:s4+s2] =	stream.indirect_vreg.scatter [tilespmem:s13], [sflag:$0xA], $0x80, v4, vm0, $0xb8;
	[tilespmem:$0x1E800] =	vst v63  }
0x1c7: {  	_ = 	snop  }
0x1c8: {  	[hbm4b:s5+s2] =	stream.indirect_vreg.scatter [tilespmem:s14], [sflag:$0xA], $0x80, v4, vm0, $0xb8;
	[tilespmem:$0x1E800] =	vst v63  }
0x1c9: {  	s13 =	simm.s32 $0x1A000  }
0x1ca: {  	[hbm4b:s3+s2] =	stream.indirect_vreg.scatter [tilespmem:s13], [sflag:$0xA], $0x80, v3, vm0, $0xb8;
	[tilespmem:$0x1E800] =	vst v63  }
0x1cb: {  	s13 =	simm.s32 $0x1A800  }
0x1cc: {  	[hbm4b:s4+s2] =	stream.indirect_vreg.scatter [tilespmem:s13], [sflag:$0xA], $0x80, v3, vm0, $0xb8;
	[tilespmem:$0x1E800] =	vst v63  }
0x1cd: {  	s13 =	simm.s32 $0x1B000  }
0x1ce: {  	[hbm4b:s5+s2] =	stream.indirect_vreg.scatter [tilespmem:s13], [sflag:$0xA], $0x80, v3, vm0, $0xb8;
	[tilespmem:$0x1E800] =	vst v63  }
0x1cf: {  	v3 =	vld [tilespmem:$0x490];
	_ =	sdelay $0x4  }
0x1d0: {  	v51 =	vshrl.u32 v3, $0x3  }
0x1d1: {  	v4 =	vmul.u32 $0x30, v51  }
0x1d2: {  	v3 =	vand.u32 $0x7, v3  }
0x1d3: {  	v3 =	vor.u32 v3, v4  }
0x1d4: {  	v4 =	vperm.xlane v3, v0;
	_ =	sdelay $0x1  }
0x1d5: {  	v4 =	vadd.s32 v1, v4;
	_ =	sdelay $0x3  }
0x1d6: {  	s13 =	simm.s32 $0x1B800;
	v3 =	vperm.xlane v3, v2  }
0x1d7: {  	[hbm4b:s3+s2] =	stream.indirect_vreg.scatter [tilespmem:s13], [sflag:$0xA], $0x80, v4, vm0, $0xb8;
	[tilespmem:$0x1E800] =	vst v63  }
0x1d8: {  	v3 =	vadd.s32 v1, v3;
	s13 =	simm.s32 $0x1C000  }
0x1d9: {  	[hbm4b:s4+s2] =	stream.indirect_vreg.scatter [tilespmem:s13], [sflag:$0xA], $0x80, v4, vm0, $0xb8;
	[tilespmem:$0x1E800] =	vst v63  }
0x1da: {  	s13 =	simm.s32 $0x1C800  }
0x1db: {  	[hbm4b:s5+s2] =	stream.indirect_vreg.scatter [tilespmem:s13], [sflag:$0xA], $0x80, v4, vm0, $0xb8;
	[tilespmem:$0x1E800] =	vst v63  }
0x1dc: {  	s13 =	simm.s32 $0x1D000  }
0x1dd: {  	[hbm4b:s3+s2] =	stream.indirect_vreg.scatter [tilespmem:s13], [sflag:$0xA], $0x80, v3, vm0, $0xb8;
	[tilespmem:$0x1E800] =	vst v63  }
0x1de: {  	_ = 	snop  }
0x1df: {  	[hbm4b:s4+s2] =	stream.indirect_vreg.scatter [tilespmem:s23], [sflag:$0xA], $0x80, v3, vm0, $0xb8;
	[tilespmem:$0x1E800] =	vst v63  }
0x1e0: {  	s13 =	simm.s32 $0x1E000  }
0x1e1: {  	[hbm4b:s5+s2] =	stream.indirect_vreg.scatter [tilespmem:s13], [sflag:$0xA], $0x80, v3, vm0, $0xb8;
	[tilespmem:$0x1E800] =	vst v63  }
0x1e2: {  	_ =	swait.ge [sflag:s26], $0x6000  }
0x1e3: {  	[sflag:s26] =	ssyncset.done $0x0  }
0x1e4: {  	s13 =	rddreg [dreg:$0x12];
	[sflag:s26] =	ssyncadd.s32 $0xFFFFA000  }
0x1e5: {  	[tilespmem:s24], [sflag:$0x4] =	stream.linear.gather [hbm4b:s13+s2], $0x6000, $0x38;
	[tilespmem:$0x1E800] =	vst v63  }
0x1e6: {  	_ =	swait.ge [sflag:s12], $0x6000  }
0x1e7: {  	[sflag:s12] =	ssyncset.done $0x0  }
0x1e8: {  	[sflag:s12] =	ssyncadd.s32 $0xFFFFA000  }
0x1e9: {  	v3 =	vld [tilespmem:$0x500];
	_ =	sdelay $0x4  }
0x1ea: {  	v52 =	vshrl.u32 v3, $0x3  }
0x1eb: {  	v4 =	vmul.u32 $0x30, v52  }
0x1ec: {  	v3 =	vand.u32 $0x7, v3  }
0x1ed: {  	v3 =	vor.u32 v3, v4  }
0x1ee: {  	v4 =	vperm.xlane v3, v0;
	_ =	sdelay $0x1  }
0x1ef: {  	v4 =	vadd.s32 v1, v4;
	_ =	sdelay $0x3  }
0x1f0: {  	v3 =	vperm.xlane v3, v2  }
0x1f1: {  	[hbm4b:s3+s2] =	stream.indirect_vreg.scatter [tilespmem:s22], [sflag:$0x6], $0x80, v4, vm0, $0xb8;
	[tilespmem:$0x1E800] =	vst v63  }
0x1f2: {  	v3 =	vadd.s32 v1, v3  }
0x1f3: {  	[hbm4b:s4+s2] =	stream.indirect_vreg.scatter [tilespmem:s15], [sflag:$0x6], $0x80, v4, vm0, $0xb8;
	[tilespmem:$0x1E800] =	vst v63  }
0x1f4: {  	_ = 	snop  }
0x1f5: {  	[hbm4b:s5+s2] =	stream.indirect_vreg.scatter [tilespmem:s9], [sflag:$0x6], $0x80, v4, vm0, $0xb8;
	[tilespmem:$0x1E800] =	vst v63  }
0x1f6: {  	_ = 	snop  }
0x1f7: {  	[hbm4b:s3+s2] =	stream.indirect_vreg.scatter [tilespmem:s16], [sflag:$0x6], $0x80, v3, vm0, $0xb8;
	[tilespmem:$0x1E800] =	vst v63  }
0x1f8: {  	_ = 	snop  }
0x1f9: {  	[hbm4b:s4+s2] =	stream.indirect_vreg.scatter [tilespmem:s17], [sflag:$0x6], $0x80, v3, vm0, $0xb8;
	[tilespmem:$0x1E800] =	vst v63  }
0x1fa: {  	s13 =	simm.s32 $0x3000  }
0x1fb: {  	[hbm4b:s5+s2] =	stream.indirect_vreg.scatter [tilespmem:s13], [sflag:$0x6], $0x80, v3, vm0, $0xb8;
	[tilespmem:$0x1E800] =	vst v63  }
0x1fc: {  	v3 =	vld [tilespmem:$0x510];
	_ =	sdelay $0x4  }
0x1fd: {  	v53 =	vshrl.u32 v3, $0x3  }
0x1fe: {  	v4 =	vmul.u32 $0x30, v53  }
0x1ff: {  	v3 =	vand.u32 $0x7, v3  }
0x200: {  	v3 =	vor.u32 v3, v4  }
0x201: {  	v4 =	vperm.xlane v3, v0;
	_ =	sdelay $0x1  }
0x202: {  	v4 =	vadd.s32 v1, v4;
	_ =	sdelay $0x3  }
0x203: {  	s13 =	simm.s32 $0x3800;
	v3 =	vperm.xlane v3, v2  }
0x204: {  	[hbm4b:s3+s2] =	stream.indirect_vreg.scatter [tilespmem:s13], [sflag:$0x6], $0x80, v4, vm0, $0xb8;
	[tilespmem:$0x1E800] =	vst v63  }
0x205: {  	v3 =	vadd.s32 v1, v3  }
0x206: {  	[hbm4b:s4+s2] =	stream.indirect_vreg.scatter [tilespmem:s18], [sflag:$0x6], $0x80, v4, vm0, $0xb8;
	[tilespmem:$0x1E800] =	vst v63  }
0x207: {  	_ = 	snop  }
0x208: {  	[hbm4b:s5+s2] =	stream.indirect_vreg.scatter [tilespmem:s19], [sflag:$0x6], $0x80, v4, vm0, $0xb8;
	[tilespmem:$0x1E800] =	vst v63  }
0x209: {  	_ = 	snop  }
0x20a: {  	[hbm4b:s3+s2] =	stream.indirect_vreg.scatter [tilespmem:s20], [sflag:$0x6], $0x80, v3, vm0, $0xb8;
	[tilespmem:$0x1E800] =	vst v63  }
0x20b: {  	_ = 	snop  }
0x20c: {  	[hbm4b:s4+s2] =	stream.indirect_vreg.scatter [tilespmem:s21], [sflag:$0x6], $0x80, v3, vm0, $0xb8;
	[tilespmem:$0x1E800] =	vst v63  }
0x20d: {  	s13 =	simm.s32 $0x6000  }
0x20e: {  	[hbm4b:s5+s2] =	stream.indirect_vreg.scatter [tilespmem:s13], [sflag:$0x6], $0x80, v3, vm0, $0xb8;
	[tilespmem:$0x1E800] =	vst v63  }
0x20f: {  	_ =	swait.ge [sflag:s7], $0x6000  }
0x210: {  	[sflag:s7] =	ssyncset.done $0x0  }
0x211: {  	s13 =	rddreg [dreg:$0x13];
	[sflag:s7] =	ssyncadd.s32 $0xFFFFA000  }
0x212: {  	[tilespmem:s8], [sflag:$0x5] =	stream.linear.gather [hbm4b:s13+s2], $0x6000, $0x38;
	[tilespmem:$0x1E800] =	vst v63  }
0x213: {  	_ =	swait.ge [sflag:s25], $0x6000  }
0x214: {  	[sflag:s25] =	ssyncset.done $0x0  }
0x215: {  	[sflag:s25] =	ssyncadd.s32 $0xFFFFA000  }
0x216: {  	v3 =	vld [tilespmem:$0x580];
	_ =	sdelay $0x4  }
0x217: {  	v54 =	vshrl.u32 v3, $0x3  }
0x218: {  	v4 =	vmul.u32 $0x30, v54  }
0x219: {  	v3 =	vand.u32 $0x7, v3  }
0x21a: {  	v3 =	vor.u32 v3, v4  }
0x21b: {  	v4 =	vperm.xlane v3, v0;
	_ =	sdelay $0x1  }
0x21c: {  	v4 =	vadd.s32 v1, v4;
	_ =	sdelay $0x3  }
0x21d: {  	v3 =	vperm.xlane v3, v2  }
0x21e: {  	[hbm4b:s3+s2] =	stream.indirect_vreg.scatter [tilespmem:s10], [sflag:$0x7], $0x80, v4, vm0, $0xb8;
	[tilespmem:$0x1E800] =	vst v63  }
0x21f: {  	s13 =	simm.s32 $0x7000;
	v3 =	vadd.s32 v1, v3  }
0x220: {  	[hbm4b:s4+s2] =	stream.indirect_vreg.scatter [tilespmem:s13], [sflag:$0x7], $0x80, v4, vm0, $0xb8;
	[tilespmem:$0x1E800] =	vst v63  }
0x221: {  	s13 =	simm.s32 $0x7800  }
0x222: {  	[hbm4b:s5+s2] =	stream.indirect_vreg.scatter [tilespmem:s13], [sflag:$0x7], $0x80, v4, vm0, $0xb8;
	[tilespmem:$0x1E800] =	vst v63  }
0x223: {  	s13 =	simm.s32 $0x8000  }
0x224: {  	[hbm4b:s3+s2] =	stream.indirect_vreg.scatter [tilespmem:s13], [sflag:$0x7], $0x80, v3, vm0, $0xb8;
	[tilespmem:$0x1E800] =	vst v63  }
0x225: {  	s13 =	simm.s32 $0x8800  }
0x226: {  	[hbm4b:s4+s2] =	stream.indirect_vreg.scatter [tilespmem:s13], [sflag:$0x7], $0x80, v3, vm0, $0xb8;
	[tilespmem:$0x1E800] =	vst v63  }
0x227: {  	s13 =	simm.s32 $0x9000  }
0x228: {  	[hbm4b:s5+s2] =	stream.indirect_vreg.scatter [tilespmem:s13], [sflag:$0x7], $0x80, v3, vm0, $0xb8;
	[tilespmem:$0x1E800] =	vst v63  }
0x229: {  	v3 =	vld [tilespmem:$0x590];
	_ =	sdelay $0x4  }
0x22a: {  	v55 =	vshrl.u32 v3, $0x3  }
0x22b: {  	v4 =	vmul.u32 $0x30, v55  }
0x22c: {  	v3 =	vand.u32 $0x7, v3  }
0x22d: {  	v3 =	vor.u32 v3, v4  }
0x22e: {  	v4 =	vperm.xlane v3, v0;
	_ =	sdelay $0x1  }
0x22f: {  	v4 =	vadd.s32 v1, v4;
	_ =	sdelay $0x3  }
0x230: {  	s13 =	simm.s32 $0x9800;
	v3 =	vperm.xlane v3, v2  }
0x231: {  	[hbm4b:s3+s2] =	stream.indirect_vreg.scatter [tilespmem:s13], [sflag:$0x7], $0x80, v4, vm0, $0xb8;
	[tilespmem:$0x1E800] =	vst v63  }
0x232: {  	v3 =	vadd.s32 v1, v3;
	s13 =	simm.s32 $0xA000  }
0x233: {  	[hbm4b:s4+s2] =	stream.indirect_vreg.scatter [tilespmem:s13], [sflag:$0x7], $0x80, v4, vm0, $0xb8;
	[tilespmem:$0x1E800] =	vst v63  }
0x234: {  	s13 =	simm.s32 $0xA800  }
0x235: {  	[hbm4b:s5+s2] =	stream.indirect_vreg.scatter [tilespmem:s13], [sflag:$0x7], $0x80, v4, vm0, $0xb8;
	[tilespmem:$0x1E800] =	vst v63  }
0x236: {  	s13 =	simm.s32 $0xB000  }
0x237: {  	[hbm4b:s3+s2] =	stream.indirect_vreg.scatter [tilespmem:s13], [sflag:$0x7], $0x80, v3, vm0, $0xb8;
	[tilespmem:$0x1E800] =	vst v63  }
0x238: {  	s13 =	simm.s32 $0xB800  }
0x239: {  	[hbm4b:s4+s2] =	stream.indirect_vreg.scatter [tilespmem:s13], [sflag:$0x7], $0x80, v3, vm0, $0xb8;
	[tilespmem:$0x1E800] =	vst v63  }
0x23a: {  	s13 =	simm.s32 $0xC000  }
0x23b: {  	[hbm4b:s5+s2] =	stream.indirect_vreg.scatter [tilespmem:s13], [sflag:$0x7], $0x80, v3, vm0, $0xb8;
	[tilespmem:$0x1E800] =	vst v63  }
0x23c: {  	_ =	swait.ge [sflag:s30], $0x6000  }
0x23d: {  	[sflag:s30] =	ssyncset.done $0x0  }
0x23e: {  	s10 =	rddreg [dreg:$0x14];
	[sflag:s30] =	ssyncadd.s32 $0xFFFFA000  }
0x23f: {  	[tilespmem:s22], [sflag:$0x1] =	stream.linear.gather [hbm4b:s10+s2], $0x6000, $0x38;
	[tilespmem:$0x1E800] =	vst v63  }
0x240: {  	_ =	swait.ge [sflag:s31], $0x6000  }
0x241: {  	[sflag:s31] =	ssyncset.done $0x0  }
0x242: {  	[sflag:s31] =	ssyncadd.s32 $0xFFFFA000  }
0x243: {  	v3 =	vld [tilespmem:$0x600];
	_ =	sdelay $0x4  }
0x244: {  	v56 =	vshrl.u32 v3, $0x3  }
0x245: {  	v4 =	vmul.u32 $0x30, v56  }
0x246: {  	v3 =	vand.u32 $0x7, v3  }
0x247: {  	v3 =	vor.u32 v3, v4  }
0x248: {  	v4 =	vperm.xlane v3, v0;
	_ =	sdelay $0x1  }
0x249: {  	v4 =	vadd.s32 v1, v4;
	_ =	sdelay $0x3  }
0x24a: {  	v3 =	vperm.xlane v3, v2  }
0x24b: {  	[hbm4b:s3+s2] =	stream.indirect_vreg.scatter [tilespmem:s11], [sflag:$0x8], $0x80, v4, vm0, $0xb8;
	[tilespmem:$0x1E800] =	vst v63  }
0x24c: {  	s13 =	simm.s32 $0xD000;
	v3 =	vadd.s32 v1, v3  }
0x24d: {  	[hbm4b:s4+s2] =	stream.indirect_vreg.scatter [tilespmem:s13], [sflag:$0x8], $0x80, v4, vm0, $0xb8;
	[tilespmem:$0x1E800] =	vst v63  }
0x24e: {  	s13 =	simm.s32 $0xD800  }
0x24f: {  	[hbm4b:s5+s2] =	stream.indirect_vreg.scatter [tilespmem:s13], [sflag:$0x8], $0x80, v4, vm0, $0xb8;
	[tilespmem:$0x1E800] =	vst v63  }
0x250: {  	s13 =	simm.s32 $0xE000  }
0x251: {  	[hbm4b:s3+s2] =	stream.indirect_vreg.scatter [tilespmem:s13], [sflag:$0x8], $0x80, v3, vm0, $0xb8;
	[tilespmem:$0x1E800] =	vst v63  }
0x252: {  	s13 =	simm.s32 $0xE800  }
0x253: {  	[hbm4b:s4+s2] =	stream.indirect_vreg.scatter [tilespmem:s13], [sflag:$0x8], $0x80, v3, vm0, $0xb8;
	[tilespmem:$0x1E800] =	vst v63  }
0x254: {  	s13 =	simm.s32 $0xF000  }
0x255: {  	[hbm4b:s5+s2] =	stream.indirect_vreg.scatter [tilespmem:s13], [sflag:$0x8], $0x80, v3, vm0, $0xb8;
	[tilespmem:$0x1E800] =	vst v63  }
0x256: {  	v3 =	vld [tilespmem:$0x610];
	_ =	sdelay $0x4  }
0x257: {  	v57 =	vshrl.u32 v3, $0x3  }
0x258: {  	v4 =	vmul.u32 $0x30, v57  }
0x259: {  	v3 =	vand.u32 $0x7, v3  }
0x25a: {  	v3 =	vor.u32 v3, v4  }
0x25b: {  	v4 =	vperm.xlane v3, v0;
	_ =	sdelay $0x1  }
0x25c: {  	v4 =	vadd.s32 v1, v4;
	_ =	sdelay $0x3  }
0x25d: {  	s13 =	simm.s32 $0xF800;
	v3 =	vperm.xlane v3, v2  }
0x25e: {  	[hbm4b:s3+s2] =	stream.indirect_vreg.scatter [tilespmem:s13], [sflag:$0x8], $0x80, v4, vm0, $0xb8;
	[tilespmem:$0x1E800] =	vst v63  }
0x25f: {  	v3 =	vadd.s32 v1, v3;
	s13 =	simm.s32 $0x10000  }
0x260: {  	[hbm4b:s4+s2] =	stream.indirect_vreg.scatter [tilespmem:s13], [sflag:$0x8], $0x80, v4, vm0, $0xb8;
	[tilespmem:$0x1E800] =	vst v63  }
0x261: {  	s13 =	simm.s32 $0x10800  }
0x262: {  	[hbm4b:s5+s2] =	stream.indirect_vreg.scatter [tilespmem:s13], [sflag:$0x8], $0x80, v4, vm0, $0xb8;
	[tilespmem:$0x1E800] =	vst v63  }
0x263: {  	s13 =	simm.s32 $0x11000  }
0x264: {  	[hbm4b:s3+s2] =	stream.indirect_vreg.scatter [tilespmem:s13], [sflag:$0x8], $0x80, v3, vm0, $0xb8;
	[tilespmem:$0x1E800] =	vst v63  }
0x265: {  	s13 =	simm.s32 $0x11800  }
0x266: {  	[hbm4b:s4+s2] =	stream.indirect_vreg.scatter [tilespmem:s13], [sflag:$0x8], $0x80, v3, vm0, $0xb8;
	[tilespmem:$0x1E800] =	vst v63  }
0x267: {  	s13 =	simm.s32 $0x12000  }
0x268: {  	[hbm4b:s5+s2] =	stream.indirect_vreg.scatter [tilespmem:s13], [sflag:$0x8], $0x80, v3, vm0, $0xb8;
	[tilespmem:$0x1E800] =	vst v63  }
0x269: {  	_ =	swait.ge [sflag:s1], $0x6000  }
0x26a: {  	[sflag:s1] =	ssyncset.done $0x0  }
0x26b: {  	[sflag:s1] =	ssyncadd.s32 $0xFFFFA000  }
0x26c: {  	v3 =	vld [tilespmem:$0x680];
	_ =	sdelay $0x4  }
0x26d: {  	v58 =	vshrl.u32 v3, $0x3  }
0x26e: {  	v4 =	vmul.u32 $0x30, v58  }
0x26f: {  	v3 =	vand.u32 $0x7, v3  }
0x270: {  	v3 =	vor.u32 v3, v4  }
0x271: {  	v4 =	vperm.xlane v3, v0;
	_ =	sdelay $0x1  }
0x272: {  	v4 =	vadd.s32 v1, v4;
	_ =	sdelay $0x3  }
0x273: {  	v3 =	vperm.xlane v3, v2  }
0x274: {  	[hbm4b:s3+s2] =	stream.indirect_vreg.scatter [tilespmem:s24], [sflag:$0x9], $0x80, v4, vm0, $0xb8;
	[tilespmem:$0x1E800] =	vst v63  }
0x275: {  	s13 =	simm.s32 $0x13000;
	v3 =	vadd.s32 v1, v3  }
0x276: {  	[hbm4b:s4+s2] =	stream.indirect_vreg.scatter [tilespmem:s13], [sflag:$0x9], $0x80, v4, vm0, $0xb8;
	[tilespmem:$0x1E800] =	vst v63  }
0x277: {  	s13 =	simm.s32 $0x13800  }
0x278: {  	[hbm4b:s5+s2] =	stream.indirect_vreg.scatter [tilespmem:s13], [sflag:$0x9], $0x80, v4, vm0, $0xb8;
	[tilespmem:$0x1E800] =	vst v63  }
0x279: {  	s13 =	simm.s32 $0x14000  }
0x27a: {  	[hbm4b:s3+s2] =	stream.indirect_vreg.scatter [tilespmem:s13], [sflag:$0x9], $0x80, v3, vm0, $0xb8;
	[tilespmem:$0x1E800] =	vst v63  }
0x27b: {  	s13 =	simm.s32 $0x14800  }
0x27c: {  	[hbm4b:s4+s2] =	stream.indirect_vreg.scatter [tilespmem:s13], [sflag:$0x9], $0x80, v3, vm0, $0xb8;
	[tilespmem:$0x1E800] =	vst v63  }
0x27d: {  	s13 =	simm.s32 $0x15000  }
0x27e: {  	[hbm4b:s5+s2] =	stream.indirect_vreg.scatter [tilespmem:s13], [sflag:$0x9], $0x80, v3, vm0, $0xb8;
	[tilespmem:$0x1E800] =	vst v63  }
0x27f: {  	v3 =	vld [tilespmem:$0x690];
	_ =	sdelay $0x4  }
0x280: {  	v59 =	vshrl.u32 v3, $0x3  }
0x281: {  	v4 =	vmul.u32 $0x30, v59  }
0x282: {  	v3 =	vand.u32 $0x7, v3  }
0x283: {  	v3 =	vor.u32 v3, v4  }
0x284: {  	v4 =	vperm.xlane v3, v0;
	_ =	sdelay $0x1  }
0x285: {  	v4 =	vadd.s32 v1, v4;
	_ =	sdelay $0x3  }
0x286: {  	s13 =	simm.s32 $0x15800;
	v3 =	vperm.xlane v3, v2  }
0x287: {  	[hbm4b:s3+s2] =	stream.indirect_vreg.scatter [tilespmem:s13], [sflag:$0x9], $0x80, v4, vm0, $0xb8;
	[tilespmem:$0x1E800] =	vst v63  }
0x288: {  	v3 =	vadd.s32 v1, v3;
	s13 =	simm.s32 $0x16000  }
0x289: {  	[hbm4b:s4+s2] =	stream.indirect_vreg.scatter [tilespmem:s13], [sflag:$0x9], $0x80, v4, vm0, $0xb8;
	[tilespmem:$0x1E800] =	vst v63  }
0x28a: {  	s13 =	simm.s32 $0x16800  }
0x28b: {  	[hbm4b:s5+s2] =	stream.indirect_vreg.scatter [tilespmem:s13], [sflag:$0x9], $0x80, v4, vm0, $0xb8;
	[tilespmem:$0x1E800] =	vst v63  }
0x28c: {  	s13 =	simm.s32 $0x17000  }
0x28d: {  	[hbm4b:s3+s2] =	stream.indirect_vreg.scatter [tilespmem:s13], [sflag:$0x9], $0x80, v3, vm0, $0xb8;
	[tilespmem:$0x1E800] =	vst v63  }
0x28e: {  	s13 =	simm.s32 $0x17800  }
0x28f: {  	[hbm4b:s4+s2] =	stream.indirect_vreg.scatter [tilespmem:s13], [sflag:$0x9], $0x80, v3, vm0, $0xb8;
	[tilespmem:$0x1E800] =	vst v63  }
0x290: {  	s13 =	simm.s32 $0x18000  }
0x291: {  	[hbm4b:s5+s2] =	stream.indirect_vreg.scatter [tilespmem:s13], [sflag:$0x9], $0x80, v3, vm0, $0xb8;
	[tilespmem:$0x1E800] =	vst v63  }
0x292: {  	_ =	swait.ge [sflag:s0], $0x6000  }
0x293: {  	[sflag:s0] =	ssyncset.done $0x0  }
0x294: {  	[sflag:s0] =	ssyncadd.s32 $0xFFFFA000  }
0x295: {  	v3 =	vld [tilespmem:$0x700];
	_ =	sdelay $0x4  }
0x296: {  	v60 =	vshrl.u32 v3, $0x3  }
0x297: {  	v4 =	vmul.u32 $0x30, v60  }
0x298: {  	v3 =	vand.u32 $0x7, v3  }
0x299: {  	v3 =	vor.u32 v3, v4  }
0x29a: {  	v4 =	vperm.xlane v3, v0;
	_ =	sdelay $0x1  }
0x29b: {  	v4 =	vadd.s32 v1, v4;
	_ =	sdelay $0x3  }
0x29c: {  	v3 =	vperm.xlane v3, v2  }
0x29d: {  	[hbm4b:s3+s2] =	stream.indirect_vreg.scatter [tilespmem:s8], [sflag:$0xA], $0x80, v4, vm0, $0xb8;
	[tilespmem:$0x1E800] =	vst v63  }
0x29e: {  	s10 =	simm.s32 $0x19000;
	v3 =	vadd.s32 v1, v3  }
0x29f: {  	[hbm4b:s4+s2] =	stream.indirect_vreg.scatter [tilespmem:s10], [sflag:$0xA], $0x80, v4, vm0, $0xb8;
	[tilespmem:$0x1E800] =	vst v63  }
0x2a0: {  	_ = 	snop  }
0x2a1: {  	[hbm4b:s5+s2] =	stream.indirect_vreg.scatter [tilespmem:s14], [sflag:$0xA], $0x80, v4, vm0, $0xb8;
	[tilespmem:$0x1E800] =	vst v63  }
0x2a2: {  	s13 =	simm.s32 $0x1A000  }
0x2a3: {  	[hbm4b:s3+s2] =	stream.indirect_vreg.scatter [tilespmem:s13], [sflag:$0xA], $0x80, v3, vm0, $0xb8;
	[tilespmem:$0x1E800] =	vst v63  }
0x2a4: {  	s14 =	simm.s32 $0x1A800  }
0x2a5: {  	[hbm4b:s4+s2] =	stream.indirect_vreg.scatter [tilespmem:s14], [sflag:$0xA], $0x80, v3, vm0, $0xb8;
	[tilespmem:$0x1E800] =	vst v63  }
0x2a6: {  	s10 =	simm.s32 $0x1B000  }
0x2a7: {  	[hbm4b:s5+s2] =	stream.indirect_vreg.scatter [tilespmem:s10], [sflag:$0xA], $0x80, v3, vm0, $0xb8;
	[tilespmem:$0x1E800] =	vst v63  }
0x2a8: {  	v3 =	vld [tilespmem:$0x710];
	_ =	sdelay $0x4  }
0x2a9: {  	v61 =	vshrl.u32 v3, $0x3  }
0x2aa: {  	v4 =	vmul.u32 $0x30, v61  }
0x2ab: {  	v3 =	vand.u32 $0x7, v3  }
0x2ac: {  	v3 =	vor.u32 v3, v4  }
0x2ad: {  	v4 =	vperm.xlane v3, v0;
	_ =	sdelay $0x1  }
0x2ae: {  	v4 =	vadd.s32 v1, v4;
	_ =	sdelay $0x3  }
0x2af: {  	s13 =	simm.s32 $0x1B800;
	v3 =	vperm.xlane v3, v2  }
0x2b0: {  	[hbm4b:s3+s2] =	stream.indirect_vreg.scatter [tilespmem:s13], [sflag:$0xA], $0x80, v4, vm0, $0xb8;
	[tilespmem:$0x1E800] =	vst v63  }
0x2b1: {  	s14 =	simm.s32 $0x1C000;
	v3 =	vadd.s32 v1, v3  }
0x2b2: {  	[hbm4b:s4+s2] =	stream.indirect_vreg.scatter [tilespmem:s14], [sflag:$0xA], $0x80, v4, vm0, $0xb8;
	[tilespmem:$0x1E800] =	vst v63  }
0x2b3: {  	s10 =	simm.s32 $0x1C800  }
0x2b4: {  	[hbm4b:s5+s2] =	stream.indirect_vreg.scatter [tilespmem:s10], [sflag:$0xA], $0x80, v4, vm0, $0xb8;
	[tilespmem:$0x1E800] =	vst v63  }
0x2b5: {  	s13 =	simm.s32 $0x1D000  }
0x2b6: {  	[hbm4b:s3+s2] =	stream.indirect_vreg.scatter [tilespmem:s13], [sflag:$0xA], $0x80, v3, vm0, $0xb8;
	[tilespmem:$0x1E800] =	vst v63  }
0x2b7: {  	_ = 	snop  }
0x2b8: {  	[hbm4b:s4+s2] =	stream.indirect_vreg.scatter [tilespmem:s23], [sflag:$0xA], $0x80, v3, vm0, $0xb8;
	[tilespmem:$0x1E800] =	vst v63  }
0x2b9: {  	s14 =	simm.s32 $0x1E000  }
0x2ba: {  	[hbm4b:s5+s2] =	stream.indirect_vreg.scatter [tilespmem:s14], [sflag:$0xA], $0x80, v3, vm0, $0xb8;
	[tilespmem:$0x1E800] =	vst v63  }
0x2bb: {  	_ =	swait.ge [sflag:s12], $0x6000  }
0x2bc: {  	[sflag:s12] =	ssyncset.done $0x0  }
0x2bd: {  	[sflag:s12] =	ssyncadd.s32 $0xFFFFA000  }
0x2be: {  	v3 =	vld [tilespmem:$0x780];
	_ =	sdelay $0x4  }
0x2bf: {  	v62 =	vshrl.u32 v3, $0x3  }
0x2c0: {  	v4 =	vmul.u32 $0x30, v62  }
0x2c1: {  	v3 =	vand.u32 $0x7, v3  }
0x2c2: {  	v3 =	vor.u32 v3, v4  }
0x2c3: {  	v4 =	vperm.xlane v3, v0;
	_ =	sdelay $0x1  }
0x2c4: {  	v4 =	vadd.s32 v1, v4;
	_ =	sdelay $0x3  }
0x2c5: {  	v3 =	vperm.xlane v3, v2  }
0x2c6: {  	[hbm4b:s3+s2] =	stream.indirect_vreg.scatter [tilespmem:s22], [sflag:$0x6], $0x80, v4, vm0, $0xb8;
	[tilespmem:$0x1E800] =	vst v63  }
0x2c7: {  	s15 =	simm.s32 $0x1000;
	v3 =	vadd.s32 v1, v3  }
0x2c8: {  	[hbm4b:s4+s2] =	stream.indirect_vreg.scatter [tilespmem:s15], [sflag:$0x6], $0x80, v4, vm0, $0xb8;
	[tilespmem:$0x1E800] =	vst v63  }
0x2c9: {  	s9 =	simm.s32 $0x1800  }
0x2ca: {  	[hbm4b:s5+s2] =	stream.indirect_vreg.scatter [tilespmem:s9], [sflag:$0x6], $0x80, v4, vm0, $0xb8;
	[tilespmem:$0x1E800] =	vst v63  }
0x2cb: {  	s16 =	simm.s32 $0x2000  }
0x2cc: {  	[hbm4b:s3+s2] =	stream.indirect_vreg.scatter [tilespmem:s16], [sflag:$0x6], $0x80, v3, vm0, $0xb8;
	[tilespmem:$0x1E800] =	vst v63  }
0x2cd: {  	s17 =	simm.s32 $0x2800  }
0x2ce: {  	[hbm4b:s4+s2] =	stream.indirect_vreg.scatter [tilespmem:s17], [sflag:$0x6], $0x80, v3, vm0, $0xb8;
	[tilespmem:$0x1E800] =	vst v63  }
0x2cf: {  	s16 =	simm.s32 $0x3000  }
0x2d0: {  	[hbm4b:s5+s2] =	stream.indirect_vreg.scatter [tilespmem:s16], [sflag:$0x6], $0x80, v3, vm0, $0xb8;
	[tilespmem:$0x1E800] =	vst v63  }
0x2d1: {  	v3 =	vld [tilespmem:$0x790];
	_ =	sdelay $0x4  }
0x2d2: {  	v63 =	vshrl.u32 v3, $0x3  }
0x2d3: {  	v4 =	vmul.u32 $0x30, v63  }
0x2d4: {  	v3 =	vand.u32 $0x7, v3  }
0x2d5: {  	v3 =	vor.u32 v3, v4  }
0x2d6: {  	v4 =	vperm.xlane v3, v0;
	_ =	sdelay $0x1  }
0x2d7: {  	v4 =	vadd.s32 v1, v4;
	_ =	sdelay $0x3  }
0x2d8: {  	s17 =	simm.s32 $0x3800;
	v3 =	vperm.xlane v3, v2  }
0x2d9: {  	[hbm4b:s3+s2] =	stream.indirect_vreg.scatter [tilespmem:s17], [sflag:$0x6], $0x80, v4, vm0, $0xb8;
	[tilespmem:$0x1E800] =	vst v63  }
0x2da: {  	s18 =	simm.s32 $0x4000;
	v3 =	vadd.s32 v1, v3  }
0x2db: {  	[hbm4b:s4+s2] =	stream.indirect_vreg.scatter [tilespmem:s18], [sflag:$0x6], $0x80, v4, vm0, $0xb8;
	[tilespmem:$0x1E800] =	vst v63  }
0x2dc: {  	s19 =	simm.s32 $0x4800  }
0x2dd: {  	[hbm4b:s5+s2] =	stream.indirect_vreg.scatter [tilespmem:s19], [sflag:$0x6], $0x80, v4, vm0, $0xb8;
	[tilespmem:$0x1E800] =	vst v63  }
0x2de: {  	s20 =	simm.s32 $0x5000  }
0x2df: {  	[hbm4b:s3+s2] =	stream.indirect_vreg.scatter [tilespmem:s20], [sflag:$0x6], $0x80, v3, vm0, $0xb8;
	[tilespmem:$0x1E800] =	vst v63  }
0x2e0: {  	s21 =	simm.s32 $0x5800  }
0x2e1: {  	[hbm4b:s4+s2] =	stream.indirect_vreg.scatter [tilespmem:s21], [sflag:$0x6], $0x80, v3, vm0, $0xb8;
	[tilespmem:$0x1E800] =	vst v63  }
0x2e2: {  	s21 =	simm.s32 $0x6000  }
0x2e3: {  	[hbm4b:s5+s2] =	stream.indirect_vreg.scatter [tilespmem:s21], [sflag:$0x6], $0x80, v3, vm0, $0xb8;
	[tilespmem:$0x1E800] =	vst v63  }
0x2e4: {  	_ =	swait.ge [sflag:s29], $0x6000  }
0x2e5: {  	[sflag:s29] =	ssyncset.done $0x0  }
0x2e6: {  	[sflag:s29] =	ssyncadd.s32 $0xFFFFA000  }
0x2e7: {  	_ =	swait.ge [sflag:s28], $0x6000  }
0x2e8: {  	[sflag:s28] =	ssyncset.done $0x0  }
0x2e9: {  	[sflag:s28] =	ssyncadd.s32 $0xFFFFA000  }
0x2ea: {  	_ =	swait.ge [sflag:s26], $0x6000  }
0x2eb: {  	[sflag:s26] =	ssyncset.done $0x0  }
0x2ec: {  	[sflag:s26] =	ssyncadd.s32 $0xFFFFA000  }
0x2ed: {  	p0 =	sne.s32 s6, $0x1;
	_ =	swait.ge [sflag:s7], $0x6000  }
.Ltmp0:
0x2ee: {  	[sflag:s7] =	ssyncset.done $0x0;
	(pc) =	sbr.rel @p0 .LBB2_1-.Ltmp0, $4  }
0x2ef: {  	[sflag:s7] =	ssyncadd.s32 $0xFFFFA000  }
0x2f0: {  	_ =	swait.ge [sflag:s30], $0x6000  }
0x2f1: {  	[sflag:s30] =	ssyncset.done $0x0  }
0x2f2: {  	s6 =	sadd.s32 $0xFFFFFFFF, s6;
	[sflag:s30] =	ssyncadd.s32 $0xFFFFA000  }
0x2f3: {  	_ =	sfence.sel $0x180000  }
0x2f4: {  	[bflag:$0x0] =	sbarrier.arrive $0xFFFF  }
0x2f5: {  	_ =	strace $0x90000047  }
0x2f6: {  	s0 =	stileid.u32;
	[bflag:$0x2] =	sbarrier.arrive $0xFFFF  }
0x2f7: {  	p0 =	sne.s32 s0, $0x0;
	s0 =	rddreg [dreg:$0x3]  }
0x2f8: {  	s0 =	sadd.s32 @!p0 $0x100000, s0  }
0x2f9: {  	[sflag:s0] =	ssyncadd.tile.s32 @!p0 $0x1;
	_ =	shalt  }
.Lfunc_end2:
_tile_overlayer_lowered:
.L_overlay_start_2:
0x2fa: {  	(tag) =	ssettag $0x2  }
0x2fb: {  	s0 =	rddreg [dreg:$0x0];
	s2 =	stileid.u32  }
0x2fc: {  	s1 =	rddreg [dreg:$0x1];
	p0 =	sne.s32 s2, $0x0  }
0x2fd: {  	s3 =	rddreg [dreg:$0x2];
	[bflag:$0x3] =	sbarrier.arrive $0xFFFF;
	s2 =	simm.s32 @!p0 $0x1C0B  }
0x2fe: {  	[timem:s3], [sflag:s2] =	dma.local @!p0 [hbm:s0], s1  }
0x2ff: {  	s0 =	simm.s32 @!p0 $0xB  }
0x300: {  	_ =	swait.ge @!p0 [sflag:s0], s1  }
0x301: {  	s1 =	ssub.s32 @!p0 $0x0, s1;
	[sflag:s0] =	ssyncset.done @!p0 $0x0  }
0x302: {  	[sflag:s0] =	ssyncadd.s32 @!p0 s1  }
0x303: {  	[bflag:$0x3] =	sbarrier.arrive $0xFFFF  }
0x304: {  	_ =	shalt  }

// kernel: kernel.18.cloned.1.call-start
scs
__scs_entry_jumppad:
0x0: {  	(pc) =	sbr.rel $0x88, $3  }
0x1: {  	(tag) =	ssettag $0x0;
	lr =	simm.s32 $0x1  }
0x2: {  	[smem:$0x3F99] =	sst lr;
	_ =	strace $0xD0000000  }
0x3: {  	_ = 	snop  }
0x4: {  	_ = 	snop  }
0x5: {  	_ = 	snop  }
0x6: {  	_ = 	snop  }
0x7: {  	_ = 	snop  }
__scs_overlays_trampoline_lowered:
0x8: {  	[smem:$0x3FA8] =	sst s0  }
0x9: {  	[smem:$0x3FA9] =	sst s1  }
0xa: {  	[smem:$0x3FAA] =	sst s2  }
0xb: {  	[smem:$0x3FAB] =	sst s3  }
0xc: {  	[smem:$0x3FAC] =	sst s4  }
0xd: {  	[smem:$0x3FAD] =	sst s5  }
0xe: {  	[smem:$0x3FAE] =	sst s6  }
0xf: {  	[smem:$0x3FAF] =	sst s7  }
0x10: {  	[smem:$0x3FB0] =	sst s8  }
0x11: {  	[smem:$0x3FB1] =	sst s9;
	s0 =	simm.s32 @!p0 $0x0  }
0x12: {  	s1 =	sld [smem:$0x3F97];
	s0 =	simm.s32 @p0 $0x1  }
0x13: {  	[smem:$0x3FB2] =	sst s0;
	s0 =	simm.s32 @!p1 $0x0  }
0x14: {  	s2 =	sld [smem:$0x3F96];
	s0 =	simm.s32 @p1 $0x1  }
0x15: {  	[smem:$0x3FB3] =	sst s0;
	s0 =	simm.s32 @!p2 $0x0  }
0x16: {  	s3 =	sld [smem:$0x3FDB];
	s0 =	simm.s32 @p2 $0x1  }
0x17: {  	s4 =	simm.s32 $0x1BF5;
	[smem:$0x3FB5] =	sst s0  }
0x18: {  	s0 =	sld [smem:$0x3F98];
	_ =	swait.ge [sflag:s4], $0x0  }
0x19: {  	s7 =	sld [smem:$0x3F99]  }
0x1a: {  	s8 =	sadd.s32 $0xFFFFE003, lr  }
0x1b: {  	s9 =	sadd.s32 $0xFFFFFEF7, lr;
	s5 =	simm.s32 $0xFFFFFFFF;
	p2 =	slt.u32 s8, $0xFFFFF086  }
0x1c: {  	p1 =	slt.u32 s9, $0xF7A;
	s5 =	simm.s32 @!p2 $0x0  }
0x1d: {  	s5 =	simm.s32 @p1 $0x1;
	p0 =	seq.s32 s7, s2  }
0x1e: {  	s7 =	smul.u32 @!p0 $0xF7A, s2;
	p2 =	seq.s32 @!p0 s5, $0x0  }
0x1f: {  	s9 =	smul.u32 $0xF7A, s1;
	s8 =	simm.s32 @!p0 $0x1BF5;
	p2 =	por !p2, p0  }
0x20: {  	[sflag:s8] =	ssyncset.s32 @!p0 $0xFFFFF086;
	s6 =	sadd.s32 @!p0 s3, s7;
	s7 =	simm.s32 @!p0 $0x108  }
0x21: {  	s3 =	sadd.s32 s3, s9;
	s6 =	sadd.s32 @!p0 $0x88, s6;
	s7 =	simm.s32 @p2 $0x1082  }
0x22: {  	[simem:s7], [sflag:s8] =	dma.local @!p0 [hbm:s6], $0xF7A  }
0x23: {  	s9 =	sor.u32 $0xD0000000, s2;
	s6 =	simm.s32 $0x108;
	_ =	swait.ge @!p0 [sflag:s8], $0x0  }
0x24: {  	s3 =	sadd.s32 $0x88, s3;
	s6 =	simm.s32 @!p1 $0x1082;
	[sflag:s4] =	ssyncset.s32 $0xFFFFF086  }
0x25: {  	[simem:s6], [sflag:s4] =	dma.local [hbm:s3], $0xF7A  }
0x26: {  	[smem:$0x3F99] =	sst s1;
	(tag) =	ssettag s2;
	_ =	strace s9  }
0x27: {  	s1 =	sld [smem:$0x3FA9]  }
0x28: {  	s2 =	sld [smem:$0x3FAA]  }
0x29: {  	s4 =	sld [smem:$0x3FAC]  }
0x2a: {  	p0 =	seq.s32 s5, $0x0;
	s5 =	sld [smem:$0x3FAD]  }
0x2b: {  	s6 =	sld [smem:$0x3FAE]  }
0x2c: {  	s7 =	sld [smem:$0x3FAF]  }
0x2d: {  	s3 =	simm.s32 $0x108;
	s8 =	sld [smem:$0x3FB0]  }
0x2e: {  	s3 =	simm.s32 @!p0 $0x1082;
	s9 =	sld [smem:$0x3FB1]  }
0x2f: {  	lr =	sadd.s32 s0, s3;
	s0 =	sld [smem:$0x3FA8]  }
0x30: {  	s3 =	sld [smem:$0x3FAB]  }
0x31: {  	[smem:$0x3FB4] =	sst s10  }
0x32: {  	s10 =	sld [smem:$0x3FB2];
	_ =	sdelay $0x3  }
0x33: {  	p0 =	seq.s32 s10, $0x1;
	s10 =	sld [smem:$0x3FB4];
	_ =	sdelay $0x3  }
0x34: {  	[smem:$0x3FB4] =	sst s10  }
0x35: {  	s10 =	sld [smem:$0x3FB3];
	_ =	sdelay $0x3  }
0x36: {  	p1 =	seq.s32 s10, $0x1;
	s10 =	sld [smem:$0x3FB4];
	_ =	sdelay $0x3  }
0x37: {  	[smem:$0x3FB4] =	sst s10  }
0x38: {  	s10 =	sld [smem:$0x3FB5]  }
0x39: {  	_ = 	snop;
	(pc) =	sbr.ind lr, $3  }
0x3a: {  	_ = 	snop  }
0x3b: {  	_ = 	snop  }
0x3c: {  	p2 =	seq.s32 s10, $0x1;
	s10 =	sld [smem:$0x3FB4]  }
0x3d: {  	_ =	shalt  }
0x3e: {  	_ =	shalt  }
0x3f: {  	_ =	shalt  }
0x40: {  	_ =	shalt  }
0x41: {  	_ =	shalt  }
0x42: {  	_ =	shalt  }
0x43: {  	_ =	shalt  }
0x44: {  	_ =	shalt  }
0x45: {  	_ =	shalt  }
0x46: {  	_ =	shalt  }
0x47: {  	_ =	shalt  }
0x48: {  	_ =	shalt  }
0x49: {  	_ =	shalt  }
0x4a: {  	_ =	shalt  }
0x4b: {  	_ =	shalt  }
0x4c: {  	_ =	shalt  }
0x4d: {  	_ =	shalt  }
0x4e: {  	_ =	shalt  }
0x4f: {  	_ =	shalt  }
0x50: {  	_ =	shalt  }
0x51: {  	_ =	shalt  }
0x52: {  	_ =	shalt  }
0x53: {  	_ =	shalt  }
0x54: {  	_ =	shalt  }
0x55: {  	_ =	shalt  }
0x56: {  	_ =	shalt  }
0x57: {  	_ =	shalt  }
0x58: {  	_ =	shalt  }
0x59: {  	_ =	shalt  }
0x5a: {  	_ =	shalt  }
0x5b: {  	_ =	shalt  }
0x5c: {  	_ =	shalt  }
0x5d: {  	_ =	shalt  }
0x5e: {  	_ =	shalt  }
0x5f: {  	_ =	shalt  }
0x60: {  	_ =	shalt  }
0x61: {  	_ =	shalt  }
0x62: {  	_ =	shalt  }
0x63: {  	_ =	shalt  }
0x64: {  	_ =	shalt  }
0x65: {  	_ =	shalt  }
0x66: {  	_ =	shalt  }
0x67: {  	_ =	shalt  }
0x68: {  	_ =	shalt  }
0x69: {  	_ =	shalt  }
0x6a: {  	_ =	shalt  }
0x6b: {  	_ =	shalt  }
0x6c: {  	_ =	shalt  }
0x6d: {  	_ =	shalt  }
0x6e: {  	_ =	shalt  }
0x6f: {  	_ =	shalt  }
0x70: {  	_ =	shalt  }
0x71: {  	_ =	shalt  }
0x72: {  	_ =	shalt  }
0x73: {  	_ =	shalt  }
0x74: {  	_ =	shalt  }
0x75: {  	_ =	shalt  }
0x76: {  	_ =	shalt  }
0x77: {  	_ =	shalt  }
0x78: {  	_ =	shalt  }
0x79: {  	_ =	shalt  }
0x7a: {  	_ =	shalt  }
0x7b: {  	_ =	shalt  }
0x7c: {  	_ =	shalt  }
0x7d: {  	_ =	shalt  }
0x7e: {  	_ =	shalt  }
0x7f: {  	_ =	shalt  }
0x80: {  	_ =	shalt  }
0x81: {  	_ =	shalt  }
0x82: {  	_ =	shalt  }
0x83: {  	_ =	shalt  }
0x84: {  	_ =	shalt  }
0x85: {  	_ =	shalt  }
0x86: {  	_ =	shalt  }
0x87: {  	_ =	shalt  }
.Lfunc_end0:
.L_simem_size_0:
called_computation.3_lowered:
.L_overlay_start_0:
0x88: {  	s2 =	sld [smem:$0x3FD9]  }
0x89: {  	s3 =	sld [smem:$0x3FFE];
	_ =	sdelay $0x1  }
0x8a: {  	s1 =	srdreg.scid  }
0x8b: {  	s0 =	sand.u32 $0x1, s1  }
0x8c: {  	s17 =	sshll.u32 s0, $0xA;
	s2 =	sadd.s32 s3, s2  }
0x8d: {  	s2 =	sadd.s32 s2, s17  }
0x8e: {  	[smem:$0x3FC0] =	sst s2  }
0x8f: {  	_ = 	snop  }
0x90: {  	(tm) =	ssettm $0x1  }
0x91: {  	s18 =	sld [smem:$0x3FFB];
	_ =	sdelay $0x3  }
0x92: {  	_ =	strace s18  }
0x93: {  	s2 =	sld [smem:$0x3FFC];
	_ =	sdelay $0x3  }
0x94: {  	_ =	strace s2  }
0x95: {  	s2 =	sld [smem:$0x3FFD];
	_ =	sdelay $0x3  }
0x96: {  	_ =	strace s2  }
0x97: {  	_ =	strace $0x8FFFFFFF  }
0x98: {  	s19 =	sld [smem:$0x3FDB];
	_ =	sdelay $0x1  }
0x99: {  	s20 =	simm.s32 $_scs_section_size  }
0x9a: {  	s4 =	simm.s32 $_size__tile_overlayer_lowered;
	s5 =	simm.s32 $_tile_overlayer_lowered  }
0x9b: {  	s6 =	simm.s32 $0x1BFF;
	s21 =	sshll.u32 s5, $0x1;
	s3 =	sadd.s32 s20, s19  }
0x9c: {  	s22 =	simm.s32 $0x0;
	s4 =	sshll.u32 s4, $0x1;
	s5 =	sadd.s32 s21, s3  }
0x9d: {  	[timem:s22], [sflag:s6] =	dma.local [hbm:s5], s4  }
0x9e: {  	_ =	swait.ge [sflag:s6], s4  }
0x9f: {  	s4 =	ssub.s32 $0x0, s4;
	[sflag:s6] =	ssyncset.done $0x0  }
0xa0: {  	[sflag:s6] =	ssyncadd.s32 s4;
	_ =	sdelay $0x1  }
0xa1: {  	s23 =	simm.s32 $0x1B8B  }
0xa2: {  	_ =	swait.ge [sflag:s23], $0x1  }
0xa3: {  	[sflag:s23] =	ssyncset.done $0x0  }
0xa4: {  	[sflag:s23] =	ssyncadd.s32 $0xFFFFFFFF  }
0xa5: {  	s4 =	sld [smem:$0x0]  }
0xa6: {  	s5 =	sand.u32 $0xFFFFFFFE, s1  }
0xa7: {  	p0 =	sne.s32 s1, s5  }
0xa8: {  	s5 =	sshll.u32 @p0 s5, $0xE  }
0xa9: {  	s5 =	sadd.s32 @p0 $0x11B8D, s5;
	s6 =	sshll.u32 @p0 s4, $0x11  }
0xaa: {  	s5 =	sor.u32 @p0 s6, s5  }
0xab: {  	[sflag:s5] =	ssyncadd.remote.s32 @p0 $0x1;
	_ =	sdelay $0x1  }
0xac: {  	s5 =	simm.s32 @p0 $0x1B8D  }
0xad: {  	_ =	swait.eq @p0 [sflag:s5], $0x1  }
0xae: {  	[sflag:s5] =	ssyncadd.s32 @p0 $0xFFFFFFFF  }
0xaf: {  	s6 =	sshll.u32 @!p0 s1, $0xE  }
0xb0: {  	s6 =	sor.u32 @!p0 $0x4000, s6;
	s5 =	simm.s32 @!p0 $0x1B8D  }
0xb1: {  	s4 =	sshll.u32 @!p0 s4, $0x11;
	s6 =	sadd.s32 @!p0 $0x11B8D, s6;
	_ =	swait.eq @!p0 [sflag:s5], $0x1  }
0xb2: {  	s4 =	sor.u32 @!p0 s4, s6;
	[sflag:s5] =	ssyncadd.s32 @!p0 $0xFFFFFFFF  }
0xb3: {  	s25 =	simm.s32 $0x1B8E;
	s24 =	sld [smem:$0x3FFE];
	[sflag:s4] =	ssyncadd.remote.s32 @!p0 $0x1  }
0xb4: {  	s26 =	simm.s32 $execute0_lowered;
	[smem:$0x3FD2] =	sst s25  }
0xb5: {  	s5 =	sshll.u32 s26, $0x1;
	_ =	strace $0x8000004C;
	[dreg:$0x1] =	wrdreg $0xFFFFFFFF  }
0xb6: {  	s28 =	simm.s32 $_size_execute0_lowered;
	s3 =	sadd.s32 s3, s5;
	[dreg:$0x0] =	wrdreg $0x0  }
0xb7: {  	s5 =	sshll.u32 s28, $0x1;
	[dreg:$0x2] =	wrdreg s3  }
0xb8: {  	[dreg:$0x3] =	wrdreg s5  }
0xb9: {  	[dreg:$0x4] =	wrdreg $0xC0  }
0xba: {  	_ =	task [dreg:s22], $0x5FFFF  }
0xbb: {  	[dreg:$0x1] =	wrdreg $0xFFFFFFFF  }
0xbc: {  	[dreg:$0x0] =	wrdreg $0x60  }
0xbd: {  	[dreg:$0x2] =	wrdreg s24  }
0xbe: {  	[dreg:$0x3] =	wrdreg $0xA  }
0xbf: {  	_ =	task.clear_ibuf [dreg:s22], $0x4FFFF;
	_ =	strace $0x9000004C  }
0xc0: {  	s29 =	simm.s32 $0xA;
	_ =	strace $0x8000004E  }
0xc1: {  	_ =	swait.ge [sflag:s29], $0x1  }
0xc2: {  	[sflag:s29] =	ssyncadd.s32 $0xFFFFFFFF  }
0xc3: {  	_ =	strace $0x9000004E  }
0xc4: {  	_ =	sfence  }
0xc5: {  	s30 =	sld [smem:$0x0];
	_ =	sdelay $0x2  }
0xc6: {  	s31 =	sshll.u32 s1, $0xD;
	s1 =	sshrl.u32 s1, $0x2  }
0xc7: {  	s4 =	sand.u32 $0x4000, s31;
	s1 =	sadd.s32 s1, s30  }
0xc8: {  	s0 =	sor.u32 s4, s0;
	s1 =	sshll.u32 s1, $0x11  }
0xc9: {  	s0 =	sor.u32 s1, s0  }
0xca: {  	s0 =	sadd.s32 $0x8F2B, s0  }
0xcb: {  	[sflag:s0] =	ssyncadd.remote.s32 $0x1  }
0xcc: {  	_ =	sfence.sel $0xFFFF  }
0xcd: {  	[dreg:$0x0] =	wrdreg $0xFFFFFFFF;
	(pc) =	sbr.abs _section_cstart, $3  }
0xce: {  	[dreg:$0x1] =	wrdreg $0xFFFFFFFF  }
0xcf: {  	_ =	task.clear_ibuf [dreg:s22], $0x2FFFF;
	_ =	strace $0x9FFFFFFF  }
0xd0: {  	(tm) =	ssettm $0x7FFFFFFF  }
0xd1: {  	_ =	shalt  }
tec
execute0_lowered:
.L_overlay_start_1:
0x0: {  	(tag) =	ssettag $0x1  }
0x1: {  	s1 =	srdreg.scid  }
0x2: {  	s0 =	stileid.u32;
	s19 =	sand.u32 $0x1, s1  }
0x3: {  	s31 =	sshll.u32 s0, $0xA;
	s2 =	sshll.u32 s19, $0x9  }
0x4: {  	s14 =	rddreg [dreg:$0x0];
	s15 =	sor.u32 s2, s31  }
0x5: {  	s1 =	rddreg [dreg:$0x1];
	s2 =	simm.s32 $0x0;
	s3 =	sshrl.u32 s15, $0x3  }
0x6: {  	[smem:$0x7FF] =	sst s2;
	s3 =	sadd.s32 s3, s14  }
0x7: {  	_ =	strace $0x8000004D;
	s4 =	sadd.s32 $0x3200, s3;
	s3 =	simm.s32 $0x5  }
0x8: {  	[tilespmem:s2], [sflag:$0x5] =	stream.linear.gather [hbm4b:s4+s2], $0x200, $0x38;
	[tilespmem:$0x10200] =	vst v63  }
0x9: {  	_ =	swait.ge [sflag:s3], $0x200  }
0xa: {  	s6 =	simm.s32 $0x80;
	[sflag:s3] =	ssyncset.done $0x0  }
0xb: {  	s7 =	simm.s32 $0x200;
	s5 =	sadd.s32 $0x3A00, s14;
	[sflag:s3] =	ssyncadd.s32 $0xFFFFFE00  }
0xc: {  	[tilespmem:s7], [sflag:$0x1] =	stream.indirect.gather [hbm4b:s5+s6], $0x80, s2, s6, $0xb8;
	[tilespmem:$0x10200] =	vst v63  }
0xd: {  	s8 =	simm.s32 $0x4200  }
0xe: {  	[tilespmem:s8], [sflag:$0x2] =	stream.indirect.gather [hbm4b:s5+s6], $0x80, s6, s6, $0xb8;
	[tilespmem:$0x10200] =	vst v63  }
0xf: {  	s9 =	simm.s32 $0x100;
	s10 =	simm.s32 $0x8200  }
0x10: {  	[tilespmem:s10], [sflag:$0x3] =	stream.indirect.gather [hbm4b:s5+s6], $0x80, s9, s6, $0xb8;
	[tilespmem:$0x10200] =	vst v63  }
0x11: {  	s11 =	simm.s32 $0x180;
	s12 =	simm.s32 $0xC200;
	s13 =	simm.s32 $0x1  }
0x12: {  	[tilespmem:s12], [sflag:$0x4] =	stream.indirect.gather [hbm4b:s5+s6], $0x80, s11, s6, $0xb8;
	[tilespmem:$0x10200] =	vst v63  }
0x13: {  	s15 =	sshll.u32 s15, $0x4;
	_ =	swait.ge [sflag:s13], $0x4000  }
0x14: {  	s20 =	sadd.s32 s15, s14;
	[sflag:s13] =	ssyncset.done $0x0  }
0x15: {  	s14 =	sadd.s32 $0x63A00, s20;
	[sflag:s13] =	ssyncadd.s32 $0xFFFFC000  }
0x16: {  	[hbm4b:s14+s2] =	stream.linear.scatter [tilespmem:s7], [sflag:$0x5], $0x4000, $0x38;
	[tilespmem:$0x10200] =	vst v63  }
0x17: {  	_ =	swait.ge [sflag:s3], $0x4000  }
0x18: {  	[sflag:s3] =	ssyncset.done $0x0  }
0x19: {  	s15 =	simm.s32 $0x2;
	[sflag:s3] =	ssyncadd.s32 $0xFFFFC000  }
0x1a: {  	_ =	swait.ge [sflag:s15], $0x4000  }
0x1b: {  	[sflag:s15] =	ssyncset.done $0x0  }
0x1c: {  	s16 =	sadd.s32 $0x64200, s20;
	[sflag:s15] =	ssyncadd.s32 $0xFFFFC000  }
0x1d: {  	[hbm4b:s16+s2] =	stream.linear.scatter [tilespmem:s8], [sflag:$0x5], $0x4000, $0x38;
	[tilespmem:$0x10200] =	vst v63  }
0x1e: {  	_ =	swait.ge [sflag:s3], $0x4000  }
0x1f: {  	[sflag:s3] =	ssyncset.done $0x0  }
0x20: {  	s17 =	simm.s32 $0x3;
	[sflag:s3] =	ssyncadd.s32 $0xFFFFC000  }
0x21: {  	_ =	swait.ge [sflag:s17], $0x4000  }
0x22: {  	[sflag:s17] =	ssyncset.done $0x0  }
0x23: {  	s21 =	ssub.s32 $0x2, s19;
	s18 =	sadd.s32 $0x64A00, s20;
	[sflag:s17] =	ssyncadd.s32 $0xFFFFC000  }
0x24: {  	[hbm4b:s18+s2] =	stream.linear.scatter [tilespmem:s10], [sflag:$0x5], $0x4000, $0x38;
	[tilespmem:$0x10200] =	vst v63  }
0x25: {  	s22 =	sshrl.u32 s21, $0x1;
	_ =	swait.ge [sflag:s3], $0x4000  }
0x26: {  	s21 =	ssub.s32 s21, s22;
	[sflag:s3] =	ssyncset.done $0x0  }
0x27: {  	s19 =	simm.s32 $0x4;
	s21 =	smax.u32 s21, $0x1;
	[sflag:s3] =	ssyncadd.s32 $0xFFFFC000  }
0x28: {  	p0 =	sne.s32 s21, $0x1;
	_ =	swait.ge [sflag:s19], $0x4000  }
.Ltmp0:
0x29: {  	[sflag:s19] =	ssyncset.done $0x0;
	(pc) =	sbr.rel @!p0 .LBB2_2-.Ltmp0, $4  }
0x2a: {  	s20 =	sadd.s32 $0x65200, s20;
	[sflag:s19] =	ssyncadd.s32 $0xFFFFC000  }
0x2b: {  	[hbm4b:s20+s2] =	stream.linear.scatter [tilespmem:s12], [sflag:$0x5], $0x4000, $0x38;
	[tilespmem:$0x10200] =	vst v63  }
0x2c: {  	_ =	swait.ge [sflag:s3], $0x4000  }
0x2d: {  	s21 =	sadd.s32 $0xFFFFFFFF, s21;
	[sflag:s3] =	ssyncset.done $0x0  }
.LBB2_1:
0x2e: {  	p0 =	sne.s32 s21, $0x1;
	s21 =	sadd.s32 $0xFFFFFFFF, s21;
	[sflag:s3] =	ssyncadd.s32 $0xFFFFC000  }
0x2f: {  	[tilespmem:s2], [sflag:$0x5] =	stream.linear.gather [hbm4b:s4+s2], $0x200, $0x38;
	[tilespmem:$0x10200] =	vst v63  }
0x30: {  	_ =	swait.ge [sflag:s3], $0x200  }
0x31: {  	[sflag:s3] =	ssyncset.done $0x0  }
0x32: {  	[sflag:s3] =	ssyncadd.s32 $0xFFFFFE00  }
0x33: {  	[tilespmem:s7], [sflag:$0x1] =	stream.indirect.gather [hbm4b:s5+s6], $0x80, s2, s6, $0xb8;
	[tilespmem:$0x10200] =	vst v63  }
0x34: {  	_ = 	snop  }
0x35: {  	[tilespmem:s8], [sflag:$0x2] =	stream.indirect.gather [hbm4b:s5+s6], $0x80, s6, s6, $0xb8;
	[tilespmem:$0x10200] =	vst v63  }
0x36: {  	_ = 	snop  }
0x37: {  	[tilespmem:s10], [sflag:$0x3] =	stream.indirect.gather [hbm4b:s5+s6], $0x80, s9, s6, $0xb8;
	[tilespmem:$0x10200] =	vst v63  }
0x38: {  	_ = 	snop  }
0x39: {  	[tilespmem:s12], [sflag:$0x4] =	stream.indirect.gather [hbm4b:s5+s6], $0x80, s11, s6, $0xb8;
	[tilespmem:$0x10200] =	vst v63  }
0x3a: {  	_ =	swait.ge [sflag:s13], $0x4000  }
0x3b: {  	[sflag:s13] =	ssyncset.done $0x0  }
0x3c: {  	[sflag:s13] =	ssyncadd.s32 $0xFFFFC000  }
0x3d: {  	[hbm4b:s14+s2] =	stream.linear.scatter [tilespmem:s7], [sflag:$0x5], $0x4000, $0x38;
	[tilespmem:$0x10200] =	vst v63  }
0x3e: {  	_ =	swait.ge [sflag:s3], $0x4000  }
0x3f: {  	[sflag:s3] =	ssyncset.done $0x0  }
0x40: {  	[sflag:s3] =	ssyncadd.s32 $0xFFFFC000  }
0x41: {  	_ =	swait.ge [sflag:s15], $0x4000  }
0x42: {  	[sflag:s15] =	ssyncset.done $0x0  }
0x43: {  	[sflag:s15] =	ssyncadd.s32 $0xFFFFC000  }
0x44: {  	[hbm4b:s16+s2] =	stream.linear.scatter [tilespmem:s8], [sflag:$0x5], $0x4000, $0x38;
	[tilespmem:$0x10200] =	vst v63  }
0x45: {  	_ =	swait.ge [sflag:s3], $0x4000  }
0x46: {  	[sflag:s3] =	ssyncset.done $0x0  }
0x47: {  	[sflag:s3] =	ssyncadd.s32 $0xFFFFC000  }
0x48: {  	_ =	swait.ge [sflag:s17], $0x4000  }
0x49: {  	[sflag:s17] =	ssyncset.done $0x0  }
0x4a: {  	[sflag:s17] =	ssyncadd.s32 $0xFFFFC000  }
0x4b: {  	[hbm4b:s18+s2] =	stream.linear.scatter [tilespmem:s10], [sflag:$0x5], $0x4000, $0x38;
	[tilespmem:$0x10200] =	vst v63  }
0x4c: {  	_ =	swait.ge [sflag:s3], $0x4000  }
0x4d: {  	[sflag:s3] =	ssyncset.done $0x0  }
0x4e: {  	[sflag:s3] =	ssyncadd.s32 $0xFFFFC000  }
0x4f: {  	_ =	swait.ge [sflag:s19], $0x4000  }
.Ltmp1:
0x50: {  	[sflag:s19] =	ssyncset.done $0x0;
	(pc) =	sbr.rel @p0 .LBB2_1-.Ltmp1, $4  }
0x51: {  	[sflag:s19] =	ssyncadd.s32 $0xFFFFC000  }
0x52: {  	[hbm4b:s20+s2] =	stream.linear.scatter [tilespmem:s12], [sflag:$0x5], $0x4000, $0x38;
	[tilespmem:$0x10200] =	vst v63  }
0x53: {  	_ =	swait.ge [sflag:s3], $0x4000  }
0x54: {  	[sflag:s3] =	ssyncset.done $0x0  }
.LBB2_2:
0x55: {  	[sflag:s3] =	ssyncadd.s32 $0xFFFFC000  }
0x56: {  	_ =	sfence.sel $0x180000  }
0x57: {  	[bflag:$0x0] =	sbarrier.arrive $0xFFFF  }
0x58: {  	p0 =	sne.s32 s0, $0x0;
	_ =	strace $0x9000004D  }
0x59: {  	s0 =	sadd.s32 @!p0 $0x100000, s1;
	[bflag:$0x2] =	sbarrier.arrive $0xFFFF  }
0x5a: {  	[sflag:s0] =	ssyncadd.tile.s32 @!p0 $0x1;
	_ =	shalt  }
.Lfunc_end2:
_tile_overlayer_lowered:
.L_overlay_start_2:
0x5b: {  	(tag) =	ssettag $0x2  }
0x5c: {  	s0 =	rddreg [dreg:$0x0];
	s2 =	stileid.u32  }
0x5d: {  	s1 =	rddreg [dreg:$0x1];
	p0 =	sne.s32 s2, $0x0  }
0x5e: {  	s3 =	rddreg [dreg:$0x2];
	[bflag:$0x3] =	sbarrier.arrive $0xFFFF;
	s2 =	simm.s32 @!p0 $0x1C05  }
0x5f: {  	[timem:s3], [sflag:s2] =	dma.local @!p0 [hbm:s0], s1  }
0x60: {  	s0 =	simm.s32 @!p0 $0x5  }
0x61: {  	_ =	swait.ge @!p0 [sflag:s0], s1  }
0x62: {  	s1 =	ssub.s32 @!p0 $0x0, s1;
	[sflag:s0] =	ssyncset.done @!p0 $0x0  }
0x63: {  	[sflag:s0] =	ssyncadd.s32 @!p0 s1  }
0x64: {  	[bflag:$0x3] =	sbarrier.arrive $0xFFFF  }
0x65: {  	_ =	shalt  }

// kernel: kernel.9.cloned.1.call-start
scs
__scs_entry_jumppad:
0x0: {  	(pc) =	sbr.rel $0x88, $3  }
0x1: {  	(tag) =	ssettag $0x0;
	lr =	simm.s32 $0x1  }
0x2: {  	[smem:$0x3F99] =	sst lr;
	_ =	strace $0xD0000000  }
0x3: {  	_ = 	snop  }
0x4: {  	_ = 	snop  }
0x5: {  	_ = 	snop  }
0x6: {  	_ = 	snop  }
0x7: {  	_ = 	snop  }
__scs_overlays_trampoline_lowered:
0x8: {  	[smem:$0x3FA8] =	sst s0  }
0x9: {  	[smem:$0x3FA9] =	sst s1  }
0xa: {  	[smem:$0x3FAA] =	sst s2  }
0xb: {  	[smem:$0x3FAB] =	sst s3  }
0xc: {  	[smem:$0x3FAC] =	sst s4  }
0xd: {  	[smem:$0x3FAD] =	sst s5  }
0xe: {  	[smem:$0x3FAE] =	sst s6  }
0xf: {  	[smem:$0x3FAF] =	sst s7  }
0x10: {  	[smem:$0x3FB0] =	sst s8  }
0x11: {  	[smem:$0x3FB1] =	sst s9;
	s0 =	simm.s32 @!p0 $0x0  }
0x12: {  	s1 =	sld [smem:$0x3F97];
	s0 =	simm.s32 @p0 $0x1  }
0x13: {  	[smem:$0x3FB2] =	sst s0;
	s0 =	simm.s32 @!p1 $0x0  }
0x14: {  	s2 =	sld [smem:$0x3F96];
	s0 =	simm.s32 @p1 $0x1  }
0x15: {  	[smem:$0x3FB3] =	sst s0;
	s0 =	simm.s32 @!p2 $0x0  }
0x16: {  	s3 =	sld [smem:$0x3FDB];
	s0 =	simm.s32 @p2 $0x1  }
0x17: {  	s4 =	simm.s32 $0x1BF5;
	[smem:$0x3FB5] =	sst s0  }
0x18: {  	s0 =	sld [smem:$0x3F98];
	_ =	swait.ge [sflag:s4], $0x0  }
0x19: {  	s7 =	sld [smem:$0x3F99]  }
0x1a: {  	s8 =	sadd.s32 $0xFFFFE003, lr  }
0x1b: {  	s9 =	sadd.s32 $0xFFFFFEF7, lr;
	s5 =	simm.s32 $0xFFFFFFFF;
	p2 =	slt.u32 s8, $0xFFFFF086  }
0x1c: {  	p1 =	slt.u32 s9, $0xF7A;
	s5 =	simm.s32 @!p2 $0x0  }
0x1d: {  	s5 =	simm.s32 @p1 $0x1;
	p0 =	seq.s32 s7, s2  }
0x1e: {  	s7 =	smul.u32 @!p0 $0xF7A, s2;
	p2 =	seq.s32 @!p0 s5, $0x0  }
0x1f: {  	s9 =	smul.u32 $0xF7A, s1;
	s8 =	simm.s32 @!p0 $0x1BF5;
	p2 =	por !p2, p0  }
0x20: {  	[sflag:s8] =	ssyncset.s32 @!p0 $0xFFFFF086;
	s6 =	sadd.s32 @!p0 s3, s7;
	s7 =	simm.s32 @!p0 $0x108  }
0x21: {  	s3 =	sadd.s32 s3, s9;
	s6 =	sadd.s32 @!p0 $0x88, s6;
	s7 =	simm.s32 @p2 $0x1082  }
0x22: {  	[simem:s7], [sflag:s8] =	dma.local @!p0 [hbm:s6], $0xF7A  }
0x23: {  	s9 =	sor.u32 $0xD0000000, s2;
	s6 =	simm.s32 $0x108;
	_ =	swait.ge @!p0 [sflag:s8], $0x0  }
0x24: {  	s3 =	sadd.s32 $0x88, s3;
	s6 =	simm.s32 @!p1 $0x1082;
	[sflag:s4] =	ssyncset.s32 $0xFFFFF086  }
0x25: {  	[simem:s6], [sflag:s4] =	dma.local [hbm:s3], $0xF7A  }
0x26: {  	[smem:$0x3F99] =	sst s1;
	(tag) =	ssettag s2;
	_ =	strace s9  }
0x27: {  	s1 =	sld [smem:$0x3FA9]  }
0x28: {  	s2 =	sld [smem:$0x3FAA]  }
0x29: {  	s4 =	sld [smem:$0x3FAC]  }
0x2a: {  	p0 =	seq.s32 s5, $0x0;
	s5 =	sld [smem:$0x3FAD]  }
0x2b: {  	s6 =	sld [smem:$0x3FAE]  }
0x2c: {  	s7 =	sld [smem:$0x3FAF]  }
0x2d: {  	s3 =	simm.s32 $0x108;
	s8 =	sld [smem:$0x3FB0]  }
0x2e: {  	s3 =	simm.s32 @!p0 $0x1082;
	s9 =	sld [smem:$0x3FB1]  }
0x2f: {  	lr =	sadd.s32 s0, s3;
	s0 =	sld [smem:$0x3FA8]  }
0x30: {  	s3 =	sld [smem:$0x3FAB]  }
0x31: {  	[smem:$0x3FB4] =	sst s10  }
0x32: {  	s10 =	sld [smem:$0x3FB2];
	_ =	sdelay $0x3  }
0x33: {  	p0 =	seq.s32 s10, $0x1;
	s10 =	sld [smem:$0x3FB4];
	_ =	sdelay $0x3  }
0x34: {  	[smem:$0x3FB4] =	sst s10  }
0x35: {  	s10 =	sld [smem:$0x3FB3];
	_ =	sdelay $0x3  }
0x36: {  	p1 =	seq.s32 s10, $0x1;
	s10 =	sld [smem:$0x3FB4];
	_ =	sdelay $0x3  }
0x37: {  	[smem:$0x3FB4] =	sst s10  }
0x38: {  	s10 =	sld [smem:$0x3FB5]  }
0x39: {  	_ = 	snop;
	(pc) =	sbr.ind lr, $3  }
0x3a: {  	_ = 	snop  }
0x3b: {  	_ = 	snop  }
0x3c: {  	p2 =	seq.s32 s10, $0x1;
	s10 =	sld [smem:$0x3FB4]  }
0x3d: {  	_ =	shalt  }
0x3e: {  	_ =	shalt  }
0x3f: {  	_ =	shalt  }
0x40: {  	_ =	shalt  }
0x41: {  	_ =	shalt  }
0x42: {  	_ =	shalt  }
0x43: {  	_ =	shalt  }
0x44: {  	_ =	shalt  }
0x45: {  	_ =	shalt  }
0x46: {  	_ =	shalt  }
0x47: {  	_ =	shalt  }
0x48: {  	_ =	shalt  }
0x49: {  	_ =	shalt  }
0x4a: {  	_ =	shalt  }
0x4b: {  	_ =	shalt  }
0x4c: {  	_ =	shalt  }
0x4d: {  	_ =	shalt  }
0x4e: {  	_ =	shalt  }
0x4f: {  	_ =	shalt  }
0x50: {  	_ =	shalt  }
0x51: {  	_ =	shalt  }
0x52: {  	_ =	shalt  }
0x53: {  	_ =	shalt  }
0x54: {  	_ =	shalt  }
0x55: {  	_ =	shalt  }
0x56: {  	_ =	shalt  }
0x57: {  	_ =	shalt  }
0x58: {  	_ =	shalt  }
0x59: {  	_ =	shalt  }
0x5a: {  	_ =	shalt  }
0x5b: {  	_ =	shalt  }
0x5c: {  	_ =	shalt  }
0x5d: {  	_ =	shalt  }
0x5e: {  	_ =	shalt  }
0x5f: {  	_ =	shalt  }
0x60: {  	_ =	shalt  }
0x61: {  	_ =	shalt  }
0x62: {  	_ =	shalt  }
0x63: {  	_ =	shalt  }
0x64: {  	_ =	shalt  }
0x65: {  	_ =	shalt  }
0x66: {  	_ =	shalt  }
0x67: {  	_ =	shalt  }
0x68: {  	_ =	shalt  }
0x69: {  	_ =	shalt  }
0x6a: {  	_ =	shalt  }
0x6b: {  	_ =	shalt  }
0x6c: {  	_ =	shalt  }
0x6d: {  	_ =	shalt  }
0x6e: {  	_ =	shalt  }
0x6f: {  	_ =	shalt  }
0x70: {  	_ =	shalt  }
0x71: {  	_ =	shalt  }
0x72: {  	_ =	shalt  }
0x73: {  	_ =	shalt  }
0x74: {  	_ =	shalt  }
0x75: {  	_ =	shalt  }
0x76: {  	_ =	shalt  }
0x77: {  	_ =	shalt  }
0x78: {  	_ =	shalt  }
0x79: {  	_ =	shalt  }
0x7a: {  	_ =	shalt  }
0x7b: {  	_ =	shalt  }
0x7c: {  	_ =	shalt  }
0x7d: {  	_ =	shalt  }
0x7e: {  	_ =	shalt  }
0x7f: {  	_ =	shalt  }
0x80: {  	_ =	shalt  }
0x81: {  	_ =	shalt  }
0x82: {  	_ =	shalt  }
0x83: {  	_ =	shalt  }
0x84: {  	_ =	shalt  }
0x85: {  	_ =	shalt  }
0x86: {  	_ =	shalt  }
0x87: {  	_ =	shalt  }
.Lfunc_end0:
.L_simem_size_0:
called_computation_lowered:
.L_overlay_start_0:
0x88: {  	s2 =	sld [smem:$0x3FD9]  }
0x89: {  	s3 =	sld [smem:$0x3FFE];
	_ =	sdelay $0x1  }
0x8a: {  	s1 =	srdreg.scid  }
0x8b: {  	s0 =	sand.u32 $0x1, s1  }
0x8c: {  	s17 =	sshll.u32 s0, $0xA;
	s2 =	sadd.s32 s3, s2  }
0x8d: {  	s2 =	sadd.s32 s2, s17  }
0x8e: {  	[smem:$0x3FC0] =	sst s2  }
0x8f: {  	_ = 	snop  }
0x90: {  	s18 =	sld [smem:$0x3FC9];
	(tm) =	ssettm $0x1  }
0x91: {  	s19 =	sld [smem:$0x3FFB];
	_ =	sdelay $0x3  }
0x92: {  	_ =	strace s19  }
0x93: {  	s2 =	sld [smem:$0x3FFC];
	_ =	sdelay $0x3  }
0x94: {  	_ =	strace s2  }
0x95: {  	s2 =	sld [smem:$0x3FFD];
	_ =	sdelay $0x3  }
0x96: {  	_ =	strace s2  }
0x97: {  	_ =	strace $0x8FFFFFFF  }
0x98: {  	s20 =	sld [smem:$0x3FDB];
	_ =	sdelay $0x1  }
0x99: {  	s4 =	simm.s32 $_scs_section_size  }
0x9a: {  	s5 =	simm.s32 $_size__tile_overlayer_lowered;
	s6 =	simm.s32 $_tile_overlayer_lowered  }
0x9b: {  	s7 =	simm.s32 $0x1BFF;
	s21 =	sshll.u32 s6, $0x1;
	s4 =	sadd.s32 s4, s20  }
0x9c: {  	s22 =	simm.s32 $0x0;
	s5 =	sshll.u32 s5, $0x1;
	s6 =	sadd.s32 s21, s4  }
0x9d: {  	[timem:s22], [sflag:s7] =	dma.local [hbm:s6], s5  }
0x9e: {  	_ =	swait.ge [sflag:s7], s5  }
0x9f: {  	s5 =	ssub.s32 $0x0, s5;
	[sflag:s7] =	ssyncset.done $0x0  }
0xa0: {  	[sflag:s7] =	ssyncadd.s32 s5;
	_ =	sdelay $0x1  }
0xa1: {  	s23 =	simm.s32 $0x1B8B  }
0xa2: {  	_ =	swait.ge [sflag:s23], $0x1  }
0xa3: {  	[sflag:s23] =	ssyncset.done $0x0  }
0xa4: {  	[sflag:s23] =	ssyncadd.s32 $0xFFFFFFFF  }
0xa5: {  	s5 =	sld [smem:$0x0]  }
0xa6: {  	s6 =	sand.u32 $0xFFFFFFFE, s1  }
0xa7: {  	p0 =	sne.s32 s1, s6  }
0xa8: {  	s6 =	sshll.u32 @p0 s6, $0xE  }
0xa9: {  	s6 =	sadd.s32 @p0 $0x11B8D, s6;
	s7 =	sshll.u32 @p0 s5, $0x11  }
0xaa: {  	s6 =	sor.u32 @p0 s7, s6  }
0xab: {  	[sflag:s6] =	ssyncadd.remote.s32 @p0 $0x1;
	_ =	sdelay $0x1  }
0xac: {  	s6 =	simm.s32 @p0 $0x1B8D  }
0xad: {  	_ =	swait.eq @p0 [sflag:s6], $0x1  }
0xae: {  	[sflag:s6] =	ssyncadd.s32 @p0 $0xFFFFFFFF  }
0xaf: {  	s7 =	sshll.u32 @!p0 s1, $0xE  }
0xb0: {  	s7 =	sor.u32 @!p0 $0x4000, s7;
	s6 =	simm.s32 @!p0 $0x1B8D  }
0xb1: {  	s5 =	sshll.u32 @!p0 s5, $0x11;
	s7 =	sadd.s32 @!p0 $0x11B8D, s7;
	_ =	swait.eq @!p0 [sflag:s6], $0x1  }
0xb2: {  	s5 =	sor.u32 @!p0 s5, s7;
	[sflag:s6] =	ssyncadd.s32 @!p0 $0xFFFFFFFF  }
0xb3: {  	s25 =	simm.s32 $0x1B8E;
	s24 =	sld [smem:$0x3FFE];
	[sflag:s5] =	ssyncadd.remote.s32 @!p0 $0x1  }
0xb4: {  	s26 =	simm.s32 $execute0_lowered;
	[smem:$0x3FD2] =	sst s25  }
0xb5: {  	s6 =	sshll.u32 s26, $0x1;
	_ =	strace $0x80000049;
	[dreg:$0x1] =	wrdreg $0xFFFFFFFF  }
0xb6: {  	s28 =	simm.s32 $_size_execute0_lowered;
	s4 =	sadd.s32 s4, s6;
	[dreg:$0x0] =	wrdreg $0x0  }
0xb7: {  	s6 =	sshll.u32 s28, $0x1;
	[dreg:$0x2] =	wrdreg s4  }
0xb8: {  	[dreg:$0x3] =	wrdreg s6  }
0xb9: {  	[dreg:$0x4] =	wrdreg $0xC0  }
0xba: {  	_ =	task [dreg:s22], $0x5FFFF  }
0xbb: {  	[dreg:$0x1] =	wrdreg $0xFFFFFFFF  }
0xbc: {  	[dreg:$0x0] =	wrdreg $0x60  }
0xbd: {  	[dreg:$0x2] =	wrdreg s18  }
0xbe: {  	[dreg:$0x3] =	wrdreg s24  }
0xbf: {  	[dreg:$0x4] =	wrdreg $0x9  }
0xc0: {  	_ =	task.clear_ibuf [dreg:s22], $0x5FFFF;
	_ =	strace $0x90000049  }
0xc1: {  	s29 =	simm.s32 $0x9;
	_ =	strace $0x8000004B  }
0xc2: {  	_ =	swait.ge [sflag:s29], $0x1  }
0xc3: {  	[sflag:s29] =	ssyncadd.s32 $0xFFFFFFFF  }
0xc4: {  	_ =	strace $0x9000004B  }
0xc5: {  	_ =	sfence  }
0xc6: {  	s30 =	sld [smem:$0x0];
	_ =	sdelay $0x2  }
0xc7: {  	s31 =	sshll.u32 s1, $0xD;
	s1 =	sshrl.u32 s1, $0x2  }
0xc8: {  	s4 =	sand.u32 $0x4000, s31;
	s1 =	sadd.s32 s1, s30  }
0xc9: {  	s0 =	sor.u32 s4, s0;
	s1 =	sshll.u32 s1, $0x11  }
0xca: {  	s0 =	sor.u32 s1, s0  }
0xcb: {  	s0 =	sadd.s32 $0x8F2B, s0  }
0xcc: {  	[sflag:s0] =	ssyncadd.remote.s32 $0x1  }
0xcd: {  	_ =	sfence.sel $0xFFFF  }
0xce: {  	[dreg:$0x0] =	wrdreg $0xFFFFFFFF;
	(pc) =	sbr.abs _section_cstart, $3  }
0xcf: {  	[dreg:$0x1] =	wrdreg $0xFFFFFFFF  }
0xd0: {  	_ =	task.clear_ibuf [dreg:s22], $0x2FFFF;
	_ =	strace $0x9FFFFFFF  }
0xd1: {  	(tm) =	ssettm $0x7FFFFFFF  }
tec
execute0_lowered:
.L_overlay_start_1:
0x0: {  	(tag) =	ssettag $0x1  }
0x1: {  	s1 =	srdreg.scid;
	s2 =	stileid.u32  }
0x2: {  	s0 =	rddreg [dreg:$0x0];
	s1 =	sand.u32 $0x1, s1;
	s2 =	sshll.u32 s2, $0x1  }
0x3: {  	s3 =	rddreg [dreg:$0x1];
	s31 =	simm.s32 $0x6;
	s4 =	sor.u32 s1, s2  }
0x4: {  	s30 =	simm.s32 $0x7;
	s29 =	simm.s32 $0x8;
	s5 =	sshll.u32 s4, $0x8  }
0x5: {  	s2 =	simm.s32 $0x0;
	s6 =	smul.u32 $0xC000, s4;
	s5 =	sadd.s32 s5, s3  }
0x6: {  	s28 =	simm.s32 $0x9;
	[smem:$0x7FF] =	sst s2;
	s5 =	sadd.s32 $0x244E00, s5  }
0x7: {  	_ =	strace $0x8000004A;
	s6 =	sadd.s32 s0, s6;
	[dreg:$0x3] =	wrdreg s5  }
0x8: {  	s8 =	simm.s32 $0xA;
	s13 =	sadd.s32 $0xC00, s6;
	[dreg:$0x13] =	wrdreg s6  }
0x9: {  	s4 =	smul.u32 $0x60000, s4;
	s14 =	sadd.s32 $0x1800, s6;
	[dreg:$0x4] =	wrdreg s13  }
0xa: {  	s12 =	simm.s32 $0xC800;
	s15 =	sadd.s32 $0x2400, s6;
	[dreg:$0x5] =	wrdreg s14  }
0xb: {  	s4 =	sshrl.u32 s4, $0x3;
	s16 =	sadd.s32 $0x3000, s6;
	[dreg:$0x6] =	wrdreg s15  }
0xc: {  	s17 =	sadd.s32 $0x3C00, s6;
	s0 =	sadd.s32 s0, s4;
	[dreg:$0x7] =	wrdreg s16  }
0xd: {  	s1 =	ssub.s32 $0x2, s1;
	[dreg:$0x8] =	wrdreg s17;
	s4 =	sadd.s32 $0x4800, s0  }
0xe: {  	s25 =	sshrl.u32 s1, $0x1;
	s18 =	sadd.s32 $0x5400, s0;
	[dreg:$0x9] =	wrdreg s4  }
0xf: {  	s1 =	ssub.s32 s1, s25;
	s19 =	sadd.s32 $0x6000, s0;
	[dreg:$0xa] =	wrdreg s18  }
0x10: {  	s25 =	simm.s32 $0x12800;
	s20 =	sadd.s32 $0x6C00, s0;
	[dreg:$0xb] =	wrdreg s19  }
0x11: {  	s7 =	smax.u32 s1, $0x1;
	s21 =	sadd.s32 $0x7800, s0;
	[dreg:$0xc] =	wrdreg s20  }
0x12: {  	s1 =	simm.s32 $0x3;
	s22 =	sadd.s32 $0x8400, s0;
	[dreg:$0xd] =	wrdreg s21  }
0x13: {  	s5 =	sadd.s32 $0x246F00, s3;
	s23 =	sadd.s32 $0x9000, s0;
	[dreg:$0xe] =	wrdreg s22  }
0x14: {  	s6 =	sadd.s32 $0x247000, s3;
	s24 =	sadd.s32 $0x9C00, s0;
	[dreg:$0xf] =	wrdreg s23  }
0x15: {  	s26 =	sadd.s32 $0xA800, s0;
	s0 =	sadd.s32 $0xB400, s0;
	[dreg:$0x10] =	wrdreg s24  }
0x16: {  	v2 =	vlaneseq.u32;
	s13 =	simm.s32 $0x1;
	s4 =	sadd.s32 $0x246E00, s3;
	[dreg:$0x11] =	wrdreg s26  }
0x17: {  	vm0 =	vmmov $0xffff;
	v1 =	vshrl.u32 v2, $0x3;
	[dreg:$0x12] =	wrdreg s0;
	s23 =	simm.s32 $0x800;
	s26 =	simm.s32 $0x2  }
0x18: {  	v0 =	vand.u32 $0x7, v2;
	v2 =	vor.u32 $0x8, v2;
	v1 =	vmul.u32 $0x8, v1;
	s0 =	simm.s32 $0x4;
	s3 =	simm.s32 $0x5;
	s24 =	simm.s32 $0x1D800  }
.LBB2_1:
0x19: {  	s14 =	rddreg [dreg:$0x3];
	s22 =	simm.s32 $0xB  }
0x1a: {  	[tilespmem:s2], [sflag:$0xB] =	stream.linear.gather [hbm4b:s14+s2], $0x800, $0x38;
	[tilespmem:$0x1E800] =	vst v63  }
0x1b: {  	_ =	swait.ge [sflag:s22], $0x800  }
0x1c: {  	[sflag:s22] =	ssyncset.done $0x0  }
0x1d: {  	s15 =	rddreg [dreg:$0x13];
	[sflag:s22] =	ssyncadd.s32 $0xFFFFF800  }
0x1e: {  	[tilespmem:s23], [sflag:$0x1] =	stream.linear.gather [hbm4b:s15+s2], $0x6000, $0x38;
	[tilespmem:$0x1E800] =	vst v63  }
0x1f: {  	s11 =	simm.s32 $0x6800;
	s9 =	rddreg [dreg:$0x4]  }
0x20: {  	[tilespmem:s11], [sflag:$0x2] =	stream.linear.gather [hbm4b:s9+s2], $0x6000, $0x38;
	[tilespmem:$0x1E800] =	vst v63  }
0x21: {  	s10 =	rddreg [dreg:$0x5]  }
0x22: {  	[tilespmem:s12], [sflag:$0x3] =	stream.linear.gather [hbm4b:s10+s2], $0x6000, $0x38;
	[tilespmem:$0x1E800] =	vst v63  }
0x23: {  	s16 =	rddreg [dreg:$0x6]  }
0x24: {  	[tilespmem:s25], [sflag:$0x4] =	stream.linear.gather [hbm4b:s16+s2], $0x6000, $0x38;
	[tilespmem:$0x1E800] =	vst v63  }
0x25: {  	_ =	swait.ge [sflag:s13], $0x6000  }
0x26: {  	[sflag:s13] =	ssyncset.done $0x0  }
0x27: {  	[sflag:s13] =	ssyncadd.s32 $0xFFFFA000  }
0x28: {  	v3 =	vld [tilespmem:$0x0];
	_ =	sdelay $0x4  }
0x29: {  	v4 =	vshrl.u32 v3, $0x3  }
0x2a: {  	v4 =	vmul.u32 $0x30, v4  }
0x2b: {  	v3 =	vand.u32 $0x7, v3  }
0x2c: {  	v3 =	vor.u32 v3, v4  }
0x2d: {  	v4 =	vperm.xlane v3, v0;
	_ =	sdelay $0x1  }
0x2e: {  	v4 =	vadd.s32 v1, v4;
	_ =	sdelay $0x3  }
0x2f: {  	v3 =	vperm.xlane v3, v2  }
0x30: {  	[hbm4b:s4+s2] =	stream.indirect_vreg.scatter [tilespmem:s23], [sflag:$0x6], $0x80, v4, vm0, $0xb8;
	[tilespmem:$0x1E800] =	vst v63  }
0x31: {  	s9 =	simm.s32 $0x1000;
	v3 =	vadd.s32 v1, v3  }
0x32: {  	[hbm4b:s5+s2] =	stream.indirect_vreg.scatter [tilespmem:s9], [sflag:$0x6], $0x80, v4, vm0, $0xb8;
	[tilespmem:$0x1E800] =	vst v63  }
0x33: {  	s17 =	simm.s32 $0x1800  }
0x34: {  	[hbm4b:s6+s2] =	stream.indirect_vreg.scatter [tilespmem:s17], [sflag:$0x6], $0x80, v4, vm0, $0xb8;
	[tilespmem:$0x1E800] =	vst v63  }
0x35: {  	s18 =	simm.s32 $0x2000  }
0x36: {  	[hbm4b:s4+s2] =	stream.indirect_vreg.scatter [tilespmem:s18], [sflag:$0x6], $0x80, v3, vm0, $0xb8;
	[tilespmem:$0x1E800] =	vst v63  }
0x37: {  	s19 =	simm.s32 $0x2800  }
0x38: {  	[hbm4b:s5+s2] =	stream.indirect_vreg.scatter [tilespmem:s19], [sflag:$0x6], $0x80, v3, vm0, $0xb8;
	[tilespmem:$0x1E800] =	vst v63  }
0x39: {  	s20 =	simm.s32 $0x3000  }
0x3a: {  	[hbm4b:s6+s2] =	stream.indirect_vreg.scatter [tilespmem:s20], [sflag:$0x6], $0x80, v3, vm0, $0xb8;
	[tilespmem:$0x1E800] =	vst v63  }
0x3b: {  	v3 =	vld [tilespmem:$0x10];
	_ =	sdelay $0x4  }
0x3c: {  	v33 =	vshrl.u32 v3, $0x3  }
0x3d: {  	v4 =	vmul.u32 $0x30, v33  }
0x3e: {  	v3 =	vand.u32 $0x7, v3  }
0x3f: {  	v3 =	vor.u32 v3, v4  }
0x40: {  	v4 =	vperm.xlane v3, v0;
	_ =	sdelay $0x1  }
0x41: {  	v4 =	vadd.s32 v1, v4;
	_ =	sdelay $0x3  }
0x42: {  	s21 =	simm.s32 $0x3800;
	v3 =	vperm.xlane v3, v2  }
0x43: {  	[hbm4b:s4+s2] =	stream.indirect_vreg.scatter [tilespmem:s21], [sflag:$0x6], $0x80, v4, vm0, $0xb8;
	[tilespmem:$0x1E800] =	vst v63  }
0x44: {  	s22 =	simm.s32 $0x4000;
	v3 =	vadd.s32 v1, v3  }
0x45: {  	[hbm4b:s5+s2] =	stream.indirect_vreg.scatter [tilespmem:s22], [sflag:$0x6], $0x80, v4, vm0, $0xb8;
	[tilespmem:$0x1E800] =	vst v63  }
0x46: {  	s10 =	simm.s32 $0x4800  }
0x47: {  	[hbm4b:s6+s2] =	stream.indirect_vreg.scatter [tilespmem:s10], [sflag:$0x6], $0x80, v4, vm0, $0xb8;
	[tilespmem:$0x1E800] =	vst v63  }
0x48: {  	s14 =	simm.s32 $0x5000  }
0x49: {  	[hbm4b:s4+s2] =	stream.indirect_vreg.scatter [tilespmem:s14], [sflag:$0x6], $0x80, v3, vm0, $0xb8;
	[tilespmem:$0x1E800] =	vst v63  }
0x4a: {  	s15 =	simm.s32 $0x5800  }
0x4b: {  	[hbm4b:s5+s2] =	stream.indirect_vreg.scatter [tilespmem:s15], [sflag:$0x6], $0x80, v3, vm0, $0xb8;
	[tilespmem:$0x1E800] =	vst v63  }
0x4c: {  	s17 =	simm.s32 $0x6000  }
0x4d: {  	[hbm4b:s6+s2] =	stream.indirect_vreg.scatter [tilespmem:s17], [sflag:$0x6], $0x80, v3, vm0, $0xb8;
	[tilespmem:$0x1E800] =	vst v63  }
0x4e: {  	s16 =	rddreg [dreg:$0x7];
	s9 =	simm.s32 $0x18800  }
0x4f: {  	[tilespmem:s9], [sflag:$0x5] =	stream.linear.gather [hbm4b:s16+s2], $0x6000, $0x38;
	[tilespmem:$0x1E800] =	vst v63  }
0x50: {  	_ =	swait.ge [sflag:s26], $0x6000  }
0x51: {  	[sflag:s26] =	ssyncset.done $0x0  }
0x52: {  	[sflag:s26] =	ssyncadd.s32 $0xFFFFA000  }
0x53: {  	v3 =	vld [tilespmem:$0x80];
	_ =	sdelay $0x4  }
0x54: {  	v34 =	vshrl.u32 v3, $0x3  }
0x55: {  	v4 =	vmul.u32 $0x30, v34  }
0x56: {  	v3 =	vand.u32 $0x7, v3  }
0x57: {  	v3 =	vor.u32 v3, v4  }
0x58: {  	v4 =	vperm.xlane v3, v0;
	_ =	sdelay $0x1  }
0x59: {  	v4 =	vadd.s32 v1, v4;
	_ =	sdelay $0x3  }
0x5a: {  	v3 =	vperm.xlane v3, v2  }
0x5b: {  	[hbm4b:s4+s2] =	stream.indirect_vreg.scatter [tilespmem:s11], [sflag:$0x7], $0x80, v4, vm0, $0xb8;
	[tilespmem:$0x1E800] =	vst v63  }
0x5c: {  	s10 =	simm.s32 $0x7000;
	v3 =	vadd.s32 v1, v3  }
0x5d: {  	[hbm4b:s5+s2] =	stream.indirect_vreg.scatter [tilespmem:s10], [sflag:$0x7], $0x80, v4, vm0, $0xb8;
	[tilespmem:$0x1E800] =	vst v63  }
0x5e: {  	s18 =	simm.s32 $0x7800  }
0x5f: {  	[hbm4b:s6+s2] =	stream.indirect_vreg.scatter [tilespmem:s18], [sflag:$0x7], $0x80, v4, vm0, $0xb8;
	[tilespmem:$0x1E800] =	vst v63  }
0x60: {  	s21 =	simm.s32 $0x8000  }
0x61: {  	[hbm4b:s4+s2] =	stream.indirect_vreg.scatter [tilespmem:s21], [sflag:$0x7], $0x80, v3, vm0, $0xb8;
	[tilespmem:$0x1E800] =	vst v63  }
0x62: {  	s22 =	simm.s32 $0x8800  }
0x63: {  	[hbm4b:s5+s2] =	stream.indirect_vreg.scatter [tilespmem:s22], [sflag:$0x7], $0x80, v3, vm0, $0xb8;
	[tilespmem:$0x1E800] =	vst v63  }
0x64: {  	s14 =	simm.s32 $0x9000  }
0x65: {  	[hbm4b:s6+s2] =	stream.indirect_vreg.scatter [tilespmem:s14], [sflag:$0x7], $0x80, v3, vm0, $0xb8;
	[tilespmem:$0x1E800] =	vst v63  }
0x66: {  	v3 =	vld [tilespmem:$0x90];
	_ =	sdelay $0x4  }
0x67: {  	v35 =	vshrl.u32 v3, $0x3  }
0x68: {  	v4 =	vmul.u32 $0x30, v35  }
0x69: {  	v3 =	vand.u32 $0x7, v3  }
0x6a: {  	v3 =	vor.u32 v3, v4  }
0x6b: {  	v4 =	vperm.xlane v3, v0;
	_ =	sdelay $0x1  }
0x6c: {  	v4 =	vadd.s32 v1, v4;
	_ =	sdelay $0x3  }
0x6d: {  	s15 =	simm.s32 $0x9800;
	v3 =	vperm.xlane v3, v2  }
0x6e: {  	[hbm4b:s4+s2] =	stream.indirect_vreg.scatter [tilespmem:s15], [sflag:$0x7], $0x80, v4, vm0, $0xb8;
	[tilespmem:$0x1E800] =	vst v63  }
0x6f: {  	s16 =	simm.s32 $0xA000;
	v3 =	vadd.s32 v1, v3  }
0x70: {  	[hbm4b:s5+s2] =	stream.indirect_vreg.scatter [tilespmem:s16], [sflag:$0x7], $0x80, v4, vm0, $0xb8;
	[tilespmem:$0x1E800] =	vst v63  }
0x71: {  	s17 =	simm.s32 $0xA800  }
0x72: {  	[hbm4b:s6+s2] =	stream.indirect_vreg.scatter [tilespmem:s17], [sflag:$0x7], $0x80, v4, vm0, $0xb8;
	[tilespmem:$0x1E800] =	vst v63  }
0x73: {  	s18 =	simm.s32 $0xB000  }
0x74: {  	[hbm4b:s4+s2] =	stream.indirect_vreg.scatter [tilespmem:s18], [sflag:$0x7], $0x80, v3, vm0, $0xb8;
	[tilespmem:$0x1E800] =	vst v63  }
0x75: {  	s21 =	simm.s32 $0xB800  }
0x76: {  	[hbm4b:s5+s2] =	stream.indirect_vreg.scatter [tilespmem:s21], [sflag:$0x7], $0x80, v3, vm0, $0xb8;
	[tilespmem:$0x1E800] =	vst v63  }
0x77: {  	s22 =	simm.s32 $0xC000  }
0x78: {  	[hbm4b:s6+s2] =	stream.indirect_vreg.scatter [tilespmem:s22], [sflag:$0x7], $0x80, v3, vm0, $0xb8;
	[tilespmem:$0x1E800] =	vst v63  }
0x79: {  	_ =	swait.ge [sflag:s31], $0x6000  }
0x7a: {  	[sflag:s31] =	ssyncset.done $0x0  }
0x7b: {  	s10 =	rddreg [dreg:$0x8];
	[sflag:s31] =	ssyncadd.s32 $0xFFFFA000  }
0x7c: {  	[tilespmem:s23], [sflag:$0x1] =	stream.linear.gather [hbm4b:s10+s2], $0x6000, $0x38;
	[tilespmem:$0x1E800] =	vst v63  }
0x7d: {  	_ =	swait.ge [sflag:s1], $0x6000  }
0x7e: {  	[sflag:s1] =	ssyncset.done $0x0  }
0x7f: {  	[sflag:s1] =	ssyncadd.s32 $0xFFFFA000  }
0x80: {  	v3 =	vld [tilespmem:$0x100];
	_ =	sdelay $0x4  }
0x81: {  	v36 =	vshrl.u32 v3, $0x3  }
0x82: {  	v4 =	vmul.u32 $0x30, v36  }
0x83: {  	v3 =	vand.u32 $0x7, v3  }
0x84: {  	v3 =	vor.u32 v3, v4  }
0x85: {  	v4 =	vperm.xlane v3, v0;
	_ =	sdelay $0x1  }
0x86: {  	v4 =	vadd.s32 v1, v4;
	_ =	sdelay $0x3  }
0x87: {  	v3 =	vperm.xlane v3, v2  }
0x88: {  	[hbm4b:s4+s2] =	stream.indirect_vreg.scatter [tilespmem:s12], [sflag:$0x8], $0x80, v4, vm0, $0xb8;
	[tilespmem:$0x1E800] =	vst v63  }
0x89: {  	s15 =	simm.s32 $0xD000;
	v3 =	vadd.s32 v1, v3  }
0x8a: {  	[hbm4b:s5+s2] =	stream.indirect_vreg.scatter [tilespmem:s15], [sflag:$0x8], $0x80, v4, vm0, $0xb8;
	[tilespmem:$0x1E800] =	vst v63  }
0x8b: {  	s16 =	simm.s32 $0xD800  }
0x8c: {  	[hbm4b:s6+s2] =	stream.indirect_vreg.scatter [tilespmem:s16], [sflag:$0x8], $0x80, v4, vm0, $0xb8;
	[tilespmem:$0x1E800] =	vst v63  }
0x8d: {  	s17 =	simm.s32 $0xE000  }
0x8e: {  	[hbm4b:s4+s2] =	stream.indirect_vreg.scatter [tilespmem:s17], [sflag:$0x8], $0x80, v3, vm0, $0xb8;
	[tilespmem:$0x1E800] =	vst v63  }
0x8f: {  	s18 =	simm.s32 $0xE800  }
0x90: {  	[hbm4b:s5+s2] =	stream.indirect_vreg.scatter [tilespmem:s18], [sflag:$0x8], $0x80, v3, vm0, $0xb8;
	[tilespmem:$0x1E800] =	vst v63  }
0x91: {  	s21 =	simm.s32 $0xF000  }
0x92: {  	[hbm4b:s6+s2] =	stream.indirect_vreg.scatter [tilespmem:s21], [sflag:$0x8], $0x80, v3, vm0, $0xb8;
	[tilespmem:$0x1E800] =	vst v63  }
0x93: {  	v3 =	vld [tilespmem:$0x110];
	_ =	sdelay $0x4  }
0x94: {  	v37 =	vshrl.u32 v3, $0x3  }
0x95: {  	v4 =	vmul.u32 $0x30, v37  }
0x96: {  	v3 =	vand.u32 $0x7, v3  }
0x97: {  	v3 =	vor.u32 v3, v4  }
0x98: {  	v4 =	vperm.xlane v3, v0;
	_ =	sdelay $0x1  }
0x99: {  	v4 =	vadd.s32 v1, v4;
	_ =	sdelay $0x3  }
0x9a: {  	s22 =	simm.s32 $0xF800;
	v3 =	vperm.xlane v3, v2  }
0x9b: {  	[hbm4b:s4+s2] =	stream.indirect_vreg.scatter [tilespmem:s22], [sflag:$0x8], $0x80, v4, vm0, $0xb8;
	[tilespmem:$0x1E800] =	vst v63  }
0x9c: {  	s14 =	simm.s32 $0x10000;
	v3 =	vadd.s32 v1, v3  }
0x9d: {  	[hbm4b:s5+s2] =	stream.indirect_vreg.scatter [tilespmem:s14], [sflag:$0x8], $0x80, v4, vm0, $0xb8;
	[tilespmem:$0x1E800] =	vst v63  }
0x9e: {  	s15 =	simm.s32 $0x10800  }
0x9f: {  	[hbm4b:s6+s2] =	stream.indirect_vreg.scatter [tilespmem:s15], [sflag:$0x8], $0x80, v4, vm0, $0xb8;
	[tilespmem:$0x1E800] =	vst v63  }
0xa0: {  	s16 =	simm.s32 $0x11000  }
0xa1: {  	[hbm4b:s4+s2] =	stream.indirect_vreg.scatter [tilespmem:s16], [sflag:$0x8], $0x80, v3, vm0, $0xb8;
	[tilespmem:$0x1E800] =	vst v63  }
0xa2: {  	s17 =	simm.s32 $0x11800  }
0xa3: {  	[hbm4b:s5+s2] =	stream.indirect_vreg.scatter [tilespmem:s17], [sflag:$0x8], $0x80, v3, vm0, $0xb8;
	[tilespmem:$0x1E800] =	vst v63  }
0xa4: {  	s18 =	simm.s32 $0x12000  }
0xa5: {  	[hbm4b:s6+s2] =	stream.indirect_vreg.scatter [tilespmem:s18], [sflag:$0x8], $0x80, v3, vm0, $0xb8;
	[tilespmem:$0x1E800] =	vst v63  }
0xa6: {  	_ =	swait.ge [sflag:s30], $0x6000  }
0xa7: {  	[sflag:s30] =	ssyncset.done $0x0  }
0xa8: {  	s21 =	rddreg [dreg:$0x9];
	[sflag:s30] =	ssyncadd.s32 $0xFFFFA000  }
0xa9: {  	[tilespmem:s11], [sflag:$0x2] =	stream.linear.gather [hbm4b:s21+s2], $0x6000, $0x38;
	[tilespmem:$0x1E800] =	vst v63  }
0xaa: {  	_ =	swait.ge [sflag:s0], $0x6000  }
0xab: {  	[sflag:s0] =	ssyncset.done $0x0  }
0xac: {  	[sflag:s0] =	ssyncadd.s32 $0xFFFFA000  }
0xad: {  	v3 =	vld [tilespmem:$0x180];
	_ =	sdelay $0x4  }
0xae: {  	v38 =	vshrl.u32 v3, $0x3  }
0xaf: {  	v4 =	vmul.u32 $0x30, v38  }
0xb0: {  	v3 =	vand.u32 $0x7, v3  }
0xb1: {  	v3 =	vor.u32 v3, v4  }
0xb2: {  	v4 =	vperm.xlane v3, v0;
	_ =	sdelay $0x1  }
0xb3: {  	v4 =	vadd.s32 v1, v4;
	_ =	sdelay $0x3  }
0xb4: {  	v3 =	vperm.xlane v3, v2  }
0xb5: {  	[hbm4b:s4+s2] =	stream.indirect_vreg.scatter [tilespmem:s25], [sflag:$0x9], $0x80, v4, vm0, $0xb8;
	[tilespmem:$0x1E800] =	vst v63  }
0xb6: {  	s22 =	simm.s32 $0x13000;
	v3 =	vadd.s32 v1, v3  }
0xb7: {  	[hbm4b:s5+s2] =	stream.indirect_vreg.scatter [tilespmem:s22], [sflag:$0x9], $0x80, v4, vm0, $0xb8;
	[tilespmem:$0x1E800] =	vst v63  }
0xb8: {  	s14 =	simm.s32 $0x13800  }
0xb9: {  	[hbm4b:s6+s2] =	stream.indirect_vreg.scatter [tilespmem:s14], [sflag:$0x9], $0x80, v4, vm0, $0xb8;
	[tilespmem:$0x1E800] =	vst v63  }
0xba: {  	s15 =	simm.s32 $0x14000  }
0xbb: {  	[hbm4b:s4+s2] =	stream.indirect_vreg.scatter [tilespmem:s15], [sflag:$0x9], $0x80, v3, vm0, $0xb8;
	[tilespmem:$0x1E800] =	vst v63  }
0xbc: {  	s16 =	simm.s32 $0x14800  }
0xbd: {  	[hbm4b:s5+s2] =	stream.indirect_vreg.scatter [tilespmem:s16], [sflag:$0x9], $0x80, v3, vm0, $0xb8;
	[tilespmem:$0x1E800] =	vst v63  }
0xbe: {  	s17 =	simm.s32 $0x15000  }
0xbf: {  	[hbm4b:s6+s2] =	stream.indirect_vreg.scatter [tilespmem:s17], [sflag:$0x9], $0x80, v3, vm0, $0xb8;
	[tilespmem:$0x1E800] =	vst v63  }
0xc0: {  	v3 =	vld [tilespmem:$0x190];
	_ =	sdelay $0x4  }
0xc1: {  	v39 =	vshrl.u32 v3, $0x3  }
0xc2: {  	v4 =	vmul.u32 $0x30, v39  }
0xc3: {  	v3 =	vand.u32 $0x7, v3  }
0xc4: {  	v3 =	vor.u32 v3, v4  }
0xc5: {  	v4 =	vperm.xlane v3, v0;
	_ =	sdelay $0x1  }
0xc6: {  	v4 =	vadd.s32 v1, v4;
	_ =	sdelay $0x3  }
0xc7: {  	s18 =	simm.s32 $0x15800;
	v3 =	vperm.xlane v3, v2  }
0xc8: {  	[hbm4b:s4+s2] =	stream.indirect_vreg.scatter [tilespmem:s18], [sflag:$0x9], $0x80, v4, vm0, $0xb8;
	[tilespmem:$0x1E800] =	vst v63  }
0xc9: {  	s21 =	simm.s32 $0x16000;
	v3 =	vadd.s32 v1, v3  }
0xca: {  	[hbm4b:s5+s2] =	stream.indirect_vreg.scatter [tilespmem:s21], [sflag:$0x9], $0x80, v4, vm0, $0xb8;
	[tilespmem:$0x1E800] =	vst v63  }
0xcb: {  	s22 =	simm.s32 $0x16800  }
0xcc: {  	[hbm4b:s6+s2] =	stream.indirect_vreg.scatter [tilespmem:s22], [sflag:$0x9], $0x80, v4, vm0, $0xb8;
	[tilespmem:$0x1E800] =	vst v63  }
0xcd: {  	s14 =	simm.s32 $0x17000  }
0xce: {  	[hbm4b:s4+s2] =	stream.indirect_vreg.scatter [tilespmem:s14], [sflag:$0x9], $0x80, v3, vm0, $0xb8;
	[tilespmem:$0x1E800] =	vst v63  }
0xcf: {  	s15 =	simm.s32 $0x17800  }
0xd0: {  	[hbm4b:s5+s2] =	stream.indirect_vreg.scatter [tilespmem:s15], [sflag:$0x9], $0x80, v3, vm0, $0xb8;
	[tilespmem:$0x1E800] =	vst v63  }
0xd1: {  	s16 =	simm.s32 $0x18000  }
0xd2: {  	[hbm4b:s6+s2] =	stream.indirect_vreg.scatter [tilespmem:s16], [sflag:$0x9], $0x80, v3, vm0, $0xb8;
	[tilespmem:$0x1E800] =	vst v63  }
0xd3: {  	_ =	swait.ge [sflag:s29], $0x6000  }
0xd4: {  	[sflag:s29] =	ssyncset.done $0x0  }
0xd5: {  	s17 =	rddreg [dreg:$0xa];
	[sflag:s29] =	ssyncadd.s32 $0xFFFFA000  }
0xd6: {  	[tilespmem:s12], [sflag:$0x3] =	stream.linear.gather [hbm4b:s17+s2], $0x6000, $0x38;
	[tilespmem:$0x1E800] =	vst v63  }
0xd7: {  	_ =	swait.ge [sflag:s3], $0x6000  }
0xd8: {  	[sflag:s3] =	ssyncset.done $0x0  }
0xd9: {  	[sflag:s3] =	ssyncadd.s32 $0xFFFFA000  }
0xda: {  	v3 =	vld [tilespmem:$0x200];
	_ =	sdelay $0x4  }
0xdb: {  	v40 =	vshrl.u32 v3, $0x3  }
0xdc: {  	v4 =	vmul.u32 $0x30, v40  }
0xdd: {  	v3 =	vand.u32 $0x7, v3  }
0xde: {  	v3 =	vor.u32 v3, v4  }
0xdf: {  	v4 =	vperm.xlane v3, v0;
	_ =	sdelay $0x1  }
0xe0: {  	v4 =	vadd.s32 v1, v4;
	_ =	sdelay $0x3  }
0xe1: {  	v3 =	vperm.xlane v3, v2  }
0xe2: {  	[hbm4b:s4+s2] =	stream.indirect_vreg.scatter [tilespmem:s9], [sflag:$0xA], $0x80, v4, vm0, $0xb8;
	[tilespmem:$0x1E800] =	vst v63  }
0xe3: {  	s18 =	simm.s32 $0x19000;
	v3 =	vadd.s32 v1, v3  }
0xe4: {  	[hbm4b:s5+s2] =	stream.indirect_vreg.scatter [tilespmem:s18], [sflag:$0xA], $0x80, v4, vm0, $0xb8;
	[tilespmem:$0x1E800] =	vst v63  }
0xe5: {  	s15 =	simm.s32 $0x19800  }
0xe6: {  	[hbm4b:s6+s2] =	stream.indirect_vreg.scatter [tilespmem:s15], [sflag:$0xA], $0x80, v4, vm0, $0xb8;
	[tilespmem:$0x1E800] =	vst v63  }
0xe7: {  	s21 =	simm.s32 $0x1A000  }
0xe8: {  	[hbm4b:s4+s2] =	stream.indirect_vreg.scatter [tilespmem:s21], [sflag:$0xA], $0x80, v3, vm0, $0xb8;
	[tilespmem:$0x1E800] =	vst v63  }
0xe9: {  	s22 =	simm.s32 $0x1A800  }
0xea: {  	[hbm4b:s5+s2] =	stream.indirect_vreg.scatter [tilespmem:s22], [sflag:$0xA], $0x80, v3, vm0, $0xb8;
	[tilespmem:$0x1E800] =	vst v63  }
0xeb: {  	s14 =	simm.s32 $0x1B000  }
0xec: {  	[hbm4b:s6+s2] =	stream.indirect_vreg.scatter [tilespmem:s14], [sflag:$0xA], $0x80, v3, vm0, $0xb8;
	[tilespmem:$0x1E800] =	vst v63  }
0xed: {  	v3 =	vld [tilespmem:$0x210];
	_ =	sdelay $0x4  }
0xee: {  	v41 =	vshrl.u32 v3, $0x3  }
0xef: {  	v4 =	vmul.u32 $0x30, v41  }
0xf0: {  	v3 =	vand.u32 $0x7, v3  }
0xf1: {  	v3 =	vor.u32 v3, v4  }
0xf2: {  	v4 =	vperm.xlane v3, v0;
	_ =	sdelay $0x1  }
0xf3: {  	v4 =	vadd.s32 v1, v4;
	_ =	sdelay $0x3  }
0xf4: {  	s16 =	simm.s32 $0x1B800;
	v3 =	vperm.xlane v3, v2  }
0xf5: {  	[hbm4b:s4+s2] =	stream.indirect_vreg.scatter [tilespmem:s16], [sflag:$0xA], $0x80, v4, vm0, $0xb8;
	[tilespmem:$0x1E800] =	vst v63  }
0xf6: {  	s17 =	simm.s32 $0x1C000;
	v3 =	vadd.s32 v1, v3  }
0xf7: {  	[hbm4b:s5+s2] =	stream.indirect_vreg.scatter [tilespmem:s17], [sflag:$0xA], $0x80, v4, vm0, $0xb8;
	[tilespmem:$0x1E800] =	vst v63  }
0xf8: {  	s18 =	simm.s32 $0x1C800  }
0xf9: {  	[hbm4b:s6+s2] =	stream.indirect_vreg.scatter [tilespmem:s18], [sflag:$0xA], $0x80, v4, vm0, $0xb8;
	[tilespmem:$0x1E800] =	vst v63  }
0xfa: {  	s21 =	simm.s32 $0x1D000  }
0xfb: {  	[hbm4b:s4+s2] =	stream.indirect_vreg.scatter [tilespmem:s21], [sflag:$0xA], $0x80, v3, vm0, $0xb8;
	[tilespmem:$0x1E800] =	vst v63  }
0xfc: {  	_ = 	snop  }
0xfd: {  	[hbm4b:s5+s2] =	stream.indirect_vreg.scatter [tilespmem:s24], [sflag:$0xA], $0x80, v3, vm0, $0xb8;
	[tilespmem:$0x1E800] =	vst v63  }
0xfe: {  	s22 =	simm.s32 $0x1E000  }
0xff: {  	[hbm4b:s6+s2] =	stream.indirect_vreg.scatter [tilespmem:s22], [sflag:$0xA], $0x80, v3, vm0, $0xb8;
	[tilespmem:$0x1E800] =	vst v63  }
0x100: {  	_ =	swait.ge [sflag:s28], $0x6000  }
0x101: {  	[sflag:s28] =	ssyncset.done $0x0  }
0x102: {  	s10 =	rddreg [dreg:$0xb];
	[sflag:s28] =	ssyncadd.s32 $0xFFFFA000  }
0x103: {  	[tilespmem:s25], [sflag:$0x4] =	stream.linear.gather [hbm4b:s10+s2], $0x6000, $0x38;
	[tilespmem:$0x1E800] =	vst v63  }
0x104: {  	_ =	swait.ge [sflag:s13], $0x6000  }
0x105: {  	[sflag:s13] =	ssyncset.done $0x0  }
0x106: {  	[sflag:s13] =	ssyncadd.s32 $0xFFFFA000  }
0x107: {  	v3 =	vld [tilespmem:$0x280];
	_ =	sdelay $0x4  }
0x108: {  	v42 =	vshrl.u32 v3, $0x3  }
0x109: {  	v4 =	vmul.u32 $0x30, v42  }
0x10a: {  	v3 =	vand.u32 $0x7, v3  }
0x10b: {  	v3 =	vor.u32 v3, v4  }
0x10c: {  	v4 =	vperm.xlane v3, v0;
	_ =	sdelay $0x1  }
0x10d: {  	v4 =	vadd.s32 v1, v4;
	_ =	sdelay $0x3  }
0x10e: {  	v3 =	vperm.xlane v3, v2  }
0x10f: {  	[hbm4b:s4+s2] =	stream.indirect_vreg.scatter [tilespmem:s23], [sflag:$0x6], $0x80, v4, vm0, $0xb8;
	[tilespmem:$0x1E800] =	vst v63  }
0x110: {  	s16 =	simm.s32 $0x1000;
	v3 =	vadd.s32 v1, v3  }
0x111: {  	[hbm4b:s5+s2] =	stream.indirect_vreg.scatter [tilespmem:s16], [sflag:$0x6], $0x80, v4, vm0, $0xb8;
	[tilespmem:$0x1E800] =	vst v63  }
0x112: {  	s10 =	simm.s32 $0x1800  }
0x113: {  	[hbm4b:s6+s2] =	stream.indirect_vreg.scatter [tilespmem:s10], [sflag:$0x6], $0x80, v4, vm0, $0xb8;
	[tilespmem:$0x1E800] =	vst v63  }
0x114: {  	s17 =	simm.s32 $0x2000  }
0x115: {  	[hbm4b:s4+s2] =	stream.indirect_vreg.scatter [tilespmem:s17], [sflag:$0x6], $0x80, v3, vm0, $0xb8;
	[tilespmem:$0x1E800] =	vst v63  }
0x116: {  	s18 =	simm.s32 $0x2800  }
0x117: {  	[hbm4b:s5+s2] =	stream.indirect_vreg.scatter [tilespmem:s18], [sflag:$0x6], $0x80, v3, vm0, $0xb8;
	[tilespmem:$0x1E800] =	vst v63  }
0x118: {  	s19 =	simm.s32 $0x3000  }
0x119: {  	[hbm4b:s6+s2] =	stream.indirect_vreg.scatter [tilespmem:s19], [sflag:$0x6], $0x80, v3, vm0, $0xb8;
	[tilespmem:$0x1E800] =	vst v63  }
0x11a: {  	v3 =	vld [tilespmem:$0x290];
	_ =	sdelay $0x4  }
0x11b: {  	v43 =	vshrl.u32 v3, $0x3  }
0x11c: {  	v4 =	vmul.u32 $0x30, v43  }
0x11d: {  	v3 =	vand.u32 $0x7, v3  }
0x11e: {  	v3 =	vor.u32 v3, v4  }
0x11f: {  	v4 =	vperm.xlane v3, v0;
	_ =	sdelay $0x1  }
0x120: {  	v4 =	vadd.s32 v1, v4;
	_ =	sdelay $0x3  }
0x121: {  	s20 =	simm.s32 $0x3800;
	v3 =	vperm.xlane v3, v2  }
0x122: {  	[hbm4b:s4+s2] =	stream.indirect_vreg.scatter [tilespmem:s20], [sflag:$0x6], $0x80, v4, vm0, $0xb8;
	[tilespmem:$0x1E800] =	vst v63  }
0x123: {  	s19 =	simm.s32 $0x4000;
	v3 =	vadd.s32 v1, v3  }
0x124: {  	[hbm4b:s5+s2] =	stream.indirect_vreg.scatter [tilespmem:s19], [sflag:$0x6], $0x80, v4, vm0, $0xb8;
	[tilespmem:$0x1E800] =	vst v63  }
0x125: {  	s20 =	simm.s32 $0x4800  }
0x126: {  	[hbm4b:s6+s2] =	stream.indirect_vreg.scatter [tilespmem:s20], [sflag:$0x6], $0x80, v4, vm0, $0xb8;
	[tilespmem:$0x1E800] =	vst v63  }
0x127: {  	s21 =	simm.s32 $0x5000  }
0x128: {  	[hbm4b:s4+s2] =	stream.indirect_vreg.scatter [tilespmem:s21], [sflag:$0x6], $0x80, v3, vm0, $0xb8;
	[tilespmem:$0x1E800] =	vst v63  }
0x129: {  	s22 =	simm.s32 $0x5800  }
0x12a: {  	[hbm4b:s5+s2] =	stream.indirect_vreg.scatter [tilespmem:s22], [sflag:$0x6], $0x80, v3, vm0, $0xb8;
	[tilespmem:$0x1E800] =	vst v63  }
0x12b: {  	s14 =	simm.s32 $0x6000  }
0x12c: {  	[hbm4b:s6+s2] =	stream.indirect_vreg.scatter [tilespmem:s14], [sflag:$0x6], $0x80, v3, vm0, $0xb8;
	[tilespmem:$0x1E800] =	vst v63  }
0x12d: {  	_ =	swait.ge [sflag:s8], $0x6000  }
0x12e: {  	[sflag:s8] =	ssyncset.done $0x0  }
0x12f: {  	s14 =	rddreg [dreg:$0xc];
	[sflag:s8] =	ssyncadd.s32 $0xFFFFA000  }
0x130: {  	[tilespmem:s9], [sflag:$0x5] =	stream.linear.gather [hbm4b:s14+s2], $0x6000, $0x38;
	[tilespmem:$0x1E800] =	vst v63  }
0x131: {  	_ =	swait.ge [sflag:s26], $0x6000  }
0x132: {  	[sflag:s26] =	ssyncset.done $0x0  }
0x133: {  	[sflag:s26] =	ssyncadd.s32 $0xFFFFA000  }
0x134: {  	v3 =	vld [tilespmem:$0x300];
	_ =	sdelay $0x4  }
0x135: {  	v44 =	vshrl.u32 v3, $0x3  }
0x136: {  	v4 =	vmul.u32 $0x30, v44  }
0x137: {  	v3 =	vand.u32 $0x7, v3  }
0x138: {  	v3 =	vor.u32 v3, v4  }
0x139: {  	v4 =	vperm.xlane v3, v0;
	_ =	sdelay $0x1  }
0x13a: {  	v4 =	vadd.s32 v1, v4;
	_ =	sdelay $0x3  }
0x13b: {  	v3 =	vperm.xlane v3, v2  }
0x13c: {  	[hbm4b:s4+s2] =	stream.indirect_vreg.scatter [tilespmem:s11], [sflag:$0x7], $0x80, v4, vm0, $0xb8;
	[tilespmem:$0x1E800] =	vst v63  }
0x13d: {  	s14 =	simm.s32 $0x7000;
	v3 =	vadd.s32 v1, v3  }
0x13e: {  	[hbm4b:s5+s2] =	stream.indirect_vreg.scatter [tilespmem:s14], [sflag:$0x7], $0x80, v4, vm0, $0xb8;
	[tilespmem:$0x1E800] =	vst v63  }
0x13f: {  	s14 =	simm.s32 $0x7800  }
0x140: {  	[hbm4b:s6+s2] =	stream.indirect_vreg.scatter [tilespmem:s14], [sflag:$0x7], $0x80, v4, vm0, $0xb8;
	[tilespmem:$0x1E800] =	vst v63  }
0x141: {  	s14 =	simm.s32 $0x8000  }
0x142: {  	[hbm4b:s4+s2] =	stream.indirect_vreg.scatter [tilespmem:s14], [sflag:$0x7], $0x80, v3, vm0, $0xb8;
	[tilespmem:$0x1E800] =	vst v63  }
0x143: {  	s14 =	simm.s32 $0x8800  }
0x144: {  	[hbm4b:s5+s2] =	stream.indirect_vreg.scatter [tilespmem:s14], [sflag:$0x7], $0x80, v3, vm0, $0xb8;
	[tilespmem:$0x1E800] =	vst v63  }
0x145: {  	s14 =	simm.s32 $0x9000  }
0x146: {  	[hbm4b:s6+s2] =	stream.indirect_vreg.scatter [tilespmem:s14], [sflag:$0x7], $0x80, v3, vm0, $0xb8;
	[tilespmem:$0x1E800] =	vst v63  }
0x147: {  	v3 =	vld [tilespmem:$0x310];
	_ =	sdelay $0x4  }
0x148: {  	v45 =	vshrl.u32 v3, $0x3  }
0x149: {  	v4 =	vmul.u32 $0x30, v45  }
0x14a: {  	v3 =	vand.u32 $0x7, v3  }
0x14b: {  	v3 =	vor.u32 v3, v4  }
0x14c: {  	v4 =	vperm.xlane v3, v0;
	_ =	sdelay $0x1  }
0x14d: {  	v4 =	vadd.s32 v1, v4;
	_ =	sdelay $0x3  }
0x14e: {  	s14 =	simm.s32 $0x9800;
	v3 =	vperm.xlane v3, v2  }
0x14f: {  	[hbm4b:s4+s2] =	stream.indirect_vreg.scatter [tilespmem:s14], [sflag:$0x7], $0x80, v4, vm0, $0xb8;
	[tilespmem:$0x1E800] =	vst v63  }
0x150: {  	v3 =	vadd.s32 v1, v3;
	s14 =	simm.s32 $0xA000  }
0x151: {  	[hbm4b:s5+s2] =	stream.indirect_vreg.scatter [tilespmem:s14], [sflag:$0x7], $0x80, v4, vm0, $0xb8;
	[tilespmem:$0x1E800] =	vst v63  }
0x152: {  	s14 =	simm.s32 $0xA800  }
0x153: {  	[hbm4b:s6+s2] =	stream.indirect_vreg.scatter [tilespmem:s14], [sflag:$0x7], $0x80, v4, vm0, $0xb8;
	[tilespmem:$0x1E800] =	vst v63  }
0x154: {  	s14 =	simm.s32 $0xB000  }
0x155: {  	[hbm4b:s4+s2] =	stream.indirect_vreg.scatter [tilespmem:s14], [sflag:$0x7], $0x80, v3, vm0, $0xb8;
	[tilespmem:$0x1E800] =	vst v63  }
0x156: {  	s14 =	simm.s32 $0xB800  }
0x157: {  	[hbm4b:s5+s2] =	stream.indirect_vreg.scatter [tilespmem:s14], [sflag:$0x7], $0x80, v3, vm0, $0xb8;
	[tilespmem:$0x1E800] =	vst v63  }
0x158: {  	s14 =	simm.s32 $0xC000  }
0x159: {  	[hbm4b:s6+s2] =	stream.indirect_vreg.scatter [tilespmem:s14], [sflag:$0x7], $0x80, v3, vm0, $0xb8;
	[tilespmem:$0x1E800] =	vst v63  }
0x15a: {  	_ =	swait.ge [sflag:s31], $0x6000  }
0x15b: {  	[sflag:s31] =	ssyncset.done $0x0  }
0x15c: {  	s14 =	rddreg [dreg:$0xd];
	[sflag:s31] =	ssyncadd.s32 $0xFFFFA000  }
0x15d: {  	[tilespmem:s23], [sflag:$0x1] =	stream.linear.gather [hbm4b:s14+s2], $0x6000, $0x38;
	[tilespmem:$0x1E800] =	vst v63  }
0x15e: {  	_ =	swait.ge [sflag:s1], $0x6000  }
0x15f: {  	[sflag:s1] =	ssyncset.done $0x0  }
0x160: {  	[sflag:s1] =	ssyncadd.s32 $0xFFFFA000  }
0x161: {  	v3 =	vld [tilespmem:$0x380];
	_ =	sdelay $0x4  }
0x162: {  	v46 =	vshrl.u32 v3, $0x3  }
0x163: {  	v4 =	vmul.u32 $0x30, v46  }
0x164: {  	v3 =	vand.u32 $0x7, v3  }
0x165: {  	v3 =	vor.u32 v3, v4  }
0x166: {  	v4 =	vperm.xlane v3, v0;
	_ =	sdelay $0x1  }
0x167: {  	v4 =	vadd.s32 v1, v4;
	_ =	sdelay $0x3  }
0x168: {  	v3 =	vperm.xlane v3, v2  }
0x169: {  	[hbm4b:s4+s2] =	stream.indirect_vreg.scatter [tilespmem:s12], [sflag:$0x8], $0x80, v4, vm0, $0xb8;
	[tilespmem:$0x1E800] =	vst v63  }
0x16a: {  	s14 =	simm.s32 $0xD000;
	v3 =	vadd.s32 v1, v3  }
0x16b: {  	[hbm4b:s5+s2] =	stream.indirect_vreg.scatter [tilespmem:s14], [sflag:$0x8], $0x80, v4, vm0, $0xb8;
	[tilespmem:$0x1E800] =	vst v63  }
0x16c: {  	s14 =	simm.s32 $0xD800  }
0x16d: {  	[hbm4b:s6+s2] =	stream.indirect_vreg.scatter [tilespmem:s14], [sflag:$0x8], $0x80, v4, vm0, $0xb8;
	[tilespmem:$0x1E800] =	vst v63  }
0x16e: {  	s14 =	simm.s32 $0xE000  }
0x16f: {  	[hbm4b:s4+s2] =	stream.indirect_vreg.scatter [tilespmem:s14], [sflag:$0x8], $0x80, v3, vm0, $0xb8;
	[tilespmem:$0x1E800] =	vst v63  }
0x170: {  	s14 =	simm.s32 $0xE800  }
0x171: {  	[hbm4b:s5+s2] =	stream.indirect_vreg.scatter [tilespmem:s14], [sflag:$0x8], $0x80, v3, vm0, $0xb8;
	[tilespmem:$0x1E800] =	vst v63  }
0x172: {  	s14 =	simm.s32 $0xF000  }
0x173: {  	[hbm4b:s6+s2] =	stream.indirect_vreg.scatter [tilespmem:s14], [sflag:$0x8], $0x80, v3, vm0, $0xb8;
	[tilespmem:$0x1E800] =	vst v63  }
0x174: {  	v3 =	vld [tilespmem:$0x390];
	_ =	sdelay $0x4  }
0x175: {  	v47 =	vshrl.u32 v3, $0x3  }
0x176: {  	v4 =	vmul.u32 $0x30, v47  }
0x177: {  	v3 =	vand.u32 $0x7, v3  }
0x178: {  	v3 =	vor.u32 v3, v4  }
0x179: {  	v4 =	vperm.xlane v3, v0;
	_ =	sdelay $0x1  }
0x17a: {  	v4 =	vadd.s32 v1, v4;
	_ =	sdelay $0x3  }
0x17b: {  	s14 =	simm.s32 $0xF800;
	v3 =	vperm.xlane v3, v2  }
0x17c: {  	[hbm4b:s4+s2] =	stream.indirect_vreg.scatter [tilespmem:s14], [sflag:$0x8], $0x80, v4, vm0, $0xb8;
	[tilespmem:$0x1E800] =	vst v63  }
0x17d: {  	v3 =	vadd.s32 v1, v3;
	s14 =	simm.s32 $0x10000  }
0x17e: {  	[hbm4b:s5+s2] =	stream.indirect_vreg.scatter [tilespmem:s14], [sflag:$0x8], $0x80, v4, vm0, $0xb8;
	[tilespmem:$0x1E800] =	vst v63  }
0x17f: {  	s14 =	simm.s32 $0x10800  }
0x180: {  	[hbm4b:s6+s2] =	stream.indirect_vreg.scatter [tilespmem:s14], [sflag:$0x8], $0x80, v4, vm0, $0xb8;
	[tilespmem:$0x1E800] =	vst v63  }
0x181: {  	s14 =	simm.s32 $0x11000  }
0x182: {  	[hbm4b:s4+s2] =	stream.indirect_vreg.scatter [tilespmem:s14], [sflag:$0x8], $0x80, v3, vm0, $0xb8;
	[tilespmem:$0x1E800] =	vst v63  }
0x183: {  	s14 =	simm.s32 $0x11800  }
0x184: {  	[hbm4b:s5+s2] =	stream.indirect_vreg.scatter [tilespmem:s14], [sflag:$0x8], $0x80, v3, vm0, $0xb8;
	[tilespmem:$0x1E800] =	vst v63  }
0x185: {  	s14 =	simm.s32 $0x12000  }
0x186: {  	[hbm4b:s6+s2] =	stream.indirect_vreg.scatter [tilespmem:s14], [sflag:$0x8], $0x80, v3, vm0, $0xb8;
	[tilespmem:$0x1E800] =	vst v63  }
0x187: {  	_ =	swait.ge [sflag:s30], $0x6000  }
0x188: {  	[sflag:s30] =	ssyncset.done $0x0  }
0x189: {  	s14 =	rddreg [dreg:$0xe];
	[sflag:s30] =	ssyncadd.s32 $0xFFFFA000  }
0x18a: {  	[tilespmem:s11], [sflag:$0x2] =	stream.linear.gather [hbm4b:s14+s2], $0x6000, $0x38;
	[tilespmem:$0x1E800] =	vst v63  }
0x18b: {  	_ =	swait.ge [sflag:s0], $0x6000  }
0x18c: {  	[sflag:s0] =	ssyncset.done $0x0  }
0x18d: {  	[sflag:s0] =	ssyncadd.s32 $0xFFFFA000  }
0x18e: {  	v3 =	vld [tilespmem:$0x400];
	_ =	sdelay $0x4  }
0x18f: {  	v48 =	vshrl.u32 v3, $0x3  }
0x190: {  	v4 =	vmul.u32 $0x30, v48  }
0x191: {  	v3 =	vand.u32 $0x7, v3  }
0x192: {  	v3 =	vor.u32 v3, v4  }
0x193: {  	v4 =	vperm.xlane v3, v0;
	_ =	sdelay $0x1  }
0x194: {  	v4 =	vadd.s32 v1, v4;
	_ =	sdelay $0x3  }
0x195: {  	v3 =	vperm.xlane v3, v2  }
0x196: {  	[hbm4b:s4+s2] =	stream.indirect_vreg.scatter [tilespmem:s25], [sflag:$0x9], $0x80, v4, vm0, $0xb8;
	[tilespmem:$0x1E800] =	vst v63  }
0x197: {  	s14 =	simm.s32 $0x13000;
	v3 =	vadd.s32 v1, v3  }
0x198: {  	[hbm4b:s5+s2] =	stream.indirect_vreg.scatter [tilespmem:s14], [sflag:$0x9], $0x80, v4, vm0, $0xb8;
	[tilespmem:$0x1E800] =	vst v63  }
0x199: {  	s14 =	simm.s32 $0x13800  }
0x19a: {  	[hbm4b:s6+s2] =	stream.indirect_vreg.scatter [tilespmem:s14], [sflag:$0x9], $0x80, v4, vm0, $0xb8;
	[tilespmem:$0x1E800] =	vst v63  }
0x19b: {  	s14 =	simm.s32 $0x14000  }
0x19c: {  	[hbm4b:s4+s2] =	stream.indirect_vreg.scatter [tilespmem:s14], [sflag:$0x9], $0x80, v3, vm0, $0xb8;
	[tilespmem:$0x1E800] =	vst v63  }
0x19d: {  	s14 =	simm.s32 $0x14800  }
0x19e: {  	[hbm4b:s5+s2] =	stream.indirect_vreg.scatter [tilespmem:s14], [sflag:$0x9], $0x80, v3, vm0, $0xb8;
	[tilespmem:$0x1E800] =	vst v63  }
0x19f: {  	s14 =	simm.s32 $0x15000  }
0x1a0: {  	[hbm4b:s6+s2] =	stream.indirect_vreg.scatter [tilespmem:s14], [sflag:$0x9], $0x80, v3, vm0, $0xb8;
	[tilespmem:$0x1E800] =	vst v63  }
0x1a1: {  	v3 =	vld [tilespmem:$0x410];
	_ =	sdelay $0x4  }
0x1a2: {  	v49 =	vshrl.u32 v3, $0x3  }
0x1a3: {  	v4 =	vmul.u32 $0x30, v49  }
0x1a4: {  	v3 =	vand.u32 $0x7, v3  }
0x1a5: {  	v3 =	vor.u32 v3, v4  }
0x1a6: {  	v4 =	vperm.xlane v3, v0;
	_ =	sdelay $0x1  }
0x1a7: {  	v4 =	vadd.s32 v1, v4;
	_ =	sdelay $0x3  }
0x1a8: {  	s14 =	simm.s32 $0x15800;
	v3 =	vperm.xlane v3, v2  }
0x1a9: {  	[hbm4b:s4+s2] =	stream.indirect_vreg.scatter [tilespmem:s14], [sflag:$0x9], $0x80, v4, vm0, $0xb8;
	[tilespmem:$0x1E800] =	vst v63  }
0x1aa: {  	v3 =	vadd.s32 v1, v3;
	s14 =	simm.s32 $0x16000  }
0x1ab: {  	[hbm4b:s5+s2] =	stream.indirect_vreg.scatter [tilespmem:s14], [sflag:$0x9], $0x80, v4, vm0, $0xb8;
	[tilespmem:$0x1E800] =	vst v63  }
0x1ac: {  	s14 =	simm.s32 $0x16800  }
0x1ad: {  	[hbm4b:s6+s2] =	stream.indirect_vreg.scatter [tilespmem:s14], [sflag:$0x9], $0x80, v4, vm0, $0xb8;
	[tilespmem:$0x1E800] =	vst v63  }
0x1ae: {  	s14 =	simm.s32 $0x17000  }
0x1af: {  	[hbm4b:s4+s2] =	stream.indirect_vreg.scatter [tilespmem:s14], [sflag:$0x9], $0x80, v3, vm0, $0xb8;
	[tilespmem:$0x1E800] =	vst v63  }
0x1b0: {  	s14 =	simm.s32 $0x17800  }
0x1b1: {  	[hbm4b:s5+s2] =	stream.indirect_vreg.scatter [tilespmem:s14], [sflag:$0x9], $0x80, v3, vm0, $0xb8;
	[tilespmem:$0x1E800] =	vst v63  }
0x1b2: {  	s14 =	simm.s32 $0x18000  }
0x1b3: {  	[hbm4b:s6+s2] =	stream.indirect_vreg.scatter [tilespmem:s14], [sflag:$0x9], $0x80, v3, vm0, $0xb8;
	[tilespmem:$0x1E800] =	vst v63  }
0x1b4: {  	_ =	swait.ge [sflag:s29], $0x6000  }
0x1b5: {  	[sflag:s29] =	ssyncset.done $0x0  }
0x1b6: {  	s14 =	rddreg [dreg:$0xf];
	[sflag:s29] =	ssyncadd.s32 $0xFFFFA000  }
0x1b7: {  	[tilespmem:s12], [sflag:$0x3] =	stream.linear.gather [hbm4b:s14+s2], $0x6000, $0x38;
	[tilespmem:$0x1E800] =	vst v63  }
0x1b8: {  	_ =	swait.ge [sflag:s3], $0x6000  }
0x1b9: {  	[sflag:s3] =	ssyncset.done $0x0  }
0x1ba: {  	[sflag:s3] =	ssyncadd.s32 $0xFFFFA000  }
0x1bb: {  	v3 =	vld [tilespmem:$0x480];
	_ =	sdelay $0x4  }
0x1bc: {  	v50 =	vshrl.u32 v3, $0x3  }
0x1bd: {  	v4 =	vmul.u32 $0x30, v50  }
0x1be: {  	v3 =	vand.u32 $0x7, v3  }
0x1bf: {  	v3 =	vor.u32 v3, v4  }
0x1c0: {  	v4 =	vperm.xlane v3, v0;
	_ =	sdelay $0x1  }
0x1c1: {  	v4 =	vadd.s32 v1, v4;
	_ =	sdelay $0x3  }
0x1c2: {  	v3 =	vperm.xlane v3, v2  }
0x1c3: {  	[hbm4b:s4+s2] =	stream.indirect_vreg.scatter [tilespmem:s9], [sflag:$0xA], $0x80, v4, vm0, $0xb8;
	[tilespmem:$0x1E800] =	vst v63  }
0x1c4: {  	s14 =	simm.s32 $0x19000;
	v3 =	vadd.s32 v1, v3  }
0x1c5: {  	[hbm4b:s5+s2] =	stream.indirect_vreg.scatter [tilespmem:s14], [sflag:$0xA], $0x80, v4, vm0, $0xb8;
	[tilespmem:$0x1E800] =	vst v63  }
0x1c6: {  	_ = 	snop  }
0x1c7: {  	[hbm4b:s6+s2] =	stream.indirect_vreg.scatter [tilespmem:s15], [sflag:$0xA], $0x80, v4, vm0, $0xb8;
	[tilespmem:$0x1E800] =	vst v63  }
0x1c8: {  	s14 =	simm.s32 $0x1A000  }
0x1c9: {  	[hbm4b:s4+s2] =	stream.indirect_vreg.scatter [tilespmem:s14], [sflag:$0xA], $0x80, v3, vm0, $0xb8;
	[tilespmem:$0x1E800] =	vst v63  }
0x1ca: {  	s14 =	simm.s32 $0x1A800  }
0x1cb: {  	[hbm4b:s5+s2] =	stream.indirect_vreg.scatter [tilespmem:s14], [sflag:$0xA], $0x80, v3, vm0, $0xb8;
	[tilespmem:$0x1E800] =	vst v63  }
0x1cc: {  	s14 =	simm.s32 $0x1B000  }
0x1cd: {  	[hbm4b:s6+s2] =	stream.indirect_vreg.scatter [tilespmem:s14], [sflag:$0xA], $0x80, v3, vm0, $0xb8;
	[tilespmem:$0x1E800] =	vst v63  }
0x1ce: {  	v3 =	vld [tilespmem:$0x490];
	_ =	sdelay $0x4  }
0x1cf: {  	v51 =	vshrl.u32 v3, $0x3  }
0x1d0: {  	v4 =	vmul.u32 $0x30, v51  }
0x1d1: {  	v3 =	vand.u32 $0x7, v3  }
0x1d2: {  	v3 =	vor.u32 v3, v4  }
0x1d3: {  	v4 =	vperm.xlane v3, v0;
	_ =	sdelay $0x1  }
0x1d4: {  	v4 =	vadd.s32 v1, v4;
	_ =	sdelay $0x3  }
0x1d5: {  	s14 =	simm.s32 $0x1B800;
	v3 =	vperm.xlane v3, v2  }
0x1d6: {  	[hbm4b:s4+s2] =	stream.indirect_vreg.scatter [tilespmem:s14], [sflag:$0xA], $0x80, v4, vm0, $0xb8;
	[tilespmem:$0x1E800] =	vst v63  }
0x1d7: {  	v3 =	vadd.s32 v1, v3;
	s14 =	simm.s32 $0x1C000  }
0x1d8: {  	[hbm4b:s5+s2] =	stream.indirect_vreg.scatter [tilespmem:s14], [sflag:$0xA], $0x80, v4, vm0, $0xb8;
	[tilespmem:$0x1E800] =	vst v63  }
0x1d9: {  	s14 =	simm.s32 $0x1C800  }
0x1da: {  	[hbm4b:s6+s2] =	stream.indirect_vreg.scatter [tilespmem:s14], [sflag:$0xA], $0x80, v4, vm0, $0xb8;
	[tilespmem:$0x1E800] =	vst v63  }
0x1db: {  	s14 =	simm.s32 $0x1D000  }
0x1dc: {  	[hbm4b:s4+s2] =	stream.indirect_vreg.scatter [tilespmem:s14], [sflag:$0xA], $0x80, v3, vm0, $0xb8;
	[tilespmem:$0x1E800] =	vst v63  }
0x1dd: {  	_ = 	snop  }
0x1de: {  	[hbm4b:s5+s2] =	stream.indirect_vreg.scatter [tilespmem:s24], [sflag:$0xA], $0x80, v3, vm0, $0xb8;
	[tilespmem:$0x1E800] =	vst v63  }
0x1df: {  	s14 =	simm.s32 $0x1E000  }
0x1e0: {  	[hbm4b:s6+s2] =	stream.indirect_vreg.scatter [tilespmem:s14], [sflag:$0xA], $0x80, v3, vm0, $0xb8;
	[tilespmem:$0x1E800] =	vst v63  }
0x1e1: {  	_ =	swait.ge [sflag:s28], $0x6000  }
0x1e2: {  	[sflag:s28] =	ssyncset.done $0x0  }
0x1e3: {  	s14 =	rddreg [dreg:$0x10];
	[sflag:s28] =	ssyncadd.s32 $0xFFFFA000  }
0x1e4: {  	[tilespmem:s25], [sflag:$0x4] =	stream.linear.gather [hbm4b:s14+s2], $0x6000, $0x38;
	[tilespmem:$0x1E800] =	vst v63  }
0x1e5: {  	_ =	swait.ge [sflag:s13], $0x6000  }
0x1e6: {  	[sflag:s13] =	ssyncset.done $0x0  }
0x1e7: {  	[sflag:s13] =	ssyncadd.s32 $0xFFFFA000  }
0x1e8: {  	v3 =	vld [tilespmem:$0x500];
	_ =	sdelay $0x4  }
0x1e9: {  	v52 =	vshrl.u32 v3, $0x3  }
0x1ea: {  	v4 =	vmul.u32 $0x30, v52  }
0x1eb: {  	v3 =	vand.u32 $0x7, v3  }
0x1ec: {  	v3 =	vor.u32 v3, v4  }
0x1ed: {  	v4 =	vperm.xlane v3, v0;
	_ =	sdelay $0x1  }
0x1ee: {  	v4 =	vadd.s32 v1, v4;
	_ =	sdelay $0x3  }
0x1ef: {  	v3 =	vperm.xlane v3, v2  }
0x1f0: {  	[hbm4b:s4+s2] =	stream.indirect_vreg.scatter [tilespmem:s23], [sflag:$0x6], $0x80, v4, vm0, $0xb8;
	[tilespmem:$0x1E800] =	vst v63  }
0x1f1: {  	v3 =	vadd.s32 v1, v3  }
0x1f2: {  	[hbm4b:s5+s2] =	stream.indirect_vreg.scatter [tilespmem:s16], [sflag:$0x6], $0x80, v4, vm0, $0xb8;
	[tilespmem:$0x1E800] =	vst v63  }
0x1f3: {  	_ = 	snop  }
0x1f4: {  	[hbm4b:s6+s2] =	stream.indirect_vreg.scatter [tilespmem:s10], [sflag:$0x6], $0x80, v4, vm0, $0xb8;
	[tilespmem:$0x1E800] =	vst v63  }
0x1f5: {  	_ = 	snop  }
0x1f6: {  	[hbm4b:s4+s2] =	stream.indirect_vreg.scatter [tilespmem:s17], [sflag:$0x6], $0x80, v3, vm0, $0xb8;
	[tilespmem:$0x1E800] =	vst v63  }
0x1f7: {  	_ = 	snop  }
0x1f8: {  	[hbm4b:s5+s2] =	stream.indirect_vreg.scatter [tilespmem:s18], [sflag:$0x6], $0x80, v3, vm0, $0xb8;
	[tilespmem:$0x1E800] =	vst v63  }
0x1f9: {  	s14 =	simm.s32 $0x3000  }
0x1fa: {  	[hbm4b:s6+s2] =	stream.indirect_vreg.scatter [tilespmem:s14], [sflag:$0x6], $0x80, v3, vm0, $0xb8;
	[tilespmem:$0x1E800] =	vst v63  }
0x1fb: {  	v3 =	vld [tilespmem:$0x510];
	_ =	sdelay $0x4  }
0x1fc: {  	v53 =	vshrl.u32 v3, $0x3  }
0x1fd: {  	v4 =	vmul.u32 $0x30, v53  }
0x1fe: {  	v3 =	vand.u32 $0x7, v3  }
0x1ff: {  	v3 =	vor.u32 v3, v4  }
0x200: {  	v4 =	vperm.xlane v3, v0;
	_ =	sdelay $0x1  }
0x201: {  	v4 =	vadd.s32 v1, v4;
	_ =	sdelay $0x3  }
0x202: {  	s14 =	simm.s32 $0x3800;
	v3 =	vperm.xlane v3, v2  }
0x203: {  	[hbm4b:s4+s2] =	stream.indirect_vreg.scatter [tilespmem:s14], [sflag:$0x6], $0x80, v4, vm0, $0xb8;
	[tilespmem:$0x1E800] =	vst v63  }
0x204: {  	v3 =	vadd.s32 v1, v3  }
0x205: {  	[hbm4b:s5+s2] =	stream.indirect_vreg.scatter [tilespmem:s19], [sflag:$0x6], $0x80, v4, vm0, $0xb8;
	[tilespmem:$0x1E800] =	vst v63  }
0x206: {  	_ = 	snop  }
0x207: {  	[hbm4b:s6+s2] =	stream.indirect_vreg.scatter [tilespmem:s20], [sflag:$0x6], $0x80, v4, vm0, $0xb8;
	[tilespmem:$0x1E800] =	vst v63  }
0x208: {  	_ = 	snop  }
0x209: {  	[hbm4b:s4+s2] =	stream.indirect_vreg.scatter [tilespmem:s21], [sflag:$0x6], $0x80, v3, vm0, $0xb8;
	[tilespmem:$0x1E800] =	vst v63  }
0x20a: {  	_ = 	snop  }
0x20b: {  	[hbm4b:s5+s2] =	stream.indirect_vreg.scatter [tilespmem:s22], [sflag:$0x6], $0x80, v3, vm0, $0xb8;
	[tilespmem:$0x1E800] =	vst v63  }
0x20c: {  	s14 =	simm.s32 $0x6000  }
0x20d: {  	[hbm4b:s6+s2] =	stream.indirect_vreg.scatter [tilespmem:s14], [sflag:$0x6], $0x80, v3, vm0, $0xb8;
	[tilespmem:$0x1E800] =	vst v63  }
0x20e: {  	_ =	swait.ge [sflag:s8], $0x6000  }
0x20f: {  	[sflag:s8] =	ssyncset.done $0x0  }
0x210: {  	s14 =	rddreg [dreg:$0x11];
	[sflag:s8] =	ssyncadd.s32 $0xFFFFA000  }
0x211: {  	[tilespmem:s9], [sflag:$0x5] =	stream.linear.gather [hbm4b:s14+s2], $0x6000, $0x38;
	[tilespmem:$0x1E800] =	vst v63  }
0x212: {  	_ =	swait.ge [sflag:s26], $0x6000  }
0x213: {  	[sflag:s26] =	ssyncset.done $0x0  }
0x214: {  	[sflag:s26] =	ssyncadd.s32 $0xFFFFA000  }
0x215: {  	v3 =	vld [tilespmem:$0x580];
	_ =	sdelay $0x4  }
0x216: {  	v54 =	vshrl.u32 v3, $0x3  }
0x217: {  	v4 =	vmul.u32 $0x30, v54  }
0x218: {  	v3 =	vand.u32 $0x7, v3  }
0x219: {  	v3 =	vor.u32 v3, v4  }
0x21a: {  	v4 =	vperm.xlane v3, v0;
	_ =	sdelay $0x1  }
0x21b: {  	v4 =	vadd.s32 v1, v4;
	_ =	sdelay $0x3  }
0x21c: {  	v3 =	vperm.xlane v3, v2  }
0x21d: {  	[hbm4b:s4+s2] =	stream.indirect_vreg.scatter [tilespmem:s11], [sflag:$0x7], $0x80, v4, vm0, $0xb8;
	[tilespmem:$0x1E800] =	vst v63  }
0x21e: {  	s14 =	simm.s32 $0x7000;
	v3 =	vadd.s32 v1, v3  }
0x21f: {  	[hbm4b:s5+s2] =	stream.indirect_vreg.scatter [tilespmem:s14], [sflag:$0x7], $0x80, v4, vm0, $0xb8;
	[tilespmem:$0x1E800] =	vst v63  }
0x220: {  	s14 =	simm.s32 $0x7800  }
0x221: {  	[hbm4b:s6+s2] =	stream.indirect_vreg.scatter [tilespmem:s14], [sflag:$0x7], $0x80, v4, vm0, $0xb8;
	[tilespmem:$0x1E800] =	vst v63  }
0x222: {  	s14 =	simm.s32 $0x8000  }
0x223: {  	[hbm4b:s4+s2] =	stream.indirect_vreg.scatter [tilespmem:s14], [sflag:$0x7], $0x80, v3, vm0, $0xb8;
	[tilespmem:$0x1E800] =	vst v63  }
0x224: {  	s14 =	simm.s32 $0x8800  }
0x225: {  	[hbm4b:s5+s2] =	stream.indirect_vreg.scatter [tilespmem:s14], [sflag:$0x7], $0x80, v3, vm0, $0xb8;
	[tilespmem:$0x1E800] =	vst v63  }
0x226: {  	s14 =	simm.s32 $0x9000  }
0x227: {  	[hbm4b:s6+s2] =	stream.indirect_vreg.scatter [tilespmem:s14], [sflag:$0x7], $0x80, v3, vm0, $0xb8;
	[tilespmem:$0x1E800] =	vst v63  }
0x228: {  	v3 =	vld [tilespmem:$0x590];
	_ =	sdelay $0x4  }
0x229: {  	v55 =	vshrl.u32 v3, $0x3  }
0x22a: {  	v4 =	vmul.u32 $0x30, v55  }
0x22b: {  	v3 =	vand.u32 $0x7, v3  }
0x22c: {  	v3 =	vor.u32 v3, v4  }
0x22d: {  	v4 =	vperm.xlane v3, v0;
	_ =	sdelay $0x1  }
0x22e: {  	v4 =	vadd.s32 v1, v4;
	_ =	sdelay $0x3  }
0x22f: {  	s14 =	simm.s32 $0x9800;
	v3 =	vperm.xlane v3, v2  }
0x230: {  	[hbm4b:s4+s2] =	stream.indirect_vreg.scatter [tilespmem:s14], [sflag:$0x7], $0x80, v4, vm0, $0xb8;
	[tilespmem:$0x1E800] =	vst v63  }
0x231: {  	v3 =	vadd.s32 v1, v3;
	s14 =	simm.s32 $0xA000  }
0x232: {  	[hbm4b:s5+s2] =	stream.indirect_vreg.scatter [tilespmem:s14], [sflag:$0x7], $0x80, v4, vm0, $0xb8;
	[tilespmem:$0x1E800] =	vst v63  }
0x233: {  	s14 =	simm.s32 $0xA800  }
0x234: {  	[hbm4b:s6+s2] =	stream.indirect_vreg.scatter [tilespmem:s14], [sflag:$0x7], $0x80, v4, vm0, $0xb8;
	[tilespmem:$0x1E800] =	vst v63  }
0x235: {  	s14 =	simm.s32 $0xB000  }
0x236: {  	[hbm4b:s4+s2] =	stream.indirect_vreg.scatter [tilespmem:s14], [sflag:$0x7], $0x80, v3, vm0, $0xb8;
	[tilespmem:$0x1E800] =	vst v63  }
0x237: {  	s14 =	simm.s32 $0xB800  }
0x238: {  	[hbm4b:s5+s2] =	stream.indirect_vreg.scatter [tilespmem:s14], [sflag:$0x7], $0x80, v3, vm0, $0xb8;
	[tilespmem:$0x1E800] =	vst v63  }
0x239: {  	s14 =	simm.s32 $0xC000  }
0x23a: {  	[hbm4b:s6+s2] =	stream.indirect_vreg.scatter [tilespmem:s14], [sflag:$0x7], $0x80, v3, vm0, $0xb8;
	[tilespmem:$0x1E800] =	vst v63  }
0x23b: {  	_ =	swait.ge [sflag:s31], $0x6000  }
0x23c: {  	[sflag:s31] =	ssyncset.done $0x0  }
0x23d: {  	s11 =	rddreg [dreg:$0x12];
	[sflag:s31] =	ssyncadd.s32 $0xFFFFA000  }
0x23e: {  	[tilespmem:s23], [sflag:$0x1] =	stream.linear.gather [hbm4b:s11+s2], $0x6000, $0x38;
	[tilespmem:$0x1E800] =	vst v63  }
0x23f: {  	_ =	swait.ge [sflag:s1], $0x6000  }
0x240: {  	[sflag:s1] =	ssyncset.done $0x0  }
0x241: {  	[sflag:s1] =	ssyncadd.s32 $0xFFFFA000  }
0x242: {  	v3 =	vld [tilespmem:$0x600];
	_ =	sdelay $0x4  }
0x243: {  	v56 =	vshrl.u32 v3, $0x3  }
0x244: {  	v4 =	vmul.u32 $0x30, v56  }
0x245: {  	v3 =	vand.u32 $0x7, v3  }
0x246: {  	v3 =	vor.u32 v3, v4  }
0x247: {  	v4 =	vperm.xlane v3, v0;
	_ =	sdelay $0x1  }
0x248: {  	v4 =	vadd.s32 v1, v4;
	_ =	sdelay $0x3  }
0x249: {  	v3 =	vperm.xlane v3, v2  }
0x24a: {  	[hbm4b:s4+s2] =	stream.indirect_vreg.scatter [tilespmem:s12], [sflag:$0x8], $0x80, v4, vm0, $0xb8;
	[tilespmem:$0x1E800] =	vst v63  }
0x24b: {  	s14 =	simm.s32 $0xD000;
	v3 =	vadd.s32 v1, v3  }
0x24c: {  	[hbm4b:s5+s2] =	stream.indirect_vreg.scatter [tilespmem:s14], [sflag:$0x8], $0x80, v4, vm0, $0xb8;
	[tilespmem:$0x1E800] =	vst v63  }
0x24d: {  	s14 =	simm.s32 $0xD800  }
0x24e: {  	[hbm4b:s6+s2] =	stream.indirect_vreg.scatter [tilespmem:s14], [sflag:$0x8], $0x80, v4, vm0, $0xb8;
	[tilespmem:$0x1E800] =	vst v63  }
0x24f: {  	s14 =	simm.s32 $0xE000  }
0x250: {  	[hbm4b:s4+s2] =	stream.indirect_vreg.scatter [tilespmem:s14], [sflag:$0x8], $0x80, v3, vm0, $0xb8;
	[tilespmem:$0x1E800] =	vst v63  }
0x251: {  	s14 =	simm.s32 $0xE800  }
0x252: {  	[hbm4b:s5+s2] =	stream.indirect_vreg.scatter [tilespmem:s14], [sflag:$0x8], $0x80, v3, vm0, $0xb8;
	[tilespmem:$0x1E800] =	vst v63  }
0x253: {  	s14 =	simm.s32 $0xF000  }
0x254: {  	[hbm4b:s6+s2] =	stream.indirect_vreg.scatter [tilespmem:s14], [sflag:$0x8], $0x80, v3, vm0, $0xb8;
	[tilespmem:$0x1E800] =	vst v63  }
0x255: {  	v3 =	vld [tilespmem:$0x610];
	_ =	sdelay $0x4  }
0x256: {  	v57 =	vshrl.u32 v3, $0x3  }
0x257: {  	v4 =	vmul.u32 $0x30, v57  }
0x258: {  	v3 =	vand.u32 $0x7, v3  }
0x259: {  	v3 =	vor.u32 v3, v4  }
0x25a: {  	v4 =	vperm.xlane v3, v0;
	_ =	sdelay $0x1  }
0x25b: {  	v4 =	vadd.s32 v1, v4;
	_ =	sdelay $0x3  }
0x25c: {  	s14 =	simm.s32 $0xF800;
	v3 =	vperm.xlane v3, v2  }
0x25d: {  	[hbm4b:s4+s2] =	stream.indirect_vreg.scatter [tilespmem:s14], [sflag:$0x8], $0x80, v4, vm0, $0xb8;
	[tilespmem:$0x1E800] =	vst v63  }
0x25e: {  	v3 =	vadd.s32 v1, v3;
	s14 =	simm.s32 $0x10000  }
0x25f: {  	[hbm4b:s5+s2] =	stream.indirect_vreg.scatter [tilespmem:s14], [sflag:$0x8], $0x80, v4, vm0, $0xb8;
	[tilespmem:$0x1E800] =	vst v63  }
0x260: {  	s14 =	simm.s32 $0x10800  }
0x261: {  	[hbm4b:s6+s2] =	stream.indirect_vreg.scatter [tilespmem:s14], [sflag:$0x8], $0x80, v4, vm0, $0xb8;
	[tilespmem:$0x1E800] =	vst v63  }
0x262: {  	s14 =	simm.s32 $0x11000  }
0x263: {  	[hbm4b:s4+s2] =	stream.indirect_vreg.scatter [tilespmem:s14], [sflag:$0x8], $0x80, v3, vm0, $0xb8;
	[tilespmem:$0x1E800] =	vst v63  }
0x264: {  	s14 =	simm.s32 $0x11800  }
0x265: {  	[hbm4b:s5+s2] =	stream.indirect_vreg.scatter [tilespmem:s14], [sflag:$0x8], $0x80, v3, vm0, $0xb8;
	[tilespmem:$0x1E800] =	vst v63  }
0x266: {  	s14 =	simm.s32 $0x12000  }
0x267: {  	[hbm4b:s6+s2] =	stream.indirect_vreg.scatter [tilespmem:s14], [sflag:$0x8], $0x80, v3, vm0, $0xb8;
	[tilespmem:$0x1E800] =	vst v63  }
0x268: {  	_ =	swait.ge [sflag:s0], $0x6000  }
0x269: {  	[sflag:s0] =	ssyncset.done $0x0  }
0x26a: {  	[sflag:s0] =	ssyncadd.s32 $0xFFFFA000  }
0x26b: {  	v3 =	vld [tilespmem:$0x680];
	_ =	sdelay $0x4  }
0x26c: {  	v58 =	vshrl.u32 v3, $0x3  }
0x26d: {  	v4 =	vmul.u32 $0x30, v58  }
0x26e: {  	v3 =	vand.u32 $0x7, v3  }
0x26f: {  	v3 =	vor.u32 v3, v4  }
0x270: {  	v4 =	vperm.xlane v3, v0;
	_ =	sdelay $0x1  }
0x271: {  	v4 =	vadd.s32 v1, v4;
	_ =	sdelay $0x3  }
0x272: {  	v3 =	vperm.xlane v3, v2  }
0x273: {  	[hbm4b:s4+s2] =	stream.indirect_vreg.scatter [tilespmem:s25], [sflag:$0x9], $0x80, v4, vm0, $0xb8;
	[tilespmem:$0x1E800] =	vst v63  }
0x274: {  	s14 =	simm.s32 $0x13000;
	v3 =	vadd.s32 v1, v3  }
0x275: {  	[hbm4b:s5+s2] =	stream.indirect_vreg.scatter [tilespmem:s14], [sflag:$0x9], $0x80, v4, vm0, $0xb8;
	[tilespmem:$0x1E800] =	vst v63  }
0x276: {  	s14 =	simm.s32 $0x13800  }
0x277: {  	[hbm4b:s6+s2] =	stream.indirect_vreg.scatter [tilespmem:s14], [sflag:$0x9], $0x80, v4, vm0, $0xb8;
	[tilespmem:$0x1E800] =	vst v63  }
0x278: {  	s14 =	simm.s32 $0x14000  }
0x279: {  	[hbm4b:s4+s2] =	stream.indirect_vreg.scatter [tilespmem:s14], [sflag:$0x9], $0x80, v3, vm0, $0xb8;
	[tilespmem:$0x1E800] =	vst v63  }
0x27a: {  	s14 =	simm.s32 $0x14800  }
0x27b: {  	[hbm4b:s5+s2] =	stream.indirect_vreg.scatter [tilespmem:s14], [sflag:$0x9], $0x80, v3, vm0, $0xb8;
	[tilespmem:$0x1E800] =	vst v63  }
0x27c: {  	s14 =	simm.s32 $0x15000  }
0x27d: {  	[hbm4b:s6+s2] =	stream.indirect_vreg.scatter [tilespmem:s14], [sflag:$0x9], $0x80, v3, vm0, $0xb8;
	[tilespmem:$0x1E800] =	vst v63  }
0x27e: {  	v3 =	vld [tilespmem:$0x690];
	_ =	sdelay $0x4  }
0x27f: {  	v59 =	vshrl.u32 v3, $0x3  }
0x280: {  	v4 =	vmul.u32 $0x30, v59  }
0x281: {  	v3 =	vand.u32 $0x7, v3  }
0x282: {  	v3 =	vor.u32 v3, v4  }
0x283: {  	v4 =	vperm.xlane v3, v0;
	_ =	sdelay $0x1  }
0x284: {  	v4 =	vadd.s32 v1, v4;
	_ =	sdelay $0x3  }
0x285: {  	s14 =	simm.s32 $0x15800;
	v3 =	vperm.xlane v3, v2  }
0x286: {  	[hbm4b:s4+s2] =	stream.indirect_vreg.scatter [tilespmem:s14], [sflag:$0x9], $0x80, v4, vm0, $0xb8;
	[tilespmem:$0x1E800] =	vst v63  }
0x287: {  	v3 =	vadd.s32 v1, v3;
	s14 =	simm.s32 $0x16000  }
0x288: {  	[hbm4b:s5+s2] =	stream.indirect_vreg.scatter [tilespmem:s14], [sflag:$0x9], $0x80, v4, vm0, $0xb8;
	[tilespmem:$0x1E800] =	vst v63  }
0x289: {  	s14 =	simm.s32 $0x16800  }
0x28a: {  	[hbm4b:s6+s2] =	stream.indirect_vreg.scatter [tilespmem:s14], [sflag:$0x9], $0x80, v4, vm0, $0xb8;
	[tilespmem:$0x1E800] =	vst v63  }
0x28b: {  	s14 =	simm.s32 $0x17000  }
0x28c: {  	[hbm4b:s4+s2] =	stream.indirect_vreg.scatter [tilespmem:s14], [sflag:$0x9], $0x80, v3, vm0, $0xb8;
	[tilespmem:$0x1E800] =	vst v63  }
0x28d: {  	s14 =	simm.s32 $0x17800  }
0x28e: {  	[hbm4b:s5+s2] =	stream.indirect_vreg.scatter [tilespmem:s14], [sflag:$0x9], $0x80, v3, vm0, $0xb8;
	[tilespmem:$0x1E800] =	vst v63  }
0x28f: {  	s14 =	simm.s32 $0x18000  }
0x290: {  	[hbm4b:s6+s2] =	stream.indirect_vreg.scatter [tilespmem:s14], [sflag:$0x9], $0x80, v3, vm0, $0xb8;
	[tilespmem:$0x1E800] =	vst v63  }
0x291: {  	_ =	swait.ge [sflag:s3], $0x6000  }
0x292: {  	[sflag:s3] =	ssyncset.done $0x0  }
0x293: {  	[sflag:s3] =	ssyncadd.s32 $0xFFFFA000  }
0x294: {  	v3 =	vld [tilespmem:$0x700];
	_ =	sdelay $0x4  }
0x295: {  	v60 =	vshrl.u32 v3, $0x3  }
0x296: {  	v4 =	vmul.u32 $0x30, v60  }
0x297: {  	v3 =	vand.u32 $0x7, v3  }
0x298: {  	v3 =	vor.u32 v3, v4  }
0x299: {  	v4 =	vperm.xlane v3, v0;
	_ =	sdelay $0x1  }
0x29a: {  	v4 =	vadd.s32 v1, v4;
	_ =	sdelay $0x3  }
0x29b: {  	v3 =	vperm.xlane v3, v2  }
0x29c: {  	[hbm4b:s4+s2] =	stream.indirect_vreg.scatter [tilespmem:s9], [sflag:$0xA], $0x80, v4, vm0, $0xb8;
	[tilespmem:$0x1E800] =	vst v63  }
0x29d: {  	s11 =	simm.s32 $0x19000;
	v3 =	vadd.s32 v1, v3  }
0x29e: {  	[hbm4b:s5+s2] =	stream.indirect_vreg.scatter [tilespmem:s11], [sflag:$0xA], $0x80, v4, vm0, $0xb8;
	[tilespmem:$0x1E800] =	vst v63  }
0x29f: {  	_ = 	snop  }
0x2a0: {  	[hbm4b:s6+s2] =	stream.indirect_vreg.scatter [tilespmem:s15], [sflag:$0xA], $0x80, v4, vm0, $0xb8;
	[tilespmem:$0x1E800] =	vst v63  }
0x2a1: {  	s14 =	simm.s32 $0x1A000  }
0x2a2: {  	[hbm4b:s4+s2] =	stream.indirect_vreg.scatter [tilespmem:s14], [sflag:$0xA], $0x80, v3, vm0, $0xb8;
	[tilespmem:$0x1E800] =	vst v63  }
0x2a3: {  	s15 =	simm.s32 $0x1A800  }
0x2a4: {  	[hbm4b:s5+s2] =	stream.indirect_vreg.scatter [tilespmem:s15], [sflag:$0xA], $0x80, v3, vm0, $0xb8;
	[tilespmem:$0x1E800] =	vst v63  }
0x2a5: {  	s11 =	simm.s32 $0x1B000  }
0x2a6: {  	[hbm4b:s6+s2] =	stream.indirect_vreg.scatter [tilespmem:s11], [sflag:$0xA], $0x80, v3, vm0, $0xb8;
	[tilespmem:$0x1E800] =	vst v63  }
0x2a7: {  	v3 =	vld [tilespmem:$0x710];
	_ =	sdelay $0x4  }
0x2a8: {  	v61 =	vshrl.u32 v3, $0x3  }
0x2a9: {  	v4 =	vmul.u32 $0x30, v61  }
0x2aa: {  	v3 =	vand.u32 $0x7, v3  }
0x2ab: {  	v3 =	vor.u32 v3, v4  }
0x2ac: {  	v4 =	vperm.xlane v3, v0;
	_ =	sdelay $0x1  }
0x2ad: {  	v4 =	vadd.s32 v1, v4;
	_ =	sdelay $0x3  }
0x2ae: {  	s14 =	simm.s32 $0x1B800;
	v3 =	vperm.xlane v3, v2  }
0x2af: {  	[hbm4b:s4+s2] =	stream.indirect_vreg.scatter [tilespmem:s14], [sflag:$0xA], $0x80, v4, vm0, $0xb8;
	[tilespmem:$0x1E800] =	vst v63  }
0x2b0: {  	s15 =	simm.s32 $0x1C000;
	v3 =	vadd.s32 v1, v3  }
0x2b1: {  	[hbm4b:s5+s2] =	stream.indirect_vreg.scatter [tilespmem:s15], [sflag:$0xA], $0x80, v4, vm0, $0xb8;
	[tilespmem:$0x1E800] =	vst v63  }
0x2b2: {  	s11 =	simm.s32 $0x1C800  }
0x2b3: {  	[hbm4b:s6+s2] =	stream.indirect_vreg.scatter [tilespmem:s11], [sflag:$0xA], $0x80, v4, vm0, $0xb8;
	[tilespmem:$0x1E800] =	vst v63  }
0x2b4: {  	s14 =	simm.s32 $0x1D000  }
0x2b5: {  	[hbm4b:s4+s2] =	stream.indirect_vreg.scatter [tilespmem:s14], [sflag:$0xA], $0x80, v3, vm0, $0xb8;
	[tilespmem:$0x1E800] =	vst v63  }
0x2b6: {  	_ = 	snop  }
0x2b7: {  	[hbm4b:s5+s2] =	stream.indirect_vreg.scatter [tilespmem:s24], [sflag:$0xA], $0x80, v3, vm0, $0xb8;
	[tilespmem:$0x1E800] =	vst v63  }
0x2b8: {  	s15 =	simm.s32 $0x1E000  }
0x2b9: {  	[hbm4b:s6+s2] =	stream.indirect_vreg.scatter [tilespmem:s15], [sflag:$0xA], $0x80, v3, vm0, $0xb8;
	[tilespmem:$0x1E800] =	vst v63  }
0x2ba: {  	_ =	swait.ge [sflag:s13], $0x6000  }
0x2bb: {  	[sflag:s13] =	ssyncset.done $0x0  }
0x2bc: {  	[sflag:s13] =	ssyncadd.s32 $0xFFFFA000  }
0x2bd: {  	v3 =	vld [tilespmem:$0x780];
	_ =	sdelay $0x4  }
0x2be: {  	v62 =	vshrl.u32 v3, $0x3  }
0x2bf: {  	v4 =	vmul.u32 $0x30, v62  }
0x2c0: {  	v3 =	vand.u32 $0x7, v3  }
0x2c1: {  	v3 =	vor.u32 v3, v4  }
0x2c2: {  	v4 =	vperm.xlane v3, v0;
	_ =	sdelay $0x1  }
0x2c3: {  	v4 =	vadd.s32 v1, v4;
	_ =	sdelay $0x3  }
0x2c4: {  	v3 =	vperm.xlane v3, v2  }
0x2c5: {  	[hbm4b:s4+s2] =	stream.indirect_vreg.scatter [tilespmem:s23], [sflag:$0x6], $0x80, v4, vm0, $0xb8;
	[tilespmem:$0x1E800] =	vst v63  }
0x2c6: {  	s16 =	simm.s32 $0x1000;
	v3 =	vadd.s32 v1, v3  }
0x2c7: {  	[hbm4b:s5+s2] =	stream.indirect_vreg.scatter [tilespmem:s16], [sflag:$0x6], $0x80, v4, vm0, $0xb8;
	[tilespmem:$0x1E800] =	vst v63  }
0x2c8: {  	s10 =	simm.s32 $0x1800  }
0x2c9: {  	[hbm4b:s6+s2] =	stream.indirect_vreg.scatter [tilespmem:s10], [sflag:$0x6], $0x80, v4, vm0, $0xb8;
	[tilespmem:$0x1E800] =	vst v63  }
0x2ca: {  	s17 =	simm.s32 $0x2000  }
0x2cb: {  	[hbm4b:s4+s2] =	stream.indirect_vreg.scatter [tilespmem:s17], [sflag:$0x6], $0x80, v3, vm0, $0xb8;
	[tilespmem:$0x1E800] =	vst v63  }
0x2cc: {  	s18 =	simm.s32 $0x2800  }
0x2cd: {  	[hbm4b:s5+s2] =	stream.indirect_vreg.scatter [tilespmem:s18], [sflag:$0x6], $0x80, v3, vm0, $0xb8;
	[tilespmem:$0x1E800] =	vst v63  }
0x2ce: {  	s17 =	simm.s32 $0x3000  }
0x2cf: {  	[hbm4b:s6+s2] =	stream.indirect_vreg.scatter [tilespmem:s17], [sflag:$0x6], $0x80, v3, vm0, $0xb8;
	[tilespmem:$0x1E800] =	vst v63  }
0x2d0: {  	v3 =	vld [tilespmem:$0x790];
	_ =	sdelay $0x4  }
0x2d1: {  	v63 =	vshrl.u32 v3, $0x3  }
0x2d2: {  	v4 =	vmul.u32 $0x30, v63  }
0x2d3: {  	v3 =	vand.u32 $0x7, v3  }
0x2d4: {  	v3 =	vor.u32 v3, v4  }
0x2d5: {  	v4 =	vperm.xlane v3, v0;
	_ =	sdelay $0x1  }
0x2d6: {  	v4 =	vadd.s32 v1, v4;
	_ =	sdelay $0x3  }
0x2d7: {  	s18 =	simm.s32 $0x3800;
	v3 =	vperm.xlane v3, v2  }
0x2d8: {  	[hbm4b:s4+s2] =	stream.indirect_vreg.scatter [tilespmem:s18], [sflag:$0x6], $0x80, v4, vm0, $0xb8;
	[tilespmem:$0x1E800] =	vst v63  }
0x2d9: {  	s19 =	simm.s32 $0x4000;
	v3 =	vadd.s32 v1, v3  }
0x2da: {  	[hbm4b:s5+s2] =	stream.indirect_vreg.scatter [tilespmem:s19], [sflag:$0x6], $0x80, v4, vm0, $0xb8;
	[tilespmem:$0x1E800] =	vst v63  }
0x2db: {  	s20 =	simm.s32 $0x4800  }
0x2dc: {  	[hbm4b:s6+s2] =	stream.indirect_vreg.scatter [tilespmem:s20], [sflag:$0x6], $0x80, v4, vm0, $0xb8;
	[tilespmem:$0x1E800] =	vst v63  }
0x2dd: {  	s21 =	simm.s32 $0x5000  }
0x2de: {  	[hbm4b:s4+s2] =	stream.indirect_vreg.scatter [tilespmem:s21], [sflag:$0x6], $0x80, v3, vm0, $0xb8;
	[tilespmem:$0x1E800] =	vst v63  }
0x2df: {  	s22 =	simm.s32 $0x5800  }
0x2e0: {  	[hbm4b:s5+s2] =	stream.indirect_vreg.scatter [tilespmem:s22], [sflag:$0x6], $0x80, v3, vm0, $0xb8;
	[tilespmem:$0x1E800] =	vst v63  }
0x2e1: {  	s22 =	simm.s32 $0x6000  }
0x2e2: {  	[hbm4b:s6+s2] =	stream.indirect_vreg.scatter [tilespmem:s22], [sflag:$0x6], $0x80, v3, vm0, $0xb8;
	[tilespmem:$0x1E800] =	vst v63  }
0x2e3: {  	_ =	swait.ge [sflag:s30], $0x6000  }
0x2e4: {  	[sflag:s30] =	ssyncset.done $0x0  }
0x2e5: {  	[sflag:s30] =	ssyncadd.s32 $0xFFFFA000  }
0x2e6: {  	_ =	swait.ge [sflag:s29], $0x6000  }
0x2e7: {  	[sflag:s29] =	ssyncset.done $0x0  }
0x2e8: {  	[sflag:s29] =	ssyncadd.s32 $0xFFFFA000  }
0x2e9: {  	_ =	swait.ge [sflag:s28], $0x6000  }
0x2ea: {  	[sflag:s28] =	ssyncset.done $0x0  }
0x2eb: {  	[sflag:s28] =	ssyncadd.s32 $0xFFFFA000  }
0x2ec: {  	p0 =	sne.s32 s7, $0x1;
	_ =	swait.ge [sflag:s8], $0x6000  }
.Ltmp0:
0x2ed: {  	[sflag:s8] =	ssyncset.done $0x0;
	(pc) =	sbr.rel @p0 .LBB2_1-.Ltmp0, $4  }
0x2ee: {  	[sflag:s8] =	ssyncadd.s32 $0xFFFFA000  }
0x2ef: {  	_ =	swait.ge [sflag:s31], $0x6000  }
0x2f0: {  	[sflag:s31] =	ssyncset.done $0x0  }
0x2f1: {  	s7 =	sadd.s32 $0xFFFFFFFF, s7;
	[sflag:s31] =	ssyncadd.s32 $0xFFFFA000  }
0x2f2: {  	_ =	sfence.sel $0x180000  }
0x2f3: {  	[bflag:$0x0] =	sbarrier.arrive $0xFFFF  }
0x2f4: {  	_ =	strace $0x9000004A  }
0x2f5: {  	s0 =	stileid.u32;
	[bflag:$0x2] =	sbarrier.arrive $0xFFFF  }
0x2f6: {  	p0 =	sne.s32 s0, $0x0;
	s0 =	rddreg [dreg:$0x2]  }
0x2f7: {  	s0 =	sadd.s32 @!p0 $0x100000, s0  }
0x2f8: {  	[sflag:s0] =	ssyncadd.tile.s32 @!p0 $0x1;
	_ =	shalt  }
.Lfunc_end2:
_tile_overlayer_lowered:
.L_overlay_start_2:
0x2f9: {  	(tag) =	ssettag $0x2  }
0x2fa: {  	s0 =	rddreg [dreg:$0x0];
	s2 =	stileid.u32  }
0x2fb: {  	s1 =	rddreg [dreg:$0x1];
	p0 =	sne.s32 s2, $0x0  }
0x2fc: {  	s3 =	rddreg [dreg:$0x2];
	[bflag:$0x3] =	sbarrier.arrive $0xFFFF;
	s2 =	simm.s32 @!p0 $0x1C0B  }
0x2fd: {  	[timem:s3], [sflag:s2] =	dma.local @!p0 [hbm:s0], s1  }
0x2fe: {  	s0 =	simm.s32 @!p0 $0xB  }
0x2ff: {  	_ =	swait.ge @!p0 [sflag:s0], s1  }
0x300: {  	s1 =	ssub.s32 @!p0 $0x0, s1;
	[sflag:s0] =	ssyncset.done @!p0 $0x0  }
0x301: {  	[sflag:s0] =	ssyncadd.s32 @!p0 s1  }
0x302: {  	[bflag:$0x3] =	sbarrier.arrive $0xFFFF  }
0x303: {  	_ =	shalt  }

</sc_bundles>
